<compile_context>
chip_gen: v7x
topology: tpu7x:2x2x1
jax: 0.10.2.dev20260603
libtpu: 0.0.44.dev20260713+nightly
codegen_flags: <defaults>
</compile_context>

<pallas_src>
import functools

import jax
import jax.numpy as jnp
from jax import lax
from jax.experimental import pallas as pl
from jax.experimental.pallas import tpu as pltpu
from jax.experimental.pallas import tpu_sc as plsc

_SCALE = 30.0
_DRW_START = 15
_LN2 = 0.69314718056
_LOG_COEFFS = (
    7.0376836292e-2, -1.1514610310e-1, 1.1676998740e-1, -1.2420140846e-1,
    1.4249322787e-1, -1.6668057665e-1, 2.0000714765e-1, -2.4999993993e-1,
    3.3333331174e-1,
)

_NC = 2
_NS = 16
_NW = _NC * _NS
_L = 16


def _vlog(x):
    xi = plsc.bitcast(x, jnp.int32)
    e = lax.shift_right_arithmetic(xi, 23) - 127
    mi = lax.bitwise_or(lax.bitwise_and(xi, 0x7FFFFF), 0x3F800000)
    mf = plsc.bitcast(mi, jnp.float32)
    big = mf > 1.41421356
    mf = jnp.where(big, mf * 0.5, mf)
    e = e + big.astype(jnp.int32)
    t = mf - 1.0
    p = jnp.full((_L,), _LOG_COEFFS[0], dtype=jnp.float32)
    for c in _LOG_COEFFS[1:]:
        p = p * t + c
    y = t * t * t * p - 0.5 * t * t + t
    return y + e.astype(jnp.float32) * _LN2


def _body(lg_hbm, tg_hbm, ml_hbm, cw_hbm, out_hbm, lg_v, tg_v, ml_v, cw_v,
          out_v, cols_per_w, ncls):
    c = lax.axis_index("c")
    s = lax.axis_index("s")
    wid = s * _NC + c
    col0 = wid * cols_per_w
    pltpu.sync_copy(lg_hbm.at[:, pl.ds(col0, cols_per_w)], lg_v)
    pltpu.sync_copy(tg_hbm.at[pl.ds(col0, cols_per_w)], tg_v)
    pltpu.sync_copy(ml_hbm, ml_v)
    pltpu.sync_copy(cw_hbm, cw_v)

    lane = lax.broadcasted_iota(jnp.int32, (_L,), 0)
    ngroups = cols_per_w // _L

    def groupfn(g, carry):
        awl, aw, an = carry
        boff = g * _L
        mg = lg_v[0, pl.ds(boff, _L)]
        for cc in range(1, ncls):
            mg = jnp.maximum(mg, lg_v[cc, pl.ds(boff, _L)])
        sg = jnp.exp((lg_v[0, pl.ds(boff, _L)] - mg) * _SCALE)
        for cc in range(1, ncls):
            sg = sg + jnp.exp((lg_v[cc, pl.ds(boff, _L)] - mg) * _SCALE)
        tgt = tg_v[pl.ds(boff, _L)]
        bvec = boff + lane
        tv = plsc.load_gather(lg_v, [tgt, bvec])
        mm = plsc.load_gather(ml_v, [tgt])
        ww = plsc.load_gather(cw_v, [tgt])
        a = (tv - mg) * _SCALE
        bq = (tv - mm - mg) * _SCALE
        adj = sg - jnp.exp(a) + jnp.exp(bq)
        nll = _vlog(adj) - bq
        return (awl + ww * nll, aw + ww, an + nll)

    zeros = jnp.zeros((_L,), jnp.float32)
    awl, aw, an = lax.fori_loop(0, ngroups, groupfn, (zeros, zeros, zeros))

    perms = [lane ^ sh for sh in (8, 4, 2, 1)]
    gdims = lax.GatherDimensionNumbers(
        offset_dims=(), collapsed_slice_dims=(0,), start_index_map=(0,))

    def _allsum(v):
        for pm in perms:
            v = v + lax.gather(v, pm[:, None], dimension_numbers=gdims,
                               slice_sizes=(1,),
                               mode=lax.GatherScatterMode.PROMISE_IN_BOUNDS)
        return v

    awl = _allsum(awl)
    aw = _allsum(aw)
    an = _allsum(an)
    res = jnp.where(lane == 0, awl,
                    jnp.where(lane == 1, aw,
                              jnp.where(lane == 2, an, 0.0)))
    out_v[...] = res
    pltpu.sync_copy(out_v, out_hbm.at[wid])


def kernel(logits, targets, m_list, class_weights, epoch):
    B, C = logits.shape
    cols_per_w = B // _NW
    targets = targets.astype(jnp.int32)
    logits_t = logits.T

    mesh = plsc.VectorSubcoreMesh(core_axis_name="c", subcore_axis_name="s")
    body = functools.partial(_body, cols_per_w=cols_per_w, ncls=C)
    run = pl.kernel(
        body,
        out_type=jax.ShapeDtypeStruct((_NW, _L), jnp.float32),
        mesh=mesh,
        compiler_params=pltpu.CompilerParams(needs_layout_passes=False),
        scratch_types=[
            pltpu.VMEM((C, cols_per_w), jnp.float32),
            pltpu.VMEM((cols_per_w,), jnp.int32),
            pltpu.VMEM((C,), jnp.float32),
            pltpu.VMEM((C,), jnp.float32),
            pltpu.VMEM((_L,), jnp.float32),
        ],
    )
    part = run(logits_t, targets, m_list, class_weights)
    wl = jnp.sum(part[:, 0])
    wsum = jnp.sum(part[:, 1])
    nsum = jnp.sum(part[:, 2])
    weighted = wl / wsum
    mean = nsum / B
    return jnp.where(epoch >= _DRW_START, weighted, mean)

# --- scband reference (transcript-rebuilt; emitter-appended) ---
"""Pipeline reference for scband-ldamloss-19533511262542 (READ-ONLY COPY).

The authoritative reference and input builder live on the scoring server;
editing this copy changes nothing except your own understanding.
"""

import jax, jax.numpy as jnp
import numpy as np

CLS_COUNTS = np.array([500,477,456,435,415,396,378,361,345,329,314,300,286,273,261,249,238,227,217,207,198,189,180,172,164,157,150,143,136,130,124,119,113,108,103,99,94,90,86,82,78,75,71,68,65,62,59,57,54,52,49,47,45,43,41,39,37,36,34,32,31,30,28,27,26,24,23,22,21,20,19,18,18,17,16,15,15,14,13,13,12,12,11,11,10,10,9,9,8,8,8,7,7,7,6,6,6,6,5,5], dtype=np.float64)

MAX_M = 0.5
S = 30.0
DRW = True
BETA = 0.9999
DRW_START = 15


def setup_inputs(seed: int = 0) -> dict:
    key = jax.random.key(seed)
    k1, k2 = jax.random.split(key)
    B, C = 16384, 100
    logits = jax.random.normal(k1, (B, C), dtype=jnp.float32)
    targets = jax.random.randint(k2, (B,), 0, C, dtype=jnp.int32)
    counts = np.clip(CLS_COUNTS, 1.0, None)
    m_list = jnp.asarray(MAX_M / np.power(counts, 0.25), dtype=jnp.float32)
    effective_num = 1.0 - np.power(BETA, counts)
    w = (1.0 - BETA) / np.maximum(effective_num, 1e-08)
    w = w / (w.mean() + 1e-12)
    class_weights = jnp.asarray(w, dtype=jnp.float32)
    return {"logits": logits, "targets": targets, "m_list": m_list, "class_weights": class_weights, "epoch": 20}


def reference(logits, targets, m_list, class_weights, epoch):
    B = logits.shape[0]
    idx = jnp.arange(B)
    margins = jnp.take(m_list, targets).astype(logits.dtype)
    x = logits.at[idx, targets].add(-margins)
    scaled = S * x
    logp = jax.nn.log_softmax(scaled, axis=-1)
    nll = -jnp.take_along_axis(logp, targets[:, None], axis=1)[:, 0]
    if DRW and (epoch is not None):
        w = jnp.take(class_weights, targets).astype(logits.dtype)
        weighted_loss = jnp.sum(w * nll) / jnp.sum(w)
        mean_loss = jnp.mean(nll)
        loss = jnp.where(epoch >= DRW_START, weighted_loss, mean_loss)
    else:
        loss = jnp.mean(nll)
    return loss

if __name__ == "__main__":
    import jax
    _d = setup_inputs()
    print(jax.jit(kernel)(*tuple(_d.values())))

</pallas_src>

<mosaic_0001>
#map = affine_map<(d0, d1) -> (0, 0)>
#map1 = affine_map<(d0, d1) -> (0)>
module attributes {stable_mosaic.version = 14 : i64} {
  func.func @_body(%arg0: i32, %arg1: i32, %arg2: memref<100x16384xf32, #tpu.memory_space<hbm>>, %arg3: memref<16384xi32, #tpu.memory_space<hbm>>, %arg4: memref<100xf32, #tpu.memory_space<hbm>>, %arg5: memref<100xf32, #tpu.memory_space<hbm>>, %arg6: memref<32x16xf32, #tpu.memory_space<hbm>>, %arg7: memref<100x512xf32, #tpu.memory_space<vmem>>, %arg8: memref<512xi32, #tpu.memory_space<vmem>>, %arg9: memref<100xf32, #tpu.memory_space<vmem>>, %arg10: memref<100xf32, #tpu.memory_space<vmem>>, %arg11: memref<16xf32, #tpu.memory_space<vmem>>) attributes {dimension_semantics = [#tpu.dimension_semantics<core_parallel>, #tpu.dimension_semantics<subcore_parallel>], iteration_bounds = array<i64: 2, 16>, scalar_prefetch = 0 : i64, scratch_operands = 5 : i64, tpu.core_type = #tpu.core_type<sc_vector_subcore>, window_params = [{transform_indices = #map}, {transform_indices = #map1}, {transform_indices = #map1}, {transform_indices = #map1}, {transform_indices = #map}]} {
    %mul3A = arith.constant 2 : i32
    %mul3A_0 = arith.muli %arg1, %mul3A : i32
    %add3A = arith.addi %mul3A_0, %arg0 : i32
    %mul3A_1 = arith.constant 512 : i32
    %mul3A_2 = arith.muli %add3A, %mul3A_1 : i32
    "tpu.region"() ({
      %run_scoped3A = tpu.sem_alloc : memref<!tpu.dma_semaphore, #tpu.memory_space<semaphore_mem>>
      %dma_start3A = arith.constant 0 : i32
      %dma_start3A_79 = tpu.memref_slice %arg2[%dma_start3A, %mul3A_2] : memref<100x16384xf32, #tpu.memory_space<hbm>> -> memref<100x512xf32, #tpu.memory_space<hbm>>
      %dma_start3A_80 = arith.constant 0 : i32
      %dma_start3A_81 = tpu.memref_slice %arg2[%dma_start3A_80, %mul3A_2] : memref<100x16384xf32, #tpu.memory_space<hbm>> -> memref<100x512xf32, #tpu.memory_space<hbm>>
      tpu.enqueue_dma source(%dma_start3A_81 : memref<100x512xf32, #tpu.memory_space<hbm>>) target(%arg7 : memref<100x512xf32, #tpu.memory_space<vmem>>) target_semaphore(%run_scoped3A : memref<!tpu.dma_semaphore, #tpu.memory_space<semaphore_mem>>)
      %dma_wait3A = arith.constant 0 : i32
      %dma_wait3A_82 = tpu.memref_slice %arg2[%dma_wait3A, %mul3A_2] : memref<100x16384xf32, #tpu.memory_space<hbm>> -> memref<100x512xf32, #tpu.memory_space<hbm>>
      %dma_wait3A_83 = arith.constant 0 : i32
      %dma_wait3A_84 = tpu.memref_slice %arg2[%dma_wait3A_83, %mul3A_2] : memref<100x16384xf32, #tpu.memory_space<hbm>> -> memref<100x512xf32, #tpu.memory_space<hbm>>
      tpu.wait_dma2 semaphore(%run_scoped3A : memref<!tpu.dma_semaphore, #tpu.memory_space<semaphore_mem>>) src(%dma_wait3A_84 : memref<100x512xf32, #tpu.memory_space<hbm>>) dst(%arg7 : memref<100x512xf32, #tpu.memory_space<vmem>>)
      tpu.yield
    }) : () -> ()
    "tpu.region"() ({
      %run_scoped3A = tpu.sem_alloc : memref<!tpu.dma_semaphore, #tpu.memory_space<semaphore_mem>>
      %dma_start3A = tpu.memref_slice %arg3[%mul3A_2] : memref<16384xi32, #tpu.memory_space<hbm>> -> memref<512xi32, #tpu.memory_space<hbm>>
      %dma_start3A_79 = tpu.memref_slice %arg3[%mul3A_2] : memref<16384xi32, #tpu.memory_space<hbm>> -> memref<512xi32, #tpu.memory_space<hbm>>
      tpu.enqueue_dma source(%dma_start3A_79 : memref<512xi32, #tpu.memory_space<hbm>>) target(%arg8 : memref<512xi32, #tpu.memory_space<vmem>>) target_semaphore(%run_scoped3A : memref<!tpu.dma_semaphore, #tpu.memory_space<semaphore_mem>>)
      %dma_wait3A = tpu.memref_slice %arg3[%mul3A_2] : memref<16384xi32, #tpu.memory_space<hbm>> -> memref<512xi32, #tpu.memory_space<hbm>>
      %dma_wait3A_80 = tpu.memref_slice %arg3[%mul3A_2] : memref<16384xi32, #tpu.memory_space<hbm>> -> memref<512xi32, #tpu.memory_space<hbm>>
      tpu.wait_dma2 semaphore(%run_scoped3A : memref<!tpu.dma_semaphore, #tpu.memory_space<semaphore_mem>>) src(%dma_wait3A_80 : memref<512xi32, #tpu.memory_space<hbm>>) dst(%arg8 : memref<512xi32, #tpu.memory_space<vmem>>)
      tpu.yield
    }) : () -> ()
    "tpu.region"() ({
      %run_scoped3A = tpu.sem_alloc : memref<!tpu.dma_semaphore, #tpu.memory_space<semaphore_mem>>
      tpu.enqueue_dma source(%arg4 : memref<100xf32, #tpu.memory_space<hbm>>) target(%arg9 : memref<100xf32, #tpu.memory_space<vmem>>) target_semaphore(%run_scoped3A : memref<!tpu.dma_semaphore, #tpu.memory_space<semaphore_mem>>)
      tpu.wait_dma2 semaphore(%run_scoped3A : memref<!tpu.dma_semaphore, #tpu.memory_space<semaphore_mem>>) src(%arg4 : memref<100xf32, #tpu.memory_space<hbm>>) dst(%arg9 : memref<100xf32, #tpu.memory_space<vmem>>)
      tpu.yield
    }) : () -> ()
    "tpu.region"() ({
      %run_scoped3A = tpu.sem_alloc : memref<!tpu.dma_semaphore, #tpu.memory_space<semaphore_mem>>
      tpu.enqueue_dma source(%arg5 : memref<100xf32, #tpu.memory_space<hbm>>) target(%arg10 : memref<100xf32, #tpu.memory_space<vmem>>) target_semaphore(%run_scoped3A : memref<!tpu.dma_semaphore, #tpu.memory_space<semaphore_mem>>)
      tpu.wait_dma2 semaphore(%run_scoped3A : memref<!tpu.dma_semaphore, #tpu.memory_space<semaphore_mem>>) src(%arg5 : memref<100xf32, #tpu.memory_space<hbm>>) dst(%arg10 : memref<100xf32, #tpu.memory_space<vmem>>)
      tpu.yield
    }) : () -> ()
    %iota3A = tpu.iota {dimensions = array<i32: 0>} : vector<16xi32>
    %broadcast_in_dim3A = arith.constant 0.000000e+00 : f32
    %broadcast_in_dim3A_3 = vector.broadcast %broadcast_in_dim3A : f32 to vector<16xf32>
    %scan3A = arith.constant 0 : i32
    %scan3A_4 = arith.constant 32 : i32
    %scan3A_5 = arith.addi %scan3A, %scan3A_4 : i32
    %scan3A_6 = arith.constant 1 : i32
    %scan3A_7:3 = scf.for %scan3A_79 = %scan3A to %scan3A_5 step %scan3A_6 iter_args(%scan3A_80 = %broadcast_in_dim3A_3, %scan3A_81 = %broadcast_in_dim3A_3, %scan3A_82 = %broadcast_in_dim3A_3) -> (vector<16xf32>, vector<16xf32>, vector<16xf32>)  : i32 {
      %mul3A_83 = arith.constant 16 : i32
      %mul3A_84 = arith.muli %scan3A_79, %mul3A_83 : i32
      %get3A = arith.constant 0 : i32
      %get3A_85 = arith.index_cast %get3A : i32 to index
      %get3A_86 = arith.index_cast %mul3A_84 : i32 to index
      %get3A_87 = tpu.vector_load %arg7[%get3A_85, %get3A_86] {strides = array<i32>} : memref<100x512xf32, #tpu.memory_space<vmem>>, vector<16xf32>,
      %get3A_88 = arith.constant 1 : i32
      %get3A_89 = arith.index_cast %get3A_88 : i32 to index
      %get3A_90 = arith.index_cast %mul3A_84 : i32 to index
      %get3A_91 = tpu.vector_load %arg7[%get3A_89, %get3A_90] {strides = array<i32>} : memref<100x512xf32, #tpu.memory_space<vmem>>, vector<16xf32>,
      %max3A = arith.maximumf %get3A_87, %get3A_91 : vector<16xf32>
      %get3A_92 = arith.constant 2 : i32
      %get3A_93 = arith.index_cast %get3A_92 : i32 to index
      %get3A_94 = arith.index_cast %mul3A_84 : i32 to index
      %get3A_95 = tpu.vector_load %arg7[%get3A_93, %get3A_94] {strides = array<i32>} : memref<100x512xf32, #tpu.memory_space<vmem>>, vector<16xf32>,
      %max3A_96 = arith.maximumf %max3A, %get3A_95 : vector<16xf32>
      %get3A_97 = arith.constant 3 : i32
      %get3A_98 = arith.index_cast %get3A_97 : i32 to index
      %get3A_99 = arith.index_cast %mul3A_84 : i32 to index
      %get3A_100 = tpu.vector_load %arg7[%get3A_98, %get3A_99] {strides = array<i32>} : memref<100x512xf32, #tpu.memory_space<vmem>>, vector<16xf32>,
      %max3A_101 = arith.maximumf %max3A_96, %get3A_100 : vector<16xf32>
      %get3A_102 = arith.constant 4 : i32
      %get3A_103 = arith.index_cast %get3A_102 : i32 to index
      %get3A_104 = arith.index_cast %mul3A_84 : i32 to index
      %get3A_105 = tpu.vector_load %arg7[%get3A_103, %get3A_104] {strides = array<i32>} : memref<100x512xf32, #tpu.memory_space<vmem>>, vector<16xf32>,
      %max3A_106 = arith.maximumf %max3A_101, %get3A_105 : vector<16xf32>
      %get3A_107 = arith.constant 5 : i32
      %get3A_108 = arith.index_cast %get3A_107 : i32 to index
      %get3A_109 = arith.index_cast %mul3A_84 : i32 to index
      %get3A_110 = tpu.vector_load %arg7[%get3A_108, %get3A_109] {strides = array<i32>} : memref<100x512xf32, #tpu.memory_space<vmem>>, vector<16xf32>,
      %max3A_111 = arith.maximumf %max3A_106, %get3A_110 : vector<16xf32>
      %get3A_112 = arith.constant 6 : i32
      %get3A_113 = arith.index_cast %get3A_112 : i32 to index
      %get3A_114 = arith.index_cast %mul3A_84 : i32 to index
      %get3A_115 = tpu.vector_load %arg7[%get3A_113, %get3A_114] {strides = array<i32>} : memref<100x512xf32, #tpu.memory_space<vmem>>, vector<16xf32>,
      %max3A_116 = arith.maximumf %max3A_111, %get3A_115 : vector<16xf32>
      %get3A_117 = arith.constant 7 : i32
      %get3A_118 = arith.index_cast %get3A_117 : i32 to index
      %get3A_119 = arith.index_cast %mul3A_84 : i32 to index
      %get3A_120 = tpu.vector_load %arg7[%get3A_118, %get3A_119] {strides = array<i32>} : memref<100x512xf32, #tpu.memory_space<vmem>>, vector<16xf32>,
      %max3A_121 = arith.maximumf %max3A_116, %get3A_120 : vector<16xf32>
      %get3A_122 = arith.constant 8 : i32
      %get3A_123 = arith.index_cast %get3A_122 : i32 to index
      %get3A_124 = arith.index_cast %mul3A_84 : i32 to index
      %get3A_125 = tpu.vector_load %arg7[%get3A_123, %get3A_124] {strides = array<i32>} : memref<100x512xf32, #tpu.memory_space<vmem>>, vector<16xf32>,
      %max3A_126 = arith.maximumf %max3A_121, %get3A_125 : vector<16xf32>
      %get3A_127 = arith.constant 9 : i32
      %get3A_128 = arith.index_cast %get3A_127 : i32 to index
      %get3A_129 = arith.index_cast %mul3A_84 : i32 to index
      %get3A_130 = tpu.vector_load %arg7[%get3A_128, %get3A_129] {strides = array<i32>} : memref<100x512xf32, #tpu.memory_space<vmem>>, vector<16xf32>,
      %max3A_131 = arith.maximumf %max3A_126, %get3A_130 : vector<16xf32>
      %get3A_132 = arith.constant 10 : i32
      %get3A_133 = arith.index_cast %get3A_132 : i32 to index
      %get3A_134 = arith.index_cast %mul3A_84 : i32 to index
      %get3A_135 = tpu.vector_load %arg7[%get3A_133, %get3A_134] {strides = array<i32>} : memref<100x512xf32, #tpu.memory_space<vmem>>, vector<16xf32>,
      %max3A_136 = arith.maximumf %max3A_131, %get3A_135 : vector<16xf32>
      %get3A_137 = arith.constant 11 : i32
      %get3A_138 = arith.index_cast %get3A_137 : i32 to index
      %get3A_139 = arith.index_cast %mul3A_84 : i32 to index
      %get3A_140 = tpu.vector_load %arg7[%get3A_138, %get3A_139] {strides = array<i32>} : memref<100x512xf32, #tpu.memory_space<vmem>>, vector<16xf32>,
      %max3A_141 = arith.maximumf %max3A_136, %get3A_140 : vector<16xf32>
      %get3A_142 = arith.constant 12 : i32
      %get3A_143 = arith.index_cast %get3A_142 : i32 to index
      %get3A_144 = arith.index_cast %mul3A_84 : i32 to index
      %get3A_145 = tpu.vector_load %arg7[%get3A_143, %get3A_144] {strides = array<i32>} : memref<100x512xf32, #tpu.memory_space<vmem>>, vector<16xf32>,
      %max3A_146 = arith.maximumf %max3A_141, %get3A_145 : vector<16xf32>
      %get3A_147 = arith.constant 13 : i32
      %get3A_148 = arith.index_cast %get3A_147 : i32 to index
      %get3A_149 = arith.index_cast %mul3A_84 : i32 to index
      %get3A_150 = tpu.vector_load %arg7[%get3A_148, %get3A_149] {strides = array<i32>} : memref<100x512xf32, #tpu.memory_space<vmem>>, vector<16xf32>,
      %max3A_151 = arith.maximumf %max3A_146, %get3A_150 : vector<16xf32>
      %get3A_152 = arith.constant 14 : i32
      %get3A_153 = arith.index_cast %get3A_152 : i32 to index
      %get3A_154 = arith.index_cast %mul3A_84 : i32 to index
      %get3A_155 = tpu.vector_load %arg7[%get3A_153, %get3A_154] {strides = array<i32>} : memref<100x512xf32, #tpu.memory_space<vmem>>, vector<16xf32>,
      %max3A_156 = arith.maximumf %max3A_151, %get3A_155 : vector<16xf32>
      %get3A_157 = arith.constant 15 : i32
      %get3A_158 = arith.index_cast %get3A_157 : i32 to index
      %get3A_159 = arith.index_cast %mul3A_84 : i32 to index
      %get3A_160 = tpu.vector_load %arg7[%get3A_158, %get3A_159] {strides = array<i32>} : memref<100x512xf32, #tpu.memory_space<vmem>>, vector<16xf32>,
      %max3A_161 = arith.maximumf %max3A_156, %get3A_160 : vector<16xf32>
      %get3A_162 = arith.constant 16 : i32
      %get3A_163 = arith.index_cast %get3A_162 : i32 to index
      %get3A_164 = arith.index_cast %mul3A_84 : i32 to index
      %get3A_165 = tpu.vector_load %arg7[%get3A_163, %get3A_164] {strides = array<i32>} : memref<100x512xf32, #tpu.memory_space<vmem>>, vector<16xf32>,
      %max3A_166 = arith.maximumf %max3A_161, %get3A_165 : vector<16xf32>
      %get3A_167 = arith.constant 17 : i32
      %get3A_168 = arith.index_cast %get3A_167 : i32 to index
      %get3A_169 = arith.index_cast %mul3A_84 : i32 to index
      %get3A_170 = tpu.vector_load %arg7[%get3A_168, %get3A_169] {strides = array<i32>} : memref<100x512xf32, #tpu.memory_space<vmem>>, vector<16xf32>,
      %max3A_171 = arith.maximumf %max3A_166, %get3A_170 : vector<16xf32>
      %get3A_172 = arith.constant 18 : i32
      %get3A_173 = arith.index_cast %get3A_172 : i32 to index
      %get3A_174 = arith.index_cast %mul3A_84 : i32 to index
      %get3A_175 = tpu.vector_load %arg7[%get3A_173, %get3A_174] {strides = array<i32>} : memref<100x512xf32, #tpu.memory_space<vmem>>, vector<16xf32>,
      %max3A_176 = arith.maximumf %max3A_171, %get3A_175 : vector<16xf32>
      %get3A_177 = arith.constant 19 : i32
      %get3A_178 = arith.index_cast %get3A_177 : i32 to index
      %get3A_179 = arith.index_cast %mul3A_84 : i32 to index
      %get3A_180 = tpu.vector_load %arg7[%get3A_178, %get3A_179] {strides = array<i32>} : memref<100x512xf32, #tpu.memory_space<vmem>>, vector<16xf32>,
      %max3A_181 = arith.maximumf %max3A_176, %get3A_180 : vector<16xf32>
      %get3A_182 = arith.constant 20 : i32
      %get3A_183 = arith.index_cast %get3A_182 : i32 to index
      %get3A_184 = arith.index_cast %mul3A_84 : i32 to index
      %get3A_185 = tpu.vector_load %arg7[%get3A_183, %get3A_184] {strides = array<i32>} : memref<100x512xf32, #tpu.memory_space<vmem>>, vector<16xf32>,
      %max3A_186 = arith.maximumf %max3A_181, %get3A_185 : vector<16xf32>
      %get3A_187 = arith.constant 21 : i32
      %get3A_188 = arith.index_cast %get3A_187 : i32 to index
      %get3A_189 = arith.index_cast %mul3A_84 : i32 to index
      %get3A_190 = tpu.vector_load %arg7[%get3A_188, %get3A_189] {strides = array<i32>} : memref<100x512xf32, #tpu.memory_space<vmem>>, vector<16xf32>,
      %max3A_191 = arith.maximumf %max3A_186, %get3A_190 : vector<16xf32>
      %get3A_192 = arith.constant 22 : i32
      %get3A_193 = arith.index_cast %get3A_192 : i32 to index
      %get3A_194 = arith.index_cast %mul3A_84 : i32 to index
      %get3A_195 = tpu.vector_load %arg7[%get3A_193, %get3A_194] {strides = array<i32>} : memref<100x512xf32, #tpu.memory_space<vmem>>, vector<16xf32>,
      %max3A_196 = arith.maximumf %max3A_191, %get3A_195 : vector<16xf32>
      %get3A_197 = arith.constant 23 : i32
      %get3A_198 = arith.index_cast %get3A_197 : i32 to index
      %get3A_199 = arith.index_cast %mul3A_84 : i32 to index
      %get3A_200 = tpu.vector_load %arg7[%get3A_198, %get3A_199] {strides = array<i32>} : memref<100x512xf32, #tpu.memory_space<vmem>>, vector<16xf32>,
      %max3A_201 = arith.maximumf %max3A_196, %get3A_200 : vector<16xf32>
      %get3A_202 = arith.constant 24 : i32
      %get3A_203 = arith.index_cast %get3A_202 : i32 to index
      %get3A_204 = arith.index_cast %mul3A_84 : i32 to index
      %get3A_205 = tpu.vector_load %arg7[%get3A_203, %get3A_204] {strides = array<i32>} : memref<100x512xf32, #tpu.memory_space<vmem>>, vector<16xf32>,
      %max3A_206 = arith.maximumf %max3A_201, %get3A_205 : vector<16xf32>
      %get3A_207 = arith.constant 25 : i32
      %get3A_208 = arith.index_cast %get3A_207 : i32 to index
      %get3A_209 = arith.index_cast %mul3A_84 : i32 to index
      %get3A_210 = tpu.vector_load %arg7[%get3A_208, %get3A_209] {strides = array<i32>} : memref<100x512xf32, #tpu.memory_space<vmem>>, vector<16xf32>,
      %max3A_211 = arith.maximumf %max3A_206, %get3A_210 : vector<16xf32>
      %get3A_212 = arith.constant 26 : i32
      %get3A_213 = arith.index_cast %get3A_212 : i32 to index
      %get3A_214 = arith.index_cast %mul3A_84 : i32 to index
      %get3A_215 = tpu.vector_load %arg7[%get3A_213, %get3A_214] {strides = array<i32>} : memref<100x512xf32, #tpu.memory_space<vmem>>, vector<16xf32>,
      %max3A_216 = arith.maximumf %max3A_211, %get3A_215 : vector<16xf32>
      %get3A_217 = arith.constant 27 : i32
      %get3A_218 = arith.index_cast %get3A_217 : i32 to index
      %get3A_219 = arith.index_cast %mul3A_84 : i32 to index
      %get3A_220 = tpu.vector_load %arg7[%get3A_218, %get3A_219] {strides = array<i32>} : memref<100x512xf32, #tpu.memory_space<vmem>>, vector<16xf32>,
      %max3A_221 = arith.maximumf %max3A_216, %get3A_220 : vector<16xf32>
      %get3A_222 = arith.constant 28 : i32
      %get3A_223 = arith.index_cast %get3A_222 : i32 to index
      %get3A_224 = arith.index_cast %mul3A_84 : i32 to index
      %get3A_225 = tpu.vector_load %arg7[%get3A_223, %get3A_224] {strides = array<i32>} : memref<100x512xf32, #tpu.memory_space<vmem>>, vector<16xf32>,
      %max3A_226 = arith.maximumf %max3A_221, %get3A_225 : vector<16xf32>
      %get3A_227 = arith.constant 29 : i32
      %get3A_228 = arith.index_cast %get3A_227 : i32 to index
      %get3A_229 = arith.index_cast %mul3A_84 : i32 to index
      %get3A_230 = tpu.vector_load %arg7[%get3A_228, %get3A_229] {strides = array<i32>} : memref<100x512xf32, #tpu.memory_space<vmem>>, vector<16xf32>,
      %max3A_231 = arith.maximumf %max3A_226, %get3A_230 : vector<16xf32>
      %get3A_232 = arith.constant 30 : i32
      %get3A_233 = arith.index_cast %get3A_232 : i32 to index
      %get3A_234 = arith.index_cast %mul3A_84 : i32 to index
      %get3A_235 = tpu.vector_load %arg7[%get3A_233, %get3A_234] {strides = array<i32>} : memref<100x512xf32, #tpu.memory_space<vmem>>, vector<16xf32>,
      %max3A_236 = arith.maximumf %max3A_231, %get3A_235 : vector<16xf32>
      %get3A_237 = arith.constant 31 : i32
      %get3A_238 = arith.index_cast %get3A_237 : i32 to index
      %get3A_239 = arith.index_cast %mul3A_84 : i32 to index
      %get3A_240 = tpu.vector_load %arg7[%get3A_238, %get3A_239] {strides = array<i32>} : memref<100x512xf32, #tpu.memory_space<vmem>>, vector<16xf32>,
      %max3A_241 = arith.maximumf %max3A_236, %get3A_240 : vector<16xf32>
      %get3A_242 = arith.constant 32 : i32
      %get3A_243 = arith.index_cast %get3A_242 : i32 to index
      %get3A_244 = arith.index_cast %mul3A_84 : i32 to index
      %get3A_245 = tpu.vector_load %arg7[%get3A_243, %get3A_244] {strides = array<i32>} : memref<100x512xf32, #tpu.memory_space<vmem>>, vector<16xf32>,
      %max3A_246 = arith.maximumf %max3A_241, %get3A_245 : vector<16xf32>
      %get3A_247 = arith.constant 33 : i32
      %get3A_248 = arith.index_cast %get3A_247 : i32 to index
      %get3A_249 = arith.index_cast %mul3A_84 : i32 to index
      %get3A_250 = tpu.vector_load %arg7[%get3A_248, %get3A_249] {strides = array<i32>} : memref<100x512xf32, #tpu.memory_space<vmem>>, vector<16xf32>,
      %max3A_251 = arith.maximumf %max3A_246, %get3A_250 : vector<16xf32>
      %get3A_252 = arith.constant 34 : i32
      %get3A_253 = arith.index_cast %get3A_252 : i32 to index
      %get3A_254 = arith.index_cast %mul3A_84 : i32 to index
      %get3A_255 = tpu.vector_load %arg7[%get3A_253, %get3A_254] {strides = array<i32>} : memref<100x512xf32, #tpu.memory_space<vmem>>, vector<16xf32>,
      %max3A_256 = arith.maximumf %max3A_251, %get3A_255 : vector<16xf32>
      %get3A_257 = arith.constant 35 : i32
      %get3A_258 = arith.index_cast %get3A_257 : i32 to index
      %get3A_259 = arith.index_cast %mul3A_84 : i32 to index
      %get3A_260 = tpu.vector_load %arg7[%get3A_258, %get3A_259] {strides = array<i32>} : memref<100x512xf32, #tpu.memory_space<vmem>>, vector<16xf32>,
      %max3A_261 = arith.maximumf %max3A_256, %get3A_260 : vector<16xf32>
      %get3A_262 = arith.constant 36 : i32
      %get3A_263 = arith.index_cast %get3A_262 : i32 to index
      %get3A_264 = arith.index_cast %mul3A_84 : i32 to index
      %get3A_265 = tpu.vector_load %arg7[%get3A_263, %get3A_264] {strides = array<i32>} : memref<100x512xf32, #tpu.memory_space<vmem>>, vector<16xf32>,
      %max3A_266 = arith.maximumf %max3A_261, %get3A_265 : vector<16xf32>
      %get3A_267 = arith.constant 37 : i32
      %get3A_268 = arith.index_cast %get3A_267 : i32 to index
      %get3A_269 = arith.index_cast %mul3A_84 : i32 to index
      %get3A_270 = tpu.vector_load %arg7[%get3A_268, %get3A_269] {strides = array<i32>} : memref<100x512xf32, #tpu.memory_space<vmem>>, vector<16xf32>,
      %max3A_271 = arith.maximumf %max3A_266, %get3A_270 : vector<16xf32>
      %get3A_272 = arith.constant 38 : i32
      %get3A_273 = arith.index_cast %get3A_272 : i32 to index
      %get3A_274 = arith.index_cast %mul3A_84 : i32 to index
      %get3A_275 = tpu.vector_load %arg7[%get3A_273, %get3A_274] {strides = array<i32>} : memref<100x512xf32, #tpu.memory_space<vmem>>, vector<16xf32>,
      %max3A_276 = arith.maximumf %max3A_271, %get3A_275 : vector<16xf32>
      %get3A_277 = arith.constant 39 : i32
      %get3A_278 = arith.index_cast %get3A_277 : i32 to index
      %get3A_279 = arith.index_cast %mul3A_84 : i32 to index
      %get3A_280 = tpu.vector_load %arg7[%get3A_278, %get3A_279] {strides = array<i32>} : memref<100x512xf32, #tpu.memory_space<vmem>>, vector<16xf32>,
      %max3A_281 = arith.maximumf %max3A_276, %get3A_280 : vector<16xf32>
      %get3A_282 = arith.constant 40 : i32
      %get3A_283 = arith.index_cast %get3A_282 : i32 to index
      %get3A_284 = arith.index_cast %mul3A_84 : i32 to index
      %get3A_285 = tpu.vector_load %arg7[%get3A_283, %get3A_284] {strides = array<i32>} : memref<100x512xf32, #tpu.memory_space<vmem>>, vector<16xf32>,
      %max3A_286 = arith.maximumf %max3A_281, %get3A_285 : vector<16xf32>
      %get3A_287 = arith.constant 41 : i32
      %get3A_288 = arith.index_cast %get3A_287 : i32 to index
      %get3A_289 = arith.index_cast %mul3A_84 : i32 to index
      %get3A_290 = tpu.vector_load %arg7[%get3A_288, %get3A_289] {strides = array<i32>} : memref<100x512xf32, #tpu.memory_space<vmem>>, vector<16xf32>,
      %max3A_291 = arith.maximumf %max3A_286, %get3A_290 : vector<16xf32>
      %get3A_292 = arith.constant 42 : i32
      %get3A_293 = arith.index_cast %get3A_292 : i32 to index
      %get3A_294 = arith.index_cast %mul3A_84 : i32 to index
      %get3A_295 = tpu.vector_load %arg7[%get3A_293, %get3A_294] {strides = array<i32>} : memref<100x512xf32, #tpu.memory_space<vmem>>, vector<16xf32>,
      %max3A_296 = arith.maximumf %max3A_291, %get3A_295 : vector<16xf32>
      %get3A_297 = arith.constant 43 : i32
      %get3A_298 = arith.index_cast %get3A_297 : i32 to index
      %get3A_299 = arith.index_cast %mul3A_84 : i32 to index
      %get3A_300 = tpu.vector_load %arg7[%get3A_298, %get3A_299] {strides = array<i32>} : memref<100x512xf32, #tpu.memory_space<vmem>>, vector<16xf32>,
      %max3A_301 = arith.maximumf %max3A_296, %get3A_300 : vector<16xf32>
      %get3A_302 = arith.constant 44 : i32
      %get3A_303 = arith.index_cast %get3A_302 : i32 to index
      %get3A_304 = arith.index_cast %mul3A_84 : i32 to index
      %get3A_305 = tpu.vector_load %arg7[%get3A_303, %get3A_304] {strides = array<i32>} : memref<100x512xf32, #tpu.memory_space<vmem>>, vector<16xf32>,
      %max3A_306 = arith.maximumf %max3A_301, %get3A_305 : vector<16xf32>
      %get3A_307 = arith.constant 45 : i32
      %get3A_308 = arith.index_cast %get3A_307 : i32 to index
      %get3A_309 = arith.index_cast %mul3A_84 : i32 to index
      %get3A_310 = tpu.vector_load %arg7[%get3A_308, %get3A_309] {strides = array<i32>} : memref<100x512xf32, #tpu.memory_space<vmem>>, vector<16xf32>,
      %max3A_311 = arith.maximumf %max3A_306, %get3A_310 : vector<16xf32>
      %get3A_312 = arith.constant 46 : i32
      %get3A_313 = arith.index_cast %get3A_312 : i32 to index
      %get3A_314 = arith.index_cast %mul3A_84 : i32 to index
      %get3A_315 = tpu.vector_load %arg7[%get3A_313, %get3A_314] {strides = array<i32>} : memref<100x512xf32, #tpu.memory_space<vmem>>, vector<16xf32>,
      %max3A_316 = arith.maximumf %max3A_311, %get3A_315 : vector<16xf32>
      %get3A_317 = arith.constant 47 : i32
      %get3A_318 = arith.index_cast %get3A_317 : i32 to index
      %get3A_319 = arith.index_cast %mul3A_84 : i32 to index
      %get3A_320 = tpu.vector_load %arg7[%get3A_318, %get3A_319] {strides = array<i32>} : memref<100x512xf32, #tpu.memory_space<vmem>>, vector<16xf32>,
      %max3A_321 = arith.maximumf %max3A_316, %get3A_320 : vector<16xf32>
      %get3A_322 = arith.constant 48 : i32
      %get3A_323 = arith.index_cast %get3A_322 : i32 to index
      %get3A_324 = arith.index_cast %mul3A_84 : i32 to index
      %get3A_325 = tpu.vector_load %arg7[%get3A_323, %get3A_324] {strides = array<i32>} : memref<100x512xf32, #tpu.memory_space<vmem>>, vector<16xf32>,
      %max3A_326 = arith.maximumf %max3A_321, %get3A_325 : vector<16xf32>
      %get3A_327 = arith.constant 49 : i32
      %get3A_328 = arith.index_cast %get3A_327 : i32 to index
      %get3A_329 = arith.index_cast %mul3A_84 : i32 to index
      %get3A_330 = tpu.vector_load %arg7[%get3A_328, %get3A_329] {strides = array<i32>} : memref<100x512xf32, #tpu.memory_space<vmem>>, vector<16xf32>,
      %max3A_331 = arith.maximumf %max3A_326, %get3A_330 : vector<16xf32>
      %get3A_332 = arith.constant 50 : i32
      %get3A_333 = arith.index_cast %get3A_332 : i32 to index
      %get3A_334 = arith.index_cast %mul3A_84 : i32 to index
      %get3A_335 = tpu.vector_load %arg7[%get3A_333, %get3A_334] {strides = array<i32>} : memref<100x512xf32, #tpu.memory_space<vmem>>, vector<16xf32>,
      %max3A_336 = arith.maximumf %max3A_331, %get3A_335 : vector<16xf32>
      %get3A_337 = arith.constant 51 : i32
      %get3A_338 = arith.index_cast %get3A_337 : i32 to index
      %get3A_339 = arith.index_cast %mul3A_84 : i32 to index
      %get3A_340 = tpu.vector_load %arg7[%get3A_338, %get3A_339] {strides = array<i32>} : memref<100x512xf32, #tpu.memory_space<vmem>>, vector<16xf32>,
      %max3A_341 = arith.maximumf %max3A_336, %get3A_340 : vector<16xf32>
      %get3A_342 = arith.constant 52 : i32
      %get3A_343 = arith.index_cast %get3A_342 : i32 to index
      %get3A_344 = arith.index_cast %mul3A_84 : i32 to index
      %get3A_345 = tpu.vector_load %arg7[%get3A_343, %get3A_344] {strides = array<i32>} : memref<100x512xf32, #tpu.memory_space<vmem>>, vector<16xf32>,
      %max3A_346 = arith.maximumf %max3A_341, %get3A_345 : vector<16xf32>
      %get3A_347 = arith.constant 53 : i32
      %get3A_348 = arith.index_cast %get3A_347 : i32 to index
      %get3A_349 = arith.index_cast %mul3A_84 : i32 to index
      %get3A_350 = tpu.vector_load %arg7[%get3A_348, %get3A_349] {strides = array<i32>} : memref<100x512xf32, #tpu.memory_space<vmem>>, vector<16xf32>,
      %max3A_351 = arith.maximumf %max3A_346, %get3A_350 : vector<16xf32>
      %get3A_352 = arith.constant 54 : i32
      %get3A_353 = arith.index_cast %get3A_352 : i32 to index
      %get3A_354 = arith.index_cast %mul3A_84 : i32 to index
      %get3A_355 = tpu.vector_load %arg7[%get3A_353, %get3A_354] {strides = array<i32>} : memref<100x512xf32, #tpu.memory_space<vmem>>, vector<16xf32>,
      %max3A_356 = arith.maximumf %max3A_351, %get3A_355 : vector<16xf32>
      %get3A_357 = arith.constant 55 : i32
      %get3A_358 = arith.index_cast %get3A_357 : i32 to index
      %get3A_359 = arith.index_cast %mul3A_84 : i32 to index
      %get3A_360 = tpu.vector_load %arg7[%get3A_358, %get3A_359] {strides = array<i32>} : memref<100x512xf32, #tpu.memory_space<vmem>>, vector<16xf32>,
      %max3A_361 = arith.maximumf %max3A_356, %get3A_360 : vector<16xf32>
      %get3A_362 = arith.constant 56 : i32
      %get3A_363 = arith.index_cast %get3A_362 : i32 to index
      %get3A_364 = arith.index_cast %mul3A_84 : i32 to index
      %get3A_365 = tpu.vector_load %arg7[%get3A_363, %get3A_364] {strides = array<i32>} : memref<100x512xf32, #tpu.memory_space<vmem>>, vector<16xf32>,
      %max3A_366 = arith.maximumf %max3A_361, %get3A_365 : vector<16xf32>
      %get3A_367 = arith.constant 57 : i32
      %get3A_368 = arith.index_cast %get3A_367 : i32 to index
      %get3A_369 = arith.index_cast %mul3A_84 : i32 to index
      %get3A_370 = tpu.vector_load %arg7[%get3A_368, %get3A_369] {strides = array<i32>} : memref<100x512xf32, #tpu.memory_space<vmem>>, vector<16xf32>,
      %max3A_371 = arith.maximumf %max3A_366, %get3A_370 : vector<16xf32>
      %get3A_372 = arith.constant 58 : i32
      %get3A_373 = arith.index_cast %get3A_372 : i32 to index
      %get3A_374 = arith.index_cast %mul3A_84 : i32 to index
      %get3A_375 = tpu.vector_load %arg7[%get3A_373, %get3A_374] {strides = array<i32>} : memref<100x512xf32, #tpu.memory_space<vmem>>, vector<16xf32>,
      %max3A_376 = arith.maximumf %max3A_371, %get3A_375 : vector<16xf32>
      %get3A_377 = arith.constant 59 : i32
      %get3A_378 = arith.index_cast %get3A_377 : i32 to index
      %get3A_379 = arith.index_cast %mul3A_84 : i32 to index
      %get3A_380 = tpu.vector_load %arg7[%get3A_378, %get3A_379] {strides = array<i32>} : memref<100x512xf32, #tpu.memory_space<vmem>>, vector<16xf32>,
      %max3A_381 = arith.maximumf %max3A_376, %get3A_380 : vector<16xf32>
      %get3A_382 = arith.constant 60 : i32
      %get3A_383 = arith.index_cast %get3A_382 : i32 to index
      %get3A_384 = arith.index_cast %mul3A_84 : i32 to index
      %get3A_385 = tpu.vector_load %arg7[%get3A_383, %get3A_384] {strides = array<i32>} : memref<100x512xf32, #tpu.memory_space<vmem>>, vector<16xf32>,
      %max3A_386 = arith.maximumf %max3A_381, %get3A_385 : vector<16xf32>
      %get3A_387 = arith.constant 61 : i32
      %get3A_388 = arith.index_cast %get3A_387 : i32 to index
      %get3A_389 = arith.index_cast %mul3A_84 : i32 to index
      %get3A_390 = tpu.vector_load %arg7[%get3A_388, %get3A_389] {strides = array<i32>} : memref<100x512xf32, #tpu.memory_space<vmem>>, vector<16xf32>,
      %max3A_391 = arith.maximumf %max3A_386, %get3A_390 : vector<16xf32>
      %get3A_392 = arith.constant 62 : i32
      %get3A_393 = arith.index_cast %get3A_392 : i32 to index
      %get3A_394 = arith.index_cast %mul3A_84 : i32 to index
      %get3A_395 = tpu.vector_load %arg7[%get3A_393, %get3A_394] {strides = array<i32>} : memref<100x512xf32, #tpu.memory_space<vmem>>, vector<16xf32>,
      %max3A_396 = arith.maximumf %max3A_391, %get3A_395 : vector<16xf32>
      %get3A_397 = arith.constant 63 : i32
      %get3A_398 = arith.index_cast %get3A_397 : i32 to index
      %get3A_399 = arith.index_cast %mul3A_84 : i32 to index
      %get3A_400 = tpu.vector_load %arg7[%get3A_398, %get3A_399] {strides = array<i32>} : memref<100x512xf32, #tpu.memory_space<vmem>>, vector<16xf32>,
      %max3A_401 = arith.maximumf %max3A_396, %get3A_400 : vector<16xf32>
      %get3A_402 = arith.constant 64 : i32
      %get3A_403 = arith.index_cast %get3A_402 : i32 to index
      %get3A_404 = arith.index_cast %mul3A_84 : i32 to index
      %get3A_405 = tpu.vector_load %arg7[%get3A_403, %get3A_404] {strides = array<i32>} : memref<100x512xf32, #tpu.memory_space<vmem>>, vector<16xf32>,
      %max3A_406 = arith.maximumf %max3A_401, %get3A_405 : vector<16xf32>
      %get3A_407 = arith.constant 65 : i32
      %get3A_408 = arith.index_cast %get3A_407 : i32 to index
      %get3A_409 = arith.index_cast %mul3A_84 : i32 to index
      %get3A_410 = tpu.vector_load %arg7[%get3A_408, %get3A_409] {strides = array<i32>} : memref<100x512xf32, #tpu.memory_space<vmem>>, vector<16xf32>,
      %max3A_411 = arith.maximumf %max3A_406, %get3A_410 : vector<16xf32>
      %get3A_412 = arith.constant 66 : i32
      %get3A_413 = arith.index_cast %get3A_412 : i32 to index
      %get3A_414 = arith.index_cast %mul3A_84 : i32 to index
      %get3A_415 = tpu.vector_load %arg7[%get3A_413, %get3A_414] {strides = array<i32>} : memref<100x512xf32, #tpu.memory_space<vmem>>, vector<16xf32>,
      %max3A_416 = arith.maximumf %max3A_411, %get3A_415 : vector<16xf32>
      %get3A_417 = arith.constant 67 : i32
      %get3A_418 = arith.index_cast %get3A_417 : i32 to index
      %get3A_419 = arith.index_cast %mul3A_84 : i32 to index
      %get3A_420 = tpu.vector_load %arg7[%get3A_418, %get3A_419] {strides = array<i32>} : memref<100x512xf32, #tpu.memory_space<vmem>>, vector<16xf32>,
      %max3A_421 = arith.maximumf %max3A_416, %get3A_420 : vector<16xf32>
      %get3A_422 = arith.constant 68 : i32
      %get3A_423 = arith.index_cast %get3A_422 : i32 to index
      %get3A_424 = arith.index_cast %mul3A_84 : i32 to index
      %get3A_425 = tpu.vector_load %arg7[%get3A_423, %get3A_424] {strides = array<i32>} : memref<100x512xf32, #tpu.memory_space<vmem>>, vector<16xf32>,
      %max3A_426 = arith.maximumf %max3A_421, %get3A_425 : vector<16xf32>
      %get3A_427 = arith.constant 69 : i32
      %get3A_428 = arith.index_cast %get3A_427 : i32 to index
      %get3A_429 = arith.index_cast %mul3A_84 : i32 to index
      %get3A_430 = tpu.vector_load %arg7[%get3A_428, %get3A_429] {strides = array<i32>} : memref<100x512xf32, #tpu.memory_space<vmem>>, vector<16xf32>,
      %max3A_431 = arith.maximumf %max3A_426, %get3A_430 : vector<16xf32>
      %get3A_432 = arith.constant 70 : i32
      %get3A_433 = arith.index_cast %get3A_432 : i32 to index
      %get3A_434 = arith.index_cast %mul3A_84 : i32 to index
      %get3A_435 = tpu.vector_load %arg7[%get3A_433, %get3A_434] {strides = array<i32>} : memref<100x512xf32, #tpu.memory_space<vmem>>, vector<16xf32>,
      %max3A_436 = arith.maximumf %max3A_431, %get3A_435 : vector<16xf32>
      %get3A_437 = arith.constant 71 : i32
      %get3A_438 = arith.index_cast %get3A_437 : i32 to index
      %get3A_439 = arith.index_cast %mul3A_84 : i32 to index
      %get3A_440 = tpu.vector_load %arg7[%get3A_438, %get3A_439] {strides = array<i32>} : memref<100x512xf32, #tpu.memory_space<vmem>>, vector<16xf32>,
      %max3A_441 = arith.maximumf %max3A_436, %get3A_440 : vector<16xf32>
      %get3A_442 = arith.constant 72 : i32
      %get3A_443 = arith.index_cast %get3A_442 : i32 to index
      %get3A_444 = arith.index_cast %mul3A_84 : i32 to index
      %get3A_445 = tpu.vector_load %arg7[%get3A_443, %get3A_444] {strides = array<i32>} : memref<100x512xf32, #tpu.memory_space<vmem>>, vector<16xf32>,
      %max3A_446 = arith.maximumf %max3A_441, %get3A_445 : vector<16xf32>
      %get3A_447 = arith.constant 73 : i32
      %get3A_448 = arith.index_cast %get3A_447 : i32 to index
      %get3A_449 = arith.index_cast %mul3A_84 : i32 to index
      %get3A_450 = tpu.vector_load %arg7[%get3A_448, %get3A_449] {strides = array<i32>} : memref<100x512xf32, #tpu.memory_space<vmem>>, vector<16xf32>,
      %max3A_451 = arith.maximumf %max3A_446, %get3A_450 : vector<16xf32>
      %get3A_452 = arith.constant 74 : i32
      %get3A_453 = arith.index_cast %get3A_452 : i32 to index
      %get3A_454 = arith.index_cast %mul3A_84 : i32 to index
      %get3A_455 = tpu.vector_load %arg7[%get3A_453, %get3A_454] {strides = array<i32>} : memref<100x512xf32, #tpu.memory_space<vmem>>, vector<16xf32>,
      %max3A_456 = arith.maximumf %max3A_451, %get3A_455 : vector<16xf32>
      %get3A_457 = arith.constant 75 : i32
      %get3A_458 = arith.index_cast %get3A_457 : i32 to index
      %get3A_459 = arith.index_cast %mul3A_84 : i32 to index
      %get3A_460 = tpu.vector_load %arg7[%get3A_458, %get3A_459] {strides = array<i32>} : memref<100x512xf32, #tpu.memory_space<vmem>>, vector<16xf32>,
      %max3A_461 = arith.maximumf %max3A_456, %get3A_460 : vector<16xf32>
      %get3A_462 = arith.constant 76 : i32
      %get3A_463 = arith.index_cast %get3A_462 : i32 to index
      %get3A_464 = arith.index_cast %mul3A_84 : i32 to index
      %get3A_465 = tpu.vector_load %arg7[%get3A_463, %get3A_464] {strides = array<i32>} : memref<100x512xf32, #tpu.memory_space<vmem>>, vector<16xf32>,
      %max3A_466 = arith.maximumf %max3A_461, %get3A_465 : vector<16xf32>
      %get3A_467 = arith.constant 77 : i32
      %get3A_468 = arith.index_cast %get3A_467 : i32 to index
      %get3A_469 = arith.index_cast %mul3A_84 : i32 to index
      %get3A_470 = tpu.vector_load %arg7[%get3A_468, %get3A_469] {strides = array<i32>} : memref<100x512xf32, #tpu.memory_space<vmem>>, vector<16xf32>,
      %max3A_471 = arith.maximumf %max3A_466, %get3A_470 : vector<16xf32>
      %get3A_472 = arith.constant 78 : i32
      %get3A_473 = arith.index_cast %get3A_472 : i32 to index
      %get3A_474 = arith.index_cast %mul3A_84 : i32 to index
      %get3A_475 = tpu.vector_load %arg7[%get3A_473, %get3A_474] {strides = array<i32>} : memref<100x512xf32, #tpu.memory_space<vmem>>, vector<16xf32>,
      %max3A_476 = arith.maximumf %max3A_471, %get3A_475 : vector<16xf32>
      %get3A_477 = arith.constant 79 : i32
      %get3A_478 = arith.index_cast %get3A_477 : i32 to index
      %get3A_479 = arith.index_cast %mul3A_84 : i32 to index
      %get3A_480 = tpu.vector_load %arg7[%get3A_478, %get3A_479] {strides = array<i32>} : memref<100x512xf32, #tpu.memory_space<vmem>>, vector<16xf32>,
      %max3A_481 = arith.maximumf %max3A_476, %get3A_480 : vector<16xf32>
      %get3A_482 = arith.constant 80 : i32
      %get3A_483 = arith.index_cast %get3A_482 : i32 to index
      %get3A_484 = arith.index_cast %mul3A_84 : i32 to index
      %get3A_485 = tpu.vector_load %arg7[%get3A_483, %get3A_484] {strides = array<i32>} : memref<100x512xf32, #tpu.memory_space<vmem>>, vector<16xf32>,
      %max3A_486 = arith.maximumf %max3A_481, %get3A_485 : vector<16xf32>
      %get3A_487 = arith.constant 81 : i32
      %get3A_488 = arith.index_cast %get3A_487 : i32 to index
      %get3A_489 = arith.index_cast %mul3A_84 : i32 to index
      %get3A_490 = tpu.vector_load %arg7[%get3A_488, %get3A_489] {strides = array<i32>} : memref<100x512xf32, #tpu.memory_space<vmem>>, vector<16xf32>,
      %max3A_491 = arith.maximumf %max3A_486, %get3A_490 : vector<16xf32>
      %get3A_492 = arith.constant 82 : i32
      %get3A_493 = arith.index_cast %get3A_492 : i32 to index
      %get3A_494 = arith.index_cast %mul3A_84 : i32 to index
      %get3A_495 = tpu.vector_load %arg7[%get3A_493, %get3A_494] {strides = array<i32>} : memref<100x512xf32, #tpu.memory_space<vmem>>, vector<16xf32>,
      %max3A_496 = arith.maximumf %max3A_491, %get3A_495 : vector<16xf32>
      %get3A_497 = arith.constant 83 : i32
      %get3A_498 = arith.index_cast %get3A_497 : i32 to index
      %get3A_499 = arith.index_cast %mul3A_84 : i32 to index
      %get3A_500 = tpu.vector_load %arg7[%get3A_498, %get3A_499] {strides = array<i32>} : memref<100x512xf32, #tpu.memory_space<vmem>>, vector<16xf32>,
      %max3A_501 = arith.maximumf %max3A_496, %get3A_500 : vector<16xf32>
      %get3A_502 = arith.constant 84 : i32
      %get3A_503 = arith.index_cast %get3A_502 : i32 to index
      %get3A_504 = arith.index_cast %mul3A_84 : i32 to index
      %get3A_505 = tpu.vector_load %arg7[%get3A_503, %get3A_504] {strides = array<i32>} : memref<100x512xf32, #tpu.memory_space<vmem>>, vector<16xf32>,
      %max3A_506 = arith.maximumf %max3A_501, %get3A_505 : vector<16xf32>
      %get3A_507 = arith.constant 85 : i32
      %get3A_508 = arith.index_cast %get3A_507 : i32 to index
      %get3A_509 = arith.index_cast %mul3A_84 : i32 to index
      %get3A_510 = tpu.vector_load %arg7[%get3A_508, %get3A_509] {strides = array<i32>} : memref<100x512xf32, #tpu.memory_space<vmem>>, vector<16xf32>,
      %max3A_511 = arith.maximumf %max3A_506, %get3A_510 : vector<16xf32>
      %get3A_512 = arith.constant 86 : i32
      %get3A_513 = arith.index_cast %get3A_512 : i32 to index
      %get3A_514 = arith.index_cast %mul3A_84 : i32 to index
      %get3A_515 = tpu.vector_load %arg7[%get3A_513, %get3A_514] {strides = array<i32>} : memref<100x512xf32, #tpu.memory_space<vmem>>, vector<16xf32>,
      %max3A_516 = arith.maximumf %max3A_511, %get3A_515 : vector<16xf32>
      %get3A_517 = arith.constant 87 : i32
      %get3A_518 = arith.index_cast %get3A_517 : i32 to index
      %get3A_519 = arith.index_cast %mul3A_84 : i32 to index
      %get3A_520 = tpu.vector_load %arg7[%get3A_518, %get3A_519] {strides = array<i32>} : memref<100x512xf32, #tpu.memory_space<vmem>>, vector<16xf32>,
      %max3A_521 = arith.maximumf %max3A_516, %get3A_520 : vector<16xf32>
      %get3A_522 = arith.constant 88 : i32
      %get3A_523 = arith.index_cast %get3A_522 : i32 to index
      %get3A_524 = arith.index_cast %mul3A_84 : i32 to index
      %get3A_525 = tpu.vector_load %arg7[%get3A_523, %get3A_524] {strides = array<i32>} : memref<100x512xf32, #tpu.memory_space<vmem>>, vector<16xf32>,
      %max3A_526 = arith.maximumf %max3A_521, %get3A_525 : vector<16xf32>
      %get3A_527 = arith.constant 89 : i32
      %get3A_528 = arith.index_cast %get3A_527 : i32 to index
      %get3A_529 = arith.index_cast %mul3A_84 : i32 to index
      %get3A_530 = tpu.vector_load %arg7[%get3A_528, %get3A_529] {strides = array<i32>} : memref<100x512xf32, #tpu.memory_space<vmem>>, vector<16xf32>,
      %max3A_531 = arith.maximumf %max3A_526, %get3A_530 : vector<16xf32>
      %get3A_532 = arith.constant 90 : i32
      %get3A_533 = arith.index_cast %get3A_532 : i32 to index
      %get3A_534 = arith.index_cast %mul3A_84 : i32 to index
      %get3A_535 = tpu.vector_load %arg7[%get3A_533, %get3A_534] {strides = array<i32>} : memref<100x512xf32, #tpu.memory_space<vmem>>, vector<16xf32>,
      %max3A_536 = arith.maximumf %max3A_531, %get3A_535 : vector<16xf32>
      %get3A_537 = arith.constant 91 : i32
      %get3A_538 = arith.index_cast %get3A_537 : i32 to index
      %get3A_539 = arith.index_cast %mul3A_84 : i32 to index
      %get3A_540 = tpu.vector_load %arg7[%get3A_538, %get3A_539] {strides = array<i32>} : memref<100x512xf32, #tpu.memory_space<vmem>>, vector<16xf32>,
      %max3A_541 = arith.maximumf %max3A_536, %get3A_540 : vector<16xf32>
      %get3A_542 = arith.constant 92 : i32
      %get3A_543 = arith.index_cast %get3A_542 : i32 to index
      %get3A_544 = arith.index_cast %mul3A_84 : i32 to index
      %get3A_545 = tpu.vector_load %arg7[%get3A_543, %get3A_544] {strides = array<i32>} : memref<100x512xf32, #tpu.memory_space<vmem>>, vector<16xf32>,
      %max3A_546 = arith.maximumf %max3A_541, %get3A_545 : vector<16xf32>
      %get3A_547 = arith.constant 93 : i32
      %get3A_548 = arith.index_cast %get3A_547 : i32 to index
      %get3A_549 = arith.index_cast %mul3A_84 : i32 to index
      %get3A_550 = tpu.vector_load %arg7[%get3A_548, %get3A_549] {strides = array<i32>} : memref<100x512xf32, #tpu.memory_space<vmem>>, vector<16xf32>,
      %max3A_551 = arith.maximumf %max3A_546, %get3A_550 : vector<16xf32>
      %get3A_552 = arith.constant 94 : i32
      %get3A_553 = arith.index_cast %get3A_552 : i32 to index
      %get3A_554 = arith.index_cast %mul3A_84 : i32 to index
      %get3A_555 = tpu.vector_load %arg7[%get3A_553, %get3A_554] {strides = array<i32>} : memref<100x512xf32, #tpu.memory_space<vmem>>, vector<16xf32>,
      %max3A_556 = arith.maximumf %max3A_551, %get3A_555 : vector<16xf32>
      %get3A_557 = arith.constant 95 : i32
      %get3A_558 = arith.index_cast %get3A_557 : i32 to index
      %get3A_559 = arith.index_cast %mul3A_84 : i32 to index
      %get3A_560 = tpu.vector_load %arg7[%get3A_558, %get3A_559] {strides = array<i32>} : memref<100x512xf32, #tpu.memory_space<vmem>>, vector<16xf32>,
      %max3A_561 = arith.maximumf %max3A_556, %get3A_560 : vector<16xf32>
      %get3A_562 = arith.constant 96 : i32
      %get3A_563 = arith.index_cast %get3A_562 : i32 to index
      %get3A_564 = arith.index_cast %mul3A_84 : i32 to index
      %get3A_565 = tpu.vector_load %arg7[%get3A_563, %get3A_564] {strides = array<i32>} : memref<100x512xf32, #tpu.memory_space<vmem>>, vector<16xf32>,
      %max3A_566 = arith.maximumf %max3A_561, %get3A_565 : vector<16xf32>
      %get3A_567 = arith.constant 97 : i32
      %get3A_568 = arith.index_cast %get3A_567 : i32 to index
      %get3A_569 = arith.index_cast %mul3A_84 : i32 to index
      %get3A_570 = tpu.vector_load %arg7[%get3A_568, %get3A_569] {strides = array<i32>} : memref<100x512xf32, #tpu.memory_space<vmem>>, vector<16xf32>,
      %max3A_571 = arith.maximumf %max3A_566, %get3A_570 : vector<16xf32>
      %get3A_572 = arith.constant 98 : i32
      %get3A_573 = arith.index_cast %get3A_572 : i32 to index
      %get3A_574 = arith.index_cast %mul3A_84 : i32 to index
      %get3A_575 = tpu.vector_load %arg7[%get3A_573, %get3A_574] {strides = array<i32>} : memref<100x512xf32, #tpu.memory_space<vmem>>, vector<16xf32>,
      %max3A_576 = arith.maximumf %max3A_571, %get3A_575 : vector<16xf32>
      %get3A_577 = arith.constant 99 : i32
      %get3A_578 = arith.index_cast %get3A_577 : i32 to index
      %get3A_579 = arith.index_cast %mul3A_84 : i32 to index
      %get3A_580 = tpu.vector_load %arg7[%get3A_578, %get3A_579] {strides = array<i32>} : memref<100x512xf32, #tpu.memory_space<vmem>>, vector<16xf32>,
      %max3A_581 = arith.maximumf %max3A_576, %get3A_580 : vector<16xf32>
      %get3A_582 = arith.constant 0 : i32
      %get3A_583 = arith.index_cast %get3A_582 : i32 to index
      %get3A_584 = arith.index_cast %mul3A_84 : i32 to index
      %get3A_585 = tpu.vector_load %arg7[%get3A_583, %get3A_584] {strides = array<i32>} : memref<100x512xf32, #tpu.memory_space<vmem>>, vector<16xf32>,
      %sub3A = arith.subf %get3A_585, %max3A_581 : vector<16xf32>
      %mul3A_586 = arith.constant 3.000000e+01 : f32
      %mul3A_587 = vector.broadcast %mul3A_586 : f32 to vector<16xf32>
      %mul3A_588 = arith.mulf %sub3A, %mul3A_587 : vector<16xf32>
      %exp3A = math.exp %mul3A_588 : vector<16xf32>
      %get3A_589 = arith.constant 1 : i32
      %get3A_590 = arith.index_cast %get3A_589 : i32 to index
      %get3A_591 = arith.index_cast %mul3A_84 : i32 to index
      %get3A_592 = tpu.vector_load %arg7[%get3A_590, %get3A_591] {strides = array<i32>} : memref<100x512xf32, #tpu.memory_space<vmem>>, vector<16xf32>,
      %sub3A_593 = arith.subf %get3A_592, %max3A_581 : vector<16xf32>
      %mul3A_594 = arith.constant 3.000000e+01 : f32
      %mul3A_595 = vector.broadcast %mul3A_594 : f32 to vector<16xf32>
      %mul3A_596 = arith.mulf %sub3A_593, %mul3A_595 : vector<16xf32>
      %exp3A_597 = math.exp %mul3A_596 : vector<16xf32>
      %add3A_598 = arith.addf %exp3A, %exp3A_597 : vector<16xf32>
      %get3A_599 = arith.constant 2 : i32
      %get3A_600 = arith.index_cast %get3A_599 : i32 to index
      %get3A_601 = arith.index_cast %mul3A_84 : i32 to index
      %get3A_602 = tpu.vector_load %arg7[%get3A_600, %get3A_601] {strides = array<i32>} : memref<100x512xf32, #tpu.memory_space<vmem>>, vector<16xf32>,
      %sub3A_603 = arith.subf %get3A_602, %max3A_581 : vector<16xf32>
      %mul3A_604 = arith.constant 3.000000e+01 : f32
      %mul3A_605 = vector.broadcast %mul3A_604 : f32 to vector<16xf32>
      %mul3A_606 = arith.mulf %sub3A_603, %mul3A_605 : vector<16xf32>
      %exp3A_607 = math.exp %mul3A_606 : vector<16xf32>
      %add3A_608 = arith.addf %add3A_598, %exp3A_607 : vector<16xf32>
      %get3A_609 = arith.constant 3 : i32
      %get3A_610 = arith.index_cast %get3A_609 : i32 to index
      %get3A_611 = arith.index_cast %mul3A_84 : i32 to index
      %get3A_612 = tpu.vector_load %arg7[%get3A_610, %get3A_611] {strides = array<i32>} : memref<100x512xf32, #tpu.memory_space<vmem>>, vector<16xf32>,
      %sub3A_613 = arith.subf %get3A_612, %max3A_581 : vector<16xf32>
      %mul3A_614 = arith.constant 3.000000e+01 : f32
      %mul3A_615 = vector.broadcast %mul3A_614 : f32 to vector<16xf32>
      %mul3A_616 = arith.mulf %sub3A_613, %mul3A_615 : vector<16xf32>
      %exp3A_617 = math.exp %mul3A_616 : vector<16xf32>
      %add3A_618 = arith.addf %add3A_608, %exp3A_617 : vector<16xf32>
      %get3A_619 = arith.constant 4 : i32
      %get3A_620 = arith.index_cast %get3A_619 : i32 to index
      %get3A_621 = arith.index_cast %mul3A_84 : i32 to index
      %get3A_622 = tpu.vector_load %arg7[%get3A_620, %get3A_621] {strides = array<i32>} : memref<100x512xf32, #tpu.memory_space<vmem>>, vector<16xf32>,
      %sub3A_623 = arith.subf %get3A_622, %max3A_581 : vector<16xf32>
      %mul3A_624 = arith.constant 3.000000e+01 : f32
      %mul3A_625 = vector.broadcast %mul3A_624 : f32 to vector<16xf32>
      %mul3A_626 = arith.mulf %sub3A_623, %mul3A_625 : vector<16xf32>
      %exp3A_627 = math.exp %mul3A_626 : vector<16xf32>
      %add3A_628 = arith.addf %add3A_618, %exp3A_627 : vector<16xf32>
      %get3A_629 = arith.constant 5 : i32
      %get3A_630 = arith.index_cast %get3A_629 : i32 to index
      %get3A_631 = arith.index_cast %mul3A_84 : i32 to index
      %get3A_632 = tpu.vector_load %arg7[%get3A_630, %get3A_631] {strides = array<i32>} : memref<100x512xf32, #tpu.memory_space<vmem>>, vector<16xf32>,
      %sub3A_633 = arith.subf %get3A_632, %max3A_581 : vector<16xf32>
      %mul3A_634 = arith.constant 3.000000e+01 : f32
      %mul3A_635 = vector.broadcast %mul3A_634 : f32 to vector<16xf32>
      %mul3A_636 = arith.mulf %sub3A_633, %mul3A_635 : vector<16xf32>
      %exp3A_637 = math.exp %mul3A_636 : vector<16xf32>
      %add3A_638 = arith.addf %add3A_628, %exp3A_637 : vector<16xf32>
      %get3A_639 = arith.constant 6 : i32
      %get3A_640 = arith.index_cast %get3A_639 : i32 to index
      %get3A_641 = arith.index_cast %mul3A_84 : i32 to index
      %get3A_642 = tpu.vector_load %arg7[%get3A_640, %get3A_641] {strides = array<i32>} : memref<100x512xf32, #tpu.memory_space<vmem>>, vector<16xf32>,
      %sub3A_643 = arith.subf %get3A_642, %max3A_581 : vector<16xf32>
      %mul3A_644 = arith.constant 3.000000e+01 : f32
      %mul3A_645 = vector.broadcast %mul3A_644 : f32 to vector<16xf32>
      %mul3A_646 = arith.mulf %sub3A_643, %mul3A_645 : vector<16xf32>
      %exp3A_647 = math.exp %mul3A_646 : vector<16xf32>
      %add3A_648 = arith.addf %add3A_638, %exp3A_647 : vector<16xf32>
      %get3A_649 = arith.constant 7 : i32
      %get3A_650 = arith.index_cast %get3A_649 : i32 to index
      %get3A_651 = arith.index_cast %mul3A_84 : i32 to index
      %get3A_652 = tpu.vector_load %arg7[%get3A_650, %get3A_651] {strides = array<i32>} : memref<100x512xf32, #tpu.memory_space<vmem>>, vector<16xf32>,
      %sub3A_653 = arith.subf %get3A_652, %max3A_581 : vector<16xf32>
      %mul3A_654 = arith.constant 3.000000e+01 : f32
      %mul3A_655 = vector.broadcast %mul3A_654 : f32 to vector<16xf32>
      %mul3A_656 = arith.mulf %sub3A_653, %mul3A_655 : vector<16xf32>
      %exp3A_657 = math.exp %mul3A_656 : vector<16xf32>
      %add3A_658 = arith.addf %add3A_648, %exp3A_657 : vector<16xf32>
      %get3A_659 = arith.constant 8 : i32
      %get3A_660 = arith.index_cast %get3A_659 : i32 to index
      %get3A_661 = arith.index_cast %mul3A_84 : i32 to index
      %get3A_662 = tpu.vector_load %arg7[%get3A_660, %get3A_661] {strides = array<i32>} : memref<100x512xf32, #tpu.memory_space<vmem>>, vector<16xf32>,
      %sub3A_663 = arith.subf %get3A_662, %max3A_581 : vector<16xf32>
      %mul3A_664 = arith.constant 3.000000e+01 : f32
      %mul3A_665 = vector.broadcast %mul3A_664 : f32 to vector<16xf32>
      %mul3A_666 = arith.mulf %sub3A_663, %mul3A_665 : vector<16xf32>
      %exp3A_667 = math.exp %mul3A_666 : vector<16xf32>
      %add3A_668 = arith.addf %add3A_658, %exp3A_667 : vector<16xf32>
      %get3A_669 = arith.constant 9 : i32
      %get3A_670 = arith.index_cast %get3A_669 : i32 to index
      %get3A_671 = arith.index_cast %mul3A_84 : i32 to index
      %get3A_672 = tpu.vector_load %arg7[%get3A_670, %get3A_671] {strides = array<i32>} : memref<100x512xf32, #tpu.memory_space<vmem>>, vector<16xf32>,
      %sub3A_673 = arith.subf %get3A_672, %max3A_581 : vector<16xf32>
      %mul3A_674 = arith.constant 3.000000e+01 : f32
      %mul3A_675 = vector.broadcast %mul3A_674 : f32 to vector<16xf32>
      %mul3A_676 = arith.mulf %sub3A_673, %mul3A_675 : vector<16xf32>
      %exp3A_677 = math.exp %mul3A_676 : vector<16xf32>
      %add3A_678 = arith.addf %add3A_668, %exp3A_677 : vector<16xf32>
      %get3A_679 = arith.constant 10 : i32
      %get3A_680 = arith.index_cast %get3A_679 : i32 to index
      %get3A_681 = arith.index_cast %mul3A_84 : i32 to index
      %get3A_682 = tpu.vector_load %arg7[%get3A_680, %get3A_681] {strides = array<i32>} : memref<100x512xf32, #tpu.memory_space<vmem>>, vector<16xf32>,
      %sub3A_683 = arith.subf %get3A_682, %max3A_581 : vector<16xf32>
      %mul3A_684 = arith.constant 3.000000e+01 : f32
      %mul3A_685 = vector.broadcast %mul3A_684 : f32 to vector<16xf32>
      %mul3A_686 = arith.mulf %sub3A_683, %mul3A_685 : vector<16xf32>
      %exp3A_687 = math.exp %mul3A_686 : vector<16xf32>
      %add3A_688 = arith.addf %add3A_678, %exp3A_687 : vector<16xf32>
      %get3A_689 = arith.constant 11 : i32
      %get3A_690 = arith.index_cast %get3A_689 : i32 to index
      %get3A_691 = arith.index_cast %mul3A_84 : i32 to index
      %get3A_692 = tpu.vector_load %arg7[%get3A_690, %get3A_691] {strides = array<i32>} : memref<100x512xf32, #tpu.memory_space<vmem>>, vector<16xf32>,
      %sub3A_693 = arith.subf %get3A_692, %max3A_581 : vector<16xf32>
      %mul3A_694 = arith.constant 3.000000e+01 : f32
      %mul3A_695 = vector.broadcast %mul3A_694 : f32 to vector<16xf32>
      %mul3A_696 = arith.mulf %sub3A_693, %mul3A_695 : vector<16xf32>
      %exp3A_697 = math.exp %mul3A_696 : vector<16xf32>
      %add3A_698 = arith.addf %add3A_688, %exp3A_697 : vector<16xf32>
      %get3A_699 = arith.constant 12 : i32
      %get3A_700 = arith.index_cast %get3A_699 : i32 to index
      %get3A_701 = arith.index_cast %mul3A_84 : i32 to index
      %get3A_702 = tpu.vector_load %arg7[%get3A_700, %get3A_701] {strides = array<i32>} : memref<100x512xf32, #tpu.memory_space<vmem>>, vector<16xf32>,
      %sub3A_703 = arith.subf %get3A_702, %max3A_581 : vector<16xf32>
      %mul3A_704 = arith.constant 3.000000e+01 : f32
      %mul3A_705 = vector.broadcast %mul3A_704 : f32 to vector<16xf32>
      %mul3A_706 = arith.mulf %sub3A_703, %mul3A_705 : vector<16xf32>
      %exp3A_707 = math.exp %mul3A_706 : vector<16xf32>
      %add3A_708 = arith.addf %add3A_698, %exp3A_707 : vector<16xf32>
      %get3A_709 = arith.constant 13 : i32
      %get3A_710 = arith.index_cast %get3A_709 : i32 to index
      %get3A_711 = arith.index_cast %mul3A_84 : i32 to index
      %get3A_712 = tpu.vector_load %arg7[%get3A_710, %get3A_711] {strides = array<i32>} : memref<100x512xf32, #tpu.memory_space<vmem>>, vector<16xf32>,
      %sub3A_713 = arith.subf %get3A_712, %max3A_581 : vector<16xf32>
      %mul3A_714 = arith.constant 3.000000e+01 : f32
      %mul3A_715 = vector.broadcast %mul3A_714 : f32 to vector<16xf32>
      %mul3A_716 = arith.mulf %sub3A_713, %mul3A_715 : vector<16xf32>
      %exp3A_717 = math.exp %mul3A_716 : vector<16xf32>
      %add3A_718 = arith.addf %add3A_708, %exp3A_717 : vector<16xf32>
      %get3A_719 = arith.constant 14 : i32
      %get3A_720 = arith.index_cast %get3A_719 : i32 to index
      %get3A_721 = arith.index_cast %mul3A_84 : i32 to index
      %get3A_722 = tpu.vector_load %arg7[%get3A_720, %get3A_721] {strides = array<i32>} : memref<100x512xf32, #tpu.memory_space<vmem>>, vector<16xf32>,
      %sub3A_723 = arith.subf %get3A_722, %max3A_581 : vector<16xf32>
      %mul3A_724 = arith.constant 3.000000e+01 : f32
      %mul3A_725 = vector.broadcast %mul3A_724 : f32 to vector<16xf32>
      %mul3A_726 = arith.mulf %sub3A_723, %mul3A_725 : vector<16xf32>
      %exp3A_727 = math.exp %mul3A_726 : vector<16xf32>
      %add3A_728 = arith.addf %add3A_718, %exp3A_727 : vector<16xf32>
      %get3A_729 = arith.constant 15 : i32
      %get3A_730 = arith.index_cast %get3A_729 : i32 to index
      %get3A_731 = arith.index_cast %mul3A_84 : i32 to index
      %get3A_732 = tpu.vector_load %arg7[%get3A_730, %get3A_731] {strides = array<i32>} : memref<100x512xf32, #tpu.memory_space<vmem>>, vector<16xf32>,
      %sub3A_733 = arith.subf %get3A_732, %max3A_581 : vector<16xf32>
      %mul3A_734 = arith.constant 3.000000e+01 : f32
      %mul3A_735 = vector.broadcast %mul3A_734 : f32 to vector<16xf32>
      %mul3A_736 = arith.mulf %sub3A_733, %mul3A_735 : vector<16xf32>
      %exp3A_737 = math.exp %mul3A_736 : vector<16xf32>
      %add3A_738 = arith.addf %add3A_728, %exp3A_737 : vector<16xf32>
      %get3A_739 = arith.constant 16 : i32
      %get3A_740 = arith.index_cast %get3A_739 : i32 to index
      %get3A_741 = arith.index_cast %mul3A_84 : i32 to index
      %get3A_742 = tpu.vector_load %arg7[%get3A_740, %get3A_741] {strides = array<i32>} : memref<100x512xf32, #tpu.memory_space<vmem>>, vector<16xf32>,
      %sub3A_743 = arith.subf %get3A_742, %max3A_581 : vector<16xf32>
      %mul3A_744 = arith.constant 3.000000e+01 : f32
      %mul3A_745 = vector.broadcast %mul3A_744 : f32 to vector<16xf32>
      %mul3A_746 = arith.mulf %sub3A_743, %mul3A_745 : vector<16xf32>
      %exp3A_747 = math.exp %mul3A_746 : vector<16xf32>
      %add3A_748 = arith.addf %add3A_738, %exp3A_747 : vector<16xf32>
      %get3A_749 = arith.constant 17 : i32
      %get3A_750 = arith.index_cast %get3A_749 : i32 to index
      %get3A_751 = arith.index_cast %mul3A_84 : i32 to index
      %get3A_752 = tpu.vector_load %arg7[%get3A_750, %get3A_751] {strides = array<i32>} : memref<100x512xf32, #tpu.memory_space<vmem>>, vector<16xf32>,
      %sub3A_753 = arith.subf %get3A_752, %max3A_581 : vector<16xf32>
      %mul3A_754 = arith.constant 3.000000e+01 : f32
      %mul3A_755 = vector.broadcast %mul3A_754 : f32 to vector<16xf32>
      %mul3A_756 = arith.mulf %sub3A_753, %mul3A_755 : vector<16xf32>
      %exp3A_757 = math.exp %mul3A_756 : vector<16xf32>
      %add3A_758 = arith.addf %add3A_748, %exp3A_757 : vector<16xf32>
      %get3A_759 = arith.constant 18 : i32
      %get3A_760 = arith.index_cast %get3A_759 : i32 to index
      %get3A_761 = arith.index_cast %mul3A_84 : i32 to index
      %get3A_762 = tpu.vector_load %arg7[%get3A_760, %get3A_761] {strides = array<i32>} : memref<100x512xf32, #tpu.memory_space<vmem>>, vector<16xf32>,
      %sub3A_763 = arith.subf %get3A_762, %max3A_581 : vector<16xf32>
      %mul3A_764 = arith.constant 3.000000e+01 : f32
      %mul3A_765 = vector.broadcast %mul3A_764 : f32 to vector<16xf32>
      %mul3A_766 = arith.mulf %sub3A_763, %mul3A_765 : vector<16xf32>
      %exp3A_767 = math.exp %mul3A_766 : vector<16xf32>
      %add3A_768 = arith.addf %add3A_758, %exp3A_767 : vector<16xf32>
      %get3A_769 = arith.constant 19 : i32
      %get3A_770 = arith.index_cast %get3A_769 : i32 to index
      %get3A_771 = arith.index_cast %mul3A_84 : i32 to index
      %get3A_772 = tpu.vector_load %arg7[%get3A_770, %get3A_771] {strides = array<i32>} : memref<100x512xf32, #tpu.memory_space<vmem>>, vector<16xf32>,
      %sub3A_773 = arith.subf %get3A_772, %max3A_581 : vector<16xf32>
      %mul3A_774 = arith.constant 3.000000e+01 : f32
      %mul3A_775 = vector.broadcast %mul3A_774 : f32 to vector<16xf32>
      %mul3A_776 = arith.mulf %sub3A_773, %mul3A_775 : vector<16xf32>
      %exp3A_777 = math.exp %mul3A_776 : vector<16xf32>
      %add3A_778 = arith.addf %add3A_768, %exp3A_777 : vector<16xf32>
      %get3A_779 = arith.constant 20 : i32
      %get3A_780 = arith.index_cast %get3A_779 : i32 to index
      %get3A_781 = arith.index_cast %mul3A_84 : i32 to index
      %get3A_782 = tpu.vector_load %arg7[%get3A_780, %get3A_781] {strides = array<i32>} : memref<100x512xf32, #tpu.memory_space<vmem>>, vector<16xf32>,
      %sub3A_783 = arith.subf %get3A_782, %max3A_581 : vector<16xf32>
      %mul3A_784 = arith.constant 3.000000e+01 : f32
      %mul3A_785 = vector.broadcast %mul3A_784 : f32 to vector<16xf32>
      %mul3A_786 = arith.mulf %sub3A_783, %mul3A_785 : vector<16xf32>
      %exp3A_787 = math.exp %mul3A_786 : vector<16xf32>
      %add3A_788 = arith.addf %add3A_778, %exp3A_787 : vector<16xf32>
      %get3A_789 = arith.constant 21 : i32
      %get3A_790 = arith.index_cast %get3A_789 : i32 to index
      %get3A_791 = arith.index_cast %mul3A_84 : i32 to index
      %get3A_792 = tpu.vector_load %arg7[%get3A_790, %get3A_791] {strides = array<i32>} : memref<100x512xf32, #tpu.memory_space<vmem>>, vector<16xf32>,
      %sub3A_793 = arith.subf %get3A_792, %max3A_581 : vector<16xf32>
      %mul3A_794 = arith.constant 3.000000e+01 : f32
      %mul3A_795 = vector.broadcast %mul3A_794 : f32 to vector<16xf32>
      %mul3A_796 = arith.mulf %sub3A_793, %mul3A_795 : vector<16xf32>
      %exp3A_797 = math.exp %mul3A_796 : vector<16xf32>
      %add3A_798 = arith.addf %add3A_788, %exp3A_797 : vector<16xf32>
      %get3A_799 = arith.constant 22 : i32
      %get3A_800 = arith.index_cast %get3A_799 : i32 to index
      %get3A_801 = arith.index_cast %mul3A_84 : i32 to index
      %get3A_802 = tpu.vector_load %arg7[%get3A_800, %get3A_801] {strides = array<i32>} : memref<100x512xf32, #tpu.memory_space<vmem>>, vector<16xf32>,
      %sub3A_803 = arith.subf %get3A_802, %max3A_581 : vector<16xf32>
      %mul3A_804 = arith.constant 3.000000e+01 : f32
      %mul3A_805 = vector.broadcast %mul3A_804 : f32 to vector<16xf32>
      %mul3A_806 = arith.mulf %sub3A_803, %mul3A_805 : vector<16xf32>
      %exp3A_807 = math.exp %mul3A_806 : vector<16xf32>
      %add3A_808 = arith.addf %add3A_798, %exp3A_807 : vector<16xf32>
      %get3A_809 = arith.constant 23 : i32
      %get3A_810 = arith.index_cast %get3A_809 : i32 to index
      %get3A_811 = arith.index_cast %mul3A_84 : i32 to index
      %get3A_812 = tpu.vector_load %arg7[%get3A_810, %get3A_811] {strides = array<i32>} : memref<100x512xf32, #tpu.memory_space<vmem>>, vector<16xf32>,
      %sub3A_813 = arith.subf %get3A_812, %max3A_581 : vector<16xf32>
      %mul3A_814 = arith.constant 3.000000e+01 : f32
      %mul3A_815 = vector.broadcast %mul3A_814 : f32 to vector<16xf32>
      %mul3A_816 = arith.mulf %sub3A_813, %mul3A_815 : vector<16xf32>
      %exp3A_817 = math.exp %mul3A_816 : vector<16xf32>
      %add3A_818 = arith.addf %add3A_808, %exp3A_817 : vector<16xf32>
      %get3A_819 = arith.constant 24 : i32
      %get3A_820 = arith.index_cast %get3A_819 : i32 to index
      %get3A_821 = arith.index_cast %mul3A_84 : i32 to index
      %get3A_822 = tpu.vector_load %arg7[%get3A_820, %get3A_821] {strides = array<i32>} : memref<100x512xf32, #tpu.memory_space<vmem>>, vector<16xf32>,
      %sub3A_823 = arith.subf %get3A_822, %max3A_581 : vector<16xf32>
      %mul3A_824 = arith.constant 3.000000e+01 : f32
      %mul3A_825 = vector.broadcast %mul3A_824 : f32 to vector<16xf32>
      %mul3A_826 = arith.mulf %sub3A_823, %mul3A_825 : vector<16xf32>
      %exp3A_827 = math.exp %mul3A_826 : vector<16xf32>
      %add3A_828 = arith.addf %add3A_818, %exp3A_827 : vector<16xf32>
      %get3A_829 = arith.constant 25 : i32
      %get3A_830 = arith.index_cast %get3A_829 : i32 to index
      %get3A_831 = arith.index_cast %mul3A_84 : i32 to index
      %get3A_832 = tpu.vector_load %arg7[%get3A_830, %get3A_831] {strides = array<i32>} : memref<100x512xf32, #tpu.memory_space<vmem>>, vector<16xf32>,
      %sub3A_833 = arith.subf %get3A_832, %max3A_581 : vector<16xf32>
      %mul3A_834 = arith.constant 3.000000e+01 : f32
      %mul3A_835 = vector.broadcast %mul3A_834 : f32 to vector<16xf32>
      %mul3A_836 = arith.mulf %sub3A_833, %mul3A_835 : vector<16xf32>
      %exp3A_837 = math.exp %mul3A_836 : vector<16xf32>
      %add3A_838 = arith.addf %add3A_828, %exp3A_837 : vector<16xf32>
      %get3A_839 = arith.constant 26 : i32
      %get3A_840 = arith.index_cast %get3A_839 : i32 to index
      %get3A_841 = arith.index_cast %mul3A_84 : i32 to index
      %get3A_842 = tpu.vector_load %arg7[%get3A_840, %get3A_841] {strides = array<i32>} : memref<100x512xf32, #tpu.memory_space<vmem>>, vector<16xf32>,
      %sub3A_843 = arith.subf %get3A_842, %max3A_581 : vector<16xf32>
      %mul3A_844 = arith.constant 3.000000e+01 : f32
      %mul3A_845 = vector.broadcast %mul3A_844 : f32 to vector<16xf32>
      %mul3A_846 = arith.mulf %sub3A_843, %mul3A_845 : vector<16xf32>
      %exp3A_847 = math.exp %mul3A_846 : vector<16xf32>
      %add3A_848 = arith.addf %add3A_838, %exp3A_847 : vector<16xf32>
      %get3A_849 = arith.constant 27 : i32
      %get3A_850 = arith.index_cast %get3A_849 : i32 to index
      %get3A_851 = arith.index_cast %mul3A_84 : i32 to index
      %get3A_852 = tpu.vector_load %arg7[%get3A_850, %get3A_851] {strides = array<i32>} : memref<100x512xf32, #tpu.memory_space<vmem>>, vector<16xf32>,
      %sub3A_853 = arith.subf %get3A_852, %max3A_581 : vector<16xf32>
      %mul3A_854 = arith.constant 3.000000e+01 : f32
      %mul3A_855 = vector.broadcast %mul3A_854 : f32 to vector<16xf32>
      %mul3A_856 = arith.mulf %sub3A_853, %mul3A_855 : vector<16xf32>
      %exp3A_857 = math.exp %mul3A_856 : vector<16xf32>
      %add3A_858 = arith.addf %add3A_848, %exp3A_857 : vector<16xf32>
      %get3A_859 = arith.constant 28 : i32
      %get3A_860 = arith.index_cast %get3A_859 : i32 to index
      %get3A_861 = arith.index_cast %mul3A_84 : i32 to index
      %get3A_862 = tpu.vector_load %arg7[%get3A_860, %get3A_861] {strides = array<i32>} : memref<100x512xf32, #tpu.memory_space<vmem>>, vector<16xf32>,
      %sub3A_863 = arith.subf %get3A_862, %max3A_581 : vector<16xf32>
      %mul3A_864 = arith.constant 3.000000e+01 : f32
      %mul3A_865 = vector.broadcast %mul3A_864 : f32 to vector<16xf32>
      %mul3A_866 = arith.mulf %sub3A_863, %mul3A_865 : vector<16xf32>
      %exp3A_867 = math.exp %mul3A_866 : vector<16xf32>
      %add3A_868 = arith.addf %add3A_858, %exp3A_867 : vector<16xf32>
      %get3A_869 = arith.constant 29 : i32
      %get3A_870 = arith.index_cast %get3A_869 : i32 to index
      %get3A_871 = arith.index_cast %mul3A_84 : i32 to index
      %get3A_872 = tpu.vector_load %arg7[%get3A_870, %get3A_871] {strides = array<i32>} : memref<100x512xf32, #tpu.memory_space<vmem>>, vector<16xf32>,
      %sub3A_873 = arith.subf %get3A_872, %max3A_581 : vector<16xf32>
      %mul3A_874 = arith.constant 3.000000e+01 : f32
      %mul3A_875 = vector.broadcast %mul3A_874 : f32 to vector<16xf32>
      %mul3A_876 = arith.mulf %sub3A_873, %mul3A_875 : vector<16xf32>
      %exp3A_877 = math.exp %mul3A_876 : vector<16xf32>
      %add3A_878 = arith.addf %add3A_868, %exp3A_877 : vector<16xf32>
      %get3A_879 = arith.constant 30 : i32
      %get3A_880 = arith.index_cast %get3A_879 : i32 to index
      %get3A_881 = arith.index_cast %mul3A_84 : i32 to index
      %get3A_882 = tpu.vector_load %arg7[%get3A_880, %get3A_881] {strides = array<i32>} : memref<100x512xf32, #tpu.memory_space<vmem>>, vector<16xf32>,
      %sub3A_883 = arith.subf %get3A_882, %max3A_581 : vector<16xf32>
      %mul3A_884 = arith.constant 3.000000e+01 : f32
      %mul3A_885 = vector.broadcast %mul3A_884 : f32 to vector<16xf32>
      %mul3A_886 = arith.mulf %sub3A_883, %mul3A_885 : vector<16xf32>
      %exp3A_887 = math.exp %mul3A_886 : vector<16xf32>
      %add3A_888 = arith.addf %add3A_878, %exp3A_887 : vector<16xf32>
      %get3A_889 = arith.constant 31 : i32
      %get3A_890 = arith.index_cast %get3A_889 : i32 to index
      %get3A_891 = arith.index_cast %mul3A_84 : i32 to index
      %get3A_892 = tpu.vector_load %arg7[%get3A_890, %get3A_891] {strides = array<i32>} : memref<100x512xf32, #tpu.memory_space<vmem>>, vector<16xf32>,
      %sub3A_893 = arith.subf %get3A_892, %max3A_581 : vector<16xf32>
      %mul3A_894 = arith.constant 3.000000e+01 : f32
      %mul3A_895 = vector.broadcast %mul3A_894 : f32 to vector<16xf32>
      %mul3A_896 = arith.mulf %sub3A_893, %mul3A_895 : vector<16xf32>
      %exp3A_897 = math.exp %mul3A_896 : vector<16xf32>
      %add3A_898 = arith.addf %add3A_888, %exp3A_897 : vector<16xf32>
      %get3A_899 = arith.constant 32 : i32
      %get3A_900 = arith.index_cast %get3A_899 : i32 to index
      %get3A_901 = arith.index_cast %mul3A_84 : i32 to index
      %get3A_902 = tpu.vector_load %arg7[%get3A_900, %get3A_901] {strides = array<i32>} : memref<100x512xf32, #tpu.memory_space<vmem>>, vector<16xf32>,
      %sub3A_903 = arith.subf %get3A_902, %max3A_581 : vector<16xf32>
      %mul3A_904 = arith.constant 3.000000e+01 : f32
      %mul3A_905 = vector.broadcast %mul3A_904 : f32 to vector<16xf32>
      %mul3A_906 = arith.mulf %sub3A_903, %mul3A_905 : vector<16xf32>
      %exp3A_907 = math.exp %mul3A_906 : vector<16xf32>
      %add3A_908 = arith.addf %add3A_898, %exp3A_907 : vector<16xf32>
      %get3A_909 = arith.constant 33 : i32
      %get3A_910 = arith.index_cast %get3A_909 : i32 to index
      %get3A_911 = arith.index_cast %mul3A_84 : i32 to index
      %get3A_912 = tpu.vector_load %arg7[%get3A_910, %get3A_911] {strides = array<i32>} : memref<100x512xf32, #tpu.memory_space<vmem>>, vector<16xf32>,
      %sub3A_913 = arith.subf %get3A_912, %max3A_581 : vector<16xf32>
      %mul3A_914 = arith.constant 3.000000e+01 : f32
      %mul3A_915 = vector.broadcast %mul3A_914 : f32 to vector<16xf32>
      %mul3A_916 = arith.mulf %sub3A_913, %mul3A_915 : vector<16xf32>
      %exp3A_917 = math.exp %mul3A_916 : vector<16xf32>
      %add3A_918 = arith.addf %add3A_908, %exp3A_917 : vector<16xf32>
      %get3A_919 = arith.constant 34 : i32
      %get3A_920 = arith.index_cast %get3A_919 : i32 to index
      %get3A_921 = arith.index_cast %mul3A_84 : i32 to index
      %get3A_922 = tpu.vector_load %arg7[%get3A_920, %get3A_921] {strides = array<i32>} : memref<100x512xf32, #tpu.memory_space<vmem>>, vector<16xf32>,
      %sub3A_923 = arith.subf %get3A_922, %max3A_581 : vector<16xf32>
      %mul3A_924 = arith.constant 3.000000e+01 : f32
      %mul3A_925 = vector.broadcast %mul3A_924 : f32 to vector<16xf32>
      %mul3A_926 = arith.mulf %sub3A_923, %mul3A_925 : vector<16xf32>
      %exp3A_927 = math.exp %mul3A_926 : vector<16xf32>
      %add3A_928 = arith.addf %add3A_918, %exp3A_927 : vector<16xf32>
      %get3A_929 = arith.constant 35 : i32
      %get3A_930 = arith.index_cast %get3A_929 : i32 to index
      %get3A_931 = arith.index_cast %mul3A_84 : i32 to index
      %get3A_932 = tpu.vector_load %arg7[%get3A_930, %get3A_931] {strides = array<i32>} : memref<100x512xf32, #tpu.memory_space<vmem>>, vector<16xf32>,
      %sub3A_933 = arith.subf %get3A_932, %max3A_581 : vector<16xf32>
      %mul3A_934 = arith.constant 3.000000e+01 : f32
      %mul3A_935 = vector.broadcast %mul3A_934 : f32 to vector<16xf32>
      %mul3A_936 = arith.mulf %sub3A_933, %mul3A_935 : vector<16xf32>
      %exp3A_937 = math.exp %mul3A_936 : vector<16xf32>
      %add3A_938 = arith.addf %add3A_928, %exp3A_937 : vector<16xf32>
      %get3A_939 = arith.constant 36 : i32
      %get3A_940 = arith.index_cast %get3A_939 : i32 to index
      %get3A_941 = arith.index_cast %mul3A_84 : i32 to index
      %get3A_942 = tpu.vector_load %arg7[%get3A_940, %get3A_941] {strides = array<i32>} : memref<100x512xf32, #tpu.memory_space<vmem>>, vector<16xf32>,
      %sub3A_943 = arith.subf %get3A_942, %max3A_581 : vector<16xf32>
      %mul3A_944 = arith.constant 3.000000e+01 : f32
      %mul3A_945 = vector.broadcast %mul3A_944 : f32 to vector<16xf32>
      %mul3A_946 = arith.mulf %sub3A_943, %mul3A_945 : vector<16xf32>
      %exp3A_947 = math.exp %mul3A_946 : vector<16xf32>
      %add3A_948 = arith.addf %add3A_938, %exp3A_947 : vector<16xf32>
      %get3A_949 = arith.constant 37 : i32
      %get3A_950 = arith.index_cast %get3A_949 : i32 to index
      %get3A_951 = arith.index_cast %mul3A_84 : i32 to index
      %get3A_952 = tpu.vector_load %arg7[%get3A_950, %get3A_951] {strides = array<i32>} : memref<100x512xf32, #tpu.memory_space<vmem>>, vector<16xf32>,
      %sub3A_953 = arith.subf %get3A_952, %max3A_581 : vector<16xf32>
      %mul3A_954 = arith.constant 3.000000e+01 : f32
      %mul3A_955 = vector.broadcast %mul3A_954 : f32 to vector<16xf32>
      %mul3A_956 = arith.mulf %sub3A_953, %mul3A_955 : vector<16xf32>
      %exp3A_957 = math.exp %mul3A_956 : vector<16xf32>
      %add3A_958 = arith.addf %add3A_948, %exp3A_957 : vector<16xf32>
      %get3A_959 = arith.constant 38 : i32
      %get3A_960 = arith.index_cast %get3A_959 : i32 to index
      %get3A_961 = arith.index_cast %mul3A_84 : i32 to index
      %get3A_962 = tpu.vector_load %arg7[%get3A_960, %get3A_961] {strides = array<i32>} : memref<100x512xf32, #tpu.memory_space<vmem>>, vector<16xf32>,
      %sub3A_963 = arith.subf %get3A_962, %max3A_581 : vector<16xf32>
      %mul3A_964 = arith.constant 3.000000e+01 : f32
      %mul3A_965 = vector.broadcast %mul3A_964 : f32 to vector<16xf32>
      %mul3A_966 = arith.mulf %sub3A_963, %mul3A_965 : vector<16xf32>
      %exp3A_967 = math.exp %mul3A_966 : vector<16xf32>
      %add3A_968 = arith.addf %add3A_958, %exp3A_967 : vector<16xf32>
      %get3A_969 = arith.constant 39 : i32
      %get3A_970 = arith.index_cast %get3A_969 : i32 to index
      %get3A_971 = arith.index_cast %mul3A_84 : i32 to index
      %get3A_972 = tpu.vector_load %arg7[%get3A_970, %get3A_971] {strides = array<i32>} : memref<100x512xf32, #tpu.memory_space<vmem>>, vector<16xf32>,
      %sub3A_973 = arith.subf %get3A_972, %max3A_581 : vector<16xf32>
      %mul3A_974 = arith.constant 3.000000e+01 : f32
      %mul3A_975 = vector.broadcast %mul3A_974 : f32 to vector<16xf32>
      %mul3A_976 = arith.mulf %sub3A_973, %mul3A_975 : vector<16xf32>
      %exp3A_977 = math.exp %mul3A_976 : vector<16xf32>
      %add3A_978 = arith.addf %add3A_968, %exp3A_977 : vector<16xf32>
      %get3A_979 = arith.constant 40 : i32
      %get3A_980 = arith.index_cast %get3A_979 : i32 to index
      %get3A_981 = arith.index_cast %mul3A_84 : i32 to index
      %get3A_982 = tpu.vector_load %arg7[%get3A_980, %get3A_981] {strides = array<i32>} : memref<100x512xf32, #tpu.memory_space<vmem>>, vector<16xf32>,
      %sub3A_983 = arith.subf %get3A_982, %max3A_581 : vector<16xf32>
      %mul3A_984 = arith.constant 3.000000e+01 : f32
      %mul3A_985 = vector.broadcast %mul3A_984 : f32 to vector<16xf32>
      %mul3A_986 = arith.mulf %sub3A_983, %mul3A_985 : vector<16xf32>
      %exp3A_987 = math.exp %mul3A_986 : vector<16xf32>
      %add3A_988 = arith.addf %add3A_978, %exp3A_987 : vector<16xf32>
      %get3A_989 = arith.constant 41 : i32
      %get3A_990 = arith.index_cast %get3A_989 : i32 to index
      %get3A_991 = arith.index_cast %mul3A_84 : i32 to index
      %get3A_992 = tpu.vector_load %arg7[%get3A_990, %get3A_991] {strides = array<i32>} : memref<100x512xf32, #tpu.memory_space<vmem>>, vector<16xf32>,
      %sub3A_993 = arith.subf %get3A_992, %max3A_581 : vector<16xf32>
      %mul3A_994 = arith.constant 3.000000e+01 : f32
      %mul3A_995 = vector.broadcast %mul3A_994 : f32 to vector<16xf32>
      %mul3A_996 = arith.mulf %sub3A_993, %mul3A_995 : vector<16xf32>
      %exp3A_997 = math.exp %mul3A_996 : vector<16xf32>
      %add3A_998 = arith.addf %add3A_988, %exp3A_997 : vector<16xf32>
      %get3A_999 = arith.constant 42 : i32
      %get3A_1000 = arith.index_cast %get3A_999 : i32 to index
      %get3A_1001 = arith.index_cast %mul3A_84 : i32 to index
      %get3A_1002 = tpu.vector_load %arg7[%get3A_1000, %get3A_1001] {strides = array<i32>} : memref<100x512xf32, #tpu.memory_space<vmem>>, vector<16xf32>,
      %sub3A_1003 = arith.subf %get3A_1002, %max3A_581 : vector<16xf32>
      %mul3A_1004 = arith.constant 3.000000e+01 : f32
      %mul3A_1005 = vector.broadcast %mul3A_1004 : f32 to vector<16xf32>
      %mul3A_1006 = arith.mulf %sub3A_1003, %mul3A_1005 : vector<16xf32>
      %exp3A_1007 = math.exp %mul3A_1006 : vector<16xf32>
      %add3A_1008 = arith.addf %add3A_998, %exp3A_1007 : vector<16xf32>
      %get3A_1009 = arith.constant 43 : i32
      %get3A_1010 = arith.index_cast %get3A_1009 : i32 to index
      %get3A_1011 = arith.index_cast %mul3A_84 : i32 to index
      %get3A_1012 = tpu.vector_load %arg7[%get3A_1010, %get3A_1011] {strides = array<i32>} : memref<100x512xf32, #tpu.memory_space<vmem>>, vector<16xf32>,
      %sub3A_1013 = arith.subf %get3A_1012, %max3A_581 : vector<16xf32>
      %mul3A_1014 = arith.constant 3.000000e+01 : f32
      %mul3A_1015 = vector.broadcast %mul3A_1014 : f32 to vector<16xf32>
      %mul3A_1016 = arith.mulf %sub3A_1013, %mul3A_1015 : vector<16xf32>
      %exp3A_1017 = math.exp %mul3A_1016 : vector<16xf32>
      %add3A_1018 = arith.addf %add3A_1008, %exp3A_1017 : vector<16xf32>
      %get3A_1019 = arith.constant 44 : i32
      %get3A_1020 = arith.index_cast %get3A_1019 : i32 to index
      %get3A_1021 = arith.index_cast %mul3A_84 : i32 to index
      %get3A_1022 = tpu.vector_load %arg7[%get3A_1020, %get3A_1021] {strides = array<i32>} : memref<100x512xf32, #tpu.memory_space<vmem>>, vector<16xf32>,
      %sub3A_1023 = arith.subf %get3A_1022, %max3A_581 : vector<16xf32>
      %mul3A_1024 = arith.constant 3.000000e+01 : f32
      %mul3A_1025 = vector.broadcast %mul3A_1024 : f32 to vector<16xf32>
      %mul3A_1026 = arith.mulf %sub3A_1023, %mul3A_1025 : vector<16xf32>
      %exp3A_1027 = math.exp %mul3A_1026 : vector<16xf32>
      %add3A_1028 = arith.addf %add3A_1018, %exp3A_1027 : vector<16xf32>
      %get3A_1029 = arith.constant 45 : i32
      %get3A_1030 = arith.index_cast %get3A_1029 : i32 to index
      %get3A_1031 = arith.index_cast %mul3A_84 : i32 to index
      %get3A_1032 = tpu.vector_load %arg7[%get3A_1030, %get3A_1031] {strides = array<i32>} : memref<100x512xf32, #tpu.memory_space<vmem>>, vector<16xf32>,
      %sub3A_1033 = arith.subf %get3A_1032, %max3A_581 : vector<16xf32>
      %mul3A_1034 = arith.constant 3.000000e+01 : f32
      %mul3A_1035 = vector.broadcast %mul3A_1034 : f32 to vector<16xf32>
      %mul3A_1036 = arith.mulf %sub3A_1033, %mul3A_1035 : vector<16xf32>
      %exp3A_1037 = math.exp %mul3A_1036 : vector<16xf32>
      %add3A_1038 = arith.addf %add3A_1028, %exp3A_1037 : vector<16xf32>
      %get3A_1039 = arith.constant 46 : i32
      %get3A_1040 = arith.index_cast %get3A_1039 : i32 to index
      %get3A_1041 = arith.index_cast %mul3A_84 : i32 to index
      %get3A_1042 = tpu.vector_load %arg7[%get3A_1040, %get3A_1041] {strides = array<i32>} : memref<100x512xf32, #tpu.memory_space<vmem>>, vector<16xf32>,
      %sub3A_1043 = arith.subf %get3A_1042, %max3A_581 : vector<16xf32>
      %mul3A_1044 = arith.constant 3.000000e+01 : f32
      %mul3A_1045 = vector.broadcast %mul3A_1044 : f32 to vector<16xf32>
      %mul3A_1046 = arith.mulf %sub3A_1043, %mul3A_1045 : vector<16xf32>
      %exp3A_1047 = math.exp %mul3A_1046 : vector<16xf32>
      %add3A_1048 = arith.addf %add3A_1038, %exp3A_1047 : vector<16xf32>
      %get3A_1049 = arith.constant 47 : i32
      %get3A_1050 = arith.index_cast %get3A_1049 : i32 to index
      %get3A_1051 = arith.index_cast %mul3A_84 : i32 to index
      %get3A_1052 = tpu.vector_load %arg7[%get3A_1050, %get3A_1051] {strides = array<i32>} : memref<100x512xf32, #tpu.memory_space<vmem>>, vector<16xf32>,
      %sub3A_1053 = arith.subf %get3A_1052, %max3A_581 : vector<16xf32>
      %mul3A_1054 = arith.constant 3.000000e+01 : f32
      %mul3A_1055 = vector.broadcast %mul3A_1054 : f32 to vector<16xf32>
      %mul3A_1056 = arith.mulf %sub3A_1053, %mul3A_1055 : vector<16xf32>
      %exp3A_1057 = math.exp %mul3A_1056 : vector<16xf32>
      %add3A_1058 = arith.addf %add3A_1048, %exp3A_1057 : vector<16xf32>
      %get3A_1059 = arith.constant 48 : i32
      %get3A_1060 = arith.index_cast %get3A_1059 : i32 to index
      %get3A_1061 = arith.index_cast %mul3A_84 : i32 to index
      %get3A_1062 = tpu.vector_load %arg7[%get3A_1060, %get3A_1061] {strides = array<i32>} : memref<100x512xf32, #tpu.memory_space<vmem>>, vector<16xf32>,
      %sub3A_1063 = arith.subf %get3A_1062, %max3A_581 : vector<16xf32>
      %mul3A_1064 = arith.constant 3.000000e+01 : f32
      %mul3A_1065 = vector.broadcast %mul3A_1064 : f32 to vector<16xf32>
      %mul3A_1066 = arith.mulf %sub3A_1063, %mul3A_1065 : vector<16xf32>
      %exp3A_1067 = math.exp %mul3A_1066 : vector<16xf32>
      %add3A_1068 = arith.addf %add3A_1058, %exp3A_1067 : vector<16xf32>
      %get3A_1069 = arith.constant 49 : i32
      %get3A_1070 = arith.index_cast %get3A_1069 : i32 to index
      %get3A_1071 = arith.index_cast %mul3A_84 : i32 to index
      %get3A_1072 = tpu.vector_load %arg7[%get3A_1070, %get3A_1071] {strides = array<i32>} : memref<100x512xf32, #tpu.memory_space<vmem>>, vector<16xf32>,
      %sub3A_1073 = arith.subf %get3A_1072, %max3A_581 : vector<16xf32>
      %mul3A_1074 = arith.constant 3.000000e+01 : f32
      %mul3A_1075 = vector.broadcast %mul3A_1074 : f32 to vector<16xf32>
      %mul3A_1076 = arith.mulf %sub3A_1073, %mul3A_1075 : vector<16xf32>
      %exp3A_1077 = math.exp %mul3A_1076 : vector<16xf32>
      %add3A_1078 = arith.addf %add3A_1068, %exp3A_1077 : vector<16xf32>
      %get3A_1079 = arith.constant 50 : i32
      %get3A_1080 = arith.index_cast %get3A_1079 : i32 to index
      %get3A_1081 = arith.index_cast %mul3A_84 : i32 to index
      %get3A_1082 = tpu.vector_load %arg7[%get3A_1080, %get3A_1081] {strides = array<i32>} : memref<100x512xf32, #tpu.memory_space<vmem>>, vector<16xf32>,
      %sub3A_1083 = arith.subf %get3A_1082, %max3A_581 : vector<16xf32>
      %mul3A_1084 = arith.constant 3.000000e+01 : f32
      %mul3A_1085 = vector.broadcast %mul3A_1084 : f32 to vector<16xf32>
      %mul3A_1086 = arith.mulf %sub3A_1083, %mul3A_1085 : vector<16xf32>
      %exp3A_1087 = math.exp %mul3A_1086 : vector<16xf32>
      %add3A_1088 = arith.addf %add3A_1078, %exp3A_1087 : vector<16xf32>
      %get3A_1089 = arith.constant 51 : i32
      %get3A_1090 = arith.index_cast %get3A_1089 : i32 to index
      %get3A_1091 = arith.index_cast %mul3A_84 : i32 to index
      %get3A_1092 = tpu.vector_load %arg7[%get3A_1090, %get3A_1091] {strides = array<i32>} : memref<100x512xf32, #tpu.memory_space<vmem>>, vector<16xf32>,
      %sub3A_1093 = arith.subf %get3A_1092, %max3A_581 : vector<16xf32>
      %mul3A_1094 = arith.constant 3.000000e+01 : f32
      %mul3A_1095 = vector.broadcast %mul3A_1094 : f32 to vector<16xf32>
      %mul3A_1096 = arith.mulf %sub3A_1093, %mul3A_1095 : vector<16xf32>
      %exp3A_1097 = math.exp %mul3A_1096 : vector<16xf32>
      %add3A_1098 = arith.addf %add3A_1088, %exp3A_1097 : vector<16xf32>
      %get3A_1099 = arith.constant 52 : i32
      %get3A_1100 = arith.index_cast %get3A_1099 : i32 to index
      %get3A_1101 = arith.index_cast %mul3A_84 : i32 to index
      %get3A_1102 = tpu.vector_load %arg7[%get3A_1100, %get3A_1101] {strides = array<i32>} : memref<100x512xf32, #tpu.memory_space<vmem>>, vector<16xf32>,
      %sub3A_1103 = arith.subf %get3A_1102, %max3A_581 : vector<16xf32>
      %mul3A_1104 = arith.constant 3.000000e+01 : f32
      %mul3A_1105 = vector.broadcast %mul3A_1104 : f32 to vector<16xf32>
      %mul3A_1106 = arith.mulf %sub3A_1103, %mul3A_1105 : vector<16xf32>
      %exp3A_1107 = math.exp %mul3A_1106 : vector<16xf32>
      %add3A_1108 = arith.addf %add3A_1098, %exp3A_1107 : vector<16xf32>
      %get3A_1109 = arith.constant 53 : i32
      %get3A_1110 = arith.index_cast %get3A_1109 : i32 to index
      %get3A_1111 = arith.index_cast %mul3A_84 : i32 to index
      %get3A_1112 = tpu.vector_load %arg7[%get3A_1110, %get3A_1111] {strides = array<i32>} : memref<100x512xf32, #tpu.memory_space<vmem>>, vector<16xf32>,
      %sub3A_1113 = arith.subf %get3A_1112, %max3A_581 : vector<16xf32>
      %mul3A_1114 = arith.constant 3.000000e+01 : f32
      %mul3A_1115 = vector.broadcast %mul3A_1114 : f32 to vector<16xf32>
      %mul3A_1116 = arith.mulf %sub3A_1113, %mul3A_1115 : vector<16xf32>
      %exp3A_1117 = math.exp %mul3A_1116 : vector<16xf32>
      %add3A_1118 = arith.addf %add3A_1108, %exp3A_1117 : vector<16xf32>
      %get3A_1119 = arith.constant 54 : i32
      %get3A_1120 = arith.index_cast %get3A_1119 : i32 to index
      %get3A_1121 = arith.index_cast %mul3A_84 : i32 to index
      %get3A_1122 = tpu.vector_load %arg7[%get3A_1120, %get3A_1121] {strides = array<i32>} : memref<100x512xf32, #tpu.memory_space<vmem>>, vector<16xf32>,
      %sub3A_1123 = arith.subf %get3A_1122, %max3A_581 : vector<16xf32>
      %mul3A_1124 = arith.constant 3.000000e+01 : f32
      %mul3A_1125 = vector.broadcast %mul3A_1124 : f32 to vector<16xf32>
      %mul3A_1126 = arith.mulf %sub3A_1123, %mul3A_1125 : vector<16xf32>
      %exp3A_1127 = math.exp %mul3A_1126 : vector<16xf32>
      %add3A_1128 = arith.addf %add3A_1118, %exp3A_1127 : vector<16xf32>
      %get3A_1129 = arith.constant 55 : i32
      %get3A_1130 = arith.index_cast %get3A_1129 : i32 to index
      %get3A_1131 = arith.index_cast %mul3A_84 : i32 to index
      %get3A_1132 = tpu.vector_load %arg7[%get3A_1130, %get3A_1131] {strides = array<i32>} : memref<100x512xf32, #tpu.memory_space<vmem>>, vector<16xf32>,
      %sub3A_1133 = arith.subf %get3A_1132, %max3A_581 : vector<16xf32>
      %mul3A_1134 = arith.constant 3.000000e+01 : f32
      %mul3A_1135 = vector.broadcast %mul3A_1134 : f32 to vector<16xf32>
      %mul3A_1136 = arith.mulf %sub3A_1133, %mul3A_1135 : vector<16xf32>
      %exp3A_1137 = math.exp %mul3A_1136 : vector<16xf32>
      %add3A_1138 = arith.addf %add3A_1128, %exp3A_1137 : vector<16xf32>
      %get3A_1139 = arith.constant 56 : i32
      %get3A_1140 = arith.index_cast %get3A_1139 : i32 to index
      %get3A_1141 = arith.index_cast %mul3A_84 : i32 to index
      %get3A_1142 = tpu.vector_load %arg7[%get3A_1140, %get3A_1141] {strides = array<i32>} : memref<100x512xf32, #tpu.memory_space<vmem>>, vector<16xf32>,
      %sub3A_1143 = arith.subf %get3A_1142, %max3A_581 : vector<16xf32>
      %mul3A_1144 = arith.constant 3.000000e+01 : f32
      %mul3A_1145 = vector.broadcast %mul3A_1144 : f32 to vector<16xf32>
      %mul3A_1146 = arith.mulf %sub3A_1143, %mul3A_1145 : vector<16xf32>
      %exp3A_1147 = math.exp %mul3A_1146 : vector<16xf32>
      %add3A_1148 = arith.addf %add3A_1138, %exp3A_1147 : vector<16xf32>
      %get3A_1149 = arith.constant 57 : i32
      %get3A_1150 = arith.index_cast %get3A_1149 : i32 to index
      %get3A_1151 = arith.index_cast %mul3A_84 : i32 to index
      %get3A_1152 = tpu.vector_load %arg7[%get3A_1150, %get3A_1151] {strides = array<i32>} : memref<100x512xf32, #tpu.memory_space<vmem>>, vector<16xf32>,
      %sub3A_1153 = arith.subf %get3A_1152, %max3A_581 : vector<16xf32>
      %mul3A_1154 = arith.constant 3.000000e+01 : f32
      %mul3A_1155 = vector.broadcast %mul3A_1154 : f32 to vector<16xf32>
      %mul3A_1156 = arith.mulf %sub3A_1153, %mul3A_1155 : vector<16xf32>
      %exp3A_1157 = math.exp %mul3A_1156 : vector<16xf32>
      %add3A_1158 = arith.addf %add3A_1148, %exp3A_1157 : vector<16xf32>
      %get3A_1159 = arith.constant 58 : i32
      %get3A_1160 = arith.index_cast %get3A_1159 : i32 to index
      %get3A_1161 = arith.index_cast %mul3A_84 : i32 to index
      %get3A_1162 = tpu.vector_load %arg7[%get3A_1160, %get3A_1161] {strides = array<i32>} : memref<100x512xf32, #tpu.memory_space<vmem>>, vector<16xf32>,
      %sub3A_1163 = arith.subf %get3A_1162, %max3A_581 : vector<16xf32>
      %mul3A_1164 = arith.constant 3.000000e+01 : f32
      %mul3A_1165 = vector.broadcast %mul3A_1164 : f32 to vector<16xf32>
      %mul3A_1166 = arith.mulf %sub3A_1163, %mul3A_1165 : vector<16xf32>
      %exp3A_1167 = math.exp %mul3A_1166 : vector<16xf32>
      %add3A_1168 = arith.addf %add3A_1158, %exp3A_1167 : vector<16xf32>
      %get3A_1169 = arith.constant 59 : i32
      %get3A_1170 = arith.index_cast %get3A_1169 : i32 to index
      %get3A_1171 = arith.index_cast %mul3A_84 : i32 to index
      %get3A_1172 = tpu.vector_load %arg7[%get3A_1170, %get3A_1171] {strides = array<i32>} : memref<100x512xf32, #tpu.memory_space<vmem>>, vector<16xf32>,
      %sub3A_1173 = arith.subf %get3A_1172, %max3A_581 : vector<16xf32>
      %mul3A_1174 = arith.constant 3.000000e+01 : f32
      %mul3A_1175 = vector.broadcast %mul3A_1174 : f32 to vector<16xf32>
      %mul3A_1176 = arith.mulf %sub3A_1173, %mul3A_1175 : vector<16xf32>
      %exp3A_1177 = math.exp %mul3A_1176 : vector<16xf32>
      %add3A_1178 = arith.addf %add3A_1168, %exp3A_1177 : vector<16xf32>
      %get3A_1179 = arith.constant 60 : i32
      %get3A_1180 = arith.index_cast %get3A_1179 : i32 to index
      %get3A_1181 = arith.index_cast %mul3A_84 : i32 to index
      %get3A_1182 = tpu.vector_load %arg7[%get3A_1180, %get3A_1181] {strides = array<i32>} : memref<100x512xf32, #tpu.memory_space<vmem>>, vector<16xf32>,
      %sub3A_1183 = arith.subf %get3A_1182, %max3A_581 : vector<16xf32>
      %mul3A_1184 = arith.constant 3.000000e+01 : f32
      %mul3A_1185 = vector.broadcast %mul3A_1184 : f32 to vector<16xf32>
      %mul3A_1186 = arith.mulf %sub3A_1183, %mul3A_1185 : vector<16xf32>
      %exp3A_1187 = math.exp %mul3A_1186 : vector<16xf32>
      %add3A_1188 = arith.addf %add3A_1178, %exp3A_1187 : vector<16xf32>
      %get3A_1189 = arith.constant 61 : i32
      %get3A_1190 = arith.index_cast %get3A_1189 : i32 to index
      %get3A_1191 = arith.index_cast %mul3A_84 : i32 to index
      %get3A_1192 = tpu.vector_load %arg7[%get3A_1190, %get3A_1191] {strides = array<i32>} : memref<100x512xf32, #tpu.memory_space<vmem>>, vector<16xf32>,
      %sub3A_1193 = arith.subf %get3A_1192, %max3A_581 : vector<16xf32>
      %mul3A_1194 = arith.constant 3.000000e+01 : f32
      %mul3A_1195 = vector.broadcast %mul3A_1194 : f32 to vector<16xf32>
      %mul3A_1196 = arith.mulf %sub3A_1193, %mul3A_1195 : vector<16xf32>
      %exp3A_1197 = math.exp %mul3A_1196 : vector<16xf32>
      %add3A_1198 = arith.addf %add3A_1188, %exp3A_1197 : vector<16xf32>
      %get3A_1199 = arith.constant 62 : i32
      %get3A_1200 = arith.index_cast %get3A_1199 : i32 to index
      %get3A_1201 = arith.index_cast %mul3A_84 : i32 to index
      %get3A_1202 = tpu.vector_load %arg7[%get3A_1200, %get3A_1201] {strides = array<i32>} : memref<100x512xf32, #tpu.memory_space<vmem>>, vector<16xf32>,
      %sub3A_1203 = arith.subf %get3A_1202, %max3A_581 : vector<16xf32>
      %mul3A_1204 = arith.constant 3.000000e+01 : f32
      %mul3A_1205 = vector.broadcast %mul3A_1204 : f32 to vector<16xf32>
      %mul3A_1206 = arith.mulf %sub3A_1203, %mul3A_1205 : vector<16xf32>
      %exp3A_1207 = math.exp %mul3A_1206 : vector<16xf32>
      %add3A_1208 = arith.addf %add3A_1198, %exp3A_1207 : vector<16xf32>
      %get3A_1209 = arith.constant 63 : i32
      %get3A_1210 = arith.index_cast %get3A_1209 : i32 to index
      %get3A_1211 = arith.index_cast %mul3A_84 : i32 to index
      %get3A_1212 = tpu.vector_load %arg7[%get3A_1210, %get3A_1211] {strides = array<i32>} : memref<100x512xf32, #tpu.memory_space<vmem>>, vector<16xf32>,
      %sub3A_1213 = arith.subf %get3A_1212, %max3A_581 : vector<16xf32>
      %mul3A_1214 = arith.constant 3.000000e+01 : f32
      %mul3A_1215 = vector.broadcast %mul3A_1214 : f32 to vector<16xf32>
      %mul3A_1216 = arith.mulf %sub3A_1213, %mul3A_1215 : vector<16xf32>
      %exp3A_1217 = math.exp %mul3A_1216 : vector<16xf32>
      %add3A_1218 = arith.addf %add3A_1208, %exp3A_1217 : vector<16xf32>
      %get3A_1219 = arith.constant 64 : i32
      %get3A_1220 = arith.index_cast %get3A_1219 : i32 to index
      %get3A_1221 = arith.index_cast %mul3A_84 : i32 to index
      %get3A_1222 = tpu.vector_load %arg7[%get3A_1220, %get3A_1221] {strides = array<i32>} : memref<100x512xf32, #tpu.memory_space<vmem>>, vector<16xf32>,
      %sub3A_1223 = arith.subf %get3A_1222, %max3A_581 : vector<16xf32>
      %mul3A_1224 = arith.constant 3.000000e+01 : f32
      %mul3A_1225 = vector.broadcast %mul3A_1224 : f32 to vector<16xf32>
      %mul3A_1226 = arith.mulf %sub3A_1223, %mul3A_1225 : vector<16xf32>
      %exp3A_1227 = math.exp %mul3A_1226 : vector<16xf32>
      %add3A_1228 = arith.addf %add3A_1218, %exp3A_1227 : vector<16xf32>
      %get3A_1229 = arith.constant 65 : i32
      %get3A_1230 = arith.index_cast %get3A_1229 : i32 to index
      %get3A_1231 = arith.index_cast %mul3A_84 : i32 to index
      %get3A_1232 = tpu.vector_load %arg7[%get3A_1230, %get3A_1231] {strides = array<i32>} : memref<100x512xf32, #tpu.memory_space<vmem>>, vector<16xf32>,
      %sub3A_1233 = arith.subf %get3A_1232, %max3A_581 : vector<16xf32>
      %mul3A_1234 = arith.constant 3.000000e+01 : f32
      %mul3A_1235 = vector.broadcast %mul3A_1234 : f32 to vector<16xf32>
      %mul3A_1236 = arith.mulf %sub3A_1233, %mul3A_1235 : vector<16xf32>
      %exp3A_1237 = math.exp %mul3A_1236 : vector<16xf32>
      %add3A_1238 = arith.addf %add3A_1228, %exp3A_1237 : vector<16xf32>
      %get3A_1239 = arith.constant 66 : i32
      %get3A_1240 = arith.index_cast %get3A_1239 : i32 to index
      %get3A_1241 = arith.index_cast %mul3A_84 : i32 to index
      %get3A_1242 = tpu.vector_load %arg7[%get3A_1240, %get3A_1241] {strides = array<i32>} : memref<100x512xf32, #tpu.memory_space<vmem>>, vector<16xf32>,
      %sub3A_1243 = arith.subf %get3A_1242, %max3A_581 : vector<16xf32>
      %mul3A_1244 = arith.constant 3.000000e+01 : f32
      %mul3A_1245 = vector.broadcast %mul3A_1244 : f32 to vector<16xf32>
      %mul3A_1246 = arith.mulf %sub3A_1243, %mul3A_1245 : vector<16xf32>
      %exp3A_1247 = math.exp %mul3A_1246 : vector<16xf32>
      %add3A_1248 = arith.addf %add3A_1238, %exp3A_1247 : vector<16xf32>
      %get3A_1249 = arith.constant 67 : i32
      %get3A_1250 = arith.index_cast %get3A_1249 : i32 to index
      %get3A_1251 = arith.index_cast %mul3A_84 : i32 to index
      %get3A_1252 = tpu.vector_load %arg7[%get3A_1250, %get3A_1251] {strides = array<i32>} : memref<100x512xf32, #tpu.memory_space<vmem>>, vector<16xf32>,
      %sub3A_1253 = arith.subf %get3A_1252, %max3A_581 : vector<16xf32>
      %mul3A_1254 = arith.constant 3.000000e+01 : f32
      %mul3A_1255 = vector.broadcast %mul3A_1254 : f32 to vector<16xf32>
      %mul3A_1256 = arith.mulf %sub3A_1253, %mul3A_1255 : vector<16xf32>
      %exp3A_1257 = math.exp %mul3A_1256 : vector<16xf32>
      %add3A_1258 = arith.addf %add3A_1248, %exp3A_1257 : vector<16xf32>
      %get3A_1259 = arith.constant 68 : i32
      %get3A_1260 = arith.index_cast %get3A_1259 : i32 to index
      %get3A_1261 = arith.index_cast %mul3A_84 : i32 to index
      %get3A_1262 = tpu.vector_load %arg7[%get3A_1260, %get3A_1261] {strides = array<i32>} : memref<100x512xf32, #tpu.memory_space<vmem>>, vector<16xf32>,
      %sub3A_1263 = arith.subf %get3A_1262, %max3A_581 : vector<16xf32>
      %mul3A_1264 = arith.constant 3.000000e+01 : f32
      %mul3A_1265 = vector.broadcast %mul3A_1264 : f32 to vector<16xf32>
      %mul3A_1266 = arith.mulf %sub3A_1263, %mul3A_1265 : vector<16xf32>
      %exp3A_1267 = math.exp %mul3A_1266 : vector<16xf32>
      %add3A_1268 = arith.addf %add3A_1258, %exp3A_1267 : vector<16xf32>
      %get3A_1269 = arith.constant 69 : i32
      %get3A_1270 = arith.index_cast %get3A_1269 : i32 to index
      %get3A_1271 = arith.index_cast %mul3A_84 : i32 to index
      %get3A_1272 = tpu.vector_load %arg7[%get3A_1270, %get3A_1271] {strides = array<i32>} : memref<100x512xf32, #tpu.memory_space<vmem>>, vector<16xf32>,
      %sub3A_1273 = arith.subf %get3A_1272, %max3A_581 : vector<16xf32>
      %mul3A_1274 = arith.constant 3.000000e+01 : f32
      %mul3A_1275 = vector.broadcast %mul3A_1274 : f32 to vector<16xf32>
      %mul3A_1276 = arith.mulf %sub3A_1273, %mul3A_1275 : vector<16xf32>
      %exp3A_1277 = math.exp %mul3A_1276 : vector<16xf32>
      %add3A_1278 = arith.addf %add3A_1268, %exp3A_1277 : vector<16xf32>
      %get3A_1279 = arith.constant 70 : i32
      %get3A_1280 = arith.index_cast %get3A_1279 : i32 to index
      %get3A_1281 = arith.index_cast %mul3A_84 : i32 to index
      %get3A_1282 = tpu.vector_load %arg7[%get3A_1280, %get3A_1281] {strides = array<i32>} : memref<100x512xf32, #tpu.memory_space<vmem>>, vector<16xf32>,
      %sub3A_1283 = arith.subf %get3A_1282, %max3A_581 : vector<16xf32>
      %mul3A_1284 = arith.constant 3.000000e+01 : f32
      %mul3A_1285 = vector.broadcast %mul3A_1284 : f32 to vector<16xf32>
      %mul3A_1286 = arith.mulf %sub3A_1283, %mul3A_1285 : vector<16xf32>
      %exp3A_1287 = math.exp %mul3A_1286 : vector<16xf32>
      %add3A_1288 = arith.addf %add3A_1278, %exp3A_1287 : vector<16xf32>
      %get3A_1289 = arith.constant 71 : i32
      %get3A_1290 = arith.index_cast %get3A_1289 : i32 to index
      %get3A_1291 = arith.index_cast %mul3A_84 : i32 to index
      %get3A_1292 = tpu.vector_load %arg7[%get3A_1290, %get3A_1291] {strides = array<i32>} : memref<100x512xf32, #tpu.memory_space<vmem>>, vector<16xf32>,
      %sub3A_1293 = arith.subf %get3A_1292, %max3A_581 : vector<16xf32>
      %mul3A_1294 = arith.constant 3.000000e+01 : f32
      %mul3A_1295 = vector.broadcast %mul3A_1294 : f32 to vector<16xf32>
      %mul3A_1296 = arith.mulf %sub3A_1293, %mul3A_1295 : vector<16xf32>
      %exp3A_1297 = math.exp %mul3A_1296 : vector<16xf32>
      %add3A_1298 = arith.addf %add3A_1288, %exp3A_1297 : vector<16xf32>
      %get3A_1299 = arith.constant 72 : i32
      %get3A_1300 = arith.index_cast %get3A_1299 : i32 to index
      %get3A_1301 = arith.index_cast %mul3A_84 : i32 to index
      %get3A_1302 = tpu.vector_load %arg7[%get3A_1300, %get3A_1301] {strides = array<i32>} : memref<100x512xf32, #tpu.memory_space<vmem>>, vector<16xf32>,
      %sub3A_1303 = arith.subf %get3A_1302, %max3A_581 : vector<16xf32>
      %mul3A_1304 = arith.constant 3.000000e+01 : f32
      %mul3A_1305 = vector.broadcast %mul3A_1304 : f32 to vector<16xf32>
      %mul3A_1306 = arith.mulf %sub3A_1303, %mul3A_1305 : vector<16xf32>
      %exp3A_1307 = math.exp %mul3A_1306 : vector<16xf32>
      %add3A_1308 = arith.addf %add3A_1298, %exp3A_1307 : vector<16xf32>
      %get3A_1309 = arith.constant 73 : i32
      %get3A_1310 = arith.index_cast %get3A_1309 : i32 to index
      %get3A_1311 = arith.index_cast %mul3A_84 : i32 to index
      %get3A_1312 = tpu.vector_load %arg7[%get3A_1310, %get3A_1311] {strides = array<i32>} : memref<100x512xf32, #tpu.memory_space<vmem>>, vector<16xf32>,
      %sub3A_1313 = arith.subf %get3A_1312, %max3A_581 : vector<16xf32>
      %mul3A_1314 = arith.constant 3.000000e+01 : f32
      %mul3A_1315 = vector.broadcast %mul3A_1314 : f32 to vector<16xf32>
      %mul3A_1316 = arith.mulf %sub3A_1313, %mul3A_1315 : vector<16xf32>
      %exp3A_1317 = math.exp %mul3A_1316 : vector<16xf32>
      %add3A_1318 = arith.addf %add3A_1308, %exp3A_1317 : vector<16xf32>
      %get3A_1319 = arith.constant 74 : i32
      %get3A_1320 = arith.index_cast %get3A_1319 : i32 to index
      %get3A_1321 = arith.index_cast %mul3A_84 : i32 to index
      %get3A_1322 = tpu.vector_load %arg7[%get3A_1320, %get3A_1321] {strides = array<i32>} : memref<100x512xf32, #tpu.memory_space<vmem>>, vector<16xf32>,
      %sub3A_1323 = arith.subf %get3A_1322, %max3A_581 : vector<16xf32>
      %mul3A_1324 = arith.constant 3.000000e+01 : f32
      %mul3A_1325 = vector.broadcast %mul3A_1324 : f32 to vector<16xf32>
      %mul3A_1326 = arith.mulf %sub3A_1323, %mul3A_1325 : vector<16xf32>
      %exp3A_1327 = math.exp %mul3A_1326 : vector<16xf32>
      %add3A_1328 = arith.addf %add3A_1318, %exp3A_1327 : vector<16xf32>
      %get3A_1329 = arith.constant 75 : i32
      %get3A_1330 = arith.index_cast %get3A_1329 : i32 to index
      %get3A_1331 = arith.index_cast %mul3A_84 : i32 to index
      %get3A_1332 = tpu.vector_load %arg7[%get3A_1330, %get3A_1331] {strides = array<i32>} : memref<100x512xf32, #tpu.memory_space<vmem>>, vector<16xf32>,
      %sub3A_1333 = arith.subf %get3A_1332, %max3A_581 : vector<16xf32>
      %mul3A_1334 = arith.constant 3.000000e+01 : f32
      %mul3A_1335 = vector.broadcast %mul3A_1334 : f32 to vector<16xf32>
      %mul3A_1336 = arith.mulf %sub3A_1333, %mul3A_1335 : vector<16xf32>
      %exp3A_1337 = math.exp %mul3A_1336 : vector<16xf32>
      %add3A_1338 = arith.addf %add3A_1328, %exp3A_1337 : vector<16xf32>
      %get3A_1339 = arith.constant 76 : i32
      %get3A_1340 = arith.index_cast %get3A_1339 : i32 to index
      %get3A_1341 = arith.index_cast %mul3A_84 : i32 to index
      %get3A_1342 = tpu.vector_load %arg7[%get3A_1340, %get3A_1341] {strides = array<i32>} : memref<100x512xf32, #tpu.memory_space<vmem>>, vector<16xf32>,
      %sub3A_1343 = arith.subf %get3A_1342, %max3A_581 : vector<16xf32>
      %mul3A_1344 = arith.constant 3.000000e+01 : f32
      %mul3A_1345 = vector.broadcast %mul3A_1344 : f32 to vector<16xf32>
      %mul3A_1346 = arith.mulf %sub3A_1343, %mul3A_1345 : vector<16xf32>
      %exp3A_1347 = math.exp %mul3A_1346 : vector<16xf32>
      %add3A_1348 = arith.addf %add3A_1338, %exp3A_1347 : vector<16xf32>
      %get3A_1349 = arith.constant 77 : i32
      %get3A_1350 = arith.index_cast %get3A_1349 : i32 to index
      %get3A_1351 = arith.index_cast %mul3A_84 : i32 to index
      %get3A_1352 = tpu.vector_load %arg7[%get3A_1350, %get3A_1351] {strides = array<i32>} : memref<100x512xf32, #tpu.memory_space<vmem>>, vector<16xf32>,
      %sub3A_1353 = arith.subf %get3A_1352, %max3A_581 : vector<16xf32>
      %mul3A_1354 = arith.constant 3.000000e+01 : f32
      %mul3A_1355 = vector.broadcast %mul3A_1354 : f32 to vector<16xf32>
      %mul3A_1356 = arith.mulf %sub3A_1353, %mul3A_1355 : vector<16xf32>
      %exp3A_1357 = math.exp %mul3A_1356 : vector<16xf32>
      %add3A_1358 = arith.addf %add3A_1348, %exp3A_1357 : vector<16xf32>
      %get3A_1359 = arith.constant 78 : i32
      %get3A_1360 = arith.index_cast %get3A_1359 : i32 to index
      %get3A_1361 = arith.index_cast %mul3A_84 : i32 to index
      %get3A_1362 = tpu.vector_load %arg7[%get3A_1360, %get3A_1361] {strides = array<i32>} : memref<100x512xf32, #tpu.memory_space<vmem>>, vector<16xf32>,
      %sub3A_1363 = arith.subf %get3A_1362, %max3A_581 : vector<16xf32>
      %mul3A_1364 = arith.constant 3.000000e+01 : f32
      %mul3A_1365 = vector.broadcast %mul3A_1364 : f32 to vector<16xf32>
      %mul3A_1366 = arith.mulf %sub3A_1363, %mul3A_1365 : vector<16xf32>
      %exp3A_1367 = math.exp %mul3A_1366 : vector<16xf32>
      %add3A_1368 = arith.addf %add3A_1358, %exp3A_1367 : vector<16xf32>
      %get3A_1369 = arith.constant 79 : i32
      %get3A_1370 = arith.index_cast %get3A_1369 : i32 to index
      %get3A_1371 = arith.index_cast %mul3A_84 : i32 to index
      %get3A_1372 = tpu.vector_load %arg7[%get3A_1370, %get3A_1371] {strides = array<i32>} : memref<100x512xf32, #tpu.memory_space<vmem>>, vector<16xf32>,
      %sub3A_1373 = arith.subf %get3A_1372, %max3A_581 : vector<16xf32>
      %mul3A_1374 = arith.constant 3.000000e+01 : f32
      %mul3A_1375 = vector.broadcast %mul3A_1374 : f32 to vector<16xf32>
      %mul3A_1376 = arith.mulf %sub3A_1373, %mul3A_1375 : vector<16xf32>
      %exp3A_1377 = math.exp %mul3A_1376 : vector<16xf32>
      %add3A_1378 = arith.addf %add3A_1368, %exp3A_1377 : vector<16xf32>
      %get3A_1379 = arith.constant 80 : i32
      %get3A_1380 = arith.index_cast %get3A_1379 : i32 to index
      %get3A_1381 = arith.index_cast %mul3A_84 : i32 to index
      %get3A_1382 = tpu.vector_load %arg7[%get3A_1380, %get3A_1381] {strides = array<i32>} : memref<100x512xf32, #tpu.memory_space<vmem>>, vector<16xf32>,
      %sub3A_1383 = arith.subf %get3A_1382, %max3A_581 : vector<16xf32>
      %mul3A_1384 = arith.constant 3.000000e+01 : f32
      %mul3A_1385 = vector.broadcast %mul3A_1384 : f32 to vector<16xf32>
      %mul3A_1386 = arith.mulf %sub3A_1383, %mul3A_1385 : vector<16xf32>
      %exp3A_1387 = math.exp %mul3A_1386 : vector<16xf32>
      %add3A_1388 = arith.addf %add3A_1378, %exp3A_1387 : vector<16xf32>
      %get3A_1389 = arith.constant 81 : i32
      %get3A_1390 = arith.index_cast %get3A_1389 : i32 to index
      %get3A_1391 = arith.index_cast %mul3A_84 : i32 to index
      %get3A_1392 = tpu.vector_load %arg7[%get3A_1390, %get3A_1391] {strides = array<i32>} : memref<100x512xf32, #tpu.memory_space<vmem>>, vector<16xf32>,
      %sub3A_1393 = arith.subf %get3A_1392, %max3A_581 : vector<16xf32>
      %mul3A_1394 = arith.constant 3.000000e+01 : f32
      %mul3A_1395 = vector.broadcast %mul3A_1394 : f32 to vector<16xf32>
      %mul3A_1396 = arith.mulf %sub3A_1393, %mul3A_1395 : vector<16xf32>
      %exp3A_1397 = math.exp %mul3A_1396 : vector<16xf32>
      %add3A_1398 = arith.addf %add3A_1388, %exp3A_1397 : vector<16xf32>
      %get3A_1399 = arith.constant 82 : i32
      %get3A_1400 = arith.index_cast %get3A_1399 : i32 to index
      %get3A_1401 = arith.index_cast %mul3A_84 : i32 to index
      %get3A_1402 = tpu.vector_load %arg7[%get3A_1400, %get3A_1401] {strides = array<i32>} : memref<100x512xf32, #tpu.memory_space<vmem>>, vector<16xf32>,
      %sub3A_1403 = arith.subf %get3A_1402, %max3A_581 : vector<16xf32>
      %mul3A_1404 = arith.constant 3.000000e+01 : f32
      %mul3A_1405 = vector.broadcast %mul3A_1404 : f32 to vector<16xf32>
      %mul3A_1406 = arith.mulf %sub3A_1403, %mul3A_1405 : vector<16xf32>
      %exp3A_1407 = math.exp %mul3A_1406 : vector<16xf32>
      %add3A_1408 = arith.addf %add3A_1398, %exp3A_1407 : vector<16xf32>
      %get3A_1409 = arith.constant 83 : i32
      %get3A_1410 = arith.index_cast %get3A_1409 : i32 to index
      %get3A_1411 = arith.index_cast %mul3A_84 : i32 to index
      %get3A_1412 = tpu.vector_load %arg7[%get3A_1410, %get3A_1411] {strides = array<i32>} : memref<100x512xf32, #tpu.memory_space<vmem>>, vector<16xf32>,
      %sub3A_1413 = arith.subf %get3A_1412, %max3A_581 : vector<16xf32>
      %mul3A_1414 = arith.constant 3.000000e+01 : f32
      %mul3A_1415 = vector.broadcast %mul3A_1414 : f32 to vector<16xf32>
      %mul3A_1416 = arith.mulf %sub3A_1413, %mul3A_1415 : vector<16xf32>
      %exp3A_1417 = math.exp %mul3A_1416 : vector<16xf32>
      %add3A_1418 = arith.addf %add3A_1408, %exp3A_1417 : vector<16xf32>
      %get3A_1419 = arith.constant 84 : i32
      %get3A_1420 = arith.index_cast %get3A_1419 : i32 to index
      %get3A_1421 = arith.index_cast %mul3A_84 : i32 to index
      %get3A_1422 = tpu.vector_load %arg7[%get3A_1420, %get3A_1421] {strides = array<i32>} : memref<100x512xf32, #tpu.memory_space<vmem>>, vector<16xf32>,
      %sub3A_1423 = arith.subf %get3A_1422, %max3A_581 : vector<16xf32>
      %mul3A_1424 = arith.constant 3.000000e+01 : f32
      %mul3A_1425 = vector.broadcast %mul3A_1424 : f32 to vector<16xf32>
      %mul3A_1426 = arith.mulf %sub3A_1423, %mul3A_1425 : vector<16xf32>
      %exp3A_1427 = math.exp %mul3A_1426 : vector<16xf32>
      %add3A_1428 = arith.addf %add3A_1418, %exp3A_1427 : vector<16xf32>
      %get3A_1429 = arith.constant 85 : i32
      %get3A_1430 = arith.index_cast %get3A_1429 : i32 to index
      %get3A_1431 = arith.index_cast %mul3A_84 : i32 to index
      %get3A_1432 = tpu.vector_load %arg7[%get3A_1430, %get3A_1431] {strides = array<i32>} : memref<100x512xf32, #tpu.memory_space<vmem>>, vector<16xf32>,
      %sub3A_1433 = arith.subf %get3A_1432, %max3A_581 : vector<16xf32>
      %mul3A_1434 = arith.constant 3.000000e+01 : f32
      %mul3A_1435 = vector.broadcast %mul3A_1434 : f32 to vector<16xf32>
      %mul3A_1436 = arith.mulf %sub3A_1433, %mul3A_1435 : vector<16xf32>
      %exp3A_1437 = math.exp %mul3A_1436 : vector<16xf32>
      %add3A_1438 = arith.addf %add3A_1428, %exp3A_1437 : vector<16xf32>
      %get3A_1439 = arith.constant 86 : i32
      %get3A_1440 = arith.index_cast %get3A_1439 : i32 to index
      %get3A_1441 = arith.index_cast %mul3A_84 : i32 to index
      %get3A_1442 = tpu.vector_load %arg7[%get3A_1440, %get3A_1441] {strides = array<i32>} : memref<100x512xf32, #tpu.memory_space<vmem>>, vector<16xf32>,
      %sub3A_1443 = arith.subf %get3A_1442, %max3A_581 : vector<16xf32>
      %mul3A_1444 = arith.constant 3.000000e+01 : f32
      %mul3A_1445 = vector.broadcast %mul3A_1444 : f32 to vector<16xf32>
      %mul3A_1446 = arith.mulf %sub3A_1443, %mul3A_1445 : vector<16xf32>
      %exp3A_1447 = math.exp %mul3A_1446 : vector<16xf32>
      %add3A_1448 = arith.addf %add3A_1438, %exp3A_1447 : vector<16xf32>
      %get3A_1449 = arith.constant 87 : i32
      %get3A_1450 = arith.index_cast %get3A_1449 : i32 to index
      %get3A_1451 = arith.index_cast %mul3A_84 : i32 to index
      %get3A_1452 = tpu.vector_load %arg7[%get3A_1450, %get3A_1451] {strides = array<i32>} : memref<100x512xf32, #tpu.memory_space<vmem>>, vector<16xf32>,
      %sub3A_1453 = arith.subf %get3A_1452, %max3A_581 : vector<16xf32>
      %mul3A_1454 = arith.constant 3.000000e+01 : f32
      %mul3A_1455 = vector.broadcast %mul3A_1454 : f32 to vector<16xf32>
      %mul3A_1456 = arith.mulf %sub3A_1453, %mul3A_1455 : vector<16xf32>
      %exp3A_1457 = math.exp %mul3A_1456 : vector<16xf32>
      %add3A_1458 = arith.addf %add3A_1448, %exp3A_1457 : vector<16xf32>
      %get3A_1459 = arith.constant 88 : i32
      %get3A_1460 = arith.index_cast %get3A_1459 : i32 to index
      %get3A_1461 = arith.index_cast %mul3A_84 : i32 to index
      %get3A_1462 = tpu.vector_load %arg7[%get3A_1460, %get3A_1461] {strides = array<i32>} : memref<100x512xf32, #tpu.memory_space<vmem>>, vector<16xf32>,
      %sub3A_1463 = arith.subf %get3A_1462, %max3A_581 : vector<16xf32>
      %mul3A_1464 = arith.constant 3.000000e+01 : f32
      %mul3A_1465 = vector.broadcast %mul3A_1464 : f32 to vector<16xf32>
      %mul3A_1466 = arith.mulf %sub3A_1463, %mul3A_1465 : vector<16xf32>
      %exp3A_1467 = math.exp %mul3A_1466 : vector<16xf32>
      %add3A_1468 = arith.addf %add3A_1458, %exp3A_1467 : vector<16xf32>
      %get3A_1469 = arith.constant 89 : i32
      %get3A_1470 = arith.index_cast %get3A_1469 : i32 to index
      %get3A_1471 = arith.index_cast %mul3A_84 : i32 to index
      %get3A_1472 = tpu.vector_load %arg7[%get3A_1470, %get3A_1471] {strides = array<i32>} : memref<100x512xf32, #tpu.memory_space<vmem>>, vector<16xf32>,
      %sub3A_1473 = arith.subf %get3A_1472, %max3A_581 : vector<16xf32>
      %mul3A_1474 = arith.constant 3.000000e+01 : f32
      %mul3A_1475 = vector.broadcast %mul3A_1474 : f32 to vector<16xf32>
      %mul3A_1476 = arith.mulf %sub3A_1473, %mul3A_1475 : vector<16xf32>
      %exp3A_1477 = math.exp %mul3A_1476 : vector<16xf32>
      %add3A_1478 = arith.addf %add3A_1468, %exp3A_1477 : vector<16xf32>
      %get3A_1479 = arith.constant 90 : i32
      %get3A_1480 = arith.index_cast %get3A_1479 : i32 to index
      %get3A_1481 = arith.index_cast %mul3A_84 : i32 to index
      %get3A_1482 = tpu.vector_load %arg7[%get3A_1480, %get3A_1481] {strides = array<i32>} : memref<100x512xf32, #tpu.memory_space<vmem>>, vector<16xf32>,
      %sub3A_1483 = arith.subf %get3A_1482, %max3A_581 : vector<16xf32>
      %mul3A_1484 = arith.constant 3.000000e+01 : f32
      %mul3A_1485 = vector.broadcast %mul3A_1484 : f32 to vector<16xf32>
      %mul3A_1486 = arith.mulf %sub3A_1483, %mul3A_1485 : vector<16xf32>
      %exp3A_1487 = math.exp %mul3A_1486 : vector<16xf32>
      %add3A_1488 = arith.addf %add3A_1478, %exp3A_1487 : vector<16xf32>
      %get3A_1489 = arith.constant 91 : i32
      %get3A_1490 = arith.index_cast %get3A_1489 : i32 to index
      %get3A_1491 = arith.index_cast %mul3A_84 : i32 to index
      %get3A_1492 = tpu.vector_load %arg7[%get3A_1490, %get3A_1491] {strides = array<i32>} : memref<100x512xf32, #tpu.memory_space<vmem>>, vector<16xf32>,
      %sub3A_1493 = arith.subf %get3A_1492, %max3A_581 : vector<16xf32>
      %mul3A_1494 = arith.constant 3.000000e+01 : f32
      %mul3A_1495 = vector.broadcast %mul3A_1494 : f32 to vector<16xf32>
      %mul3A_1496 = arith.mulf %sub3A_1493, %mul3A_1495 : vector<16xf32>
      %exp3A_1497 = math.exp %mul3A_1496 : vector<16xf32>
      %add3A_1498 = arith.addf %add3A_1488, %exp3A_1497 : vector<16xf32>
      %get3A_1499 = arith.constant 92 : i32
      %get3A_1500 = arith.index_cast %get3A_1499 : i32 to index
      %get3A_1501 = arith.index_cast %mul3A_84 : i32 to index
      %get3A_1502 = tpu.vector_load %arg7[%get3A_1500, %get3A_1501] {strides = array<i32>} : memref<100x512xf32, #tpu.memory_space<vmem>>, vector<16xf32>,
      %sub3A_1503 = arith.subf %get3A_1502, %max3A_581 : vector<16xf32>
      %mul3A_1504 = arith.constant 3.000000e+01 : f32
      %mul3A_1505 = vector.broadcast %mul3A_1504 : f32 to vector<16xf32>
      %mul3A_1506 = arith.mulf %sub3A_1503, %mul3A_1505 : vector<16xf32>
      %exp3A_1507 = math.exp %mul3A_1506 : vector<16xf32>
      %add3A_1508 = arith.addf %add3A_1498, %exp3A_1507 : vector<16xf32>
      %get3A_1509 = arith.constant 93 : i32
      %get3A_1510 = arith.index_cast %get3A_1509 : i32 to index
      %get3A_1511 = arith.index_cast %mul3A_84 : i32 to index
      %get3A_1512 = tpu.vector_load %arg7[%get3A_1510, %get3A_1511] {strides = array<i32>} : memref<100x512xf32, #tpu.memory_space<vmem>>, vector<16xf32>,
      %sub3A_1513 = arith.subf %get3A_1512, %max3A_581 : vector<16xf32>
      %mul3A_1514 = arith.constant 3.000000e+01 : f32
      %mul3A_1515 = vector.broadcast %mul3A_1514 : f32 to vector<16xf32>
      %mul3A_1516 = arith.mulf %sub3A_1513, %mul3A_1515 : vector<16xf32>
      %exp3A_1517 = math.exp %mul3A_1516 : vector<16xf32>
      %add3A_1518 = arith.addf %add3A_1508, %exp3A_1517 : vector<16xf32>
      %get3A_1519 = arith.constant 94 : i32
      %get3A_1520 = arith.index_cast %get3A_1519 : i32 to index
      %get3A_1521 = arith.index_cast %mul3A_84 : i32 to index
      %get3A_1522 = tpu.vector_load %arg7[%get3A_1520, %get3A_1521] {strides = array<i32>} : memref<100x512xf32, #tpu.memory_space<vmem>>, vector<16xf32>,
      %sub3A_1523 = arith.subf %get3A_1522, %max3A_581 : vector<16xf32>
      %mul3A_1524 = arith.constant 3.000000e+01 : f32
      %mul3A_1525 = vector.broadcast %mul3A_1524 : f32 to vector<16xf32>
      %mul3A_1526 = arith.mulf %sub3A_1523, %mul3A_1525 : vector<16xf32>
      %exp3A_1527 = math.exp %mul3A_1526 : vector<16xf32>
      %add3A_1528 = arith.addf %add3A_1518, %exp3A_1527 : vector<16xf32>
      %get3A_1529 = arith.constant 95 : i32
      %get3A_1530 = arith.index_cast %get3A_1529 : i32 to index
      %get3A_1531 = arith.index_cast %mul3A_84 : i32 to index
      %get3A_1532 = tpu.vector_load %arg7[%get3A_1530, %get3A_1531] {strides = array<i32>} : memref<100x512xf32, #tpu.memory_space<vmem>>, vector<16xf32>,
      %sub3A_1533 = arith.subf %get3A_1532, %max3A_581 : vector<16xf32>
      %mul3A_1534 = arith.constant 3.000000e+01 : f32
      %mul3A_1535 = vector.broadcast %mul3A_1534 : f32 to vector<16xf32>
      %mul3A_1536 = arith.mulf %sub3A_1533, %mul3A_1535 : vector<16xf32>
      %exp3A_1537 = math.exp %mul3A_1536 : vector<16xf32>
      %add3A_1538 = arith.addf %add3A_1528, %exp3A_1537 : vector<16xf32>
      %get3A_1539 = arith.constant 96 : i32
      %get3A_1540 = arith.index_cast %get3A_1539 : i32 to index
      %get3A_1541 = arith.index_cast %mul3A_84 : i32 to index
      %get3A_1542 = tpu.vector_load %arg7[%get3A_1540, %get3A_1541] {strides = array<i32>} : memref<100x512xf32, #tpu.memory_space<vmem>>, vector<16xf32>,
      %sub3A_1543 = arith.subf %get3A_1542, %max3A_581 : vector<16xf32>
      %mul3A_1544 = arith.constant 3.000000e+01 : f32
      %mul3A_1545 = vector.broadcast %mul3A_1544 : f32 to vector<16xf32>
      %mul3A_1546 = arith.mulf %sub3A_1543, %mul3A_1545 : vector<16xf32>
      %exp3A_1547 = math.exp %mul3A_1546 : vector<16xf32>
      %add3A_1548 = arith.addf %add3A_1538, %exp3A_1547 : vector<16xf32>
      %get3A_1549 = arith.constant 97 : i32
      %get3A_1550 = arith.index_cast %get3A_1549 : i32 to index
      %get3A_1551 = arith.index_cast %mul3A_84 : i32 to index
      %get3A_1552 = tpu.vector_load %arg7[%get3A_1550, %get3A_1551] {strides = array<i32>} : memref<100x512xf32, #tpu.memory_space<vmem>>, vector<16xf32>,
      %sub3A_1553 = arith.subf %get3A_1552, %max3A_581 : vector<16xf32>
      %mul3A_1554 = arith.constant 3.000000e+01 : f32
      %mul3A_1555 = vector.broadcast %mul3A_1554 : f32 to vector<16xf32>
      %mul3A_1556 = arith.mulf %sub3A_1553, %mul3A_1555 : vector<16xf32>
      %exp3A_1557 = math.exp %mul3A_1556 : vector<16xf32>
      %add3A_1558 = arith.addf %add3A_1548, %exp3A_1557 : vector<16xf32>
      %get3A_1559 = arith.constant 98 : i32
      %get3A_1560 = arith.index_cast %get3A_1559 : i32 to index
      %get3A_1561 = arith.index_cast %mul3A_84 : i32 to index
      %get3A_1562 = tpu.vector_load %arg7[%get3A_1560, %get3A_1561] {strides = array<i32>} : memref<100x512xf32, #tpu.memory_space<vmem>>, vector<16xf32>,
      %sub3A_1563 = arith.subf %get3A_1562, %max3A_581 : vector<16xf32>
      %mul3A_1564 = arith.constant 3.000000e+01 : f32
      %mul3A_1565 = vector.broadcast %mul3A_1564 : f32 to vector<16xf32>
      %mul3A_1566 = arith.mulf %sub3A_1563, %mul3A_1565 : vector<16xf32>
      %exp3A_1567 = math.exp %mul3A_1566 : vector<16xf32>
      %add3A_1568 = arith.addf %add3A_1558, %exp3A_1567 : vector<16xf32>
      %get3A_1569 = arith.constant 99 : i32
      %get3A_1570 = arith.index_cast %get3A_1569 : i32 to index
      %get3A_1571 = arith.index_cast %mul3A_84 : i32 to index
      %get3A_1572 = tpu.vector_load %arg7[%get3A_1570, %get3A_1571] {strides = array<i32>} : memref<100x512xf32, #tpu.memory_space<vmem>>, vector<16xf32>,
      %sub3A_1573 = arith.subf %get3A_1572, %max3A_581 : vector<16xf32>
      %mul3A_1574 = arith.constant 3.000000e+01 : f32
      %mul3A_1575 = vector.broadcast %mul3A_1574 : f32 to vector<16xf32>
      %mul3A_1576 = arith.mulf %sub3A_1573, %mul3A_1575 : vector<16xf32>
      %exp3A_1577 = math.exp %mul3A_1576 : vector<16xf32>
      %add3A_1578 = arith.addf %add3A_1568, %exp3A_1577 : vector<16xf32>
      %get3A_1579 = arith.index_cast %mul3A_84 : i32 to index
      %get3A_1580 = tpu.vector_load %arg8[%get3A_1579] {strides = array<i32>} : memref<512xi32, #tpu.memory_space<vmem>>, vector<16xi32>,
      %add3A_1581 = vector.broadcast %mul3A_84 : i32 to vector<16xi32>
      %add3A_1582 = arith.addi %add3A_1581, %iota3A : vector<16xi32>
      %gather3A_1583 = tpu.vector_load_idx %arg7[%get3A_1580, %add3A_1582] : memref<100x512xf32, #tpu.memory_space<vmem>>[vector<16xi32>, vector<16xi32>], vector<16xf32>,
      %gather3A_1584 = tpu.vector_load_idx %arg9[%get3A_1580] : memref<100xf32, #tpu.memory_space<vmem>>[vector<16xi32>], vector<16xf32>,
      %gather3A_1585 = tpu.vector_load_idx %arg10[%get3A_1580] : memref<100xf32, #tpu.memory_space<vmem>>[vector<16xi32>], vector<16xf32>,
      %sub3A_1586 = arith.subf %gather3A_1583, %max3A_581 : vector<16xf32>
      %mul3A_1587 = arith.constant 3.000000e+01 : f32
      %mul3A_1588 = vector.broadcast %mul3A_1587 : f32 to vector<16xf32>
      %mul3A_1589 = arith.mulf %sub3A_1586, %mul3A_1588 : vector<16xf32>
      %sub3A_1590 = arith.subf %gather3A_1583, %gather3A_1584 : vector<16xf32>
      %sub3A_1591 = arith.subf %sub3A_1590, %max3A_581 : vector<16xf32>
      %mul3A_1592 = arith.constant 3.000000e+01 : f32
      %mul3A_1593 = vector.broadcast %mul3A_1592 : f32 to vector<16xf32>
      %mul3A_1594 = arith.mulf %sub3A_1591, %mul3A_1593 : vector<16xf32>
      %exp3A_1595 = math.exp %mul3A_1589 : vector<16xf32>
      %sub3A_1596 = arith.subf %add3A_1578, %exp3A_1595 : vector<16xf32>
      %exp3A_1597 = math.exp %mul3A_1594 : vector<16xf32>
      %add3A_1598 = arith.addf %sub3A_1596, %exp3A_1597 : vector<16xf32>
      %bitcast3A = vector.bitcast %add3A_1598 : vector<16xf32> to vector<16xi32>
      %shift_right_arithmetic3A = arith.constant 23 : i32
      %shift_right_arithmetic3A_1599 = vector.broadcast %shift_right_arithmetic3A : i32 to vector<16xi32>
      %shift_right_arithmetic3A_1600 = arith.shrsi %bitcast3A, %shift_right_arithmetic3A_1599 : vector<16xi32>
      %sub3A_1601 = arith.constant 127 : i32
      %sub3A_1602 = vector.broadcast %sub3A_1601 : i32 to vector<16xi32>
      %sub3A_1603 = arith.subi %shift_right_arithmetic3A_1600, %sub3A_1602 : vector<16xi32>
      %and3A = arith.constant 8388607 : i32
      %and3A_1604 = vector.broadcast %and3A : i32 to vector<16xi32>
      %and3A_1605 = arith.andi %bitcast3A, %and3A_1604 : vector<16xi32>
      %or3A = arith.constant 1065353216 : i32
      %or3A_1606 = vector.broadcast %or3A : i32 to vector<16xi32>
      %or3A_1607 = arith.ori %and3A_1605, %or3A_1606 : vector<16xi32>
      %bitcast3A_1608 = vector.bitcast %or3A_1607 : vector<16xi32> to vector<16xf32>
      %gt3A = arith.constant 1.41421354 : f32
      %gt3A_1609 = vector.broadcast %gt3A : f32 to vector<16xf32>
      %gt3A_1610 = arith.cmpf ogt, %bitcast3A_1608, %gt3A_1609 : vector<16xf32>
      %mul3A_1611 = arith.constant 5.000000e-01 : f32
      %mul3A_1612 = vector.broadcast %mul3A_1611 : f32 to vector<16xf32>
      %mul3A_1613 = arith.mulf %bitcast3A_1608, %mul3A_1612 : vector<16xf32>
      %select_n3A_1614 = arith.select %gt3A_1610, %mul3A_1613, %bitcast3A_1608 : vector<16xi1>, vector<16xf32>
      %convert_element_type3A = arith.extui %gt3A_1610 : vector<16xi1> to vector<16xi32>
      %add3A_1615 = arith.addi %sub3A_1603, %convert_element_type3A : vector<16xi32>
      %sub3A_1616 = arith.constant 1.000000e+00 : f32
      %sub3A_1617 = vector.broadcast %sub3A_1616 : f32 to vector<16xf32>
      %sub3A_1618 = arith.subf %select_n3A_1614, %sub3A_1617 : vector<16xf32>
      %broadcast_in_dim3A_1619 = arith.constant 0.0703768358 : f32
      %broadcast_in_dim3A_1620 = vector.broadcast %broadcast_in_dim3A_1619 : f32 to vector<16xf32>
      %mul3A_1621 = arith.mulf %broadcast_in_dim3A_1620, %sub3A_1618 : vector<16xf32>
      %add3A_1622 = arith.constant -0.115146101 : f32
      %add3A_1623 = vector.broadcast %add3A_1622 : f32 to vector<16xf32>
      %add3A_1624 = arith.addf %mul3A_1621, %add3A_1623 : vector<16xf32>
      %mul3A_1625 = arith.mulf %add3A_1624, %sub3A_1618 : vector<16xf32>
      %add3A_1626 = arith.constant 0.116769984 : f32
      %add3A_1627 = vector.broadcast %add3A_1626 : f32 to vector<16xf32>
      %add3A_1628 = arith.addf %mul3A_1625, %add3A_1627 : vector<16xf32>
      %mul3A_1629 = arith.mulf %add3A_1628, %sub3A_1618 : vector<16xf32>
      %add3A_1630 = arith.constant -0.12420141 : f32
      %add3A_1631 = vector.broadcast %add3A_1630 : f32 to vector<16xf32>
      %add3A_1632 = arith.addf %mul3A_1629, %add3A_1631 : vector<16xf32>
      %mul3A_1633 = arith.mulf %add3A_1632, %sub3A_1618 : vector<16xf32>
      %add3A_1634 = arith.constant 0.142493233 : f32
      %add3A_1635 = vector.broadcast %add3A_1634 : f32 to vector<16xf32>
      %add3A_1636 = arith.addf %mul3A_1633, %add3A_1635 : vector<16xf32>
      %mul3A_1637 = arith.mulf %add3A_1636, %sub3A_1618 : vector<16xf32>
      %add3A_1638 = arith.constant -0.166680574 : f32
      %add3A_1639 = vector.broadcast %add3A_1638 : f32 to vector<16xf32>
      %add3A_1640 = arith.addf %mul3A_1637, %add3A_1639 : vector<16xf32>
      %mul3A_1641 = arith.mulf %add3A_1640, %sub3A_1618 : vector<16xf32>
      %add3A_1642 = arith.constant 0.200007141 : f32
      %add3A_1643 = vector.broadcast %add3A_1642 : f32 to vector<16xf32>
      %add3A_1644 = arith.addf %mul3A_1641, %add3A_1643 : vector<16xf32>
      %mul3A_1645 = arith.mulf %add3A_1644, %sub3A_1618 : vector<16xf32>
      %add3A_1646 = arith.constant -0.24999994 : f32
      %add3A_1647 = vector.broadcast %add3A_1646 : f32 to vector<16xf32>
      %add3A_1648 = arith.addf %mul3A_1645, %add3A_1647 : vector<16xf32>
      %mul3A_1649 = arith.mulf %add3A_1648, %sub3A_1618 : vector<16xf32>
      %add3A_1650 = arith.constant 0.333333313 : f32
      %add3A_1651 = vector.broadcast %add3A_1650 : f32 to vector<16xf32>
      %add3A_1652 = arith.addf %mul3A_1649, %add3A_1651 : vector<16xf32>
      %mul3A_1653 = arith.mulf %sub3A_1618, %sub3A_1618 : vector<16xf32>
      %mul3A_1654 = arith.mulf %mul3A_1653, %sub3A_1618 : vector<16xf32>
      %mul3A_1655 = arith.mulf %mul3A_1654, %add3A_1652 : vector<16xf32>
      %mul3A_1656 = arith.constant 5.000000e-01 : f32
      %mul3A_1657 = vector.broadcast %mul3A_1656 : f32 to vector<16xf32>
      %mul3A_1658 = arith.mulf %mul3A_1657, %sub3A_1618 : vector<16xf32>
      %mul3A_1659 = arith.mulf %mul3A_1658, %sub3A_1618 : vector<16xf32>
      %sub3A_1660 = arith.subf %mul3A_1655, %mul3A_1659 : vector<16xf32>
      %add3A_1661 = arith.addf %sub3A_1660, %sub3A_1618 : vector<16xf32>
      %convert_element_type3A_1662 = arith.sitofp %add3A_1615 : vector<16xi32> to vector<16xf32>
      %mul3A_1663 = arith.constant 0.693147182 : f32
      %mul3A_1664 = vector.broadcast %mul3A_1663 : f32 to vector<16xf32>
      %mul3A_1665 = arith.mulf %convert_element_type3A_1662, %mul3A_1664 : vector<16xf32>
      %add3A_1666 = arith.addf %add3A_1661, %mul3A_1665 : vector<16xf32>
      %sub3A_1667 = arith.subf %add3A_1666, %mul3A_1594 : vector<16xf32>
      %mul3A_1668 = arith.mulf %gather3A_1585, %sub3A_1667 : vector<16xf32>
      %add3A_1669 = arith.addf %scan3A_80, %mul3A_1668 : vector<16xf32>
      %add3A_1670 = arith.addf %scan3A_81, %gather3A_1585 : vector<16xf32>
      %add3A_1671 = arith.addf %scan3A_82, %sub3A_1667 : vector<16xf32>
      scf.yield %add3A_1669, %add3A_1670, %add3A_1671 : vector<16xf32>, vector<16xf32>, vector<16xf32>
    }
    %scan3A_8 = arith.constant 32 : i32
    %xor3A = arith.constant 8 : i32
    %xor3A_9 = vector.broadcast %xor3A : i32 to vector<16xi32>
    %xor3A_10 = arith.xori %iota3A, %xor3A_9 : vector<16xi32>
    %xor3A_11 = arith.constant 4 : i32
    %xor3A_12 = vector.broadcast %xor3A_11 : i32 to vector<16xi32>
    %xor3A_13 = arith.xori %iota3A, %xor3A_12 : vector<16xi32>
    %xor3A_14 = arith.constant 2 : i32
    %xor3A_15 = vector.broadcast %xor3A_14 : i32 to vector<16xi32>
    %xor3A_16 = arith.xori %iota3A, %xor3A_15 : vector<16xi32>
    %xor3A_17 = arith.constant 1 : i32
    %xor3A_18 = vector.broadcast %xor3A_17 : i32 to vector<16xi32>
    %xor3A_19 = arith.xori %iota3A, %xor3A_18 : vector<16xi32>
    %broadcast_in_dim3A_20 = vector.shape_cast %xor3A_10 : vector<16xi32> to vector<16x1xi32>
    %gather3A = vector.shape_cast %broadcast_in_dim3A_20 : vector<16x1xi32> to vector<16xi32>
    %gather3A_21 = tpu.dynamic_gather %scan3A_7#0[%gather3A] in [0] : vector<16xf32>, vector<16xi32> -> vector<16xf32>
    %add3A_22 = arith.addf %scan3A_7#0, %gather3A_21 : vector<16xf32>
    %broadcast_in_dim3A_23 = vector.shape_cast %xor3A_13 : vector<16xi32> to vector<16x1xi32>
    %gather3A_24 = vector.shape_cast %broadcast_in_dim3A_23 : vector<16x1xi32> to vector<16xi32>
    %gather3A_25 = tpu.dynamic_gather %add3A_22[%gather3A_24] in [0] : vector<16xf32>, vector<16xi32> -> vector<16xf32>
    %add3A_26 = arith.addf %add3A_22, %gather3A_25 : vector<16xf32>
    %broadcast_in_dim3A_27 = vector.shape_cast %xor3A_16 : vector<16xi32> to vector<16x1xi32>
    %gather3A_28 = vector.shape_cast %broadcast_in_dim3A_27 : vector<16x1xi32> to vector<16xi32>
    %gather3A_29 = tpu.dynamic_gather %add3A_26[%gather3A_28] in [0] : vector<16xf32>, vector<16xi32> -> vector<16xf32>
    %add3A_30 = arith.addf %add3A_26, %gather3A_29 : vector<16xf32>
    %broadcast_in_dim3A_31 = vector.shape_cast %xor3A_19 : vector<16xi32> to vector<16x1xi32>
    %gather3A_32 = vector.shape_cast %broadcast_in_dim3A_31 : vector<16x1xi32> to vector<16xi32>
    %gather3A_33 = tpu.dynamic_gather %add3A_30[%gather3A_32] in [0] : vector<16xf32>, vector<16xi32> -> vector<16xf32>
    %add3A_34 = arith.addf %add3A_30, %gather3A_33 : vector<16xf32>
    %broadcast_in_dim3A_35 = vector.shape_cast %xor3A_10 : vector<16xi32> to vector<16x1xi32>
    %gather3A_36 = vector.shape_cast %broadcast_in_dim3A_35 : vector<16x1xi32> to vector<16xi32>
    %gather3A_37 = tpu.dynamic_gather %scan3A_7#1[%gather3A_36] in [0] : vector<16xf32>, vector<16xi32> -> vector<16xf32>
    %add3A_38 = arith.addf %scan3A_7#1, %gather3A_37 : vector<16xf32>
    %broadcast_in_dim3A_39 = vector.shape_cast %xor3A_13 : vector<16xi32> to vector<16x1xi32>
    %gather3A_40 = vector.shape_cast %broadcast_in_dim3A_39 : vector<16x1xi32> to vector<16xi32>
    %gather3A_41 = tpu.dynamic_gather %add3A_38[%gather3A_40] in [0] : vector<16xf32>, vector<16xi32> -> vector<16xf32>
    %add3A_42 = arith.addf %add3A_38, %gather3A_41 : vector<16xf32>
    %broadcast_in_dim3A_43 = vector.shape_cast %xor3A_16 : vector<16xi32> to vector<16x1xi32>
    %gather3A_44 = vector.shape_cast %broadcast_in_dim3A_43 : vector<16x1xi32> to vector<16xi32>
    %gather3A_45 = tpu.dynamic_gather %add3A_42[%gather3A_44] in [0] : vector<16xf32>, vector<16xi32> -> vector<16xf32>
    %add3A_46 = arith.addf %add3A_42, %gather3A_45 : vector<16xf32>
    %broadcast_in_dim3A_47 = vector.shape_cast %xor3A_19 : vector<16xi32> to vector<16x1xi32>
    %gather3A_48 = vector.shape_cast %broadcast_in_dim3A_47 : vector<16x1xi32> to vector<16xi32>
    %gather3A_49 = tpu.dynamic_gather %add3A_46[%gather3A_48] in [0] : vector<16xf32>, vector<16xi32> -> vector<16xf32>
    %add3A_50 = arith.addf %add3A_46, %gather3A_49 : vector<16xf32>
    %broadcast_in_dim3A_51 = vector.shape_cast %xor3A_10 : vector<16xi32> to vector<16x1xi32>
    %gather3A_52 = vector.shape_cast %broadcast_in_dim3A_51 : vector<16x1xi32> to vector<16xi32>
    %gather3A_53 = tpu.dynamic_gather %scan3A_7#2[%gather3A_52] in [0] : vector<16xf32>, vector<16xi32> -> vector<16xf32>
    %add3A_54 = arith.addf %scan3A_7#2, %gather3A_53 : vector<16xf32>
    %broadcast_in_dim3A_55 = vector.shape_cast %xor3A_13 : vector<16xi32> to vector<16x1xi32>
    %gather3A_56 = vector.shape_cast %broadcast_in_dim3A_55 : vector<16x1xi32> to vector<16xi32>
    %gather3A_57 = tpu.dynamic_gather %add3A_54[%gather3A_56] in [0] : vector<16xf32>, vector<16xi32> -> vector<16xf32>
    %add3A_58 = arith.addf %add3A_54, %gather3A_57 : vector<16xf32>
    %broadcast_in_dim3A_59 = vector.shape_cast %xor3A_16 : vector<16xi32> to vector<16x1xi32>
    %gather3A_60 = vector.shape_cast %broadcast_in_dim3A_59 : vector<16x1xi32> to vector<16xi32>
    %gather3A_61 = tpu.dynamic_gather %add3A_58[%gather3A_60] in [0] : vector<16xf32>, vector<16xi32> -> vector<16xf32>
    %add3A_62 = arith.addf %add3A_58, %gather3A_61 : vector<16xf32>
    %broadcast_in_dim3A_63 = vector.shape_cast %xor3A_19 : vector<16xi32> to vector<16x1xi32>
    %gather3A_64 = vector.shape_cast %broadcast_in_dim3A_63 : vector<16x1xi32> to vector<16xi32>
    %gather3A_65 = tpu.dynamic_gather %add3A_62[%gather3A_64] in [0] : vector<16xf32>, vector<16xi32> -> vector<16xf32>
    %add3A_66 = arith.addf %add3A_62, %gather3A_65 : vector<16xf32>
    %eq3A = arith.constant 0 : i32
    %eq3A_67 = vector.broadcast %eq3A : i32 to vector<16xi32>
    %eq3A_68 = arith.cmpi eq, %iota3A, %eq3A_67 : vector<16xi32>
    %eq3A_69 = arith.constant 1 : i32
    %eq3A_70 = vector.broadcast %eq3A_69 : i32 to vector<16xi32>
    %eq3A_71 = arith.cmpi eq, %iota3A, %eq3A_70 : vector<16xi32>
    %eq3A_72 = arith.constant 2 : i32
    %eq3A_73 = vector.broadcast %eq3A_72 : i32 to vector<16xi32>
    %eq3A_74 = arith.cmpi eq, %iota3A, %eq3A_73 : vector<16xi32>
    %jit3A = arith.constant 0.000000e+00 : f32
    %broadcast_in_dim3A_75 = vector.broadcast %jit3A : f32 to vector<16xf32>
    %select_n3A = arith.select %eq3A_74, %add3A_66, %broadcast_in_dim3A_75 : vector<16xi1>, vector<16xf32>
    %select_n3A_76 = arith.select %eq3A_71, %add3A_50, %select_n3A : vector<16xi1>, vector<16xf32>
    %select_n3A_77 = arith.select %eq3A_68, %add3A_34, %select_n3A_76 : vector<16xi1>, vector<16xf32>
    %swap3A = arith.constant 0 : index
    %swap3A_78 = tpu.vector_load %arg11[%swap3A] {strides = array<i32>} : memref<16xf32, #tpu.memory_space<vmem>>, vector<16xf32>,
    tpu.vector_store %arg11[%swap3A], %select_n3A_77 {strides = array<i32>} : memref<16xf32, #tpu.memory_space<vmem>>, vector<16xf32>,
    "tpu.region"() ({
      %run_scoped3A = tpu.sem_alloc : memref<!tpu.dma_semaphore, #tpu.memory_space<semaphore_mem>>
      %dma_start3A = arith.constant 0 : i32
      %dma_start3A_79 = tpu.memref_slice %arg6[%add3A, %dma_start3A] : memref<32x16xf32, #tpu.memory_space<hbm>> -> memref<1x16xf32, #tpu.memory_space<hbm>>
      %dma_start3A_80 = tpu.memref_squeeze %dma_start3A_79 : memref<1x16xf32, #tpu.memory_space<hbm>> -> memref<16xf32, #tpu.memory_space<hbm>>
      %dma_start3A_81 = arith.constant 0 : i32
      %dma_start3A_82 = tpu.memref_slice %arg6[%add3A, %dma_start3A_81] : memref<32x16xf32, #tpu.memory_space<hbm>> -> memref<1x16xf32, #tpu.memory_space<hbm>>
      %dma_start3A_83 = tpu.memref_squeeze %dma_start3A_82 : memref<1x16xf32, #tpu.memory_space<hbm>> -> memref<16xf32, #tpu.memory_space<hbm>>
      tpu.enqueue_dma source(%arg11 : memref<16xf32, #tpu.memory_space<vmem>>) target(%dma_start3A_83 : memref<16xf32, #tpu.memory_space<hbm>>) target_semaphore(%run_scoped3A : memref<!tpu.dma_semaphore, #tpu.memory_space<semaphore_mem>>)
      %dma_wait3A = arith.constant 0 : i32
      %dma_wait3A_84 = tpu.memref_slice %arg6[%add3A, %dma_wait3A] : memref<32x16xf32, #tpu.memory_space<hbm>> -> memref<1x16xf32, #tpu.memory_space<hbm>>
      %dma_wait3A_85 = tpu.memref_squeeze %dma_wait3A_84 : memref<1x16xf32, #tpu.memory_space<hbm>> -> memref<16xf32, #tpu.memory_space<hbm>>
      %dma_wait3A_86 = arith.constant 0 : i32
      %dma_wait3A_87 = tpu.memref_slice %arg6[%add3A, %dma_wait3A_86] : memref<32x16xf32, #tpu.memory_space<hbm>> -> memref<1x16xf32, #tpu.memory_space<hbm>>
      %dma_wait3A_88 = tpu.memref_squeeze %dma_wait3A_87 : memref<1x16xf32, #tpu.memory_space<hbm>> -> memref<16xf32, #tpu.memory_space<hbm>>
      tpu.wait_dma2 semaphore(%run_scoped3A : memref<!tpu.dma_semaphore, #tpu.memory_space<semaphore_mem>>) src(%arg11 : memref<16xf32, #tpu.memory_space<vmem>>) dst(%dma_wait3A_88 : memref<16xf32, #tpu.memory_space<hbm>>)
      tpu.yield
    }) : () -> ()
    return
  }
}

</mosaic_0001>

<sc_bundles>
// kernel: kernel.3.cloned.1.call-start
scs
__scs_entry_jumppad:
0x0: {  	(pc) =	sbr.rel $0x88, $3  }
0x1: {  	(tag) =	ssettag $0x0;
	lr =	simm.s32 $0x1  }
0x2: {  	[smem:$0x3F9C] =	sst lr;
	_ =	strace $0xD0000000  }
0x3: {  	_ = 	snop  }
0x4: {  	_ = 	snop  }
0x5: {  	_ = 	snop  }
0x6: {  	_ = 	snop  }
0x7: {  	_ = 	snop  }
__scs_overlays_trampoline_lowered:
0x8: {  	[smem:$0x3FAB] =	sst s0  }
0x9: {  	[smem:$0x3FAC] =	sst s1  }
0xa: {  	[smem:$0x3FAD] =	sst s2  }
0xb: {  	[smem:$0x3FAE] =	sst s3  }
0xc: {  	[smem:$0x3FAF] =	sst s4  }
0xd: {  	[smem:$0x3FB0] =	sst s5  }
0xe: {  	[smem:$0x3FB1] =	sst s6  }
0xf: {  	[smem:$0x3FB2] =	sst s7  }
0x10: {  	[smem:$0x3FB3] =	sst s8  }
0x11: {  	[smem:$0x3FB4] =	sst s9;
	s0 =	simm.s32 @!p0 $0x0  }
0x12: {  	s1 =	sld [smem:$0x3F9A];
	s0 =	simm.s32 @p0 $0x1  }
0x13: {  	[smem:$0x3FB5] =	sst s0;
	s0 =	simm.s32 @!p1 $0x0  }
0x14: {  	s2 =	sld [smem:$0x3F99];
	s0 =	simm.s32 @p1 $0x1  }
0x15: {  	[smem:$0x3FB6] =	sst s0;
	s0 =	simm.s32 @!p2 $0x0  }
0x16: {  	s3 =	sld [smem:$0x3FDB];
	s0 =	simm.s32 @p2 $0x1  }
0x17: {  	s4 =	simm.s32 $0x1BF5;
	[smem:$0x3FB8] =	sst s0  }
0x18: {  	s0 =	sld [smem:$0x3F9B];
	_ =	swait.ge [sflag:s4], $0x0  }
0x19: {  	s7 =	sld [smem:$0x3F9C]  }
0x1a: {  	s8 =	sadd.s32 $0xFFFFE003, lr  }
0x1b: {  	s9 =	sadd.s32 $0xFFFFFEF7, lr;
	s5 =	simm.s32 $0xFFFFFFFF;
	p2 =	slt.u32 s8, $0xFFFFF086  }
0x1c: {  	p1 =	slt.u32 s9, $0xF7A;
	s5 =	simm.s32 @!p2 $0x0  }
0x1d: {  	s5 =	simm.s32 @p1 $0x1;
	p0 =	seq.s32 s7, s2  }
0x1e: {  	s7 =	smul.u32 @!p0 $0xF7A, s2;
	p2 =	seq.s32 @!p0 s5, $0x0  }
0x1f: {  	s9 =	smul.u32 $0xF7A, s1;
	s8 =	simm.s32 @!p0 $0x1BF5;
	p2 =	por !p2, p0  }
0x20: {  	[sflag:s8] =	ssyncset.s32 @!p0 $0xFFFFF086;
	s6 =	sadd.s32 @!p0 s3, s7;
	s7 =	simm.s32 @!p0 $0x108  }
0x21: {  	s3 =	sadd.s32 s3, s9;
	s6 =	sadd.s32 @!p0 $0x88, s6;
	s7 =	simm.s32 @p2 $0x1082  }
0x22: {  	[simem:s7], [sflag:s8] =	dma.local @!p0 [hbm:s6], $0xF7A  }
0x23: {  	s9 =	sor.u32 $0xD0000000, s2;
	s6 =	simm.s32 $0x108;
	_ =	swait.ge @!p0 [sflag:s8], $0x0  }
0x24: {  	s3 =	sadd.s32 $0x88, s3;
	s6 =	simm.s32 @!p1 $0x1082;
	[sflag:s4] =	ssyncset.s32 $0xFFFFF086  }
0x25: {  	[simem:s6], [sflag:s4] =	dma.local [hbm:s3], $0xF7A  }
0x26: {  	[smem:$0x3F9C] =	sst s1;
	(tag) =	ssettag s2;
	_ =	strace s9  }
0x27: {  	s1 =	sld [smem:$0x3FAC]  }
0x28: {  	s2 =	sld [smem:$0x3FAD]  }
0x29: {  	s4 =	sld [smem:$0x3FAF]  }
0x2a: {  	p0 =	seq.s32 s5, $0x0;
	s5 =	sld [smem:$0x3FB0]  }
0x2b: {  	s6 =	sld [smem:$0x3FB1]  }
0x2c: {  	s7 =	sld [smem:$0x3FB2]  }
0x2d: {  	s3 =	simm.s32 $0x108;
	s8 =	sld [smem:$0x3FB3]  }
0x2e: {  	s3 =	simm.s32 @!p0 $0x1082;
	s9 =	sld [smem:$0x3FB4]  }
0x2f: {  	lr =	sadd.s32 s0, s3;
	s0 =	sld [smem:$0x3FAB]  }
0x30: {  	s3 =	sld [smem:$0x3FAE]  }
0x31: {  	[smem:$0x3FB7] =	sst s10  }
0x32: {  	s10 =	sld [smem:$0x3FB5];
	_ =	sdelay $0x3  }
0x33: {  	p0 =	seq.s32 s10, $0x1;
	s10 =	sld [smem:$0x3FB7];
	_ =	sdelay $0x3  }
0x34: {  	[smem:$0x3FB7] =	sst s10  }
0x35: {  	s10 =	sld [smem:$0x3FB6];
	_ =	sdelay $0x3  }
0x36: {  	p1 =	seq.s32 s10, $0x1;
	s10 =	sld [smem:$0x3FB7];
	_ =	sdelay $0x3  }
0x37: {  	[smem:$0x3FB7] =	sst s10  }
0x38: {  	s10 =	sld [smem:$0x3FB8]  }
0x39: {  	_ = 	snop;
	(pc) =	sbr.ind lr, $3  }
0x3a: {  	_ = 	snop  }
0x3b: {  	_ = 	snop  }
0x3c: {  	p2 =	seq.s32 s10, $0x1;
	s10 =	sld [smem:$0x3FB7]  }
0x3d: {  	_ =	shalt  }
0x3e: {  	_ =	shalt  }
0x3f: {  	_ =	shalt  }
0x40: {  	_ =	shalt  }
0x41: {  	_ =	shalt  }
0x42: {  	_ =	shalt  }
0x43: {  	_ =	shalt  }
0x44: {  	_ =	shalt  }
0x45: {  	_ =	shalt  }
0x46: {  	_ =	shalt  }
0x47: {  	_ =	shalt  }
0x48: {  	_ =	shalt  }
0x49: {  	_ =	shalt  }
0x4a: {  	_ =	shalt  }
0x4b: {  	_ =	shalt  }
0x4c: {  	_ =	shalt  }
0x4d: {  	_ =	shalt  }
0x4e: {  	_ =	shalt  }
0x4f: {  	_ =	shalt  }
0x50: {  	_ =	shalt  }
0x51: {  	_ =	shalt  }
0x52: {  	_ =	shalt  }
0x53: {  	_ =	shalt  }
0x54: {  	_ =	shalt  }
0x55: {  	_ =	shalt  }
0x56: {  	_ =	shalt  }
0x57: {  	_ =	shalt  }
0x58: {  	_ =	shalt  }
0x59: {  	_ =	shalt  }
0x5a: {  	_ =	shalt  }
0x5b: {  	_ =	shalt  }
0x5c: {  	_ =	shalt  }
0x5d: {  	_ =	shalt  }
0x5e: {  	_ =	shalt  }
0x5f: {  	_ =	shalt  }
0x60: {  	_ =	shalt  }
0x61: {  	_ =	shalt  }
0x62: {  	_ =	shalt  }
0x63: {  	_ =	shalt  }
0x64: {  	_ =	shalt  }
0x65: {  	_ =	shalt  }
0x66: {  	_ =	shalt  }
0x67: {  	_ =	shalt  }
0x68: {  	_ =	shalt  }
0x69: {  	_ =	shalt  }
0x6a: {  	_ =	shalt  }
0x6b: {  	_ =	shalt  }
0x6c: {  	_ =	shalt  }
0x6d: {  	_ =	shalt  }
0x6e: {  	_ =	shalt  }
0x6f: {  	_ =	shalt  }
0x70: {  	_ =	shalt  }
0x71: {  	_ =	shalt  }
0x72: {  	_ =	shalt  }
0x73: {  	_ =	shalt  }
0x74: {  	_ =	shalt  }
0x75: {  	_ =	shalt  }
0x76: {  	_ =	shalt  }
0x77: {  	_ =	shalt  }
0x78: {  	_ =	shalt  }
0x79: {  	_ =	shalt  }
0x7a: {  	_ =	shalt  }
0x7b: {  	_ =	shalt  }
0x7c: {  	_ =	shalt  }
0x7d: {  	_ =	shalt  }
0x7e: {  	_ =	shalt  }
0x7f: {  	_ =	shalt  }
0x80: {  	_ =	shalt  }
0x81: {  	_ =	shalt  }
0x82: {  	_ =	shalt  }
0x83: {  	_ =	shalt  }
0x84: {  	_ =	shalt  }
0x85: {  	_ =	shalt  }
0x86: {  	_ =	shalt  }
0x87: {  	_ =	shalt  }
.Lfunc_end0:
.L_simem_size_0:
called_computation_lowered:
.L_overlay_start_0:
0x88: {  	s2 =	sld [smem:$0x3FD9]  }
0x89: {  	s3 =	sld [smem:$0x3FFE];
	_ =	sdelay $0x1  }
0x8a: {  	s1 =	srdreg.scid  }
0x8b: {  	s0 =	sand.u32 $0x1, s1  }
0x8c: {  	s17 =	sshll.u32 s0, $0xA;
	s2 =	sadd.s32 s3, s2  }
0x8d: {  	s2 =	sadd.s32 s2, s17  }
0x8e: {  	[smem:$0x3FC3] =	sst s2  }
0x8f: {  	_ = 	snop  }
0x90: {  	s2 =	sld [smem:$0x3FC9]  }
0x91: {  	s18 =	sld [smem:$0x3FC8]  }
0x92: {  	s4 =	sld [smem:$0x3FC7]  }
0x93: {  	s5 =	sld [smem:$0x3FC6];
	(tm) =	ssettm $0x1  }
0x94: {  	s6 =	sld [smem:$0x3FFB];
	_ =	sdelay $0x3  }
0x95: {  	_ =	strace s6  }
0x96: {  	s6 =	sld [smem:$0x3FFC];
	_ =	sdelay $0x3  }
0x97: {  	_ =	strace s6  }
0x98: {  	s6 =	sld [smem:$0x3FFD];
	_ =	sdelay $0x3  }
0x99: {  	_ =	strace s6  }
0x9a: {  	_ =	strace $0x8FFFFFFF  }
0x9b: {  	s19 =	sld [smem:$0x3FDB];
	_ =	sdelay $0x1  }
0x9c: {  	s7 =	simm.s32 $_scs_section_size  }
0x9d: {  	s8 =	simm.s32 $_size__tile_overlayer_lowered;
	s9 =	simm.s32 $_tile_overlayer_lowered  }
0x9e: {  	s22 =	simm.s32 $0x1BFF;
	s21 =	sshll.u32 s9, $0x1;
	s6 =	sadd.s32 s7, s19  }
0x9f: {  	s10 =	simm.s32 $0x0;
	s20 =	sshll.u32 s8, $0x1;
	s8 =	sadd.s32 s21, s6  }
0xa0: {  	[timem:s10], [sflag:s22] =	dma.local [hbm:s8], s20  }
0xa1: {  	_ =	swait.ge [sflag:s22], s20  }
0xa2: {  	s7 =	ssub.s32 $0x0, s20;
	[sflag:s22] =	ssyncset.done $0x0  }
0xa3: {  	[sflag:s22] =	ssyncadd.s32 s7;
	_ =	sdelay $0x1  }
0xa4: {  	s23 =	simm.s32 $0x1B8B  }
0xa5: {  	_ =	swait.ge [sflag:s23], $0x1  }
0xa6: {  	[sflag:s23] =	ssyncset.done $0x0  }
0xa7: {  	s25 =	simm.s32 $0x1B8E;
	s24 =	sld [smem:$0x3FFE];
	[sflag:s23] =	ssyncadd.s32 $0xFFFFFFFF  }
0xa8: {  	s26 =	simm.s32 $execute0_lowered;
	[smem:$0x3FD2] =	sst s25  }
0xa9: {  	s8 =	sshll.u32 s26, $0x1;
	_ =	strace $0x80000046;
	[dreg:$0x1] =	wrdreg $0xFFFFFFFF  }
0xaa: {  	s28 =	simm.s32 $_size_execute0_lowered;
	s6 =	sadd.s32 s6, s8;
	[dreg:$0x0] =	wrdreg $0x0  }
0xab: {  	s8 =	sshll.u32 s28, $0x1;
	[dreg:$0x2] =	wrdreg s6  }
0xac: {  	[dreg:$0x3] =	wrdreg s8  }
0xad: {  	[dreg:$0x4] =	wrdreg $0xC0  }
0xae: {  	_ =	task [dreg:s10], $0x5FFFF  }
0xaf: {  	[dreg:$0x1] =	wrdreg $0xFFFFFFFF  }
0xb0: {  	[dreg:$0x0] =	wrdreg $0x60  }
0xb1: {  	[dreg:$0x2] =	wrdreg s2  }
0xb2: {  	[dreg:$0x3] =	wrdreg s18  }
0xb3: {  	[dreg:$0x4] =	wrdreg s4  }
0xb4: {  	[dreg:$0x5] =	wrdreg s5  }
0xb5: {  	[dreg:$0x6] =	wrdreg s24  }
0xb6: {  	[dreg:$0x7] =	wrdreg $0x9  }
0xb7: {  	_ =	task.clear_ibuf [dreg:s10], $0x8FFFF;
	_ =	strace $0x90000046  }
0xb8: {  	s29 =	simm.s32 $0x9;
	_ =	strace $0x80000048  }
0xb9: {  	_ =	swait.ge [sflag:s29], $0x1  }
0xba: {  	[sflag:s29] =	ssyncadd.s32 $0xFFFFFFFF  }
0xbb: {  	_ =	strace $0x90000048  }
0xbc: {  	_ =	sfence  }
0xbd: {  	s30 =	sld [smem:$0x0];
	_ =	sdelay $0x2  }
0xbe: {  	s31 =	sshll.u32 s1, $0xD;
	s1 =	sshrl.u32 s1, $0x2  }
0xbf: {  	s3 =	sand.u32 $0x4000, s31;
	s1 =	sadd.s32 s1, s30  }
0xc0: {  	s0 =	sor.u32 s3, s0;
	s1 =	sshll.u32 s1, $0x11  }
0xc1: {  	s0 =	sor.u32 s1, s0  }
0xc2: {  	s0 =	sadd.s32 $0x8F2B, s0  }
0xc3: {  	[sflag:s0] =	ssyncadd.remote.s32 $0x1  }
0xc4: {  	_ =	sfence.sel $0xFFFF  }
0xc5: {  	[dreg:$0x0] =	wrdreg $0xFFFFFFFF;
	(pc) =	sbr.abs _section_cstart, $3  }
0xc6: {  	[dreg:$0x1] =	wrdreg $0xFFFFFFFF  }
0xc7: {  	_ =	task.clear_ibuf [dreg:s10], $0x2FFFF;
	_ =	strace $0x9FFFFFFF  }
0xc8: {  	(tm) =	ssettm $0x7FFFFFFF  }
0xc9: {  	_ =	shalt  }
tec
execute0_lowered:
.L_overlay_start_1:
0x0: {  	(tag) =	ssettag $0x1  }
0x1: {  	s5 =	rddreg [dreg:$0x0];
	v0 =	vimm.s32 $0xBA98FEDC;
	v1 =	vimm.s32 $0x32107654;
	v2 =	vimm.s32 $0x76543210  }
0x2: {  	s6 =	rddreg [dreg:$0x1];
	v3 =	vimm.s32 $0xFEDCBA98;
	v4 =	vimm.s32 $0xDCFE98BA;
	v60 =	vimm.s32 $0x54761032  }
0x3: {  	s0 =	rddreg [dreg:$0x2];
	v5 =	vimm.s32 $0xEFCDAB89;
	v6 =	vimm.s32 $0x67452301;
	v0 =	vunpack.c.l.s4.s8 v0  }
0x4: {  	s1 =	rddreg [dreg:$0x3];
	v1 =	vunpack.c.l.s4.s8 v1;
	v59 =	vunpack.c.l.s4.s8 v4;
	v3 =	vunpack.c.l.s4.s8 v3  }
0x5: {  	s7 =	rddreg [dreg:$0x4];
	v4 =	vunpack.c.l.s4.s8 v60;
	v5 =	vunpack.c.l.s4.s8 v5;
	v2 =	vunpack.c.l.s4.s8 v2  }
0x6: {  	s2 =	rddreg [dreg:$0x5];
	s8 =	srdreg.scid;
	v6 =	vunpack.c.l.s4.s8 v6;
	v0 =	vunpack.c.0.s8.s32 v0;
	v3 =	vunpack.c.0.s8.s32 v3  }
0x7: {  	s4 =	simm.s32 $0x0;
	s3 =	stileid.u32;
	s12 =	simm.s32 $0xD200;
	v1 =	vunpack.c.0.s8.s32 v1;
	v4 =	vunpack.c.0.s8.s32 v4;
	v2 =	vunpack.c.0.s8.s32 v2  }
0x8: {  	s13 =	simm.s32 $0xD280;
	s14 =	simm.s32 $0xD300;
	s15 =	simm.s32 $0x0;
	v5 =	vunpack.c.0.s8.s32 v5;
	v6 =	vunpack.c.0.s8.s32 v6;
	v3 =	vand.u32 $0xF, v3  }
0x9: {  	s8 =	sand.u32 $0x1, s8;
	[smem:$0x7FF] =	sst s4;
	s10 =	sshll.u32 s3, $0x1;
	v0 =	vcombine.low v1, v0;
	v1 =	vunpack.c.0.s8.s32 v59;
	v2 =	vcombine.low v3, v2  }
0xa: {  	s9 =	ssub.s32 $0x2, s8;
	_ =	strace $0x80000047;
	s8 =	sor.u32 s8, s10;
	v61 =	vcombine.low v6, v5  }
0xb: {  	s11 =	sshrl.u32 s9, $0x1;
	s10 =	sshll.u32 s8, $0x9;
	s31 =	sshll.u32 s8, $0x6;
	v1 =	vcombine.low v4, v1;
	v0 =	vand.u32 $0xF, v0;
	[tilespmem:$0x1FFC0] =	vst v2  }
0xc: {  	s8 =	sshll.u32 s8, $0x4;
	s9 =	ssub.s32 s9, s11;
	s5 =	sadd.s32 s5, s10;
	v63 =	vand.u32 $0xF, v61;
	[tilespmem:$0x1FFD0] =	vst v0  }
0xd: {  	s6 =	sadd.s32 s6, s31;
	s7 =	sadd.s32 s7, s8;
	s10 =	simm.s32 $0x20000;
	[tilespmem:$0x1FFF0] =	vst v63;
	v62 =	vand.u32 $0xF, v1  }
0xe: {  	vm0 =	vcmask $0x3F0C;
	vm1 =	vcmask $0x3F08;
	s11 =	simm.s32 $0x1;
	s8 =	smax.u32 s9, $0x1;
	s9 =	simm.s32 $0x1000;
	[tilespmem:$0x1FFE0] =	vst v62  }
.LBB2_1:
0xf: {  	[tilespmem:s4], [sflag:$0x1] =	stream.strided.gather [hbm4b:s5+s9], $0xD000, s10, s9, $0x38;
	[tilespmem:$0xD380] =	vst v63  }
0x10: {  	_ =	swait.ge [sflag:s11], $0xD000  }
0x11: {  	[sflag:s11] =	ssyncset.done $0x0  }
0x12: {  	s16 =	simm.s32 $0xD000;
	[sflag:s11] =	ssyncadd.s32 $0xFFFF3000  }
0x13: {  	[tilespmem:s16], [sflag:$0x1] =	stream.linear.gather [hbm4b:s6+s4], $0x200, $0x38;
	[tilespmem:$0xD380] =	vst v63  }
0x14: {  	_ =	swait.ge [sflag:s11], $0x200  }
0x15: {  	[sflag:s11] =	ssyncset.done $0x0  }
0x16: {  	[sflag:s11] =	ssyncadd.s32 $0xFFFFFE00  }
0x17: {  	[tilespmem:s12], [sflag:$0x1] =	stream.linear.gather [hbm4b:s0+s4], $0x80, $0x38;
	[tilespmem:$0xD380] =	vst v63  }
0x18: {  	_ =	swait.ge [sflag:s11], $0x80  }
0x19: {  	[sflag:s11] =	ssyncset.done $0x0  }
0x1a: {  	[sflag:s11] =	ssyncadd.s32 $0xFFFFFF80  }
0x1b: {  	[tilespmem:s13], [sflag:$0x1] =	stream.linear.gather [hbm4b:s1+s4], $0x80, $0x38;
	[tilespmem:$0xD380] =	vst v63  }
0x1c: {  	_ =	swait.ge [sflag:s11], $0x80  }
0x1d: {  	s17 =	sand.u32 $0x70, s4;
	s18 =	sand.u32 $0xC00, s4;
	[sflag:s11] =	ssyncset.done $0x0  }
0x1e: {  	s17 =	sor.u32 s17, s18;
	[sflag:s11] =	ssyncadd.s32 $0xFFFFFF80  }
0x1f: {  	v7 =	vld [tilespmem:s17+$0x0]  }
0x20: {  	v6 =	vld [tilespmem:s17+$0x80]  }
0x21: {  	v9 =	vld [tilespmem:s17+$0x100]  }
0x22: {  	v8 =	vld [tilespmem:s17+$0x180]  }
0x23: {  	v10 =	vld [tilespmem:s17+$0x200]  }
0x24: {  	v11 =	vld [tilespmem:s17+$0x280]  }
0x25: {  	v12 =	vld [tilespmem:s17+$0x300];
	v1 =	vmax.f32 v7, v6  }
0x26: {  	v13 =	vld [tilespmem:s17+$0x380];
	v1 =	vmax.f32 v1, v9  }
0x27: {  	v15 =	vld [tilespmem:s17+$0x1000];
	v1 =	vmax.f32 v1, v8  }
0x28: {  	v14 =	vld [tilespmem:s17+$0x1080];
	v1 =	vmax.f32 v1, v10  }
0x29: {  	v16 =	vld [tilespmem:s17+$0x1100];
	v1 =	vmax.f32 v1, v11  }
0x2a: {  	v19 =	vld [tilespmem:s17+$0x1180];
	v1 =	vmax.f32 v1, v12  }
0x2b: {  	v18 =	vld [tilespmem:s17+$0x1200];
	v1 =	vmax.f32 v1, v13  }
0x2c: {  	v20 =	vld [tilespmem:s17+$0x1280];
	v1 =	vmax.f32 v1, v15  }
0x2d: {  	v21 =	vld [tilespmem:s17+$0x1300];
	v1 =	vmax.f32 v1, v14  }
0x2e: {  	v22 =	vld [tilespmem:s17+$0x1380];
	v1 =	vmax.f32 v1, v16  }
0x2f: {  	v17 =	vld [tilespmem:s17+$0x2000];
	v1 =	vmax.f32 v1, v19  }
0x30: {  	v23 =	vld [tilespmem:s17+$0x2080];
	v1 =	vmax.f32 v1, v18  }
0x31: {  	v24 =	vld [tilespmem:s17+$0x2100];
	v1 =	vmax.f32 v1, v20  }
0x32: {  	v25 =	vld [tilespmem:s17+$0x2180];
	v1 =	vmax.f32 v1, v21  }
0x33: {  	v26 =	vld [tilespmem:s17+$0x2200];
	v1 =	vmax.f32 v1, v22  }
0x34: {  	v27 =	vld [tilespmem:s17+$0x2280];
	v1 =	vmax.f32 v1, v17  }
0x35: {  	v28 =	vld [tilespmem:s17+$0x2300];
	v1 =	vmax.f32 v1, v23  }
0x36: {  	v63 =	vld [tilespmem:s17+$0x2380];
	v1 =	vmax.f32 v1, v24  }
0x37: {  	v62 =	vld [tilespmem:s17+$0x3000];
	v1 =	vmax.f32 v1, v25  }
0x38: {  	v61 =	vld [tilespmem:s17+$0x3080];
	v1 =	vmax.f32 v1, v26  }
0x39: {  	v60 =	vld [tilespmem:s17+$0x3100];
	v1 =	vmax.f32 v1, v27  }
0x3a: {  	v59 =	vld [tilespmem:s17+$0x3180];
	v1 =	vmax.f32 v1, v28  }
0x3b: {  	v58 =	vld [tilespmem:s17+$0x3200];
	v1 =	vmax.f32 v1, v63  }
0x3c: {  	v57 =	vld [tilespmem:s17+$0x3280];
	v1 =	vmax.f32 v1, v62  }
0x3d: {  	v56 =	vld [tilespmem:s17+$0x3300];
	v1 =	vmax.f32 v1, v61  }
0x3e: {  	v55 =	vld [tilespmem:s17+$0x3380];
	v1 =	vmax.f32 v1, v60  }
0x3f: {  	v54 =	vld [tilespmem:s17+$0x4000];
	v1 =	vmax.f32 v1, v59  }
0x40: {  	v53 =	vld [tilespmem:s17+$0x4080];
	v1 =	vmax.f32 v1, v58  }
0x41: {  	v52 =	vld [tilespmem:s17+$0x4100];
	v1 =	vmax.f32 v1, v57  }
0x42: {  	v51 =	vld [tilespmem:s17+$0x4180];
	v1 =	vmax.f32 v1, v56  }
0x43: {  	v43 =	vld [tilespmem:s17+$0x4200];
	v1 =	vmax.f32 v1, v55  }
0x44: {  	v42 =	vld [tilespmem:s17+$0x4280];
	v1 =	vmax.f32 v1, v54  }
0x45: {  	v31 =	vld [tilespmem:s17+$0x4300];
	v1 =	vmax.f32 v1, v53  }
0x46: {  	v29 =	vld [tilespmem:s17+$0x4380];
	v1 =	vmax.f32 v1, v52  }
0x47: {  	v30 =	vld [tilespmem:s17+$0x5000];
	v1 =	vmax.f32 v1, v51  }
0x48: {  	v32 =	vld [tilespmem:s17+$0x5080];
	v1 =	vmax.f32 v1, v43  }
0x49: {  	v33 =	vld [tilespmem:s17+$0x5100];
	v1 =	vmax.f32 v1, v42  }
0x4a: {  	v34 =	vld [tilespmem:s17+$0x5180];
	v1 =	vmax.f32 v1, v31  }
0x4b: {  	v35 =	vld [tilespmem:s17+$0x5200];
	v1 =	vmax.f32 v1, v29  }
0x4c: {  	v36 =	vld [tilespmem:s17+$0x5280];
	v1 =	vmax.f32 v1, v30  }
0x4d: {  	v37 =	vld [tilespmem:s17+$0x5300];
	v1 =	vmax.f32 v1, v32  }
0x4e: {  	v38 =	vld [tilespmem:s17+$0x5380];
	v1 =	vmax.f32 v1, v33  }
0x4f: {  	v39 =	vld [tilespmem:s17+$0x6000];
	v1 =	vmax.f32 v1, v34  }
0x50: {  	v40 =	vld [tilespmem:s17+$0x6080];
	v1 =	vmax.f32 v1, v35  }
0x51: {  	v41 =	vld [tilespmem:s17+$0x6100];
	v1 =	vmax.f32 v1, v36  }
0x52: {  	v44 =	vld [tilespmem:s17+$0x6180];
	v1 =	vmax.f32 v1, v37  }
0x53: {  	v45 =	vld [tilespmem:s17+$0x6200];
	v1 =	vmax.f32 v1, v38  }
0x54: {  	v46 =	vld [tilespmem:s17+$0x6280];
	v1 =	vmax.f32 v1, v39  }
0x55: {  	v47 =	vld [tilespmem:s17+$0x6300];
	v1 =	vmax.f32 v1, v40  }
0x56: {  	v48 =	vld [tilespmem:s17+$0x6380];
	v1 =	vmax.f32 v1, v41  }
0x57: {  	v49 =	vld [tilespmem:s17+$0x7000];
	v1 =	vmax.f32 v1, v44  }
0x58: {  	v50 =	vld [tilespmem:s17+$0x7080];
	v1 =	vmax.f32 v1, v45  }
0x59: {  	v2 =	vld [tilespmem:s17+$0x7100];
	v1 =	vmax.f32 v1, v46  }
0x5a: {  	v0 =	vld [tilespmem:s17+$0x7180];
	v1 =	vmax.f32 v1, v47  }
0x5b: {  	v5 =	vld [tilespmem:s17+$0x7200];
	v1 =	vmax.f32 v1, v48  }
0x5c: {  	v4 =	vld [tilespmem:s17+$0x7280];
	v1 =	vmax.f32 v1, v49  }
0x5d: {  	v3 =	vld [tilespmem:s17+$0x7300];
	v1 =	vmax.f32 v1, v50  }
0x5e: {  	[tilespmem:$0x1F880] =	vst v2;
	v1 =	vmax.f32 v1, v2;
	v2 =	vld [tilespmem:s17+$0x7380]  }
0x5f: {  	[tilespmem:$0x1F890] =	vst v0;
	v1 =	vmax.f32 v1, v0;
	v0 =	vld [tilespmem:s17+$0x8000]  }
0x60: {  	[tilespmem:$0x1F8A0] =	vst v5;
	v1 =	vmax.f32 v1, v5;
	v5 =	vld [tilespmem:s17+$0x8080]  }
0x61: {  	[tilespmem:$0x1F8B0] =	vst v4;
	v1 =	vmax.f32 v1, v4;
	v4 =	vld [tilespmem:s17+$0x8100]  }
0x62: {  	[tilespmem:$0x1F8C0] =	vst v3;
	v1 =	vmax.f32 v1, v3;
	v3 =	vld [tilespmem:s17+$0x8180]  }
0x63: {  	[tilespmem:$0x1F8D0] =	vst v2;
	v1 =	vmax.f32 v1, v2;
	v2 =	vld [tilespmem:s17+$0x8200]  }
0x64: {  	[tilespmem:$0x1F8E0] =	vst v0;
	v1 =	vmax.f32 v1, v0;
	v0 =	vld [tilespmem:s17+$0x8280]  }
0x65: {  	[tilespmem:$0x1F8F0] =	vst v5;
	v1 =	vmax.f32 v1, v5;
	v5 =	vld [tilespmem:s17+$0x8300]  }
0x66: {  	[tilespmem:$0x1F900] =	vst v4;
	v1 =	vmax.f32 v1, v4;
	v4 =	vld [tilespmem:s17+$0x8380]  }
0x67: {  	[tilespmem:$0x1F910] =	vst v3;
	v1 =	vmax.f32 v1, v3;
	v3 =	vld [tilespmem:s17+$0x9000]  }
0x68: {  	[tilespmem:$0x1F920] =	vst v2;
	v1 =	vmax.f32 v1, v2;
	v2 =	vld [tilespmem:s17+$0x9080]  }
0x69: {  	[tilespmem:$0x1F930] =	vst v0;
	v1 =	vmax.f32 v1, v0;
	v0 =	vld [tilespmem:s17+$0x9100]  }
0x6a: {  	[tilespmem:$0x1F940] =	vst v5;
	v1 =	vmax.f32 v1, v5;
	v5 =	vld [tilespmem:s17+$0x9180]  }
0x6b: {  	[tilespmem:$0x1F950] =	vst v4;
	v1 =	vmax.f32 v1, v4;
	v4 =	vld [tilespmem:s17+$0x9200]  }
0x6c: {  	[tilespmem:$0x1F960] =	vst v3;
	v1 =	vmax.f32 v1, v3;
	v3 =	vld [tilespmem:s17+$0x9280]  }
0x6d: {  	[tilespmem:$0x1F970] =	vst v2;
	v1 =	vmax.f32 v1, v2;
	v2 =	vld [tilespmem:s17+$0x9300]  }
0x6e: {  	[tilespmem:$0x1F980] =	vst v0;
	v1 =	vmax.f32 v1, v0;
	v0 =	vld [tilespmem:s17+$0x9380]  }
0x6f: {  	[tilespmem:$0x1F990] =	vst v5;
	v1 =	vmax.f32 v1, v5;
	v5 =	vld [tilespmem:s17+$0xA000]  }
0x70: {  	[tilespmem:$0x1F9A0] =	vst v4;
	v1 =	vmax.f32 v1, v4;
	v4 =	vld [tilespmem:s17+$0xA080]  }
0x71: {  	[tilespmem:$0x1F9B0] =	vst v3;
	v1 =	vmax.f32 v1, v3;
	v3 =	vld [tilespmem:s17+$0xA100]  }
0x72: {  	[tilespmem:$0x1F9C0] =	vst v2;
	v1 =	vmax.f32 v1, v2;
	v2 =	vld [tilespmem:s17+$0xA180]  }
0x73: {  	[tilespmem:$0x1F9D0] =	vst v0;
	v1 =	vmax.f32 v1, v0;
	v0 =	vld [tilespmem:s17+$0xA200]  }
0x74: {  	[tilespmem:$0x1F9E0] =	vst v5;
	v1 =	vmax.f32 v1, v5;
	v5 =	vld [tilespmem:s17+$0xA280]  }
0x75: {  	[tilespmem:$0x1F9F0] =	vst v4;
	v1 =	vmax.f32 v1, v4;
	v4 =	vld [tilespmem:s17+$0xA300]  }
0x76: {  	[tilespmem:$0x1FA00] =	vst v3;
	v1 =	vmax.f32 v1, v3;
	v3 =	vld [tilespmem:s17+$0xA380]  }
0x77: {  	[tilespmem:$0x1FA10] =	vst v2;
	v1 =	vmax.f32 v1, v2;
	v2 =	vld [tilespmem:s17+$0xB000]  }
0x78: {  	[tilespmem:$0x1FA50] =	vst v0;
	v1 =	vmax.f32 v1, v0;
	v0 =	vld [tilespmem:s17+$0xB080]  }
0x79: {  	[tilespmem:$0x1FA80] =	vst v5;
	v1 =	vmax.f32 v1, v5;
	v5 =	vld [tilespmem:s17+$0xB100]  }
0x7a: {  	[tilespmem:$0x1FAC0] =	vst v4;
	v1 =	vmax.f32 v1, v4;
	v4 =	vld [tilespmem:s17+$0xB180]  }
0x7b: {  	[tilespmem:$0x1FB00] =	vst v3;
	v1 =	vmax.f32 v1, v3;
	v3 =	vld [tilespmem:s17+$0xB200]  }
0x7c: {  	[tilespmem:$0x1FB20] =	vst v2;
	v1 =	vmax.f32 v1, v2;
	v2 =	vld [tilespmem:s17+$0xB280]  }
0x7d: {  	[tilespmem:$0x1FB50] =	vst v0;
	v1 =	vmax.f32 v1, v0;
	v0 =	vld [tilespmem:s17+$0xB300]  }
0x7e: {  	[tilespmem:$0x1FBA0] =	vst v5;
	v1 =	vmax.f32 v1, v5;
	v5 =	vld [tilespmem:s17+$0xB380]  }
0x7f: {  	[tilespmem:$0x1FBC0] =	vst v4;
	v1 =	vmax.f32 v1, v4;
	v4 =	vld [tilespmem:s17+$0xC000]  }
0x80: {  	[tilespmem:$0x1FBF0] =	vst v3;
	v1 =	vmax.f32 v1, v3;
	v3 =	vld [tilespmem:s17+$0xC080]  }
0x81: {  	[tilespmem:$0x1FC10] =	vst v2;
	v1 =	vmax.f32 v1, v2;
	v2 =	vld [tilespmem:s17+$0xC100]  }
0x82: {  	[tilespmem:$0x1FC60] =	vst v0;
	v1 =	vmax.f32 v1, v0;
	v0 =	vld [tilespmem:s17+$0xC180]  }
0x83: {  	v1 =	vmax.f32 v1, v5  }
0x84: {  	v1 =	vmax.f32 v1, v4  }
0x85: {  	v1 =	vmax.f32 v1, v3  }
0x86: {  	v1 =	vmax.f32 v1, v2  }
0x87: {  	[tilespmem:$0x1FCD0] =	vst v3;
	v1 =	vmax.f32 v1, v0  }
0x88: {  	[tilespmem:$0x1FD40] =	vst v0;
	v0 =	vsub.f32 v7, v1  }
0x89: {  	[tilespmem:$0x1FD20] =	vst v2;
	v2 =	vsub.f32 v6, v1;
	v3 =	vsub.f32 v9, v1  }
0x8a: {  	v0 =	vmul.f32 $3.000000000e+01, v0  }
0x8b: {  	v2 =	vmul.f32 $3.000000000e+01, v2;
	v3 =	vmul.f32 $3.000000000e+01, v3  }
0x8c: {  	[tilespmem:$0x1FCB0] =	vst v4;
	v4 =	vsub.f32 v8, v1;
	v0 =	vmul.f32 $1.442695020e+00, v0  }
0x8d: {  	v2 =	vmul.f32 $1.442695020e+00, v2;
	v3 =	vmul.f32 $1.442695020e+00, v3  }
0x8e: {  	(erf) = vpow2.f32 v0;
	v0 =	vmul.f32 $3.000000000e+01, v4  }
0x8f: {  	(erf) = vpow2.f32 v2  }
0x90: {  	v0 =	vmul.f32 $1.442695020e+00, v0;
	(erf) = vpow2.f32 v3;
	v3 =	vsub.f32 v11, v1  }
0x91: {  	v2 =	vsub.f32 v10, v1  }
0x92: {  	(erf) = vpow2.f32 v0;
	v0 =	vmul.f32 $3.000000000e+01, v3  }
0x93: {  	v2 =	vmul.f32 $3.000000000e+01, v2  }
0x94: {  	v0 =	vmul.f32 $1.442695020e+00, v0  }
0x95: {  	v3 =	vsub.f32 v12, v1;
	v2 =	vmul.f32 $1.442695020e+00, v2;
	_ =	sdelay $0x1  }
0x96: {  	v3 =	vmul.f32 $3.000000000e+01, v3;
	(erf) = vpow2.f32 v2;
	v2 =	vsub.f32 v13, v1  }
0x97: {  	(erf) = vpow2.f32 v0;
	v0 =	vpop (erf)  }
0x98: {  	v3 =	vmul.f32 $1.442695020e+00, v3;
	v2 =	vmul.f32 $3.000000000e+01, v2;
	v4 =	vpop (erf)  }
0x99: {  	v0 =	vadd.f32 v4, v0;
	v4 =	vsub.f32 v15, v1  }
0x9a: {  	(erf) = vpow2.f32 v3;
	v3 =	vsub.f32 v14, v1;
	v2 =	vmul.f32 $1.442695020e+00, v2  }
0x9b: {  	v4 =	vmul.f32 $3.000000000e+01, v4  }
0x9c: {  	[tilespmem:$0x1FC80] =	vst v5;
	v5 =	vpop (erf);
	(erf) = vpow2.f32 v2;
	v2 =	vmul.f32 $3.000000000e+01, v3;
	v3 =	vsub.f32 v16, v1  }
0x9d: {  	v0 =	vadd.f32 v0, v5;
	v4 =	vmul.f32 $1.442695020e+00, v4  }
0x9e: {  	v5 =	vpop (erf);
	v3 =	vmul.f32 $3.000000000e+01, v3;
	v2 =	vmul.f32 $1.442695020e+00, v2  }
0x9f: {  	v0 =	vadd.f32 v0, v5;
	(erf) = vpow2.f32 v4;
	v4 =	vsub.f32 v19, v1  }
0xa0: {  	v5 =	vpop (erf);
	v3 =	vmul.f32 $1.442695020e+00, v3;
	(erf) = vpow2.f32 v2;
	v2 =	vsub.f32 v18, v1  }
0xa1: {  	v0 =	vadd.f32 v0, v5;
	v4 =	vmul.f32 $3.000000000e+01, v4  }
0xa2: {  	v5 =	vpop (erf);
	(erf) = vpow2.f32 v3;
	v3 =	vsub.f32 v20, v1;
	v2 =	vmul.f32 $3.000000000e+01, v2  }
0xa3: {  	v0 =	vadd.f32 v0, v5;
	v5 =	vsub.f32 v17, v1;
	v4 =	vmul.f32 $1.442695020e+00, v4  }
0xa4: {  	v3 =	vmul.f32 $3.000000000e+01, v3;
	v2 =	vmul.f32 $1.442695020e+00, v2  }
0xa5: {  	v5 =	vmul.f32 $3.000000000e+01, v5;
	(erf) = vpow2.f32 v4  }
0xa6: {  	v6 =	vpop (erf);
	v4 =	vsub.f32 v21, v1;
	(erf) = vpow2.f32 v2;
	v2 =	vmul.f32 $1.442695020e+00, v3  }
0xa7: {  	v0 =	vadd.f32 v0, v6;
	v5 =	vmul.f32 $1.442695020e+00, v5  }
0xa8: {  	v6 =	vpop (erf);
	v4 =	vmul.f32 $3.000000000e+01, v4  }
0xa9: {  	v0 =	vadd.f32 v0, v6;
	v3 =	vsub.f32 v22, v1;
	(erf) = vpow2.f32 v5  }
0xaa: {  	(erf) = vpow2.f32 v2;
	v2 =	vpop (erf)  }
0xab: {  	v0 =	vadd.f32 v0, v2;
	v2 =	vmul.f32 $3.000000000e+01, v3;
	v3 =	vmul.f32 $1.442695020e+00, v4  }
0xac: {  	v4 =	vpop (erf)  }
0xad: {  	v0 =	vadd.f32 v0, v4;
	(erf) = vpow2.f32 v3;
	v2 =	vmul.f32 $1.442695020e+00, v2  }
0xae: {  	v3 =	vsub.f32 v23, v1;
	v4 =	vpop (erf)  }
0xaf: {  	v0 =	vadd.f32 v0, v4;
	(erf) = vpow2.f32 v2;
	v2 =	vsub.f32 v24, v1  }
0xb0: {  	v3 =	vmul.f32 $3.000000000e+01, v3;
	v4 =	vpop (erf)  }
0xb1: {  	v0 =	vadd.f32 v0, v4;
	v2 =	vmul.f32 $3.000000000e+01, v2  }
0xb2: {  	v5 =	vpop (erf);
	v4 =	vsub.f32 v25, v1;
	v3 =	vmul.f32 $1.442695020e+00, v3  }
0xb3: {  	v0 =	vadd.f32 v0, v5;
	v2 =	vmul.f32 $1.442695020e+00, v2;
	v5 =	vpop (erf)  }
0xb4: {  	(erf) = vpow2.f32 v3;
	v3 =	vsub.f32 v26, v1;
	v4 =	vmul.f32 $3.000000000e+01, v4;
	v6 =	vpop (erf)  }
0xb5: {  	(erf) = vpow2.f32 v2;
	v0 =	vadd.f32 v0, v6;
	v2 =	vsub.f32 v27, v1  }
0xb6: {  	v3 =	vmul.f32 $3.000000000e+01, v3;
	v4 =	vmul.f32 $1.442695020e+00, v4;
	v6 =	vpop (erf)  }
0xb7: {  	v0 =	vadd.f32 v0, v6;
	v2 =	vmul.f32 $3.000000000e+01, v2  }
0xb8: {  	(erf) = vpow2.f32 v4;
	v3 =	vmul.f32 $1.442695020e+00, v3;
	v4 =	vsub.f32 v28, v1;
	v6 =	vpop (erf)  }
0xb9: {  	v0 =	vadd.f32 v0, v6;
	v2 =	vmul.f32 $1.442695020e+00, v2  }
0xba: {  	(erf) = vpow2.f32 v3;
	v3 =	vmul.f32 $3.000000000e+01, v4;
	v4 =	vsub.f32 v63, v1  }
0xbb: {  	(erf) = vpow2.f32 v2  }
0xbc: {  	v0 =	vadd.f32 v0, v5;
	v63 =	vmul.f32 $1.442695020e+00, v3;
	v3 =	vmul.f32 $3.000000000e+01, v4  }
0xbd: {  	v4 =	vsub.f32 v62, v1;
	v5 =	vpop (erf)  }
0xbe: {  	v0 =	vadd.f32 v0, v5;
	(erf) = vpow2.f32 v63;
	v62 =	vmul.f32 $1.442695020e+00, v3  }
0xbf: {  	v3 =	vmul.f32 $3.000000000e+01, v4;
	v4 =	vsub.f32 v61, v1;
	v5 =	vpop (erf)  }
0xc0: {  	v63 =	vsub.f32 v60, v1;
	v0 =	vadd.f32 v0, v5;
	(erf) = vpow2.f32 v62  }
0xc1: {  	v4 =	vmul.f32 $3.000000000e+01, v4;
	v3 =	vmul.f32 $1.442695020e+00, v3;
	v5 =	vpop (erf)  }
0xc2: {  	v2 =	vmul.f32 $3.000000000e+01, v63;
	v0 =	vadd.f32 v0, v5  }
0xc3: {  	(erf) = vpow2.f32 v3;
	v3 =	vsub.f32 v59, v1;
	v4 =	vmul.f32 $1.442695020e+00, v4;
	v5 =	vpop (erf)  }
0xc4: {  	v2 =	vmul.f32 $1.442695020e+00, v2;
	v0 =	vadd.f32 v0, v5  }
0xc5: {  	(erf) = vpow2.f32 v4;
	v3 =	vmul.f32 $3.000000000e+01, v3;
	v4 =	vsub.f32 v58, v1;
	v5 =	vpop (erf)  }
0xc6: {  	v58 =	vsub.f32 v57, v1;
	(erf) = vpow2.f32 v2;
	v0 =	vadd.f32 v0, v5  }
0xc7: {  	v4 =	vmul.f32 $3.000000000e+01, v4;
	v3 =	vmul.f32 $1.442695020e+00, v3;
	v5 =	vpop (erf)  }
0xc8: {  	v2 =	vmul.f32 $3.000000000e+01, v58;
	v0 =	vadd.f32 v0, v5  }
0xc9: {  	(erf) = vpow2.f32 v3;
	v3 =	vsub.f32 v56, v1;
	v4 =	vmul.f32 $1.442695020e+00, v4;
	v5 =	vpop (erf)  }
0xca: {  	v2 =	vmul.f32 $1.442695020e+00, v2;
	v0 =	vadd.f32 v0, v5  }
0xcb: {  	(erf) = vpow2.f32 v4;
	v3 =	vmul.f32 $3.000000000e+01, v3;
	v4 =	vsub.f32 v55, v1  }
0xcc: {  	(erf) = vpow2.f32 v2;
	v59 =	vpop (erf)  }
0xcd: {  	v0 =	vadd.f32 v0, v59;
	v60 =	vmul.f32 $3.000000000e+01, v4;
	v3 =	vmul.f32 $1.442695020e+00, v3  }
0xce: {  	v4 =	vsub.f32 v54, v1;
	v5 =	vpop (erf)  }
0xcf: {  	v0 =	vadd.f32 v0, v5;
	(erf) = vpow2.f32 v3;
	v2 =	vmul.f32 $1.442695020e+00, v60  }
0xd0: {  	v3 =	vmul.f32 $3.000000000e+01, v4;
	v4 =	vsub.f32 v53, v1;
	v5 =	vpop (erf)  }
0xd1: {  	v61 =	vsub.f32 v52, v1;
	v0 =	vadd.f32 v0, v5;
	(erf) = vpow2.f32 v2  }
0xd2: {  	v4 =	vmul.f32 $3.000000000e+01, v4;
	v3 =	vmul.f32 $1.442695020e+00, v3;
	v5 =	vpop (erf)  }
0xd3: {  	v2 =	vmul.f32 $3.000000000e+01, v61;
	v0 =	vadd.f32 v0, v5  }
0xd4: {  	(erf) = vpow2.f32 v3;
	v3 =	vsub.f32 v51, v1;
	v4 =	vmul.f32 $1.442695020e+00, v4;
	v5 =	vpop (erf)  }
0xd5: {  	v2 =	vmul.f32 $1.442695020e+00, v2;
	v0 =	vadd.f32 v0, v5  }
0xd6: {  	(erf) = vpow2.f32 v4;
	v3 =	vmul.f32 $3.000000000e+01, v3;
	v4 =	vsub.f32 v43, v1;
	v5 =	vpop (erf)  }
0xd7: {  	v62 =	vsub.f32 v42, v1;
	(erf) = vpow2.f32 v2;
	v0 =	vadd.f32 v0, v5  }
0xd8: {  	v4 =	vmul.f32 $3.000000000e+01, v4;
	v3 =	vmul.f32 $1.442695020e+00, v3;
	v5 =	vpop (erf)  }
0xd9: {  	v2 =	vmul.f32 $3.000000000e+01, v62;
	v0 =	vadd.f32 v0, v5  }
0xda: {  	(erf) = vpow2.f32 v3;
	v3 =	vsub.f32 v31, v1;
	v4 =	vmul.f32 $1.442695020e+00, v4;
	v5 =	vpop (erf)  }
0xdb: {  	v2 =	vmul.f32 $1.442695020e+00, v2;
	v0 =	vadd.f32 v0, v5  }
0xdc: {  	(erf) = vpow2.f32 v4;
	v3 =	vmul.f32 $3.000000000e+01, v3;
	v4 =	vsub.f32 v29, v1  }
0xdd: {  	(erf) = vpow2.f32 v2;
	v5 =	vpop (erf)  }
0xde: {  	v0 =	vadd.f32 v0, v5;
	v4 =	vmul.f32 $3.000000000e+01, v4;
	v3 =	vmul.f32 $1.442695020e+00, v3  }
0xdf: {  	v63 =	vsub.f32 v30, v1;
	v5 =	vsub.f32 v32, v1;
	v6 =	vpop (erf)  }
0xe0: {  	v0 =	vadd.f32 v0, v6;
	v4 =	vmul.f32 $1.442695020e+00, v4;
	(erf) = vpow2.f32 v3  }
0xe1: {  	v2 =	vmul.f32 $3.000000000e+01, v63;
	v3 =	vmul.f32 $3.000000000e+01, v5;
	v6 =	vpop (erf)  }
0xe2: {  	v5 =	vsub.f32 v33, v1;
	v0 =	vadd.f32 v0, v6;
	(erf) = vpow2.f32 v4  }
0xe3: {  	v2 =	vmul.f32 $1.442695020e+00, v2;
	v33 =	vlaneseq.u32;
	v7 =	vpop (erf)  }
0xe4: {  	v5 =	vmul.f32 $3.000000000e+01, v5;
	v6 =	vsub.f32 v34, v1;
	v0 =	vadd.f32 v0, v7  }
0xe5: {  	v3 =	vmul.f32 $1.442695020e+00, v3;
	(erf) = vpow2.f32 v2;
	v7 =	vsub.f32 v35, v1;
	v8 =	vpop (erf)  }
0xe6: {  	v6 =	vmul.f32 $3.000000000e+01, v6;
	v0 =	vadd.f32 v0, v8;
	v8 =	vmul.f32 $1.442695020e+00, v5  }
0xe7: {  	v4 =	vmov s4;
	(erf) = vpow2.f32 v3;
	v3 =	vmul.f32 $3.000000000e+01, v7;
	v9 =	vpop (erf)  }
0xe8: {  	v7 =	vsub.f32 v36, v1;
	v0 =	vadd.f32 v0, v9;
	(erf) = vpow2.f32 v8  }
0xe9: {  	v2 =	vor.u32 s4, v33;
	v6 =	vmul.f32 $1.442695020e+00, v6;
	v8 =	vsub.f32 v37, v1;
	v9 =	vpop (erf)  }
0xea: {  	v7 =	vmul.f32 $3.000000000e+01, v7;
	v3 =	vmul.f32 $1.442695020e+00, v3;
	v0 =	vadd.f32 v0, v9  }
0xeb: {  	s28 =	simm.s32 $0x10;
	s29 =	simm.s32 $0x80;
	(erf) = vpow2.f32 v6;
	v6 =	vmul.f32 $3.000000000e+01, v8;
	v8 =	vsub.f32 v38, v1;
	v9 =	vpop (erf)  }
0xec: {  	s30 =	sand.u32 $0x70, s28;
	v12 =	vld [tilespmem:s16+$0x0];
	s16 =	sand.u32 $0xC00, s29;
	v4 =	vshll.u32 v4, $0x3;
	v0 =	vadd.f32 v0, v9;
	v9 =	vsub.f32 v39, v1  }
0xed: {  	s16 =	sor.u32 s30, s16;
	v2 =	vand.u32 $0x7F, v2;
	v7 =	vmul.f32 $1.442695020e+00, v7;
	(erf) = vpow2.f32 v3  }
0xee: {  	v54 =	vld [tilespmem:s16+$0x0];
	v4 =	vand.u32 $0xC00, v4;
	v8 =	vmul.f32 $3.000000000e+01, v8;
	v10 =	vpop (erf);
	v6 =	vmul.f32 $1.442695020e+00, v6  }
0xef: {  	v53 =	vld [tilespmem:s16+$0x80];
	(erf) = vpow2.f32 v7;
	v7 =	vsub.f32 v40, v1;
	v0 =	vadd.f32 v0, v10  }
0xf0: {  	v2 =	vor.u32 v4, v2;
	v4 =	vmul.f32 $3.000000000e+01, v9;
	(erf) = vpow2.f32 v6;
	v9 =	vpop (erf)  }
0xf1: {  	v7 =	vmul.f32 $3.000000000e+01, v7;
	v0 =	vadd.f32 v0, v9;
	v10 =	vpop (erf)  }
0xf2: {  	v8 =	vmul.f32 $1.442695020e+00, v8;
	v4 =	vmul.f32 $1.442695020e+00, v4;
	v9 =	vsub.f32 v41, v1;
	v42 =	vld [tilespmem:s16+$0x100]  }
0xf3: {  	v7 =	vmul.f32 $1.442695020e+00, v7;
	v0 =	vadd.f32 v0, v10;
	v10 =	vsub.f32 v44, v1  }
0xf4: {  	(erf) = vpow2.f32 v8;
	v8 =	vmax.f32 v54, v53;
	v9 =	vmul.f32 $3.000000000e+01, v9  }
0xf5: {  	v11 =	vpop (erf);
	v27 =	vld [tilespmem:s16+$0x180];
	(erf) = vpow2.f32 v4;
	v4 =	vmul.f32 $3.000000000e+01, v10;
	v10 =	vsub.f32 v45, v1  }
0xf6: {  	v16 =	vld [tilespmem:s16+$0x200];
	(erf) = vpow2.f32 v7;
	v0 =	vadd.f32 v0, v11;
	v9 =	vmul.f32 $1.442695020e+00, v9  }
0xf7: {  	v23 =	vld [tilespmem:s16+$0x280];
	v11 =	vpop (erf);
	v7 =	vmax.f32 v8, v42;
	v8 =	vmul.f32 $3.000000000e+01, v10;
	v10 =	vsub.f32 v46, v1  }
0xf8: {  	v6 =	vshll.u32 v12, $0x9;
	v17 =	vld [tilespmem:s16+$0x300];
	v0 =	vadd.f32 v0, v11;
	v4 =	vmul.f32 $1.442695020e+00, v4  }
0xf9: {  	v26 =	vld [tilespmem:s16+$0x380];
	v11 =	vpop (erf);
	(erf) = vpow2.f32 v9;
	v9 =	vmul.f32 $3.000000000e+01, v10;
	v10 =	vsub.f32 v47, v1  }
0xfa: {  	v5 =	vld [tilespmem:$0x1F880];
	v7 =	vmax.f32 v7, v27;
	v0 =	vadd.f32 v0, v11;
	v8 =	vmul.f32 $1.442695020e+00, v8  }
0xfb: {  	v22 =	vld [tilespmem:s16+$0x1000];
	v11 =	vpop (erf);
	(erf) = vpow2.f32 v4;
	v4 =	vand.u32 $0xFFFFF000, v6;
	v6 =	vmul.f32 $3.000000000e+01, v10  }
0xfc: {  	v15 =	vld [tilespmem:s16+$0x1080];
	v7 =	vmax.f32 v7, v16;
	v0 =	vadd.f32 v0, v11;
	v9 =	vmul.f32 $1.442695020e+00, v9  }
0xfd: {  	v13 =	vld [tilespmem:s16+$0x1100];
	v7 =	vmax.f32 v7, v23;
	v11 =	vpop (erf);
	(erf) = vpow2.f32 v8;
	v6 =	vmul.f32 $1.442695020e+00, v6  }
0xfe: {  	v34 =	vld [tilespmem:$0x1F8A0];
	v10 =	vsub.f32 v48, v1;
	v0 =	vadd.f32 v0, v11;
	(erf) = vpow2.f32 v9  }
0xff: {  	v11 =	vpop (erf);
	(erf) = vpow2.f32 v6;
	v6 =	vmax.f32 v7, v17;
	v7 =	vsub.f32 v5, v1;
	v5 =	vld [tilespmem:$0x1F890]  }
0x100: {  	v35 =	vld [tilespmem:$0x1F8B0];
	v0 =	vadd.f32 v0, v11  }
0x101: {  	v3 =	vshll.u32 v12, $0x7;
	v36 =	vld [tilespmem:$0x1F8C0];
	v8 =	vmul.f32 $3.000000000e+01, v10;
	v10 =	vsub.f32 v49, v1;
	v11 =	vpop (erf)  }
0x102: {  	v3 =	vand.u32 $0x380, v3;
	v37 =	vld [tilespmem:$0x1F8D0];
	v0 =	vadd.f32 v0, v11  }
0x103: {  	v39 =	vld [tilespmem:$0x1F8E0];
	v2 =	vor.u32 v4, v2;
	v9 =	vmul.f32 $3.000000000e+01, v10;
	v10 =	vsub.f32 v50, v1;
	v14 =	vpop (erf)  }
0x104: {  	v40 =	vld [tilespmem:$0x1F8F0];
	v8 =	vmul.f32 $1.442695020e+00, v8;
	v0 =	vadd.f32 v0, v14;
	v14 =	vsub.f32 v5, v1  }
0x105: {  	v41 =	vld [tilespmem:$0x1F900];
	v3 =	vor.u32 v3, v2;
	v10 =	vmul.f32 $3.000000000e+01, v10  }
0x106: {  	v56 =	vld [tilespmem:$0x1F930];
	v9 =	vmul.f32 $1.442695020e+00, v9;
	(erf) = vpow2.f32 v8;
	v18 =	vpop (erf)  }
0x107: {  	v62 =	vld [tilespmem:s16+$0x3280];
	v8 =	vmul.f32 $3.000000000e+01, v7;
	v10 =	vmul.f32 $1.442695020e+00, v10;
	v0 =	vadd.f32 v0, v18  }
0x108: {  	v63 =	vld [tilespmem:s16+$0x3380];
	v20 =	vsub.f32 v36, v1;
	(erf) = vpow2.f32 v9;
	v9 =	vmul.f32 $3.000000000e+01, v14;
	v14 =	vpop (erf)  }
0x109: {  	v61 =	vld [tilespmem:$0x1F940];
	(erf) = vpow2.f32 v10;
	v10 =	vsub.f32 v34, v1;
	v0 =	vadd.f32 v0, v14  }
0x10a: {  	v24 =	vsub.f32 v39, v1;
	v43 =	vld.idx.msk [tilespmem:v3+s4+$0x0], $0xffff;
	v3 =	vmul.f32 $3.000000000e+01, v20;
	v8 =	vmul.f32 $1.442695020e+00, v8;
	v14 =	vpop (erf)  }
0x10b: {  	v45 =	vld [tilespmem:$0x1F910];
	v10 =	vmul.f32 $3.000000000e+01, v10;
	v0 =	vadd.f32 v0, v14;
	v14 =	vsub.f32 v35, v1  }
0x10c: {  	v57 =	vsub.f32 v56, v1;
	v11 =	vld [tilespmem:s16+$0x1180];
	(erf) = vpow2.f32 v8;
	v9 =	vmul.f32 $1.442695020e+00, v9  }
0x10d: {  	v6 =	vmax.f32 v6, v26;
	v5 =	vld [tilespmem:s16+$0x1200];
	v10 =	vmul.f32 $1.442695020e+00, v10;
	v19 =	vpop (erf);
	v14 =	vmul.f32 $3.000000000e+01, v14  }
0x10e: {  	v56 =	vld [tilespmem:s16+$0x4280];
	v20 =	vsub.f32 v37, v1;
	v4 =	vmax.f32 v6, v22;
	v0 =	vadd.f32 v0, v19  }
0x10f: {  	v39 =	vld [tilespmem:s16+$0x5000];
	v4 =	vmax.f32 v4, v15;
	(erf) = vpow2.f32 v9;
	v19 =	vpop (erf);
	v14 =	vmul.f32 $1.442695020e+00, v14  }
0x110: {  	v4 =	vmax.f32 v4, v13;
	v8 =	vld [tilespmem:s16+$0x1280];
	v19 =	vadd.f32 v0, v19  }
0x111: {  	v6 =	vld [tilespmem:s16+$0x1300];
	v20 =	vmul.f32 $3.000000000e+01, v20;
	v9 =	vmax.f32 v4, v11;
	(erf) = vpow2.f32 v10;
	v10 =	vpop (erf)  }
0x112: {  	v25 =	vmul.f32 $1.442695020e+00, v3;
	v38 =	vmax.f32 v9, v5;
	v9 =	vld [tilespmem:s16+$0x1380];
	v19 =	vadd.f32 v19, v10  }
0x113: {  	v4 =	vld [tilespmem:s16+$0x2000];
	(erf) = vpow2.f32 v14;
	v14 =	vpop (erf)  }
0x114: {  	v10 =	vld [tilespmem:s16+$0x2080];
	v14 =	vadd.f32 v19, v14;
	v19 =	vmul.f32 $1.442695020e+00, v20;
	v20 =	vmul.f32 $3.000000000e+01, v24  }
0x115: {  	v36 =	vmul.f32 $3.000000000e+01, v57;
	v57 =	vld [tilespmem:s16+$0x4200];
	v21 =	vmax.f32 v38, v8  }
0x116: {  	v50 =	vld [tilespmem:$0x1F920];
	v28 =	vmax.f32 v21, v6;
	(erf) = vpow2.f32 v25;
	v25 =	vpop (erf)  }
0x117: {  	v7 =	vld [tilespmem:s16+$0x2100];
	v28 =	vmax.f32 v28, v9;
	v25 =	vadd.f32 v14, v25  }
0x118: {  	v21 =	vld [tilespmem:s16+$0x2180];
	v28 =	vmax.f32 v28, v4;
	v24 =	vsub.f32 v40, v1;
	v29 =	vmul.f32 $1.442695020e+00, v20;
	v20 =	vpop (erf)  }
0x119: {  	v14 =	vld [tilespmem:s16+$0x2200];
	v30 =	vadd.f32 v25, v20;
	v25 =	vmax.f32 v28, v10;
	v28 =	vsub.f32 v41, v1  }
0x11a: {  	(erf) = vpow2.f32 v19;
	v19 =	vld [tilespmem:s16+$0x2280];
	v24 =	vmul.f32 $3.000000000e+01, v24  }
0x11b: {  	v20 =	vld [tilespmem:s16+$0x2300]  }
0x11c: {  	(erf) = vpow2.f32 v29;
	v29 =	vmul.f32 $1.442695020e+00, v24;
	v24 =	vld [tilespmem:s16+$0x2380];
	v25 =	vmax.f32 v25, v7  }
0x11d: {  	v46 =	vsub.f32 v45, v1;
	v31 =	vmax.f32 v25, v21;
	v44 =	vmul.f32 $3.000000000e+01, v28;
	v25 =	vld [tilespmem:s16+$0x3000];
	v28 =	vpop (erf)  }
0x11e: {  	(erf) = vpow2.f32 v29;
	v29 =	vmax.f32 v31, v14;
	v47 =	vadd.f32 v30, v28;
	v28 =	vld [tilespmem:s16+$0x3080]  }
0x11f: {  	v31 =	vmul.f32 $3.000000000e+01, v46;
	v29 =	vmax.f32 v29, v19;
	v30 =	vld [tilespmem:s16+$0x3100]  }
0x120: {  	v32 =	vmul.f32 $1.442695020e+00, v44;
	v49 =	vmax.f32 v29, v20;
	v29 =	vld [tilespmem:s16+$0x3180]  }
0x121: {  	v2 =	vsub.f32 v61, v1;
	v48 =	vpop (erf);
	v55 =	vmul.f32 $1.442695020e+00, v31;
	v31 =	vld [tilespmem:s16+$0x3200];
	v52 =	vmax.f32 v49, v24  }
0x122: {  	v61 =	vld [tilespmem:s16+$0x4000];
	(erf) = vpow2.f32 v32;
	v33 =	vadd.f32 v47, v48;
	v32 =	vmax.f32 v52, v25  }
0x123: {  	v58 =	vpop (erf);
	v59 =	vmax.f32 v32, v28;
	v32 =	vld [tilespmem:s16+$0x3300]  }
0x124: {  	v51 =	vsub.f32 v50, v1;
	v44 =	vld [tilespmem:$0x1F950];
	v33 =	vadd.f32 v33, v58;
	v34 =	vmax.f32 v59, v30  }
0x125: {  	v49 =	vld [tilespmem:$0x1F960];
	v60 =	vpop (erf);
	v34 =	vmax.f32 v34, v29  }
0x126: {  	v35 =	vmul.f32 $3.000000000e+01, v51;
	v33 =	vadd.f32 v33, v60;
	v60 =	vld [tilespmem:s16+$0x4080];
	v34 =	vmax.f32 v34, v31  }
0x127: {  	v59 =	vld [tilespmem:s16+$0x4100];
	v34 =	vmax.f32 v34, v62  }
0x128: {  	v35 =	vmul.f32 $1.442695020e+00, v35;
	v58 =	vld [tilespmem:s16+$0x4180];
	v34 =	vmax.f32 v34, v32  }
0x129: {  	v3 =	vld [tilespmem:s16+$0x5100];
	v40 =	vmul.f32 $1.442695020e+00, v36;
	v41 =	vmul.f32 $3.000000000e+01, v2;
	v46 =	vpop (erf);
	v34 =	vmax.f32 v34, v63  }
0x12a: {  	(erf) = vpow2.f32 v55;
	v52 =	vld [tilespmem:$0x1F970];
	v33 =	vadd.f32 v33, v46;
	v34 =	vmax.f32 v34, v61  }
0x12b: {  	v55 =	vld [tilespmem:s16+$0x4300];
	(erf) = vpow2.f32 v35;
	v45 =	vsub.f32 v44, v1;
	v48 =	vpop (erf);
	v34 =	vmax.f32 v34, v60  }
0x12c: {  	(erf) = vpow2.f32 v40;
	v40 =	vld [tilespmem:s16+$0x4380];
	v33 =	vadd.f32 v33, v48;
	v34 =	vmax.f32 v34, v59  }
0x12d: {  	v36 =	vmul.f32 $1.442695020e+00, v41;
	v50 =	vsub.f32 v49, v1;
	v49 =	vld [tilespmem:$0x1F990];
	v41 =	vpop (erf);
	v34 =	vmax.f32 v34, v58  }
0x12e: {  	v47 =	vmul.f32 $3.000000000e+01, v45;
	v33 =	vadd.f32 v33, v41;
	v41 =	vld [tilespmem:s16+$0x5080];
	v34 =	vmax.f32 v34, v57  }
0x12f: {  	v2 =	vsub.f32 v52, v1;
	v46 =	vld [tilespmem:$0x1F980];
	v34 =	vmax.f32 v34, v56  }
0x130: {  	(erf) = vpow2.f32 v36;
	v35 =	vmul.f32 $1.442695020e+00, v47;
	v34 =	vmax.f32 v34, v55  }
0x131: {  	v51 =	vmul.f32 $3.000000000e+01, v50;
	v44 =	vmul.f32 $3.000000000e+01, v2;
	v34 =	vmax.f32 v34, v40  }
0x132: {  	v38 =	vld [tilespmem:s16+$0x5280];
	(erf) = vpow2.f32 v35;
	v34 =	vmax.f32 v34, v39  }
0x133: {  	v0 =	vld [tilespmem:s16+$0x5200];
	v36 =	vmul.f32 $1.442695020e+00, v51;
	v35 =	vmul.f32 $1.442695020e+00, v44;
	v52 =	vmax.f32 v34, v41  }
0x134: {  	[tilespmem:$0x1FDA0] =	vst v3;
	v45 =	vpop (erf);
	v50 =	vsub.f32 v49, v1;
	v47 =	vsub.f32 v46, v1;
	v49 =	vmax.f32 v52, v3;
	v3 =	vld [tilespmem:$0x1F9A0]  }
0x135: {  	v2 =	vld [tilespmem:s16+$0x5180];
	(erf) = vpow2.f32 v36;
	v33 =	vadd.f32 v33, v45  }
0x136: {  	v51 =	vpop (erf);
	(erf) = vpow2.f32 v35;
	v35 =	vld [tilespmem:s16+$0x5380];
	v48 =	vmul.f32 $3.000000000e+01, v47  }
0x137: {  	v33 =	vadd.f32 v33, v51;
	v51 =	vld [tilespmem:$0x1F9B0]  }
0x138: {  	v37 =	vmul.f32 $3.000000000e+01, v50;
	v36 =	vmul.f32 $1.442695020e+00, v48;
	v34 =	vld [tilespmem:s16+$0x5300]  }
0x139: {  	v50 =	vsub.f32 v3, v1;
	v3 =	vld [tilespmem:$0x1F9C0]  }
0x13a: {  	v46 =	vmul.f32 $1.442695020e+00, v37;
	v48 =	vpop (erf);
	(erf) = vpow2.f32 v36;
	v36 =	vld [tilespmem:s16+$0x6000];
	v44 =	vmax.f32 v49, v2  }
0x13b: {  	[tilespmem:$0x1FE20] =	vst v0;
	v37 =	vld [tilespmem:s16+$0x6080];
	v33 =	vadd.f32 v33, v48;
	v44 =	vmax.f32 v44, v0;
	v45 =	vmul.f32 $3.000000000e+01, v50  }
0x13c: {  	[tilespmem:$0x1FDE0] =	vst v2;
	(erf) = vpow2.f32 v46;
	v52 =	vsub.f32 v51, v1;
	v2 =	vpop (erf);
	v0 =	vld [tilespmem:s16+$0x6100];
	v44 =	vmax.f32 v44, v38  }
0x13d: {  	v33 =	vadd.f32 v33, v2;
	v2 =	vld [tilespmem:s16+$0x6180];
	v44 =	vmax.f32 v44, v34;
	v45 =	vmul.f32 $1.442695020e+00, v45  }
0x13e: {  	v46 =	vmul.f32 $3.000000000e+01, v52;
	v44 =	vmax.f32 v44, v35;
	v52 =	vsub.f32 v3, v1;
	v3 =	vld [tilespmem:s16+$0x6200]  }
0x13f: {  	v44 =	vmax.f32 v44, v36;
	(erf) = vpow2.f32 v45  }
0x140: {  	v44 =	vmax.f32 v44, v37;
	v45 =	vmul.f32 $1.442695020e+00, v46;
	v46 =	vmul.f32 $3.000000000e+01, v52;
	v52 =	vld [tilespmem:$0x1F9D0]  }
0x141: {  	v44 =	vmax.f32 v44, v0  }
0x142: {  	v44 =	vmax.f32 v44, v2  }
0x143: {  	v51 =	vpop (erf);
	[tilespmem:$0x1FE80] =	vst v3;
	v44 =	vmax.f32 v44, v3;
	v3 =	vld [tilespmem:$0x1F9E0]  }
0x144: {  	v47 =	vadd.f32 v33, v51  }
0x145: {  	v33 =	vld [tilespmem:s16+$0x6280];
	v48 =	vsub.f32 v52, v1;
	v52 =	vpop (erf)  }
0x146: {  	v50 =	vld [tilespmem:s16+$0x6300];
	v47 =	vadd.f32 v47, v52  }
0x147: {  	[tilespmem:$0x1FE60] =	vst v0;
	v0 =	vld [tilespmem:s16+$0x6380];
	v52 =	vpop (erf)  }
0x148: {  	[tilespmem:$0x1FE70] =	vst v2;
	v2 =	vld [tilespmem:s16+$0x7000];
	v46 =	vmul.f32 $1.442695020e+00, v46;
	v47 =	vadd.f32 v47, v52;
	v52 =	vsub.f32 v3, v1  }
0x149: {  	(erf) = vpow2.f32 v45;
	v3 =	vld [tilespmem:s16+$0x7080]  }
0x14a: {  	(erf) = vpow2.f32 v46;
	v44 =	vmax.f32 v44, v33;
	v46 =	vmul.f32 $3.000000000e+01, v52;
	v52 =	vld [tilespmem:$0x1F9F0]  }
0x14b: {  	v44 =	vmax.f32 v44, v50  }
0x14c: {  	v44 =	vmax.f32 v44, v0  }
0x14d: {  	[tilespmem:$0x1FED0] =	vst v50;
	v50 =	vld [tilespmem:$0x1FA10];
	v45 =	vmul.f32 $3.000000000e+01, v48;
	v44 =	vmax.f32 v44, v2  }
0x14e: {  	[tilespmem:$0x1FF80] =	vst v3;
	v44 =	vmax.f32 v44, v3;
	v3 =	vld [tilespmem:$0x1FA00]  }
0x14f: {  	v45 =	vmul.f32 $1.442695020e+00, v45;
	v48 =	vsub.f32 v52, v1  }
0x150: {  	v52 =	vpop (erf)  }
0x151: {  	[tilespmem:$0x1FEB0] =	vst v33;
	v33 =	vld [tilespmem:s16+$0x7100];
	(erf) = vpow2.f32 v45;
	v47 =	vadd.f32 v47, v52;
	v45 =	vmul.f32 $3.000000000e+01, v48  }
0x152: {  	v51 =	vld [tilespmem:s16+$0x7180];
	v49 =	vsub.f32 v50, v1;
	v46 =	vmul.f32 $1.442695020e+00, v46;
	v52 =	vpop (erf)  }
0x153: {  	[tilespmem:$0x1FEE0] =	vst v0;
	v0 =	vld [tilespmem:s16+$0x7200];
	v48 =	vadd.f32 v47, v52;
	v52 =	vsub.f32 v3, v1;
	v45 =	vmul.f32 $1.442695020e+00, v45  }
0x154: {  	[tilespmem:$0x1FF30] =	vst v2;
	v2 =	vld [tilespmem:s16+$0x7280];
	(erf) = vpow2.f32 v46  }
0x155: {  	(erf) = vpow2.f32 v45;
	v45 =	vmul.f32 $3.000000000e+01, v49;
	v49 =	vld [tilespmem:$0x1FA50]  }
0x156: {  	v44 =	vmax.f32 v44, v33  }
0x157: {  	v44 =	vmax.f32 v44, v51;
	v46 =	vmul.f32 $3.000000000e+01, v52;
	v52 =	vpop (erf)  }
0x158: {  	[tilespmem:$0x1FFA0] =	vst v33;
	v33 =	vld [tilespmem:s16+$0x8000];
	v44 =	vmax.f32 v44, v0;
	v50 =	vadd.f32 v48, v52  }
0x159: {  	[tilespmem:$0x1FA30] =	vst v2;
	v44 =	vmax.f32 v44, v2;
	v3 =	vld [tilespmem:s16+$0x7300];
	v2 =	vpop (erf)  }
0x15a: {  	v47 =	vld [tilespmem:s16+$0x7380];
	v46 =	vmul.f32 $1.442695020e+00, v46;
	v2 =	vadd.f32 v50, v2;
	v50 =	vsub.f32 v49, v1  }
0x15b: {  	v52 =	vld [tilespmem:s16+$0x8080]  }
0x15c: {  	(erf) = vpow2.f32 v46;
	v46 =	vmul.f32 $3.000000000e+01, v50;
	v50 =	vld [tilespmem:$0x1FA80]  }
0x15d: {  	[tilespmem:$0x1FA20] =	vst v0;
	v0 =	vld [tilespmem:s16+$0x8180]  }
0x15e: {  	v48 =	vld [tilespmem:s16+$0x8100];
	v44 =	vmax.f32 v44, v3  }
0x15f: {  	[tilespmem:$0x1FA40] =	vst v3;
	v3 =	vld [tilespmem:s16+$0x8200];
	v44 =	vmax.f32 v44, v47  }
0x160: {  	[tilespmem:$0x1FA60] =	vst v47;
	v47 =	vpop (erf);
	v44 =	vmax.f32 v44, v33;
	v49 =	vld [tilespmem:s16+$0x8280]  }
0x161: {  	v2 =	vadd.f32 v2, v47;
	v47 =	vld [tilespmem:s16+$0x8300];
	[tilespmem:$0x1FA90] =	vst v52;
	v52 =	vmax.f32 v44, v52;
	v50 =	vsub.f32 v50, v1  }
0x162: {  	[tilespmem:$0x1FA70] =	vst v33;
	v44 =	vmul.f32 $1.442695020e+00, v46;
	v46 =	vld [tilespmem:s16+$0x8380]  }
0x163: {  	[tilespmem:$0x1FAA0] =	vst v48;
	v33 =	vmax.f32 v52, v48;
	v48 =	vmul.f32 $3.000000000e+01, v50;
	v50 =	vld [tilespmem:$0x1FAC0]  }
0x164: {  	v33 =	vmax.f32 v33, v0;
	v52 =	vpop (erf)  }
0x165: {  	v33 =	vmax.f32 v33, v3;
	v2 =	vadd.f32 v2, v52  }
0x166: {  	v45 =	vmul.f32 $1.442695020e+00, v45;
	[tilespmem:$0x1FAD0] =	vst v3;
	v52 =	vpop (erf);
	v33 =	vmax.f32 v33, v49  }
0x167: {  	[tilespmem:$0x1FAE0] =	vst v49;
	v49 =	vld [tilespmem:s16+$0x9100];
	v3 =	vadd.f32 v2, v52;
	v52 =	vmax.f32 v33, v47  }
0x168: {  	(erf) = vpow2.f32 v45;
	[tilespmem:$0x1FB10] =	vst v46;
	v2 =	vmax.f32 v52, v46;
	v46 =	vld [tilespmem:$0x1FB20];
	v45 =	vsub.f32 v50, v1  }
0x169: {  	v50 =	vld [tilespmem:s16+$0x9000]  }
0x16a: {  	(erf) = vpow2.f32 v44;
	v44 =	vmul.f32 $3.000000000e+01, v45;
	v45 =	vld [tilespmem:$0x1FB00]  }
0x16b: {  	[tilespmem:$0x1FAB0] =	vst v0;
	v0 =	vmul.f32 $1.442695020e+00, v48;
	v48 =	vld [tilespmem:s16+$0x9080]  }
0x16c: {  	[tilespmem:$0x1FAF0] =	vst v47;
	v47 =	vld [tilespmem:s16+$0x9180];
	v52 =	vpop (erf)  }
0x16d: {  	(erf) = vpow2.f32 v0;
	v0 =	vadd.f32 v3, v52;
	v52 =	vld [tilespmem:$0x1FB50]  }
0x16e: {  	[tilespmem:$0x1FB30] =	vst v50;
	v2 =	vmax.f32 v2, v50;
	v50 =	vld [tilespmem:s16+$0x9280]  }
0x16f: {  	v33 =	vsub.f32 v45, v1;
	v45 =	vsub.f32 v46, v1;
	v46 =	vld [tilespmem:s16+$0x9200]  }
0x170: {  	[tilespmem:$0x1FB40] =	vst v48;
	v44 =	vmul.f32 $1.442695020e+00, v44;
	v2 =	vmax.f32 v2, v48;
	v48 =	vld [tilespmem:s16+$0x9300]  }
0x171: {  	[tilespmem:$0x1FB60] =	vst v49;
	v2 =	vmax.f32 v2, v49;
	v49 =	vld [tilespmem:s16+$0x9380];
	v3 =	vmul.f32 $3.000000000e+01, v33  }
0x172: {  	[tilespmem:$0x1FB70] =	vst v47;
	(erf) = vpow2.f32 v44;
	v2 =	vmax.f32 v2, v47;
	v47 =	vld [tilespmem:s16+$0xA080]  }
0x173: {  	v44 =	vsub.f32 v52, v1;
	v52 =	vpop (erf);
	v33 =	vmul.f32 $3.000000000e+01, v45;
	v45 =	vld [tilespmem:s16+$0xA000];
	v3 =	vmul.f32 $1.442695020e+00, v3  }
0x174: {  	v0 =	vadd.f32 v0, v52;
	[tilespmem:$0x1FB80] =	vst v46;
	v2 =	vmax.f32 v2, v46;
	v46 =	vld [tilespmem:s16+$0xA100]  }
0x175: {  	v52 =	vpop (erf);
	(erf) = vpow2.f32 v3;
	v3 =	vmul.f32 $3.000000000e+01, v44;
	v44 =	vld [tilespmem:$0x1FBA0]  }
0x176: {  	v0 =	vadd.f32 v0, v52;
	[tilespmem:$0x1FB90] =	vst v50;
	v2 =	vmax.f32 v2, v50;
	v50 =	vld [tilespmem:$0x1FBC0]  }
0x177: {  	v52 =	vld [tilespmem:s16+$0xA180];
	v33 =	vmul.f32 $1.442695020e+00, v33;
	[tilespmem:$0x1FBB0] =	vst v48;
	v2 =	vmax.f32 v2, v48;
	v48 =	vpop (erf)  }
0x178: {  	v0 =	vadd.f32 v0, v48;
	v2 =	vmax.f32 v2, v49;
	v48 =	vld [tilespmem:$0x1FBF0]  }
0x179: {  	v18 =	vld.idx.msk [tilespmem:v12+s12+$0x0], $0xffff;
	(erf) = vpow2.f32 v33;
	v2 =	vmax.f32 v2, v45  }
0x17a: {  	[tilespmem:$0x1FBD0] =	vst v49;
	v3 =	vmul.f32 $1.442695020e+00, v3;
	v49 =	vld [tilespmem:s16+$0xA200];
	v2 =	vmax.f32 v2, v47;
	v33 =	vsub.f32 v44, v1  }
0x17b: {  	[tilespmem:$0x1FBE0] =	vst v45;
	v45 =	vld [tilespmem:$0x1FC10];
	v44 =	vsub.f32 v50, v1;
	v2 =	vmax.f32 v2, v46  }
0x17c: {  	[tilespmem:$0x1FC30] =	vst v52;
	(erf) = vpow2.f32 v3;
	v2 =	vmax.f32 v2, v52;
	v52 =	vld [tilespmem:$0x1FC60];
	v3 =	vmul.f32 $3.000000000e+01, v33  }
0x17d: {  	[tilespmem:$0x1FC00] =	vst v47;
	v47 =	vld [tilespmem:s16+$0xA380];
	v33 =	vmul.f32 $3.000000000e+01, v44;
	v44 =	vsub.f32 v48, v1  }
0x17e: {  	v50 =	vld [tilespmem:s16+$0xA280];
	v3 =	vmul.f32 $1.442695020e+00, v3  }
0x17f: {  	[tilespmem:$0x1FC20] =	vst v46;
	v46 =	vld [tilespmem:s16+$0xB000];
	v44 =	vmul.f32 $3.000000000e+01, v44;
	v33 =	vmul.f32 $1.442695020e+00, v33  }
0x180: {  	v48 =	vld [tilespmem:s16+$0xA300];
	v45 =	vsub.f32 v45, v1;
	(erf) = vpow2.f32 v3  }
0x181: {  	(erf) = vpow2.f32 v33;
	v33 =	vmul.f32 $1.442695020e+00, v44;
	v44 =	vsub.f32 v52, v1;
	v52 =	vld [tilespmem:$0x1FCB0]  }
0x182: {  	[tilespmem:$0x1FC40] =	vst v49;
	v2 =	vmax.f32 v2, v49;
	v49 =	vld [tilespmem:$0x1FC80];
	v3 =	vmul.f32 $3.000000000e+01, v45  }
0x183: {  	[tilespmem:$0x1FC50] =	vst v50;
	v2 =	vmax.f32 v2, v50;
	v50 =	vld [tilespmem:s16+$0xB100]  }
0x184: {  	v45 =	vld [tilespmem:s16+$0xB080];
	v3 =	vmul.f32 $1.442695020e+00, v3  }
0x185: {  	[tilespmem:$0x1FC70] =	vst v48;
	v2 =	vmax.f32 v2, v48;
	v48 =	vld [tilespmem:s16+$0xB180];
	(erf) = vpow2.f32 v33  }
0x186: {  	(erf) = vpow2.f32 v3;
	v3 =	vmul.f32 $3.000000000e+01, v44;
	v44 =	vsub.f32 v52, v1;
	v52 =	vld [tilespmem:$0x1FCD0]  }
0x187: {  	[tilespmem:$0x1FC90] =	vst v47;
	v2 =	vmax.f32 v2, v47;
	v47 =	vld [tilespmem:s16+$0xB280]  }
0x188: {  	v33 =	vsub.f32 v49, v1;
	v49 =	vld [tilespmem:s16+$0xB200];
	v2 =	vmax.f32 v2, v46  }
0x189: {  	[tilespmem:$0x1FCA0] =	vst v46;
	v46 =	vld [tilespmem:s16+$0xB300];
	v2 =	vmax.f32 v2, v45  }
0x18a: {  	[tilespmem:$0x1FCE0] =	vst v50;
	v33 =	vmul.f32 $3.000000000e+01, v33;
	v2 =	vmax.f32 v2, v50;
	v50 =	vld [tilespmem:s16+$0xB380]  }
0x18b: {  	[tilespmem:$0x1FCC0] =	vst v45;
	v3 =	vmul.f32 $1.442695020e+00, v3;
	v45 =	vsub.f32 v52, v1;
	v52 =	vld [tilespmem:$0x1FD20]  }
0x18c: {  	[tilespmem:$0x1FCF0] =	vst v48;
	v33 =	vmul.f32 $1.442695020e+00, v33;
	v2 =	vmax.f32 v2, v48;
	v48 =	vld [tilespmem:s16+$0xC000];
	v44 =	vmul.f32 $3.000000000e+01, v44  }
0x18d: {  	(erf) = vpow2.f32 v3;
	v2 =	vmax.f32 v2, v49;
	v3 =	vmul.f32 $3.000000000e+01, v45;
	v45 =	vld [tilespmem:$0x1FD40]  }
0x18e: {  	[tilespmem:$0x1FD00] =	vst v49;
	v49 =	vld [tilespmem:s16+$0xC080];
	v2 =	vmax.f32 v2, v47  }
0x18f: {  	[tilespmem:$0x1FD10] =	vst v47;
	(erf) = vpow2.f32 v33;
	v47 =	vld [tilespmem:s16+$0xC100];
	v33 =	vmul.f32 $1.442695020e+00, v44;
	v2 =	vmax.f32 v2, v46  }
0x190: {  	v2 =	vmax.f32 v2, v50;
	v3 =	vmul.f32 $1.442695020e+00, v3;
	v44 =	vsub.f32 v52, v1;
	v52 =	vld [tilespmem:s16+$0xC180]  }
0x191: {  	(erf) = vpow2.f32 v33;
	v2 =	vmax.f32 v2, v48  }
0x192: {  	v33 =	vsub.f32 v45, v1;
	v45 =	vpop (erf);
	(erf) = vpow2.f32 v3;
	v3 =	vmul.f32 $3.000000000e+01, v44  }
0x193: {  	v18 =	vsub.f32 v43, v18;
	v2 =	vmax.f32 v2, v49  }
0x194: {  	v43 =	vsub.f32 v43, v1;
	v2 =	vmax.f32 v2, v47;
	v3 =	vmul.f32 $1.442695020e+00, v3  }
0x195: {  	[tilespmem:$0x1FD60] =	vst v48;
	v1 =	vsub.f32 v18, v1;
	v33 =	vmul.f32 $3.000000000e+01, v33;
	v18 =	vmax.f32 v2, v52  }
0x196: {  	[tilespmem:$0x1FD70] =	vst v49;
	v48 =	vpop (erf);
	(erf) = vpow2.f32 v3;
	v3 =	vmul.f32 $3.000000000e+01, v43;
	v49 =	vsub.f32 v54, v18  }
0x197: {  	v1 =	vmul.f32 $3.000000000e+01, v1;
	v33 =	vmul.f32 $1.442695020e+00, v33  }
0x198: {  	v0 =	vadd.f32 v0, v45;
	v3 =	vmul.f32 $1.442695020e+00, v3;
	v43 =	vmul.f32 $3.000000000e+01, v49  }
0x199: {  	[tilespmem:$0x1FD50] =	vst v50;
	v44 =	vpop (erf);
	v50 =	vsub.f32 v53, v18;
	v27 =	vsub.f32 v27, v18;
	(erf) = vpow2.f32 v33  }
0x19a: {  	[tilespmem:$0x1FD30] =	vst v46;
	v53 =	vpop (erf);
	v46 =	vmul.f32 $1.442695020e+00, v1;
	(erf) = vpow2.f32 v3;
	v3 =	vsub.f32 v42, v18  }
0x19b: {  	v0 =	vadd.f32 v0, v48;
	v45 =	vpop (erf);
	v33 =	vmul.f32 $3.000000000e+01, v50;
	v27 =	vmul.f32 $3.000000000e+01, v27  }
0x19c: {  	[tilespmem:$0x1FD80] =	vst v47;
	v47 =	vmul.f32 $1.442695020e+00, v43;
	v43 =	vpop (erf);
	v3 =	vmul.f32 $3.000000000e+01, v3  }
0x19d: {  	v0 =	vadd.f32 v0, v44;
	v48 =	vmul.f32 $1.442695020e+00, v33;
	(erf) = vpow2.f32 v46;
	v49 =	vpop (erf)  }
0x19e: {  	(erf) = vpow2.f32 v47;
	v50 =	vpop (erf);
	v3 =	vmul.f32 $1.442695020e+00, v3  }
0x19f: {  	[tilespmem:$0x1FD90] =	vst v52;
	v52 =	vsub.f32 v16, v18;
	v0 =	vadd.f32 v0, v53;
	(erf) = vpow2.f32 v48;
	v16 =	vpop (erf)  }
0x1a0: {  	v44 =	vpop (erf);
	(erf) = vpow2.f32 v3;
	v3 =	vsub.f32 v23, v18;
	v23 =	vmul.f32 $1.442695020e+00, v27  }
0x1a1: {  	v17 =	vsub.f32 v17, v18;
	v53 =	vpop (erf)  }
0x1a2: {  	v2 =	vmul.f32 $3.000000000e+01, v52;
	v0 =	vadd.f32 v0, v45;
	v27 =	vpop (erf)  }
0x1a3: {  	v17 =	vmul.f32 $3.000000000e+01, v17;
	v3 =	vmul.f32 $3.000000000e+01, v3;
	v54 =	vpop (erf)  }
0x1a4: {  	v2 =	vmul.f32 $1.442695020e+00, v2;
	v0 =	vadd.f32 v0, v43;
	(erf) = vpow2.f32 v23;
	v23 =	vpop (erf)  }
0x1a5: {  	v3 =	vmul.f32 $1.442695020e+00, v3;
	v47 =	vpop (erf)  }
0x1a6: {  	v26 =	vsub.f32 v26, v18;
	v0 =	vadd.f32 v0, v49;
	(erf) = vpow2.f32 v2;
	v48 =	vpop (erf)  }
0x1a7: {  	v22 =	vsub.f32 v22, v18;
	v49 =	vpop (erf);
	(erf) = vpow2.f32 v3;
	v3 =	vmul.f32 $1.442695020e+00, v17  }
0x1a8: {  	v26 =	vmul.f32 $3.000000000e+01, v26;
	v0 =	vadd.f32 v0, v50;
	v17 =	vpop (erf)  }
0x1a9: {  	v50 =	vpop (erf);
	(erf) = vpow2.f32 v3;
	v3 =	vsub.f32 v15, v18;
	v15 =	vmul.f32 $3.000000000e+01, v22  }
0x1aa: {  	v22 =	vmul.f32 $1.442695020e+00, v26;
	v17 =	vadd.f32 v50, v17  }
0x1ab: {  	v3 =	vmul.f32 $3.000000000e+01, v3;
	v15 =	vmul.f32 $1.442695020e+00, v15  }
0x1ac: {  	v13 =	vsub.f32 v13, v18;
	v0 =	vadd.f32 v0, v16;
	v26 =	vpop (erf)  }
0x1ad: {  	(erf) = vpow2.f32 v22;
	v16 =	vadd.f32 v17, v26;
	v3 =	vmul.f32 $1.442695020e+00, v3  }
0x1ae: {  	v11 =	vsub.f32 v11, v18;
	v13 =	vmul.f32 $3.000000000e+01, v13;
	v17 =	vpop (erf);
	(erf) = vpow2.f32 v15  }
0x1af: {  	v16 =	vadd.f32 v16, v17;
	v15 =	vpop (erf);
	(erf) = vpow2.f32 v3;
	v3 =	vsub.f32 v5, v18  }
0x1b0: {  	v4 =	vsub.f32 v4, v18;
	v5 =	vmul.f32 $3.000000000e+01, v11  }
0x1b1: {  	v11 =	vmul.f32 $1.442695020e+00, v13;
	v15 =	vadd.f32 v16, v15;
	v3 =	vmul.f32 $3.000000000e+01, v3  }
0x1b2: {  	v8 =	vsub.f32 v8, v18;
	v4 =	vmul.f32 $3.000000000e+01, v4;
	v13 =	vpop (erf);
	v5 =	vmul.f32 $1.442695020e+00, v5  }
0x1b3: {  	(erf) = vpow2.f32 v11;
	v13 =	vadd.f32 v15, v13;
	v3 =	vmul.f32 $1.442695020e+00, v3  }
0x1b4: {  	(erf) = vpow2.f32 v5;
	v5 =	vsub.f32 v6, v18;
	v6 =	vmul.f32 $3.000000000e+01, v8  }
0x1b5: {  	v11 =	vpop (erf);
	(erf) = vpow2.f32 v3;
	v3 =	vmul.f32 $1.442695020e+00, v4  }
0x1b6: {  	v0 =	vadd.f32 v0, v44;
	v11 =	vadd.f32 v13, v11  }
0x1b7: {  	v4 =	vpop (erf);
	v6 =	vmul.f32 $1.442695020e+00, v6;
	(erf) = vpow2.f32 v3;
	v3 =	vsub.f32 v9, v18  }
0x1b8: {  	v5 =	vmul.f32 $3.000000000e+01, v5;
	v4 =	vadd.f32 v11, v4  }
0x1b9: {  	v0 =	vadd.f32 v0, v53;
	v8 =	vpop (erf);
	v3 =	vmul.f32 $3.000000000e+01, v3  }
0x1ba: {  	v5 =	vmul.f32 $1.442695020e+00, v5;
	v4 =	vadd.f32 v4, v8  }
0x1bb: {  	v0 =	vadd.f32 v0, v27;
	(erf) = vpow2.f32 v6;
	v6 =	vpop (erf);
	v3 =	vmul.f32 $1.442695020e+00, v3  }
0x1bc: {  	(erf) = vpow2.f32 v5;
	v5 =	vsub.f32 v10, v18;
	v4 =	vadd.f32 v4, v6  }
0x1bd: {  	v6 =	vpop (erf)  }
0x1be: {  	v0 =	vadd.f32 v0, v54;
	v5 =	vmul.f32 $3.000000000e+01, v5;
	v4 =	vadd.f32 v4, v6  }
0x1bf: {  	(erf) = vpow2.f32 v3;
	v3 =	vpop (erf)  }
0x1c0: {  	v0 =	vadd.f32 v0, v23;
	v3 =	vadd.f32 v4, v3;
	v4 =	vmul.f32 $1.442695020e+00, v5  }
0x1c1: {  	v52 =	vsub.f32 v7, v18  }
0x1c2: {  	v0 =	vadd.f32 v0, v47;
	v5 =	vpop (erf);
	(erf) = vpow2.f32 v4;
	v4 =	vsub.f32 v21, v18;
	_ =	sdelay $0x1  }
0x1c3: {  	v2 =	vmul.f32 $3.000000000e+01, v52;
	v0 =	vsub.f32 v0, v48;
	v4 =	vmul.f32 $3.000000000e+01, v4  }
0x1c4: {  	v7 =	vsub.f32 v19, v18;
	v3 =	vadd.f32 v3, v5;
	v5 =	vpop (erf)  }
0x1c5: {  	v2 =	vmul.f32 $1.442695020e+00, v2;
	v0 =	vadd.f32 v0, v49;
	v6 =	vpop (erf);
	v4 =	vmul.f32 $1.442695020e+00, v4  }
0x1c6: {  	v7 =	vmul.f32 $3.000000000e+01, v7;
	v53 =	vsub.f32 v14, v18;
	v3 =	vadd.f32 v3, v6  }
0x1c7: {  	v9 =	vsub.f32 v20, v18;
	(erf) = vpow2.f32 v2;
	v6 =	vand.u32 $0x7FFFFF, v0;
	v8 =	vpop (erf)  }
0x1c8: {  	v2 =	vmul.f32 $3.000000000e+01, v53;
	v6 =	vor.u32 $0x3F800000, v6;
	v3 =	vadd.f32 v3, v8  }
0x1c9: {  	v8 =	vmul.f32 $5.000000000e-01, v6;
	vm2 =	vgt.f32 v6, $1.414213540e+00;
	(erf) = vpow2.f32 v4;
	v4 =	vpop (erf)  }
0x1ca: {  	v3 =	vadd.f32 v3, v4;
	v4 =	vmul.f32 $1.442695020e+00, v7;
	v7 =	vmul.f32 $3.000000000e+01, v9  }
0x1cb: {  	v2 =	vmul.f32 $1.442695020e+00, v2;
	v6 =	vsel vm2, v8, v6  }
0x1cc: {  	v54 =	vadd.f32 $-1.000000000e+00, v6  }
0x1cd: {  	(erf) = vpow2.f32 v2;
	v6 =	vsub.f32 v24, v18;
	v3 =	vadd.f32 v3, v5  }
0x1ce: {  	(erf) = vpow2.f32 v4;
	v4 =	vmul.f32 $1.442695020e+00, v7;
	v7 =	vpop (erf)  }
0x1cf: {  	v5 =	vmul.f32 $3.000000000e+01, v6;
	v3 =	vadd.f32 v3, v7;
	v7 =	vsub.f32 v25, v18  }
0x1d0: {  	v6 =	vmul.f32 $7.037683580e-02, v54  }
0x1d1: {  	v5 =	vmul.f32 $1.442695020e+00, v5  }
0x1d2: {  	(erf) = vpow2.f32 v4;
	v4 =	vadd.f32 $-1.151461010e-01, v6;
	v6 =	vmul.f32 $3.000000000e+01, v7  }
0x1d3: {  	v7 =	vpop (erf);
	(erf) = vpow2.f32 v5;
	v5 =	vsub.f32 v28, v18  }
0x1d4: {  	v6 =	vmul.f32 $1.442695020e+00, v6;
	v3 =	vadd.f32 v3, v7  }
0x1d5: {  	v7 =	vpop (erf);
	v5 =	vmul.f32 $3.000000000e+01, v5  }
0x1d6: {  	(erf) = vpow2.f32 v6;
	v6 =	vsub.f32 v30, v18;
	v3 =	vadd.f32 v3, v7  }
0x1d7: {  	v4 =	vmul.f32 v4, v54;
	v7 =	vpop (erf);
	v5 =	vmul.f32 $1.442695020e+00, v5  }
0x1d8: {  	v6 =	vmul.f32 $3.000000000e+01, v6;
	v3 =	vadd.f32 v3, v7;
	v7 =	vsub.f32 v29, v18  }
0x1d9: {  	v8 =	vpop (erf);
	(erf) = vpow2.f32 v5  }
0x1da: {  	v4 =	vadd.f32 $1.167699840e-01, v4;
	v5 =	vmul.f32 $1.442695020e+00, v6;
	v7 =	vmul.f32 $3.000000000e+01, v7  }
0x1db: {  	s16 =	simm.s32 $0xD010;
	v3 =	vadd.f32 v3, v8  }
0x1dc: {  	v11 =	vld [tilespmem:s16+$0x0];
	v4 =	vmul.f32 v4, v54;
	v6 =	vpop (erf);
	v7 =	vmul.f32 $1.442695020e+00, v7  }
0x1dd: {  	(erf) = vpow2.f32 v5;
	v3 =	vadd.f32 v3, v6;
	v6 =	vsub.f32 v31, v18  }
0x1de: {  	v4 =	vadd.f32 $-1.242014100e-01, v4;
	v5 =	vpop (erf);
	(erf) = vpow2.f32 v7;
	v7 =	vlaneseq.u32  }
0x1df: {  	v3 =	vadd.f32 v3, v5;
	v5 =	vmul.f32 $3.000000000e+01, v6;
	v7 =	vor.u32 s28, v7  }
0x1e0: {  	v4 =	vmul.f32 v4, v54;
	v6 =	vmov s28;
	v7 =	vand.u32 $0x7F, v7  }
0x1e1: {  	v9 =	vshll.u32 v11, $0x9;
	v6 =	vshll.u32 v6, $0x3;
	v5 =	vmul.f32 $1.442695020e+00, v5  }
0x1e2: {  	v4 =	vadd.f32 $1.424932330e-01, v4;
	v8 =	vsub.f32 v62, v18;
	v6 =	vand.u32 $0xC00, v6  }
0x1e3: {  	v6 =	vor.u32 v6, v7;
	(erf) = vpow2.f32 v5;
	v5 =	vsub.f32 v32, v18;
	v7 =	vpop (erf)  }
0x1e4: {  	v3 =	vadd.f32 v3, v7;
	v7 =	vmul.f32 $3.000000000e+01, v8;
	v8 =	vsub.f32 v63, v18  }
0x1e5: {  	v9 =	vand.u32 $0xFFFFF000, v9;
	v4 =	vmul.f32 v4, v54  }
0x1e6: {  	v5 =	vmul.f32 $3.000000000e+01, v5;
	v8 =	vmul.f32 $3.000000000e+01, v8  }
0x1e7: {  	v4 =	vadd.f32 $-1.666805740e-01, v4;
	v7 =	vmul.f32 $1.442695020e+00, v7  }
0x1e8: {  	v6 =	vor.u32 v9, v6;
	v9 =	vpop (erf);
	v5 =	vmul.f32 $1.442695020e+00, v5  }
0x1e9: {  	v4 =	vmul.f32 v4, v54;
	v3 =	vadd.f32 v3, v9;
	(erf) = vpow2.f32 v7  }
0x1ea: {  	v7 =	vsub.f32 v61, v18;
	(erf) = vpow2.f32 v5;
	v5 =	vmul.f32 $1.442695020e+00, v8;
	v8 =	vpop (erf)  }
0x1eb: {  	v3 =	vadd.f32 v3, v8;
	v8 =	vsub.f32 v60, v18  }
0x1ec: {  	v4 =	vadd.f32 $2.000071410e-01, v4  }
0x1ed: {  	v7 =	vmul.f32 $3.000000000e+01, v7;
	v8 =	vmul.f32 $3.000000000e+01, v8  }
0x1ee: {  	v4 =	vmul.f32 v4, v54;
	(erf) = vpow2.f32 v5;
	v5 =	vshll.u32 v11, $0x7  }
0x1ef: {  	v9 =	vpop (erf);
	v5 =	vand.u32 $0x380, v5;
	v7 =	vmul.f32 $1.442695020e+00, v7  }
0x1f0: {  	v4 =	vadd.f32 $-2.499999400e-01, v4;
	v5 =	vor.u32 v5, v6;
	v3 =	vadd.f32 v3, v9  }
0x1f1: {  	v6 =	vsub.f32 v59, v18;
	(erf) = vpow2.f32 v7;
	v7 =	vmul.f32 $1.442695020e+00, v8;
	v8 =	vpop (erf)  }
0x1f2: {  	v4 =	vmul.f32 v4, v54;
	v3 =	vadd.f32 v3, v8;
	v8 =	vmul.f32 v54, v54  }
0x1f3: {  	v6 =	vmul.f32 $3.000000000e+01, v6;
	(erf) = vpow2.f32 v7;
	v7 =	vsub.f32 v58, v18  }
0x1f4: {  	v4 =	vadd.f32 $3.333333130e-01, v4;
	v9 =	vmul.f32 $5.000000000e-01, v54;
	v8 =	vmul.f32 v8, v54  }
0x1f5: {  	v6 =	vmul.f32 $1.442695020e+00, v6;
	v7 =	vmul.f32 $3.000000000e+01, v7  }
0x1f6: {  	v10 =	vpop (erf);
	v4 =	vmul.f32 v4, v8;
	v8 =	vmul.f32 v9, v54;
	v9 =	vsub.f32 v57, v18  }
0x1f7: {  	v3 =	vadd.f32 v3, v10;
	v10 =	vpop (erf);
	(erf) = vpow2.f32 v6  }
0x1f8: {  	v6 =	vmul.f32 $1.442695020e+00, v7;
	v4 =	vsub.f32 v4, v8;
	v8 =	vsub.f32 v56, v18  }
0x1f9: {  	v7 =	vmul.f32 $3.000000000e+01, v9  }
0x1fa: {  	v9 =	vpop (erf);
	(erf) = vpow2.f32 v6;
	v6 =	vmul.f32 $3.000000000e+01, v8;
	v8 =	vimm.s32 $0x0  }
0x1fb: {  	v3 =	vadd.f32 v3, v10;
	v8 =	vsel vm2, $0x1, v8  }
0x1fc: {  	v7 =	vmul.f32 $1.442695020e+00, v7;
	v2 =	vadd.f32 v4, v54  }
0x1fd: {  	v0 =	vshra.s32 v0, $0x17;
	v4 =	vsub.f32 v55, v18;
	v3 =	vadd.f32 v3, v9  }
0x1fe: {  	v26 =	vld.idx.msk [tilespmem:v5+s4+$0x0], $0xffff;
	v0 =	vadd.s32 v8, v0;
	v5 =	vmul.f32 $1.442695020e+00, v6;
	v6 =	vsub.f32 v40, v18;
	v8 =	vpop (erf)  }
0x1ff: {  	(erf) = vpow2.f32 v7;
	v3 =	vadd.f32 v3, v8  }
0x200: {  	v4 =	vmul.f32 $3.000000000e+01, v4;
	v6 =	vmul.f32 $3.000000000e+01, v6;
	v7 =	vpop (erf)  }
0x201: {  	v3 =	vadd.f32 v3, v7  }
0x202: {  	v4 =	vmul.f32 $1.442695020e+00, v4;
	v8 =	vpop (erf)  }
0x203: {  	s19 =	simm.s32 $0x100;
	s17 =	simm.s32 $0x20;
	(erf) = vpow2.f32 v5;
	v3 =	vadd.f32 v3, v8  }
0x204: {  	s20 =	sand.u32 $0xC00, s19;
	s31 =	sand.u32 $0x70, s17;
	(erf) = vpow2.f32 v4;
	v4 =	vmul.f32 $1.442695020e+00, v6;
	v6 =	vpop (erf)  }
0x205: {  	s18 =	sor.u32 s31, s20;
	v3 =	vadd.f32 v3, v6;
	v6 =	vld [tilespmem:$0x1FDE0]  }
0x206: {  	v16 =	vld [tilespmem:s18+$0x80];
	v5 =	vsub.f32 v39, v18  }
0x207: {  	v15 =	vld [tilespmem:s18+$0x0]  }
0x208: {  	v13 =	vld [tilespmem:s18+$0x100];
	v5 =	vmul.f32 $3.000000000e+01, v5;
	v7 =	vsub.f32 v41, v18  }
0x209: {  	v14 =	vld [tilespmem:s18+$0x180];
	v0 =	vadd.s32 $0xFFFFFF81, v0  }
0x20a: {  	v5 =	vmul.f32 $1.442695020e+00, v5;
	(erf) = vpow2.f32 v4;
	v4 =	vld [tilespmem:$0x1FDA0];
	v6 =	vsub.f32 v6, v18  }
0x20b: {  	v63 =	vld.idx.msk [tilespmem:v12+s13+$0x0], $0xffff;
	v0 =	vcvt.s32.f32 v0  }
0x20c: {  	v12 =	vld [tilespmem:s18+$0x200];
	v32 =	vmul.f32 $3.000000000e+01, v7;
	(erf) = vpow2.f32 v5;
	v5 =	vmax.f32 v15, v16;
	v7 =	vpop (erf)  }
0x20d: {  	v10 =	vld [tilespmem:s18+$0x300];
	v5 =	vmax.f32 v5, v13;
	v3 =	vadd.f32 v3, v7  }
0x20e: {  	v9 =	vld [tilespmem:s18+$0x280];
	v0 =	vmul.f32 $6.931471820e-01, v0;
	v33 =	vmax.f32 v5, v14;
	v5 =	vmul.f32 $3.000000000e+01, v6;
	v6 =	vpop (erf)  }
0x20f: {  	v4 =	vsub.f32 v4, v18;
	v3 =	vadd.f32 v3, v6;
	v6 =	vld [tilespmem:$0x1FE20]  }
0x210: {  	v0 =	vadd.f32 v2, v0;
	v8 =	vld [tilespmem:s18+$0x380];
	v2 =	vmul.f32 $1.442695020e+00, v32  }
0x211: {  	v4 =	vmul.f32 $3.000000000e+01, v4  }
0x212: {  	(erf) = vpow2.f32 v2;
	v2 =	vmax.f32 v33, v12  }
0x213: {  	v7 =	vsub.f32 v38, v18;
	v2 =	vmax.f32 v2, v9;
	v4 =	vmul.f32 $1.442695020e+00, v4  }
0x214: {  	v2 =	vmax.f32 v2, v10;
	v6 =	vsub.f32 v6, v18  }
0x215: {  	[tilespmem:$0x1FE40] =	vst v8;
	v2 =	vmax.f32 v2, v8;
	(erf) = vpow2.f32 v4;
	v4 =	vmul.f32 $1.442695020e+00, v5;
	v8 =	vpop (erf)  }
0x216: {  	v3 =	vadd.f32 v3, v8;
	v6 =	vmul.f32 $3.000000000e+01, v6  }
0x217: {  	(erf) = vpow2.f32 v4;
	v4 =	vmul.f32 $3.000000000e+01, v7;
	v7 =	vpop (erf)  }
0x218: {  	v19 =	vld [tilespmem:s18+$0x2080];
	v3 =	vadd.f32 v3, v7;
	v7 =	vsub.f32 v34, v18;
	v6 =	vmul.f32 $1.442695020e+00, v6  }
0x219: {  	v42 =	vld [tilespmem:$0x1FEE0]  }
0x21a: {  	v45 =	vld [tilespmem:s18+$0x5080];
	(erf) = vpow2.f32 v6;
	v6 =	vmul.f32 $3.000000000e+01, v7;
	v7 =	vsub.f32 v35, v18  }
0x21b: {  	v46 =	vld [tilespmem:$0x1FF30];
	[tilespmem:$0x1FE30] =	vst v10;
	v10 =	vpop (erf);
	v4 =	vmul.f32 $1.442695020e+00, v4  }
0x21c: {  	v17 =	vld [tilespmem:s18+$0x1100];
	v3 =	vadd.f32 v3, v10;
	v10 =	vsub.f32 v36, v18;
	v6 =	vmul.f32 $1.442695020e+00, v6  }
0x21d: {  	v20 =	vld [tilespmem:s18+$0x1280];
	(erf) = vpow2.f32 v4;
	v4 =	vmul.f32 $3.000000000e+01, v7  }
0x21e: {  	v53 =	vld [tilespmem:s18+$0x1000];
	v7 =	vpop (erf);
	(erf) = vpow2.f32 v6;
	v6 =	vmul.f32 $3.000000000e+01, v10;
	v10 =	vsub.f32 v37, v18  }
0x21f: {  	v54 =	vld [tilespmem:s18+$0x1080];
	v3 =	vadd.f32 v3, v7  }
0x220: {  	[tilespmem:$0x1FE50] =	vst v11;
	v5 =	vld.idx.msk [tilespmem:v11+s12+$0x0], $0xffff;
	v4 =	vmul.f32 $1.442695020e+00, v4;
	v11 =	vpop (erf)  }
0x221: {  	[tilespmem:$0x1FE10] =	vst v9;
	v9 =	vld [tilespmem:s18+$0x1180];
	v3 =	vadd.f32 v3, v11  }
0x222: {  	[tilespmem:$0x1FE00] =	vst v12;
	v12 =	vld [tilespmem:s18+$0x1200];
	(erf) = vpow2.f32 v4;
	v4 =	vmul.f32 $3.000000000e+01, v10;
	v10 =	vpop (erf)  }
0x223: {  	v2 =	vmax.f32 v2, v53;
	v3 =	vadd.f32 v3, v10;
	v10 =	vld [tilespmem:$0x1FE60]  }
0x224: {  	v2 =	vmax.f32 v2, v54;
	v8 =	vld [tilespmem:s18+$0x1300]  }
0x225: {  	v21 =	vld [tilespmem:s18+$0x1380];
	v2 =	vmax.f32 v2, v17  }
0x226: {  	v22 =	vld [tilespmem:s18+$0x2000];
	v2 =	vmax.f32 v2, v9  }
0x227: {  	v23 =	vld [tilespmem:s18+$0x2100];
	v2 =	vmax.f32 v2, v12  }
0x228: {  	v24 =	vld [tilespmem:s18+$0x2180];
	v2 =	vmax.f32 v2, v20;
	v6 =	vmul.f32 $1.442695020e+00, v6;
	v10 =	vsub.f32 v10, v18  }
0x229: {  	v25 =	vld [tilespmem:s18+$0x2200];
	v2 =	vmax.f32 v2, v8  }
0x22a: {  	v2 =	vmax.f32 v2, v21;
	(erf) = vpow2.f32 v6;
	v6 =	vmul.f32 $3.000000000e+01, v10;
	v10 =	vld [tilespmem:$0x1FE70]  }
0x22b: {  	v2 =	vmax.f32 v2, v22;
	v7 =	vld [tilespmem:s18+$0x2280]  }
0x22c: {  	[tilespmem:$0x1FDC0] =	vst v16;
	v16 =	vld [tilespmem:s18+$0x2300];
	v2 =	vmax.f32 v2, v19  }
0x22d: {  	[tilespmem:$0x1FDD0] =	vst v13;
	v13 =	vld [tilespmem:s18+$0x2380];
	v2 =	vmax.f32 v2, v23  }
0x22e: {  	[tilespmem:$0x1FDF0] =	vst v14;
	v14 =	vld [tilespmem:s18+$0x3000];
	v2 =	vmax.f32 v2, v24  }
0x22f: {  	[tilespmem:$0x1FDB0] =	vst v15;
	v15 =	vld [tilespmem:s18+$0x3080];
	v2 =	vmax.f32 v2, v25;
	v4 =	vmul.f32 $1.442695020e+00, v4;
	v10 =	vsub.f32 v10, v18  }
0x230: {  	v11 =	vld [tilespmem:s18+$0x3100];
	v2 =	vmax.f32 v2, v7  }
0x231: {  	v30 =	vld [tilespmem:s18+$0x3180];
	v27 =	vpop (erf);
	(erf) = vpow2.f32 v4;
	v2 =	vmax.f32 v2, v16  }
0x232: {  	v50 =	vld [tilespmem:$0x1FFA0];
	v3 =	vadd.f32 v3, v27;
	v2 =	vmax.f32 v2, v13;
	v4 =	vmul.f32 $3.000000000e+01, v10  }
0x233: {  	v28 =	vld [tilespmem:s18+$0x3200];
	v2 =	vmax.f32 v2, v14;
	v10 =	vpop (erf)  }
0x234: {  	v61 =	vld [tilespmem:s18+$0x3280];
	v2 =	vmax.f32 v2, v15;
	v4 =	vmul.f32 $1.442695020e+00, v4;
	v3 =	vadd.f32 v3, v10  }
0x235: {  	v2 =	vmax.f32 v2, v11;
	v6 =	vmul.f32 $1.442695020e+00, v6;
	v10 =	vld [tilespmem:$0x1FE80];
	v39 =	vpop (erf)  }
0x236: {  	v37 =	vmax.f32 v2, v30;
	v2 =	vadd.f32 v3, v39;
	v3 =	vld [tilespmem:$0x1FEB0]  }
0x237: {  	v60 =	vld [tilespmem:s18+$0x3380];
	(erf) = vpow2.f32 v6  }
0x238: {  	v27 =	vld [tilespmem:s18+$0x3300];
	(erf) = vpow2.f32 v4;
	v4 =	vpop (erf)  }
0x239: {  	v2 =	vadd.f32 v2, v4;
	v4 =	vld [tilespmem:$0x1FED0]  }
0x23a: {  	v44 =	vld [tilespmem:s18+$0x5000];
	v29 =	vsub.f32 v0, v1  }
0x23b: {  	v58 =	vld [tilespmem:s18+$0x4000];
	v0 =	vmax.f32 v37, v28;
	v10 =	vsub.f32 v10, v18;
	v3 =	vsub.f32 v3, v18  }
0x23c: {  	v59 =	vld [tilespmem:s18+$0x4080];
	v0 =	vmax.f32 v0, v61  }
0x23d: {  	v47 =	vimm.f32 $0.0e+00;
	v57 =	vld [tilespmem:s18+$0x4100];
	v0 =	vmax.f32 v0, v27;
	v38 =	vmul.f32 $3.000000000e+01, v10  }
0x23e: {  	v52 =	vsub.f32 v50, v18;
	v31 =	vld [tilespmem:s18+$0x4300];
	v0 =	vmax.f32 v0, v60;
	v4 =	vsub.f32 v4, v18  }
0x23f: {  	[tilespmem:$0x1FF90] =	vst v45;
	v56 =	vld [tilespmem:s18+$0x4180];
	v10 =	vsub.f32 v42, v18;
	v1 =	vmul.f32 $1.442695020e+00, v38;
	v40 =	vmul.f32 $3.000000000e+01, v3;
	v3 =	vpop (erf)  }
0x240: {  	[tilespmem:$0x1FF70] =	vst v44;
	v41 =	vld [tilespmem:s18+$0x4200];
	v4 =	vmul.f32 $3.000000000e+01, v4;
	v2 =	vadd.f32 v2, v3;
	v3 =	vmax.f32 v0, v58  }
0x241: {  	[tilespmem:$0x1FEC0] =	vst v27;
	v6 =	vld [tilespmem:s18+$0x4280];
	v10 =	vmul.f32 $3.000000000e+01, v10;
	v27 =	vmul.f32 $1.442695020e+00, v40;
	v3 =	vmax.f32 v3, v59  }
0x242: {  	v49 =	vld [tilespmem:$0x1FF80];
	[tilespmem:$0x1FEA0] =	vst v28;
	(erf) = vpow2.f32 v1;
	v28 =	vpop (erf);
	v43 =	vmax.f32 v3, v57;
	v3 =	vmul.f32 $1.442695020e+00, v4  }
0x243: {  	[tilespmem:$0x1FF40] =	vst v47;
	v62 =	vimm.f32 $0.0e+00;
	(erf) = vpow2.f32 v27;
	v28 =	vadd.f32 v2, v28;
	v4 =	vld [tilespmem:s18+$0x4380]  }
0x244: {  	[tilespmem:$0x1FE90] =	vst v30;
	v10 =	vmul.f32 $1.442695020e+00, v10;
	v30 =	vpop (erf);
	v27 =	vmax.f32 v43, v56;
	(erf) = vpow2.f32 v3  }
0x245: {  	[tilespmem:$0x1FFB0] =	vst v62;
	v34 =	vadd.f32 v28, v30;
	v27 =	vmax.f32 v27, v41;
	v28 =	vmul.f32 v29, v63  }
0x246: {  	[tilespmem:$0x1FF20] =	vst v31;
	v55 =	vld [tilespmem:s18+$0x5100];
	v30 =	vsub.f32 v46, v18;
	v3 =	vimm.f32 $0.0e+00;
	v27 =	vmax.f32 v27, v6  }
0x247: {  	[tilespmem:$0x1FEF0] =	vst v41;
	(erf) = vpow2.f32 v10;
	v27 =	vmax.f32 v27, v31;
	v48 =	vadd.f32 v28, v3  }
0x248: {  	[tilespmem:$0x1FF10] =	vst v29;
	v28 =	vmul.f32 $3.000000000e+01, v30;
	v30 =	vsub.f32 v49, v18;
	v10 =	vmax.f32 v27, v4  }
0x249: {  	v32 =	vmul.f32 $3.000000000e+01, v52;
	[tilespmem:$0x1FF00] =	vst v6;
	v10 =	vmax.f32 v10, v44  }
0x24a: {  	[tilespmem:$0x1FF60] =	vst v4;
	v27 =	vsub.f32 v26, v5;
	v30 =	vmul.f32 $3.000000000e+01, v30;
	v5 =	vmax.f32 v10, v45;
	v10 =	vld [tilespmem:s18+$0x5180]  }
0x24b: {  	s20 =	simm.s32 $0x30;
	v36 =	vpop (erf);
	[tilespmem:$0x1FF50] =	vst v48;
	v33 =	vmul.f32 $1.442695020e+00, v28;
	v28 =	vsub.f32 v51, v18;
	v31 =	vmax.f32 v5, v55;
	v5 =	vld [tilespmem:s18+$0x5200]  }
.LBB2_2:
0x24c: {  	v0 =	vld [tilespmem:$0x1FA20]  }
0x24d: {  	v43 =	vld [tilespmem:$0x1FA30]  }
0x24e: {  	v45 =	vld [tilespmem:$0x1FA40]  }
0x24f: {  	v49 =	vld [tilespmem:$0x1FA60]  }
0x250: {  	v51 =	vld [tilespmem:$0x1FA70];
	v35 =	vmul.f32 $1.442695020e+00, v30;
	v28 =	vmul.f32 $3.000000000e+01, v28  }
0x251: {  	v1 =	vld [tilespmem:s18+$0x5280];
	v34 =	vadd.f32 v34, v36;
	(erf) = vpow2.f32 v33;
	v32 =	vmul.f32 $1.442695020e+00, v32  }
0x252: {  	v2 =	vld [tilespmem:s18+$0x5300];
	v28 =	vmul.f32 $1.442695020e+00, v28;
	v31 =	vmax.f32 v31, v10;
	v41 =	vpop (erf);
	(erf) = vpow2.f32 v35  }
0x253: {  	v3 =	vld [tilespmem:s18+$0x5380];
	v40 =	vsub.f32 v0, v18;
	v34 =	vadd.f32 v34, v41;
	v42 =	vmax.f32 v31, v5  }
0x254: {  	v44 =	vsub.f32 v43, v18;
	v50 =	vsub.f32 v49, v18;
	v49 =	vld [tilespmem:$0x1FAB0];
	v37 =	vpop (erf);
	(erf) = vpow2.f32 v32  }
0x255: {  	v46 =	vsub.f32 v45, v18;
	v52 =	vsub.f32 v51, v18;
	v51 =	vld [tilespmem:$0x1FAD0];
	v33 =	vmul.f32 $3.000000000e+01, v40  }
0x256: {  	v35 =	vmax.f32 v42, v1;
	v32 =	vld [tilespmem:s18+$0x6000];
	v34 =	vadd.f32 v34, v37;
	v36 =	vmul.f32 $3.000000000e+01, v44  }
0x257: {  	v38 =	vpop (erf);
	(erf) = vpow2.f32 v28;
	v28 =	vmax.f32 v35, v2;
	v44 =	vld [tilespmem:$0x1FA90];
	v47 =	vmul.f32 $1.442695020e+00, v33  }
0x258: {  	v48 =	vmul.f32 $3.000000000e+01, v46;
	v37 =	vmul.f32 $3.000000000e+01, v50;
	v34 =	vadd.f32 v34, v38;
	v33 =	vld [tilespmem:s18+$0x6080]  }
0x259: {  	v39 =	vpop (erf);
	v28 =	vmax.f32 v28, v3;
	v36 =	vmul.f32 $1.442695020e+00, v36;
	(erf) = vpow2.f32 v47;
	v47 =	vld [tilespmem:$0x1FAA0]  }
0x25a: {  	v62 =	vmul.f32 $1.442695020e+00, v48;
	v38 =	vmul.f32 $3.000000000e+01, v52;
	v39 =	vadd.f32 v34, v39;
	v34 =	vld [tilespmem:s18+$0x6100]  }
0x25b: {  	v37 =	vmul.f32 $1.442695020e+00, v37;
	v40 =	vpop (erf);
	v28 =	vmax.f32 v28, v32;
	(erf) = vpow2.f32 v36  }
0x25c: {  	v45 =	vsub.f32 v44, v18;
	v39 =	vadd.f32 v39, v40;
	v41 =	vpop (erf);
	(erf) = vpow2.f32 v62;
	v62 =	vld [tilespmem:$0x1FAE0]  }
0x25d: {  	v52 =	vsub.f32 v51, v18;
	v28 =	vmax.f32 v28, v33;
	v42 =	vpop (erf);
	(erf) = vpow2.f32 v37  }
0x25e: {  	v51 =	vld [tilespmem:$0x1FB10];
	v46 =	vmul.f32 $3.000000000e+01, v45;
	v39 =	vadd.f32 v39, v41;
	v48 =	vsub.f32 v47, v18  }
0x25f: {  	v35 =	vld [tilespmem:s18+$0x6180];
	v50 =	vsub.f32 v49, v18;
	v38 =	vmul.f32 $1.442695020e+00, v38;
	v28 =	vmax.f32 v28, v34  }
0x260: {  	v49 =	vld [tilespmem:$0x1FAF0];
	v40 =	vmul.f32 $1.442695020e+00, v46;
	v39 =	vadd.f32 v39, v42;
	v41 =	vmul.f32 $3.000000000e+01, v48  }
0x261: {  	[tilespmem:$0x1F850] =	vst v2;
	v36 =	vld [tilespmem:s18+$0x6200];
	v43 =	vpop (erf);
	(erf) = vpow2.f32 v38;
	v42 =	vmul.f32 $3.000000000e+01, v50;
	v2 =	vsub.f32 v62, v18  }
0x262: {  	v37 =	vld [tilespmem:s18+$0x6280];
	v39 =	vadd.f32 v39, v43;
	v43 =	vmul.f32 $3.000000000e+01, v52;
	v41 =	vmul.f32 $1.442695020e+00, v41  }
0x263: {  	v38 =	vld [tilespmem:s18+$0x6300];
	v42 =	vmul.f32 $1.442695020e+00, v42;
	v52 =	vsub.f32 v51, v18;
	v44 =	vpop (erf);
	(erf) = vpow2.f32 v40  }
0x264: {  	v62 =	vld [tilespmem:$0x1FB30];
	v44 =	vadd.f32 v39, v44;
	v45 =	vpop (erf);
	v43 =	vmul.f32 $1.442695020e+00, v43;
	(erf) = vpow2.f32 v41  }
0x265: {  	v28 =	vmax.f32 v28, v35;
	v51 =	vld [tilespmem:$0x1FB60];
	v47 =	vpop (erf);
	(erf) = vpow2.f32 v42  }
0x266: {  	v44 =	vadd.f32 v44, v45;
	v46 =	vpop (erf);
	(erf) = vpow2.f32 v43;
	v43 =	vmul.f32 $3.000000000e+01, v52;
	v52 =	vld [tilespmem:$0x1FB40]  }
0x267: {  	v28 =	vmax.f32 v28, v36;
	v48 =	vmul.f32 $3.000000000e+01, v2;
	v39 =	vld [tilespmem:s18+$0x6380]  }
0x268: {  	v50 =	vsub.f32 v49, v18;
	v28 =	vmax.f32 v28, v37;
	v40 =	vld [tilespmem:s18+$0x7000];
	v44 =	vadd.f32 v44, v47  }
0x269: {  	v28 =	vmax.f32 v28, v38;
	v41 =	vld [tilespmem:s18+$0x7080];
	v45 =	vmul.f32 $1.442695020e+00, v48  }
0x26a: {  	v2 =	vsub.f32 v62, v18;
	v42 =	vld [tilespmem:s18+$0x7100];
	v47 =	vmul.f32 $3.000000000e+01, v50;
	v44 =	vadd.f32 v44, v46  }
0x26b: {  	v48 =	vpop (erf);
	(erf) = vpow2.f32 v45;
	v62 =	vsub.f32 v52, v18;
	v52 =	vsub.f32 v51, v18;
	v51 =	vld [tilespmem:$0x1FB70]  }
0x26c: {  	v28 =	vmax.f32 v28, v39;
	v47 =	vmul.f32 $1.442695020e+00, v47;
	v46 =	vmul.f32 $3.000000000e+01, v2  }
0x26d: {  	v43 =	vmul.f32 $1.442695020e+00, v43;
	v45 =	vmax.f32 v28, v40;
	v44 =	vadd.f32 v44, v48  }
0x26e: {  	v45 =	vmax.f32 v45, v41;
	v49 =	vpop (erf);
	(erf) = vpow2.f32 v47;
	v46 =	vmul.f32 $1.442695020e+00, v46  }
0x26f: {  	v44 =	vadd.f32 v44, v49;
	v47 =	vmul.f32 $3.000000000e+01, v62;
	v62 =	vpop (erf);
	(erf) = vpow2.f32 v43  }
0x270: {  	v43 =	vmax.f32 v45, v42;
	v45 =	vmul.f32 $3.000000000e+01, v52;
	v52 =	vsub.f32 v51, v18;
	_ =	sdelay $0x1  }
0x271: {  	v44 =	vadd.f32 v44, v62;
	v62 =	vpop (erf);
	(erf) = vpow2.f32 v46;
	v46 =	vmul.f32 $3.000000000e+01, v52;
	v52 =	vld [tilespmem:$0x1FB80];
	_ =	sdelay $0x3  }
0x272: {  	[tilespmem:$0x1F840] =	vst v1;
	v1 =	vld [tilespmem:s18+$0x7200];
	v44 =	vadd.f32 v44, v62  }
0x273: {  	[tilespmem:$0x1F860] =	vst v3;
	v3 =	vld [tilespmem:s18+$0x7180];
	v62 =	vsub.f32 v52, v18;
	v52 =	vpop (erf)  }
0x274: {  	v44 =	vadd.f32 v44, v52;
	v52 =	vld [tilespmem:$0x1FBB0]  }
0x275: {  	v48 =	vmul.f32 $3.000000000e+01, v62;
	v62 =	vld [tilespmem:$0x1FB90];
	_ =	sdelay $0x3  }
0x276: {  	v47 =	vmul.f32 $1.442695020e+00, v47;
	v43 =	vmax.f32 v43, v3  }
0x277: {  	[tilespmem:$0x1FA20] =	vst v1;
	v43 =	vmax.f32 v43, v1;
	v1 =	vsub.f32 v62, v18;
	v62 =	vsub.f32 v52, v18;
	v52 =	vld [tilespmem:$0x1FBD0]  }
0x278: {  	v45 =	vmul.f32 $1.442695020e+00, v45  }
0x279: {  	v46 =	vmul.f32 $1.442695020e+00, v46;
	(erf) = vpow2.f32 v47  }
0x27a: {  	v50 =	vpop (erf);
	(erf) = vpow2.f32 v45  }
0x27b: {  	v47 =	vpop (erf);
	(erf) = vpow2.f32 v46  }
0x27c: {  	v44 =	vadd.f32 v44, v50;
	v46 =	vmul.f32 $3.000000000e+01, v62;
	v62 =	vsub.f32 v52, v18;
	v52 =	vld [tilespmem:$0x1FBE0];
	_ =	sdelay $0x1  }
0x27d: {  	v44 =	vadd.f32 v44, v47  }
0x27e: {  	v47 =	vpop (erf)  }
0x27f: {  	v44 =	vadd.f32 v44, v47  }
0x280: {  	v51 =	vld [tilespmem:$0x1FC20];
	v49 =	vmul.f32 $3.000000000e+01, v62;
	v62 =	vsub.f32 v52, v18;
	v52 =	vpop (erf)  }
0x281: {  	v45 =	vmul.f32 $3.000000000e+01, v1;
	v44 =	vadd.f32 v44, v52;
	v52 =	vld [tilespmem:$0x1FC00]  }
0x282: {  	v48 =	vmul.f32 $1.442695020e+00, v48  }
0x283: {  	v45 =	vmul.f32 $1.442695020e+00, v45  }
0x284: {  	(erf) = vpow2.f32 v48  }
0x285: {  	(erf) = vpow2.f32 v45  }
0x286: {  	v45 =	vmul.f32 $3.000000000e+01, v62;
	v62 =	vsub.f32 v52, v18;
	v52 =	vsub.f32 v51, v18;
	v51 =	vld [tilespmem:$0x1FC30]  }
0x287: {  	v46 =	vmul.f32 $1.442695020e+00, v46  }
0x288: {  	v47 =	vpop (erf)  }
0x289: {  	(erf) = vpow2.f32 v46;
	v44 =	vadd.f32 v44, v47;
	v47 =	vmul.f32 $1.442695020e+00, v49  }
0x28a: {  	v2 =	vld [tilespmem:s18+$0x7280];
	v45 =	vmul.f32 $1.442695020e+00, v45;
	v46 =	vmul.f32 $3.000000000e+01, v62  }
0x28b: {  	[tilespmem:$0x1F870] =	vst v3;
	v3 =	vld [tilespmem:s18+$0x7300];
	v62 =	vpop (erf);
	(erf) = vpow2.f32 v47;
	v47 =	vmul.f32 $3.000000000e+01, v52;
	v52 =	vsub.f32 v51, v18  }
0x28c: {  	v51 =	vld [tilespmem:$0x1FC70]  }
0x28d: {  	v44 =	vadd.f32 v44, v62;
	v62 =	vpop (erf);
	(erf) = vpow2.f32 v45;
	v45 =	vmul.f32 $3.000000000e+01, v52;
	v52 =	vld [tilespmem:$0x1FC40]  }
0x28e: {  	v4 =	vld [tilespmem:s18+$0x7380];
	_ =	sdelay $0x2  }
0x28f: {  	v43 =	vmax.f32 v43, v2;
	v44 =	vadd.f32 v44, v62  }
0x290: {  	v43 =	vmax.f32 v43, v3;
	v62 =	vsub.f32 v52, v18;
	v52 =	vsub.f32 v51, v18;
	v51 =	vld [tilespmem:$0x1FC90]  }
0x291: {  	[tilespmem:$0x1FA60] =	vst v4;
	v43 =	vmax.f32 v43, v4;
	v4 =	vmul.f32 $1.442695020e+00, v46  }
0x292: {  	v47 =	vmul.f32 $1.442695020e+00, v47  }
0x293: {  	v46 =	vpop (erf);
	(erf) = vpow2.f32 v4;
	v45 =	vmul.f32 $1.442695020e+00, v45  }
0x294: {  	v49 =	vld [tilespmem:$0x1FC50];
	v50 =	vpop (erf);
	(erf) = vpow2.f32 v47;
	v48 =	vmul.f32 $3.000000000e+01, v62  }
0x295: {  	v62 =	vpop (erf);
	(erf) = vpow2.f32 v45;
	v45 =	vmul.f32 $3.000000000e+01, v52;
	v52 =	vsub.f32 v51, v18;
	v51 =	vld [tilespmem:$0x1FCA0];
	_ =	sdelay $0x2  }
0x296: {  	v44 =	vadd.f32 v44, v46  }
0x297: {  	v4 =	vsub.f32 v49, v18  }
0x298: {  	v44 =	vadd.f32 v44, v50;
	v47 =	vmul.f32 $3.000000000e+01, v52;
	v52 =	vsub.f32 v51, v18;
	v51 =	vld [tilespmem:$0x1FCC0]  }
0x299: {  	v46 =	vmul.f32 $3.000000000e+01, v4  }
0x29a: {  	v48 =	vmul.f32 $1.442695020e+00, v48;
	v44 =	vadd.f32 v44, v62  }
0x29b: {  	v46 =	vmul.f32 $1.442695020e+00, v46;
	v62 =	vpop (erf)  }
0x29c: {  	(erf) = vpow2.f32 v48;
	v44 =	vadd.f32 v44, v62  }
0x29d: {  	v62 =	vpop (erf);
	(erf) = vpow2.f32 v46;
	v46 =	vmul.f32 $3.000000000e+01, v52;
	v52 =	vsub.f32 v51, v18;
	v51 =	vld [tilespmem:$0x1FCE0];
	_ =	sdelay $0x2  }
0x29e: {  	v45 =	vmul.f32 $1.442695020e+00, v45  }
0x29f: {  	v44 =	vadd.f32 v44, v62;
	v47 =	vmul.f32 $1.442695020e+00, v47  }
0x2a0: {  	v62 =	vpop (erf);
	(erf) = vpow2.f32 v45;
	v45 =	vmul.f32 $3.000000000e+01, v52;
	v52 =	vsub.f32 v51, v18  }
0x2a1: {  	v51 =	vld [tilespmem:$0x1FD00]  }
0x2a2: {  	v44 =	vadd.f32 v44, v62;
	v62 =	vpop (erf);
	(erf) = vpow2.f32 v47;
	v47 =	vmul.f32 $3.000000000e+01, v52;
	v52 =	vld [tilespmem:$0x1FCF0];
	_ =	sdelay $0x2  }
0x2a3: {  	[tilespmem:$0x1FA40] =	vst v3;
	v3 =	vld [tilespmem:s18+$0x8080]  }
0x2a4: {  	v1 =	vld [tilespmem:s18+$0x8000];
	v44 =	vadd.f32 v44, v62  }
0x2a5: {  	v62 =	vsub.f32 v52, v18;
	v52 =	vsub.f32 v51, v18;
	v51 =	vld [tilespmem:$0x1FD10]  }
0x2a6: {  	[tilespmem:$0x1FA30] =	vst v2;
	v2 =	vld [tilespmem:s18+$0x8100];
	_ =	sdelay $0x2  }
0x2a7: {  	[tilespmem:$0x1FA70] =	vst v1;
	v43 =	vmax.f32 v43, v1;
	v1 =	vld [tilespmem:s18+$0x8180]  }
0x2a8: {  	[tilespmem:$0x1FA90] =	vst v3;
	v43 =	vmax.f32 v43, v3;
	v3 =	vld [tilespmem:s18+$0x8200];
	v48 =	vmul.f32 $3.000000000e+01, v52;
	v52 =	vsub.f32 v51, v18  }
0x2a9: {  	[tilespmem:$0x1FAA0] =	vst v2;
	v43 =	vmax.f32 v43, v2;
	v2 =	vld [tilespmem:s18+$0x8280]  }
0x2aa: {  	v0 =	vpop (erf);
	v46 =	vmul.f32 $1.442695020e+00, v46;
	v49 =	vmul.f32 $3.000000000e+01, v52;
	v52 =	vld [tilespmem:$0x1FD30]  }
0x2ab: {  	v44 =	vadd.f32 v44, v0  }
0x2ac: {  	[tilespmem:$0x1FAB0] =	vst v1;
	v43 =	vmax.f32 v43, v1;
	v1 =	vld [tilespmem:s18+$0x8300];
	(erf) = vpow2.f32 v46;
	v46 =	vmul.f32 $3.000000000e+01, v62;
	v62 =	vpop (erf)  }
0x2ad: {  	[tilespmem:$0x1FAD0] =	vst v3;
	v43 =	vmax.f32 v43, v3;
	v3 =	vld [tilespmem:s18+$0x8380];
	v44 =	vadd.f32 v44, v62  }
0x2ae: {  	[tilespmem:$0x1FAE0] =	vst v2;
	v43 =	vmax.f32 v43, v2;
	v2 =	vld [tilespmem:s18+$0x9000];
	v62 =	vpop (erf)  }
0x2af: {  	v44 =	vadd.f32 v44, v62;
	v62 =	vsub.f32 v52, v18;
	v52 =	vld [tilespmem:$0x1FD50]  }
0x2b0: {  	v29 =	vld [tilespmem:s18+$0xA180]  }
0x2b1: {  	[tilespmem:$0x1FAF0] =	vst v1;
	v43 =	vmax.f32 v43, v1;
	v1 =	vld [tilespmem:s18+$0x9080];
	v51 =	vpop (erf)  }
0x2b2: {  	[tilespmem:$0x1FB10] =	vst v3;
	v43 =	vmax.f32 v43, v3;
	v3 =	vld [tilespmem:s18+$0x9100];
	v44 =	vadd.f32 v44, v51  }
0x2b3: {  	[tilespmem:$0x1FB30] =	vst v2;
	v43 =	vmax.f32 v43, v2;
	v2 =	vld [tilespmem:s18+$0x9180];
	v50 =	vmul.f32 $3.000000000e+01, v62;
	v62 =	vpop (erf)  }
0x2b4: {  	v51 =	vsub.f32 v52, v18;
	v44 =	vadd.f32 v44, v62;
	v52 =	vld [tilespmem:$0x1FD60]  }
0x2b5: {  	v6 =	vld [tilespmem:s18+$0xB380];
	v45 =	vmul.f32 $1.442695020e+00, v45;
	v62 =	vpop (erf)  }
0x2b6: {  	v43 =	vmax.f32 v43, v1;
	v47 =	vmul.f32 $1.442695020e+00, v47;
	v44 =	vadd.f32 v44, v62;
	v62 =	vld [tilespmem:$0x1FD70]  }
0x2b7: {  	[tilespmem:$0x1FB40] =	vst v1;
	v1 =	vld [tilespmem:s18+$0x9200];
	v43 =	vmax.f32 v43, v3;
	(erf) = vpow2.f32 v45;
	v46 =	vmul.f32 $1.442695020e+00, v46  }
0x2b8: {  	v43 =	vmax.f32 v43, v2;
	v4 =	vld [tilespmem:s18+$0x9280];
	v48 =	vmul.f32 $1.442695020e+00, v48;
	(erf) = vpow2.f32 v47  }
0x2b9: {  	[tilespmem:$0x1FB70] =	vst v2;
	v2 =	vld [tilespmem:s18+$0x9300];
	(erf) = vpow2.f32 v46;
	v49 =	vmul.f32 $1.442695020e+00, v49;
	v52 =	vsub.f32 v52, v18  }
0x2ba: {  	[tilespmem:$0x1FB60] =	vst v3;
	v3 =	vld [tilespmem:s18+$0x9380];
	(erf) = vpow2.f32 v48  }
0x2bb: {  	(erf) = vpow2.f32 v49;
	v49 =	vmul.f32 $3.000000000e+01, v52;
	v52 =	vsub.f32 v62, v18;
	v62 =	vld [tilespmem:$0x1FD80]  }
0x2bc: {  	[tilespmem:$0x1FB80] =	vst v1;
	v45 =	vmax.f32 v43, v1;
	v1 =	vld [tilespmem:s18+$0xA000]  }
0x2bd: {  	v45 =	vmax.f32 v45, v4;
	v46 =	vld [tilespmem:s18+$0xC100]  }
0x2be: {  	[tilespmem:$0x1FBB0] =	vst v2;
	v45 =	vmax.f32 v45, v2;
	v2 =	vld [tilespmem:s18+$0xA080];
	v50 =	vmul.f32 $1.442695020e+00, v50  }
0x2bf: {  	v30 =	vmov v10;
	[tilespmem:$0x1FB90] =	vst v4;
	v4 =	vld [tilespmem:s18+$0xA100];
	v51 =	vmul.f32 $3.000000000e+01, v51  }
0x2c0: {  	v10 =	vld [tilespmem:s18+$0xB300];
	v0 =	vpop (erf);
	(erf) = vpow2.f32 v50;
	v50 =	vmul.f32 $3.000000000e+01, v52;
	v52 =	vsub.f32 v62, v18  }
0x2c1: {  	[tilespmem:$0x1FBD0] =	vst v3;
	v45 =	vmax.f32 v45, v3;
	v3 =	vld [tilespmem:s18+$0xA200]  }
0x2c2: {  	v45 =	vmax.f32 v45, v1;
	v44 =	vadd.f32 v44, v0;
	v0 =	vmovc v46;
	v46 =	vmul.f32 $3.000000000e+01, v52;
	v52 =	vld [tilespmem:$0x1FD90]  }
0x2c3: {  	s16 =	sadd.s32 $0x10, s16;
	v47 =	vld [tilespmem:s18+$0xC180];
	v45 =	vmax.f32 v45, v2;
	v28 =	vmul.f32 $1.442695020e+00, v51;
	v51 =	vpop (erf)  }
0x2c4: {  	v43 =	vld [tilespmem:s16+$0x0];
	v45 =	vmax.f32 v45, v4;
	v44 =	vadd.f32 v44, v51  }
0x2c5: {  	[tilespmem:$0x1FBE0] =	vst v1;
	v1 =	vld [tilespmem:s18+$0xC000];
	v45 =	vmax.f32 v45, v29;
	v62 =	vpop (erf)  }
0x2c6: {  	[tilespmem:$0x1FC00] =	vst v2;
	v2 =	vld [tilespmem:s18+$0xA280];
	v45 =	vmax.f32 v45, v3;
	v44 =	vadd.f32 v44, v62  }
0x2c7: {  	[tilespmem:$0x1FC20] =	vst v4;
	v48 =	vld [tilespmem:s18+$0xC080];
	(erf) = vpow2.f32 v28;
	v49 =	vmul.f32 $1.442695020e+00, v49;
	v62 =	vpop (erf);
	v52 =	vsub.f32 v52, v18  }
0x2c8: {  	v4 =	vmovc v47;
	[tilespmem:$0x1FC40] =	vst v3;
	v3 =	vsub.f32 v27, v18;
	v51 =	vld [tilespmem:s18+$0xA300];
	v50 =	vmul.f32 $1.442695020e+00, v50;
	v44 =	vadd.f32 v44, v62  }
0x2c9: {  	[tilespmem:$0x1FC30] =	vst v29;
	v29 =	vld [tilespmem:s18+$0xB200];
	(erf) = vpow2.f32 v49;
	v49 =	vsub.f32 v26, v18;
	v26 =	vpop (erf);
	v47 =	vmul.f32 $3.000000000e+01, v52  }
0x2ca: {  	v46 =	vmul.f32 $1.442695020e+00, v46;
	v27 =	vadd.f32 v44, v26;
	v26 =	vmul.f32 $3.000000000e+01, v3;
	v3 =	vld [tilespmem:$0x1FF10]  }
0x2cb: {  	(erf) = vpow2.f32 v50;
	v44 =	vmul.f32 $1.442695020e+00, v47;
	v47 =	vld [tilespmem:$0x1FF40]  }
0x2cc: {  	v31 =	vmovc v5;
	v5 =	vmovc v48;
	v48 =	vmul.f32 $3.000000000e+01, v49;
	v49 =	vld [tilespmem:s18+$0xA380];
	v62 =	vmax.f32 v45, v2;
	(erf) = vpow2.f32 v46  }
0x2cd: {  	v18 =	vpop (erf);
	(erf) = vpow2.f32 v44;
	v44 =	vmax.f32 v62, v51;
	v62 =	vld [tilespmem:$0x1FFB0]  }
0x2ce: {  	v52 =	vld [tilespmem:s18+$0xB000]  }
0x2cf: {  	v28 =	vmov v55;
	v55 =	vmov v54;
	v50 =	vld [tilespmem:s18+$0xB080];
	v18 =	vadd.f32 v27, v18  }
0x2d0: {  	s19 =	sadd.s32 $0x80, s19;
	[tilespmem:$0x1FC50] =	vst v2;
	v54 =	vmov v53;
	v53 =	vld [tilespmem:s18+$0xB280];
	v27 =	vmul.f32 $1.442695020e+00, v48;
	v48 =	vpop (erf);
	v2 =	vadd.f32 v3, v47  }
0x2d1: {  	s21 =	sand.u32 $0x70, s20;
	s22 =	sand.u32 $0xC00, s19;
	[tilespmem:$0x1FC70] =	vst v51;
	v45 =	vmul.f32 $1.442695020e+00, v26;
	v18 =	vadd.f32 v18, v48;
	v51 =	vld [tilespmem:s18+$0xB100]  }
0x2d2: {  	(erf) = vpow2.f32 v27;
	v27 =	vmax.f32 v44, v49;
	v3 =	vld [tilespmem:s18+$0xB180];
	s18 =	sor.u32 s21, s22;
	[tilespmem:$0x1FF40] =	vst v2;
	v2 =	vadd.f32 v63, v62  }
0x2d3: {  	[tilespmem:$0x1FC90] =	vst v49;
	v49 =	vlaneseq.u32;
	v27 =	vmax.f32 v27, v52;
	v46 =	vld [tilespmem:s18+$0x0];
	v63 =	vmov s17  }
0x2d4: {  	v27 =	vmax.f32 v27, v50;
	v62 =	vpop (erf);
	[tilespmem:$0x1FFB0] =	vst v2;
	v2 =	vor.u32 s17, v49;
	v49 =	vld [tilespmem:s18+$0x80]  }
0x2d5: {  	[tilespmem:$0x1FCC0] =	vst v50;
	v48 =	vld [tilespmem:s18+$0x100];
	(erf) = vpow2.f32 v45;
	v18 =	vadd.f32 v18, v62;
	v2 =	vand.u32 $0x7F, v2  }
0x2d6: {  	v50 =	vld [tilespmem:s18+$0x180];
	[tilespmem:$0x1FCE0] =	vst v51;
	v27 =	vmax.f32 v27, v51;
	v51 =	vshll.u32 v43, $0x7;
	v44 =	vshll.u32 v63, $0x3;
	v63 =	vpop (erf)  }
0x2d7: {  	v47 =	vld [tilespmem:s18+$0x200];
	v44 =	vand.u32 $0xC00, v44;
	v27 =	vmax.f32 v27, v3;
	v18 =	vadd.f32 v18, v63  }
0x2d8: {  	[tilespmem:$0x1FCA0] =	vst v52;
	v52 =	vld [tilespmem:s18+$0x280];
	v62 =	vshll.u32 v43, $0x9;
	v44 =	vor.u32 v44, v2;
	v27 =	vmax.f32 v27, v29;
	v2 =	vpop (erf)  }
0x2d9: {  	[tilespmem:$0x1FD00] =	vst v29;
	v29 =	vld [tilespmem:s18+$0x300];
	v27 =	vmax.f32 v27, v53;
	v18 =	vadd.f32 v18, v2;
	v2 =	vmax.f32 v46, v49  }
0x2da: {  	[tilespmem:$0x1FD10] =	vst v53;
	v51 =	vand.u32 $0x380, v51;
	v27 =	vmax.f32 v27, v10;
	v53 =	vpop (erf);
	v45 =	vmax.f32 v2, v48;
	v2 =	vld [tilespmem:s18+$0x380]  }
0x2db: {  	v27 =	vmax.f32 v27, v6;
	v18 =	vadd.f32 v18, v53;
	v45 =	vmax.f32 v45, v50;
	v53 =	vld [tilespmem:$0x1FDB0]  }
0x2dc: {  	v62 =	vand.u32 $0xFFFFF000, v62;
	[tilespmem:$0x1FCF0] =	vst v3;
	v3 =	vpop (erf);
	v27 =	vmax.f32 v27, v1;
	v45 =	vmax.f32 v45, v47  }
0x2dd: {  	v27 =	vmax.f32 v27, v5;
	v3 =	vsub.f32 v18, v3;
	v18 =	vmax.f32 v45, v52  }
0x2de: {  	[tilespmem:$0x1FD60] =	vst v1;
	v62 =	vor.u32 v62, v44;
	v1 =	vpop (erf);
	v27 =	vmax.f32 v27, v0;
	v18 =	vmax.f32 v18, v29  }
0x2df: {  	v44 =	vadd.f32 v3, v1;
	v3 =	vmax.f32 v18, v2;
	v18 =	vmax.f32 v27, v4  }
0x2e0: {  	v27 =	vor.u32 v51, v62;
	v51 =	vsub.f32 v53, v18;
	_ =	sdelay $0x1  }
0x2e1: {  	v53 =	vmov v49;
	v49 =	vmul.f32 $3.000000000e+01, v51;
	v51 =	vld [tilespmem:$0x1FDF0]  }
0x2e2: {  	v63 =	vld [tilespmem:s18+$0x1000];
	_ =	sdelay $0x2  }
0x2e3: {  	v62 =	vmov v46;
	v46 =	vld [tilespmem:$0x1FDC0];
	[tilespmem:$0x1FDC0] =	vst v53;
	v53 =	vmov v50  }
0x2e4: {  	v50 =	vld [tilespmem:$0x1FDD0];
	v51 =	vsub.f32 v51, v18  }
0x2e5: {  	v45 =	vmax.f32 v3, v63  }
0x2e6: {  	v3 =	vsub.f32 v25, v18;
	v25 =	vand.u32 $0x7FFFFF, v44;
	[tilespmem:$0x1FDF0] =	vst v53;
	v53 =	vmovc v48;
	v48 =	vmul.f32 $3.000000000e+01, v51;
	v51 =	vld [tilespmem:$0x1FE00]  }
0x2e7: {  	v25 =	vor.u32 $0x3F800000, v25  }
0x2e8: {  	[tilespmem:$0x1FDB0] =	vst v62;
	v62 =	vsub.f32 v23, v18;
	v23 =	vmul.f32 $5.000000000e-01, v25  }
0x2e9: {  	vm2 =	vgt.f32 v25, $1.414213540e+00;
	v50 =	vsub.f32 v50, v18  }
0x2ea: {  	v46 =	vsub.f32 v46, v18;
	v23 =	vsel vm2, v23, v25  }
0x2eb: {  	v25 =	vmul.f32 $1.442695020e+00, v49;
	v49 =	vmul.f32 $3.000000000e+01, v50;
	v50 =	vsub.f32 v51, v18;
	v51 =	vld [tilespmem:$0x1FE10];
	_ =	sdelay $0x1  }
0x2ec: {  	v46 =	vmul.f32 $3.000000000e+01, v46  }
0x2ed: {  	[tilespmem:$0x1FDD0] =	vst v53;
	v53 =	vmov v47  }
0x2ee: {  	v46 =	vmul.f32 $1.442695020e+00, v46  }
0x2ef: {  	(erf) = vpow2.f32 v25;
	v47 =	vmul.f32 $1.442695020e+00, v49;
	v49 =	vsub.f32 v51, v18  }
0x2f0: {  	[tilespmem:$0x1FE00] =	vst v53;
	(erf) = vpow2.f32 v46;
	v53 =	vmov v52;
	v52 =	vld [tilespmem:$0x1FE40]  }
0x2f1: {  	v23 =	vadd.f32 $-1.000000000e+00, v23;
	(erf) = vpow2.f32 v47;
	v47 =	vmul.f32 $3.000000000e+01, v49;
	v49 =	vld [tilespmem:$0x1FE30];
	_ =	sdelay $0x1  }
0x2f2: {  	v25 =	vmul.f32 $7.037683580e-02, v23  }
0x2f3: {  	v46 =	vmul.f32 $3.000000000e+01, v50  }
0x2f4: {  	v25 =	vadd.f32 $-1.151461010e-01, v25;
	v48 =	vmul.f32 $1.442695020e+00, v48;
	v50 =	vsub.f32 v20, v18  }
0x2f5: {  	[tilespmem:$0x1FE10] =	vst v53;
	v53 =	vsub.f32 v52, v18;
	v51 =	vmovc v29;
	v29 =	vmul.f32 $1.442695020e+00, v46;
	v20 =	vsub.f32 v49, v18  }
0x2f6: {  	v22 =	vsub.f32 v22, v18;
	v25 =	vmul.f32 v25, v23;
	(erf) = vpow2.f32 v48  }
0x2f7: {  	v21 =	vsub.f32 v21, v18;
	(erf) = vpow2.f32 v29;
	v49 =	vmul.f32 $3.000000000e+01, v20  }
0x2f8: {  	v20 =	vmul.f32 $3.000000000e+01, v3;
	v3 =	vadd.f32 $1.167699840e-01, v25;
	v25 =	vmul.f32 $1.442695020e+00, v47  }
0x2f9: {  	v29 =	vmul.f32 $3.000000000e+01, v53;
	v53 =	vmovc v63;
	v63 =	vsub.f32 v55, v18;
	v47 =	vsub.f32 v54, v18  }
0x2fa: {  	v48 =	vmov v2;
	v52 =	vpop (erf);
	v2 =	vmul.f32 $1.442695020e+00, v49;
	(erf) = vpow2.f32 v25  }
0x2fb: {  	v9 =	vsub.f32 v9, v18;
	v29 =	vmul.f32 $1.442695020e+00, v29;
	v54 =	vpop (erf);
	v25 =	vmul.f32 $3.000000000e+01, v47  }
0x2fc: {  	v55 =	vmul.f32 $3.000000000e+01, v63;
	v46 =	vadd.f32 v54, v52;
	(erf) = vpow2.f32 v2  }
0x2fd: {  	[tilespmem:$0x1FD80] =	vst v0;
	v17 =	vsub.f32 v17, v18;
	v63 =	vpop (erf);
	v3 =	vmul.f32 v3, v23;
	v0 =	vmul.f32 $1.442695020e+00, v25  }
0x2fe: {  	v9 =	vmul.f32 $3.000000000e+01, v9;
	v46 =	vadd.f32 v46, v63;
	(erf) = vpow2.f32 v29  }
0x2ff: {  	[tilespmem:$0x1FE40] =	vst v48;
	v48 =	vpop (erf);
	v3 =	vadd.f32 $-1.242014100e-01, v3;
	v2 =	vmul.f32 $1.442695020e+00, v55;
	(erf) = vpow2.f32 v0  }
0x300: {  	v17 =	vmul.f32 $3.000000000e+01, v17;
	v9 =	vmul.f32 $1.442695020e+00, v9;
	v46 =	vadd.f32 v46, v48  }
0x301: {  	v12 =	vsub.f32 v12, v18;
	v3 =	vmul.f32 v3, v23;
	v25 =	vpop (erf);
	(erf) = vpow2.f32 v2  }
0x302: {  	[tilespmem:$0x1FE30] =	vst v51;
	v51 =	vmul.f32 $3.000000000e+01, v21;
	v49 =	vmul.f32 $1.442695020e+00, v17;
	v25 =	vadd.f32 v46, v25  }
0x303: {  	v21 =	vmul.f32 $3.000000000e+01, v22;
	v55 =	vmul.f32 $3.000000000e+01, v12;
	v3 =	vadd.f32 $1.424932330e-01, v3;
	v22 =	vpop (erf)  }
0x304: {  	v29 =	vmul.f32 $3.000000000e+01, v62;
	(erf) = vpow2.f32 v49;
	v22 =	vadd.f32 v25, v22  }
0x305: {  	v62 =	vmul.f32 $3.000000000e+01, v50;
	v3 =	vmul.f32 v3, v23;
	v17 =	vpop (erf)  }
0x306: {  	(erf) = vpow2.f32 v9;
	v9 =	vmul.f32 $1.442695020e+00, v55;
	v17 =	vadd.f32 v22, v17  }
0x307: {  	v21 =	vmul.f32 $1.442695020e+00, v21;
	v3 =	vadd.f32 $-1.666805740e-01, v3;
	v12 =	vpop (erf)  }
0x308: {  	v12 =	vadd.f32 v17, v12;
	v17 =	vmul.f32 $1.442695020e+00, v62;
	v22 =	vpop (erf);
	(erf) = vpow2.f32 v9  }
0x309: {  	v8 =	vsub.f32 v8, v18;
	v3 =	vmul.f32 v3, v23;
	(erf) = vpow2.f32 v21  }
0x30a: {  	v63 =	vsub.f32 v19, v18;
	v19 =	vpop (erf);
	v9 =	vadd.f32 v12, v22;
	(erf) = vpow2.f32 v17  }
0x30b: {  	v3 =	vadd.f32 $2.000071410e-01, v3  }
0x30c: {  	v8 =	vmul.f32 $3.000000000e+01, v8;
	v12 =	vmul.f32 $3.000000000e+01, v63;
	v9 =	vadd.f32 v9, v19  }
0x30d: {  	v3 =	vmul.f32 v3, v23;
	v17 =	vpop (erf)  }
0x30e: {  	v8 =	vmul.f32 $1.442695020e+00, v8;
	v12 =	vmul.f32 $1.442695020e+00, v12;
	v9 =	vadd.f32 v9, v17  }
0x30f: {  	v46 =	vmul.f32 $1.442695020e+00, v51;
	v3 =	vadd.f32 $-2.499999400e-01, v3;
	v47 =	vpop (erf)  }
0x310: {  	(erf) = vpow2.f32 v8;
	v19 =	vmul.f32 v23, v23;
	v2 =	vadd.f32 v9, v47  }
0x311: {  	(erf) = vpow2.f32 v46;
	v3 =	vmul.f32 v3, v23;
	v21 =	vpop (erf)  }
0x312: {  	v48 =	vimm.s32 $0x0;
	(erf) = vpow2.f32 v12;
	v2 =	vadd.f32 v2, v21;
	v12 =	vpop (erf)  }
0x313: {  	v17 =	vmul.f32 v19, v23;
	v19 =	vmul.f32 $5.000000000e-01, v23;
	v3 =	vadd.f32 $3.333333130e-01, v3;
	v21 =	vpop (erf)  }
0x314: {  	v49 =	vsel vm2, $0x1, v48;
	v9 =	vshra.s32 v44, $0x17;
	v2 =	vadd.f32 v2, v21;
	v21 =	vld [tilespmem:$0x1FE50]  }
0x315: {  	v9 =	vadd.s32 v49, v9;
	v3 =	vmul.f32 v3, v17;
	v17 =	vmul.f32 v19, v23  }
0x316: {  	v50 =	vmul.f32 $1.442695020e+00, v29;
	v9 =	vadd.s32 $0xFFFFFF81, v9  }
0x317: {  	v9 =	vcvt.s32.f32 v9;
	v3 =	vsub.f32 v3, v17  }
0x318: {  	v24 =	vsub.f32 v24, v18;
	(erf) = vpow2.f32 v50  }
0x319: {  	v7 =	vsub.f32 v7, v18;
	v9 =	vmul.f32 $6.931471820e-01, v9;
	v3 =	vadd.f32 v3, v23  }
0x31a: {  	v16 =	vsub.f32 v16, v18;
	v24 =	vmul.f32 $3.000000000e+01, v24;
	v19 =	vpop (erf)  }
0x31b: {  	v7 =	vmul.f32 $3.000000000e+01, v7;
	v2 =	vadd.f32 v2, v19;
	v3 =	vadd.f32 v3, v9  }
0x31c: {  	v20 =	vmul.f32 $1.442695020e+00, v20;
	v17 =	vmul.f32 $1.442695020e+00, v24;
	v19 =	vpop (erf);
	v63 =	vld.idx.msk [tilespmem:v21+s13+$0x0], $0xffff  }
0x31d: {  	v9 =	vmul.f32 $3.000000000e+01, v16;
	v2 =	vadd.f32 v2, v19;
	v19 =	vsub.f32 v3, v26  }
0x31e: {  	v7 =	vmul.f32 $1.442695020e+00, v7;
	(erf) = vpow2.f32 v17  }
0x31f: {  	(erf) = vpow2.f32 v20;
	v3 =	vmul.f32 $1.442695020e+00, v9  }
0x320: {  	v54 =	vld [tilespmem:s18+$0x1080];
	v16 =	vpop (erf);
	(erf) = vpow2.f32 v7  }
0x321: {  	v13 =	vsub.f32 v13, v18;
	[tilespmem:$0x1FF10] =	vst v19;
	v7 =	vmul.f32 v19, v63;
	v19 =	vpop (erf);
	(erf) = vpow2.f32 v3;
	v3 =	vld [tilespmem:$0x1FF50];
	_ =	sdelay $0x1  }
0x322: {  	v14 =	vsub.f32 v14, v18;
	v13 =	vmul.f32 $3.000000000e+01, v13;
	v17 =	vld [tilespmem:s18+$0x1100];
	v2 =	vadd.f32 v2, v12  }
0x323: {  	v15 =	vsub.f32 v15, v18  }
0x324: {  	v14 =	vmul.f32 $3.000000000e+01, v14;
	v13 =	vmul.f32 $1.442695020e+00, v13;
	v52 =	vld [tilespmem:$0x1FEA0];
	v2 =	vadd.f32 v2, v16  }
0x325: {  	v51 =	vld [tilespmem:$0x1FE90];
	v8 =	vmax.f32 v45, v54;
	v3 =	vadd.f32 v7, v3  }
0x326: {  	v2 =	vadd.f32 v2, v19;
	(erf) = vpow2.f32 v13;
	v7 =	vmul.f32 $3.000000000e+01, v15  }
0x327: {  	[tilespmem:$0x1FF50] =	vst v3;
	v3 =	vmax.f32 v8, v17;
	v8 =	vsub.f32 v11, v18;
	v11 =	vmul.f32 $1.442695020e+00, v14  }
0x328: {  	v14 =	vpop (erf);
	v7 =	vmul.f32 $1.442695020e+00, v7  }
0x329: {  	v55 =	vld [tilespmem:$0x1FEC0];
	v2 =	vadd.f32 v2, v14;
	v13 =	vmul.f32 $3.000000000e+01, v8;
	(erf) = vpow2.f32 v11  }
0x32a: {  	v14 =	vsub.f32 v52, v18;
	v15 =	vpop (erf);
	v8 =	vsub.f32 v51, v18  }
0x32b: {  	v2 =	vadd.f32 v2, v15;
	(erf) = vpow2.f32 v7;
	v13 =	vmul.f32 $1.442695020e+00, v13  }
0x32c: {  	v7 =	vmul.f32 $3.000000000e+01, v14;
	v14 =	vsub.f32 v61, v18;
	v15 =	vpop (erf);
	v11 =	vmul.f32 $3.000000000e+01, v8  }
0x32d: {  	v2 =	vadd.f32 v2, v15;
	(erf) = vpow2.f32 v13  }
0x32e: {  	v15 =	vpop (erf);
	v11 =	vmul.f32 $1.442695020e+00, v11;
	v13 =	vmul.f32 $3.000000000e+01, v14;
	v14 =	vsub.f32 v55, v18  }
0x32f: {  	v25 =	vld [tilespmem:s18+$0x2200];
	v7 =	vmul.f32 $1.442695020e+00, v7;
	v2 =	vadd.f32 v2, v15  }
0x330: {  	v22 =	vld [tilespmem:s18+$0x2000];
	v15 =	vpop (erf);
	(erf) = vpow2.f32 v11;
	v11 =	vmul.f32 $3.000000000e+01, v14;
	v14 =	vsub.f32 v60, v18  }
0x331: {  	v20 =	vld [tilespmem:s18+$0x1280];
	v13 =	vmul.f32 $1.442695020e+00, v13;
	v2 =	vadd.f32 v2, v15;
	(erf) = vpow2.f32 v7  }
0x332: {  	v26 =	vld.idx.msk [tilespmem:v27+s4+$0x0], $0xffff;
	v7 =	vmul.f32 $3.000000000e+01, v14;
	v14 =	vsub.f32 v58, v18;
	v11 =	vmul.f32 $1.442695020e+00, v11;
	v15 =	vpop (erf)  }
0x333: {  	v16 =	vld.idx.msk [tilespmem:v43+s12+$0x0], $0xffff;
	(erf) = vpow2.f32 v13;
	v2 =	vadd.f32 v2, v15  }
0x334: {  	v9 =	vld [tilespmem:s18+$0x1180];
	v13 =	vmul.f32 $3.000000000e+01, v14;
	v14 =	vsub.f32 v59, v18;
	v15 =	vpop (erf);
	(erf) = vpow2.f32 v11  }
0x335: {  	v12 =	vld [tilespmem:s18+$0x1200];
	v2 =	vadd.f32 v2, v15  }
0x336: {  	v8 =	vld [tilespmem:s18+$0x1300];
	v7 =	vmul.f32 $1.442695020e+00, v7;
	v11 =	vmul.f32 $3.000000000e+01, v14;
	v14 =	vsub.f32 v57, v18;
	v15 =	vpop (erf)  }
0x337: {  	v21 =	vmovc v43;
	v59 =	vld [tilespmem:$0x1FEF0];
	v58 =	vmul.f32 $1.442695020e+00, v13;
	v2 =	vadd.f32 v2, v15;
	v15 =	vsub.f32 v56, v18  }
0x338: {  	[tilespmem:$0x1FE50] =	vst v21;
	v21 =	vld [tilespmem:s18+$0x1380];
	v27 =	vsub.f32 v26, v16;
	(erf) = vpow2.f32 v7;
	v14 =	vmul.f32 $3.000000000e+01, v14  }
0x339: {  	[tilespmem:$0x1FD90] =	vst v4;
	v24 =	vld [tilespmem:s18+$0x2180];
	v3 =	vmax.f32 v3, v9;
	v4 =	vmul.f32 $1.442695020e+00, v11;
	v15 =	vmul.f32 $3.000000000e+01, v15  }
0x33a: {  	v19 =	vld [tilespmem:s18+$0x2080];
	v3 =	vmax.f32 v3, v12;
	v16 =	vpop (erf);
	(erf) = vpow2.f32 v58;
	v14 =	vmul.f32 $1.442695020e+00, v14  }
0x33b: {  	[tilespmem:$0x1FD70] =	vst v5;
	v23 =	vld [tilespmem:s18+$0x2100];
	v3 =	vmax.f32 v3, v20;
	v13 =	vpop (erf);
	(erf) = vpow2.f32 v4;
	v5 =	vmul.f32 $1.442695020e+00, v15  }
0x33c: {  	[tilespmem:$0x1FD50] =	vst v6;
	v60 =	vld [tilespmem:$0x1FF00];
	v3 =	vmax.f32 v3, v8;
	v6 =	vsub.f32 v59, v18;
	v11 =	vpop (erf);
	(erf) = vpow2.f32 v14  }
0x33d: {  	v3 =	vmax.f32 v3, v21;
	v15 =	vpop (erf);
	(erf) = vpow2.f32 v5;
	v5 =	vld [tilespmem:$0x1FF70]  }
0x33e: {  	v3 =	vmax.f32 v3, v22;
	v7 =	vld [tilespmem:s18+$0x2280];
	v2 =	vadd.f32 v2, v16;
	v6 =	vmul.f32 $3.000000000e+01, v6  }
0x33f: {  	v3 =	vmax.f32 v3, v19;
	v16 =	vld [tilespmem:s18+$0x2300]  }
0x340: {  	v3 =	vmax.f32 v3, v23;
	v2 =	vadd.f32 v2, v13;
	v13 =	vld [tilespmem:s18+$0x2380];
	v6 =	vmul.f32 $1.442695020e+00, v6  }
0x341: {  	v3 =	vmax.f32 v3, v24;
	v14 =	vld [tilespmem:s18+$0x3000]  }
0x342: {  	v2 =	vadd.f32 v2, v11;
	v11 =	vpop (erf);
	(erf) = vpow2.f32 v6;
	v6 =	vsub.f32 v5, v18;
	v5 =	vld [tilespmem:$0x1FF90]  }
0x343: {  	v61 =	vld [tilespmem:$0x1FF20];
	v3 =	vmax.f32 v3, v25  }
0x344: {  	v0 =	vsub.f32 v60, v18;
	v4 =	vld [tilespmem:$0x1FF60];
	v3 =	vmax.f32 v3, v7;
	v2 =	vadd.f32 v2, v15  }
0x345: {  	v3 =	vmax.f32 v3, v16;
	v15 =	vld [tilespmem:s18+$0x3080]  }
0x346: {  	v0 =	vmul.f32 $3.000000000e+01, v0;
	v3 =	vmax.f32 v3, v13;
	v2 =	vadd.f32 v2, v11;
	v11 =	vld [tilespmem:s18+$0x3100]  }
0x347: {  	v62 =	vmax.f32 v3, v14;
	v3 =	vmul.f32 $3.000000000e+01, v6;
	v6 =	vsub.f32 v5, v18;
	v5 =	vld [tilespmem:s18+$0x3180]  }
0x348: {  	v0 =	vmul.f32 $1.442695020e+00, v0  }
0x349: {  	v1 =	vsub.f32 v61, v18  }
0x34a: {  	v4 =	vsub.f32 v4, v18;
	v29 =	vpop (erf);
	(erf) = vpow2.f32 v0;
	v0 =	vmax.f32 v62, v15  }
0x34b: {  	v1 =	vmul.f32 $3.000000000e+01, v1;
	v0 =	vmax.f32 v0, v11  }
0x34c: {  	v4 =	vmul.f32 $3.000000000e+01, v4;
	[tilespmem:$0x1FE90] =	vst v5;
	v0 =	vmax.f32 v0, v5;
	v5 =	vsub.f32 v31, v18  }
0x34d: {  	v1 =	vmul.f32 $1.442695020e+00, v1;
	v2 =	vadd.f32 v2, v29  }
0x34e: {  	v4 =	vmul.f32 $1.442695020e+00, v4;
	v29 =	vpop (erf);
	v44 =	vmul.f32 $3.000000000e+01, v5;
	v5 =	vld [tilespmem:$0x1F840]  }
0x34f: {  	v2 =	vadd.f32 v2, v29;
	v43 =	vmul.f32 $3.000000000e+01, v6;
	v6 =	vsub.f32 v28, v18  }
0x350: {  	(erf) = vpow2.f32 v1;
	v29 =	vpop (erf);
	v3 =	vmul.f32 $1.442695020e+00, v3  }
0x351: {  	(erf) = vpow2.f32 v4;
	v2 =	vadd.f32 v2, v29;
	v4 =	vmul.f32 $3.000000000e+01, v6  }
0x352: {  	[tilespmem:$0x1FD30] =	vst v10;
	v10 =	vpop (erf);
	(erf) = vpow2.f32 v3;
	v1 =	vmul.f32 $1.442695020e+00, v43  }
0x353: {  	v2 =	vadd.f32 v2, v10;
	v4 =	vmul.f32 $1.442695020e+00, v4;
	v5 =	vsub.f32 v5, v18  }
0x354: {  	v6 =	vpop (erf);
	(erf) = vpow2.f32 v1  }
0x355: {  	v2 =	vadd.f32 v2, v6;
	v6 =	vpop (erf);
	(erf) = vpow2.f32 v4;
	v4 =	vmul.f32 $3.000000000e+01, v5;
	v5 =	vld [tilespmem:$0x1F850]  }
0x356: {  	v29 =	vsub.f32 v30, v18;
	_ =	sdelay $0x1  }
0x357: {  	v61 =	vld [tilespmem:s18+$0x3280];
	v3 =	vmul.f32 $3.000000000e+01, v29  }
0x358: {  	v28 =	vld [tilespmem:s18+$0x3200]  }
0x359: {  	v60 =	vld [tilespmem:s18+$0x3380];
	v3 =	vmul.f32 $1.442695020e+00, v3;
	v5 =	vsub.f32 v5, v18  }
0x35a: {  	v10 =	vld [tilespmem:s18+$0x3300]  }
0x35b: {  	v2 =	vadd.f32 v2, v6;
	v6 =	vpop (erf);
	(erf) = vpow2.f32 v3;
	v3 =	vmul.f32 $3.000000000e+01, v5;
	v5 =	vld [tilespmem:$0x1F860]  }
0x35c: {  	v62 =	vld [tilespmem:$0x1F870]  }
0x35d: {  	v0 =	vmax.f32 v0, v28  }
0x35e: {  	v58 =	vld [tilespmem:s18+$0x4000];
	v0 =	vmax.f32 v0, v61;
	v1 =	vmul.f32 $1.442695020e+00, v44;
	v2 =	vadd.f32 v2, v6  }
0x35f: {  	v52 =	vsub.f32 v42, v18;
	v0 =	vmax.f32 v0, v10;
	v6 =	vpop (erf)  }
0x360: {  	v59 =	vld [tilespmem:s18+$0x4080];
	(erf) = vpow2.f32 v1;
	v2 =	vadd.f32 v2, v6;
	v5 =	vsub.f32 v5, v18  }
0x361: {  	[tilespmem:$0x1FEA0] =	vst v28;
	v28 =	vsub.f32 v62, v18;
	v0 =	vmax.f32 v0, v60;
	v6 =	vpop (erf);
	v4 =	vmul.f32 $1.442695020e+00, v4  }
0x362: {  	v2 =	vadd.f32 v2, v6;
	v45 =	vmul.f32 $3.000000000e+01, v5;
	v5 =	vsub.f32 v32, v18  }
0x363: {  	v0 =	vmax.f32 v0, v58;
	v6 =	vpop (erf);
	(erf) = vpow2.f32 v4;
	v3 =	vmul.f32 $1.442695020e+00, v3  }
0x364: {  	v57 =	vld [tilespmem:s18+$0x4100];
	v2 =	vadd.f32 v2, v6;
	v4 =	vmul.f32 $3.000000000e+01, v5;
	v5 =	vsub.f32 v33, v18  }
0x365: {  	[tilespmem:$0x1FEC0] =	vst v10;
	v0 =	vmax.f32 v0, v59;
	v10 =	vpop (erf);
	(erf) = vpow2.f32 v3;
	v1 =	vmul.f32 $1.442695020e+00, v45  }
0x366: {  	v2 =	vadd.f32 v2, v10;
	v3 =	vmul.f32 $3.000000000e+01, v5;
	v5 =	vsub.f32 v34, v18  }
0x367: {  	v56 =	vld [tilespmem:s18+$0x4180];
	v29 =	vpop (erf);
	v10 =	vsub.f32 v35, v18;
	v4 =	vmul.f32 $1.442695020e+00, v4;
	(erf) = vpow2.f32 v1  }
0x368: {  	v6 =	vld [tilespmem:s18+$0x4200];
	v2 =	vadd.f32 v2, v29;
	v29 =	vsub.f32 v36, v18;
	v5 =	vmul.f32 $3.000000000e+01, v5  }
0x369: {  	v46 =	vmax.f32 v0, v57;
	v30 =	vpop (erf);
	v3 =	vmul.f32 $1.442695020e+00, v3;
	(erf) = vpow2.f32 v4  }
0x36a: {  	v47 =	vld [tilespmem:s18+$0x4280];
	v10 =	vmul.f32 $3.000000000e+01, v10;
	v2 =	vadd.f32 v2, v30;
	v29 =	vmul.f32 $3.000000000e+01, v29  }
0x36b: {  	v48 =	vld [tilespmem:s18+$0x4300];
	v30 =	vsub.f32 v37, v18;
	v5 =	vmul.f32 $1.442695020e+00, v5;
	(erf) = vpow2.f32 v3  }
0x36c: {  	v10 =	vmul.f32 $1.442695020e+00, v10;
	v29 =	vmul.f32 $1.442695020e+00, v29;
	v31 =	vpop (erf);
	v4 =	vmax.f32 v46, v56  }
0x36d: {  	v2 =	vadd.f32 v2, v31;
	v3 =	vmax.f32 v4, v6;
	v4 =	vld [tilespmem:s18+$0x4380];
	(erf) = vpow2.f32 v5  }
0x36e: {  	v49 =	vld [tilespmem:s18+$0x5000];
	v31 =	vpop (erf);
	v5 =	vmul.f32 $3.000000000e+01, v30;
	v30 =	vsub.f32 v38, v18;
	(erf) = vpow2.f32 v10  }
0x36f: {  	v32 =	vmul.f32 $3.000000000e+01, v52;
	v2 =	vadd.f32 v2, v31;
	v3 =	vmax.f32 v3, v47  }
0x370: {  	v3 =	vmax.f32 v3, v48;
	v10 =	vmul.f32 $3.000000000e+01, v30;
	v30 =	vsub.f32 v39, v18;
	v31 =	vpop (erf)  }
0x371: {  	v50 =	vld [tilespmem:s18+$0x5080];
	v5 =	vmul.f32 $1.442695020e+00, v5;
	(erf) = vpow2.f32 v29;
	v2 =	vadd.f32 v2, v31  }
0x372: {  	p0 =	sne.s32 s20, $0x1F0;
	v55 =	vld [tilespmem:s18+$0x5100];
	[tilespmem:$0x1FF60] =	vst v4;
	v3 =	vmax.f32 v3, v4;
	v4 =	vsub.f32 v40, v18;
	v29 =	vmul.f32 $3.000000000e+01, v30;
	v31 =	vpop (erf)  }
.Ltmp0:
0x373: {  	[tilespmem:$0x1FEF0] =	vst v6;
	v6 =	vmul.f32 $1.442695020e+00, v10;
	v3 =	vmax.f32 v3, v49;
	v2 =	vadd.f32 v2, v31;
	(pc) =	sbr.rel @p0 .LBB2_2-.Ltmp0, $4  }
0x374: {  	[tilespmem:$0x1FF20] =	vst v48;
	(erf) = vpow2.f32 v5;
	v51 =	vmul.f32 $3.000000000e+01, v4;
	v5 =	vsub.f32 v41, v18;
	v30 =	vpop (erf)  }
0x375: {  	[tilespmem:$0x1FF00] =	vst v47;
	v29 =	vmul.f32 $1.442695020e+00, v29;
	(erf) = vpow2.f32 v6;
	v2 =	vadd.f32 v2, v30  }
0x376: {  	[tilespmem:$0x1FF70] =	vst v49;
	v10 =	vld [tilespmem:s18+$0x5180];
	v3 =	vmax.f32 v3, v50;
	v33 =	vmul.f32 $1.442695020e+00, v51;
	v30 =	vmul.f32 $3.000000000e+01, v5;
	v31 =	vpop (erf)  }
0x377: {  	s17 =	smov.u32 s20;
	s20 =	sadd.s32 $0x10, s20;
	[tilespmem:$0x1FF90] =	vst v50;
	v5 =	vld [tilespmem:s18+$0x5200];
	(erf) = vpow2.f32 v29;
	v34 =	vadd.f32 v2, v31;
	v31 =	vmax.f32 v3, v55;
	v36 =	vpop (erf)  }
0x378: {  	v0 =	vld [tilespmem:$0x1FA20]  }
0x379: {  	v2 =	vmul.f32 $1.442695020e+00, v30;
	v30 =	vld [tilespmem:$0x1FA30]  }
0x37a: {  	(erf) = vpow2.f32 v33;
	v33 =	vld [tilespmem:$0x1FA40]  }
0x37b: {  	v38 =	vld [tilespmem:$0x1FA60]  }
0x37c: {  	v44 =	vld [tilespmem:$0x1FA90]  }
0x37d: {  	v3 =	vmul.f32 $3.000000000e+01, v28;
	v47 =	vld [tilespmem:$0x1FAA0]  }
0x37e: {  	v6 =	vmul.f32 $1.442695020e+00, v32;
	v50 =	vld [tilespmem:$0x1FAB0]  }
0x37f: {  	(erf) = vpow2.f32 v2;
	v3 =	vmul.f32 $1.442695020e+00, v3;
	v4 =	vsub.f32 v0, v18  }
0x380: {  	v41 =	vld [tilespmem:$0x1FA70];
	(erf) = vpow2.f32 v6;
	v29 =	vsub.f32 v30, v18;
	v35 =	vsub.f32 v33, v18  }
0x381: {  	v1 =	vld [tilespmem:s18+$0x8000];
	(erf) = vpow2.f32 v3;
	v39 =	vsub.f32 v38, v18;
	v45 =	vsub.f32 v44, v18  }
0x382: {  	v48 =	vsub.f32 v47, v18;
	v33 =	vld [tilespmem:$0x1FAE0];
	v28 =	vmul.f32 $3.000000000e+01, v4;
	v32 =	vmul.f32 $3.000000000e+01, v29  }
0x383: {  	v51 =	vsub.f32 v50, v18;
	v47 =	vld [tilespmem:$0x1FB30];
	v29 =	vmul.f32 $3.000000000e+01, v35;
	v40 =	vmul.f32 $3.000000000e+01, v39  }
0x384: {  	v46 =	vmul.f32 $3.000000000e+01, v45;
	v4 =	vld [tilespmem:$0x1FAD0];
	v37 =	vmul.f32 $1.442695020e+00, v28  }
0x385: {  	v42 =	vsub.f32 v41, v18;
	v62 =	vmul.f32 $3.000000000e+01, v51;
	v39 =	vld [tilespmem:$0x1FAF0];
	v2 =	vmul.f32 $1.442695020e+00, v32  }
0x386: {  	v51 =	vld [tilespmem:$0x1FB40];
	v43 =	vmul.f32 $1.442695020e+00, v29;
	(erf) = vpow2.f32 v37  }
0x387: {  	v28 =	vmul.f32 $3.000000000e+01, v42;
	v35 =	vsub.f32 v33, v18;
	v33 =	vld [tilespmem:s18+$0x6100];
	(erf) = vpow2.f32 v2  }
0x388: {  	v29 =	vmul.f32 $3.000000000e+01, v48;
	(erf) = vpow2.f32 v43;
	v43 =	vld [tilespmem:$0x1FB10]  }
0x389: {  	v3 =	vmul.f32 $1.442695020e+00, v40;
	v48 =	vsub.f32 v47, v18;
	v47 =	vld [tilespmem:$0x1FB70];
	v49 =	vmul.f32 $1.442695020e+00, v28  }
0x38a: {  	v52 =	vpop (erf);
	v32 =	vmul.f32 $1.442695020e+00, v29;
	v6 =	vsub.f32 v4, v18;
	v38 =	vmul.f32 $3.000000000e+01, v35;
	v35 =	vld [tilespmem:s18+$0x5300]  }
0x38b: {  	v30 =	vpop (erf);
	v2 =	vmul.f32 $1.442695020e+00, v46;
	v40 =	vsub.f32 v39, v18;
	v39 =	vld [tilespmem:s18+$0x6000];
	(erf) = vpow2.f32 v3  }
0x38c: {  	[tilespmem:$0x1F310] =	vst v52;
	v52 =	vsub.f32 v51, v18;
	v51 =	vld [tilespmem:$0x1FB80];
	v37 =	vpop (erf);
	v28 =	vmul.f32 $3.000000000e+01, v6;
	v3 =	vmul.f32 $1.442695020e+00, v62  }
0x38d: {  	v41 =	vpop (erf);
	v29 =	vmul.f32 $3.000000000e+01, v40;
	v62 =	vld [tilespmem:s18+$0x5280];
	(erf) = vpow2.f32 v49;
	v44 =	vsub.f32 v43, v18  }
0x38e: {  	[tilespmem:$0x1F330] =	vst v37;
	v37 =	vld [tilespmem:s18+$0x5380];
	v6 =	vmul.f32 $3.000000000e+01, v48;
	v45 =	vpop (erf);
	(erf) = vpow2.f32 v2  }
0x38f: {  	v42 =	vmul.f32 $1.442695020e+00, v28;
	[tilespmem:$0x1F350] =	vst v45;
	v45 =	vld [tilespmem:$0x1FB60];
	v46 =	vmul.f32 $3.000000000e+01, v44  }
0x390: {  	v49 =	vpop (erf);
	v50 =	vmul.f32 $1.442695020e+00, v29;
	v29 =	vmul.f32 $3.000000000e+01, v52;
	v52 =	vld [tilespmem:$0x1FB90]  }
0x391: {  	v31 =	vmax.f32 v31, v10;
	v40 =	vld [tilespmem:s18+$0x6180];
	[tilespmem:$0x1F340] =	vst v41;
	v2 =	vmul.f32 $1.442695020e+00, v38;
	(erf) = vpow2.f32 v32;
	v41 =	vpop (erf)  }
0x392: {  	v48 =	vsub.f32 v47, v18;
	v47 =	vld [tilespmem:s18+$0x6380];
	(erf) = vpow2.f32 v3;
	v43 =	vpop (erf);
	v29 =	vmul.f32 $1.442695020e+00, v29  }
0x393: {  	v32 =	vld [tilespmem:s18+$0x6080];
	[tilespmem:$0x1F370] =	vst v41;
	v41 =	vsub.f32 v51, v18;
	(erf) = vpow2.f32 v42;
	v3 =	vmul.f32 $1.442695020e+00, v46;
	v46 =	vpop (erf)  }
0x394: {  	[tilespmem:$0x1F360] =	vst v49;
	v51 =	vld [tilespmem:$0x1FBB0];
	v42 =	vmax.f32 v31, v5;
	(erf) = vpow2.f32 v2;
	v38 =	vsub.f32 v45, v18;
	v49 =	vpop (erf)  }
0x395: {  	[tilespmem:$0x1F380] =	vst v43;
	v2 =	vmax.f32 v42, v62;
	v44 =	vmul.f32 $1.442695020e+00, v6;
	v42 =	vld [tilespmem:s18+$0x6200];
	v43 =	vsub.f32 v52, v18;
	v4 =	vpop (erf)  }
0x396: {  	(erf) = vpow2.f32 v50;
	v2 =	vmax.f32 v2, v35;
	v50 =	vmul.f32 $3.000000000e+01, v38;
	[tilespmem:$0x1F3B0] =	vst v4;
	v4 =	vld [tilespmem:$0x1FBD0]  }
0x397: {  	v45 =	vld [tilespmem:s18+$0x6300];
	v2 =	vmax.f32 v2, v37;
	v6 =	vmul.f32 $3.000000000e+01, v43;
	(erf) = vpow2.f32 v3  }
0x398: {  	v2 =	vmax.f32 v2, v39;
	v38 =	vld [tilespmem:s18+$0x6280];
	v3 =	vmul.f32 $3.000000000e+01, v48;
	(erf) = vpow2.f32 v44  }
0x399: {  	v43 =	vld [tilespmem:s18+$0x7100];
	v2 =	vmax.f32 v2, v32;
	(erf) = vpow2.f32 v29;
	v29 =	vmul.f32 $1.442695020e+00, v50  }
0x39a: {  	v48 =	vld [tilespmem:s18+$0x7000];
	v2 =	vmax.f32 v2, v33;
	v44 =	vmul.f32 $3.000000000e+01, v41;
	v3 =	vmul.f32 $1.442695020e+00, v3  }
0x39b: {  	(erf) = vpow2.f32 v29;
	v29 =	vmul.f32 $1.442695020e+00, v6;
	v6 =	vsub.f32 v4, v18;
	v4 =	vld [tilespmem:$0x1FC00]  }
0x39c: {  	v41 =	vld [tilespmem:s18+$0x7080];
	v2 =	vmax.f32 v2, v40;
	v50 =	vmul.f32 $1.442695020e+00, v44  }
0x39d: {  	[tilespmem:$0x1F3A0] =	vst v49;
	v2 =	vmax.f32 v2, v42;
	v49 =	vpop (erf);
	v44 =	vld [tilespmem:s18+$0x7180];
	(erf) = vpow2.f32 v3  }
0x39e: {  	[tilespmem:$0x1F320] =	vst v30;
	v2 =	vmax.f32 v2, v38;
	v52 =	vpop (erf);
	(erf) = vpow2.f32 v50;
	v50 =	vld [tilespmem:s18+$0x7200]  }
0x39f: {  	[tilespmem:$0x1F390] =	vst v46;
	v46 =	vsub.f32 v51, v18;
	v2 =	vmax.f32 v2, v45;
	v51 =	vpop (erf);
	v3 =	vmul.f32 $3.000000000e+01, v6;
	v6 =	vld [tilespmem:s18+$0x7300]  }
0x3a0: {  	v2 =	vmax.f32 v2, v47;
	[tilespmem:$0x1F410] =	vst v51;
	v51 =	vsub.f32 v4, v18;
	v4 =	vld [tilespmem:s18+$0x7380]  }
0x3a1: {  	[tilespmem:$0x1F3D0] =	vst v49;
	(erf) = vpow2.f32 v29;
	v2 =	vmax.f32 v2, v48;
	v29 =	vmul.f32 $3.000000000e+01, v46;
	v46 =	vld [tilespmem:s18+$0x7280]  }
0x3a2: {  	[tilespmem:$0x1F3F0] =	vst v52;
	v52 =	vld [tilespmem:$0x1FBE0];
	v28 =	vpop (erf);
	v2 =	vmax.f32 v2, v41  }
0x3a3: {  	[tilespmem:$0x1F420] =	vst v28;
	v2 =	vmax.f32 v2, v43  }
0x3a4: {  	v2 =	vmax.f32 v2, v44;
	[tilespmem:$0x1F3C0] =	vst v6  }
0x3a5: {  	v2 =	vmax.f32 v2, v50;
	[tilespmem:$0x1F3E0] =	vst v4  }
0x3a6: {  	v2 =	vmax.f32 v2, v46;
	[tilespmem:$0x1F400] =	vst v1  }
0x3a7: {  	v49 =	vsub.f32 v52, v18;
	v2 =	vmax.f32 v2, v6;
	v31 =	vld [tilespmem:$0x1FC20]  }
0x3a8: {  	v29 =	vmul.f32 $1.442695020e+00, v29;
	v2 =	vmax.f32 v2, v4;
	v4 =	vld [tilespmem:$0x1FC30]  }
0x3a9: {  	v52 =	vmul.f32 $3.000000000e+01, v49;
	v3 =	vmul.f32 $1.442695020e+00, v3  }
0x3aa: {  	(erf) = vpow2.f32 v29;
	v29 =	vmul.f32 $3.000000000e+01, v51;
	v28 =	vld [tilespmem:$0x1FC40]  }
0x3ab: {  	v30 =	vpop (erf);
	(erf) = vpow2.f32 v3;
	v3 =	vmul.f32 $1.442695020e+00, v52  }
0x3ac: {  	[tilespmem:$0x1F830] =	vst v63;
	v29 =	vmul.f32 $1.442695020e+00, v29;
	v63 =	vsub.f32 v31, v18  }
0x3ad: {  	v49 =	vld [tilespmem:s18+$0x8080];
	v52 =	vpop (erf);
	(erf) = vpow2.f32 v3;
	v3 =	vsub.f32 v4, v18  }
0x3ae: {  	v51 =	vld [tilespmem:s18+$0x8100];
	v6 =	vpop (erf);
	(erf) = vpow2.f32 v29;
	v29 =	vmul.f32 $3.000000000e+01, v63  }
0x3af: {  	[tilespmem:$0x1F430] =	vst v30;
	v30 =	vld [tilespmem:$0x1FC50];
	v4 =	vmul.f32 $3.000000000e+01, v3;
	v63 =	vsub.f32 v28, v18  }
0x3b0: {  	v2 =	vmax.f32 v2, v1;
	v1 =	vld [tilespmem:s18+$0x8280];
	v29 =	vmul.f32 $1.442695020e+00, v29  }
0x3b1: {  	[tilespmem:$0x1F440] =	vst v52;
	v52 =	vld [tilespmem:s18+$0x8180];
	v63 =	vmul.f32 $3.000000000e+01, v63;
	v0 =	vmul.f32 $1.442695020e+00, v4  }
0x3b2: {  	[tilespmem:$0x1F460] =	vst v6;
	v6 =	vld [tilespmem:s18+$0x8200]  }
0x3b3: {  	v31 =	vpop (erf);
	(erf) = vpow2.f32 v29;
	v63 =	vmul.f32 $1.442695020e+00, v63;
	v29 =	vld [tilespmem:$0x1FC70]  }
0x3b4: {  	v2 =	vmax.f32 v2, v49;
	[tilespmem:$0x1F490] =	vst v31;
	v31 =	vpop (erf);
	v3 =	vld [tilespmem:s18+$0x8300];
	v28 =	vsub.f32 v30, v18;
	(erf) = vpow2.f32 v0  }
0x3b5: {  	v2 =	vmax.f32 v2, v51;
	v0 =	vpop (erf);
	(erf) = vpow2.f32 v63;
	v63 =	vld [tilespmem:$0x1FC90]  }
0x3b6: {  	v30 =	vld [tilespmem:s18+$0x8380];
	v2 =	vmax.f32 v2, v52;
	v28 =	vmul.f32 $3.000000000e+01, v28  }
0x3b7: {  	v2 =	vmax.f32 v2, v6;
	v4 =	vld [tilespmem:s18+$0x9000]  }
0x3b8: {  	[tilespmem:$0x1F4B0] =	vst v31;
	v31 =	vld [tilespmem:s18+$0x9080];
	v2 =	vmax.f32 v2, v1;
	v28 =	vmul.f32 $1.442695020e+00, v28;
	v29 =	vsub.f32 v29, v18  }
0x3b9: {  	v2 =	vmax.f32 v2, v3  }
0x3ba: {  	[tilespmem:$0x1F480] =	vst v3;
	v3 =	vsub.f32 v63, v18;
	v63 =	vpop (erf);
	(erf) = vpow2.f32 v28;
	v28 =	vmul.f32 $3.000000000e+01, v29;
	v29 =	vld [tilespmem:$0x1FCA0]  }
0x3bb: {  	[tilespmem:$0x1F450] =	vst v6;
	v6 =	vld [tilespmem:s18+$0x9100];
	v2 =	vmax.f32 v2, v30  }
0x3bc: {  	[tilespmem:$0x1F470] =	vst v1;
	v1 =	vld [tilespmem:s18+$0x9180];
	v2 =	vmax.f32 v2, v4  }
0x3bd: {  	[tilespmem:$0x1F4D0] =	vst v31;
	v2 =	vmax.f32 v2, v31;
	v31 =	vld [tilespmem:$0x1FCC0]  }
0x3be: {  	[tilespmem:$0x1F4A0] =	vst v30;
	v30 =	vld [tilespmem:s18+$0x9200]  }
0x3bf: {  	[tilespmem:$0x1F4C0] =	vst v4;
	v4 =	vld [tilespmem:s18+$0x9280];
	v3 =	vmul.f32 $3.000000000e+01, v3;
	v29 =	vsub.f32 v29, v18  }
0x3c0: {  	[tilespmem:$0x1F500] =	vst v63;
	v63 =	vld [tilespmem:s18+$0x9300];
	v28 =	vmul.f32 $1.442695020e+00, v28  }
0x3c1: {  	v2 =	vmax.f32 v2, v6;
	v3 =	vmul.f32 $1.442695020e+00, v3;
	v29 =	vmul.f32 $3.000000000e+01, v29  }
0x3c2: {  	[tilespmem:$0x1F4E0] =	vst v0;
	v2 =	vmax.f32 v2, v1;
	v0 =	vsub.f32 v31, v18;
	v31 =	vpop (erf);
	(erf) = vpow2.f32 v28  }
0x3c3: {  	v2 =	vmax.f32 v2, v30;
	[tilespmem:$0x1F520] =	vst v31;
	v31 =	vpop (erf);
	(erf) = vpow2.f32 v3;
	v3 =	vmul.f32 $1.442695020e+00, v29;
	v29 =	vld [tilespmem:$0x1FCE0]  }
0x3c4: {  	[tilespmem:$0x1F4F0] =	vst v6;
	v6 =	vld [tilespmem:s18+$0x9380];
	v2 =	vmax.f32 v2, v4  }
0x3c5: {  	[tilespmem:$0x1F570] =	vst v63;
	v2 =	vmax.f32 v2, v63;
	v63 =	vld [tilespmem:$0x1FCF0]  }
0x3c6: {  	[tilespmem:$0x1F510] =	vst v1  }
0x3c7: {  	v1 =	vld [tilespmem:s18+$0xA000];
	[tilespmem:$0x1F540] =	vst v30  }
0x3c8: {  	v30 =	vld [tilespmem:s18+$0xA100];
	[tilespmem:$0x1F560] =	vst v4;
	v29 =	vsub.f32 v29, v18  }
0x3c9: {  	v28 =	vmul.f32 $3.000000000e+01, v0;
	[tilespmem:$0x1F530] =	vst v31;
	v31 =	vld [tilespmem:s18+$0xA080]  }
0x3ca: {  	[tilespmem:$0x1F590] =	vst v6;
	v4 =	vpop (erf);
	(erf) = vpow2.f32 v3;
	v3 =	vsub.f32 v63, v18;
	v63 =	vmul.f32 $3.000000000e+01, v29;
	v29 =	vld [tilespmem:$0x1FD00]  }
0x3cb: {  	[tilespmem:$0x1F550] =	vst v4;
	v4 =	vld [tilespmem:s18+$0xA180];
	v2 =	vmax.f32 v2, v6;
	v6 =	vpop (erf)  }
0x3cc: {  	v28 =	vmul.f32 $1.442695020e+00, v28;
	[tilespmem:$0x1F580] =	vst v6;
	v6 =	vld [tilespmem:s18+$0xA200]  }
0x3cd: {  	[tilespmem:$0x1F5B0] =	vst v1;
	v2 =	vmax.f32 v2, v1;
	v1 =	vld [tilespmem:s18+$0xA280]  }
0x3ce: {  	[tilespmem:$0x1F5D0] =	vst v31;
	v2 =	vmax.f32 v2, v31;
	v31 =	vld [tilespmem:s18+$0xA300];
	(erf) = vpow2.f32 v28  }
0x3cf: {  	v3 =	vmul.f32 $3.000000000e+01, v3;
	v28 =	vmul.f32 $1.442695020e+00, v63;
	v63 =	vld [tilespmem:$0x1FD10];
	v29 =	vsub.f32 v29, v18  }
0x3d0: {  	v2 =	vmax.f32 v2, v30  }
0x3d1: {  	v2 =	vmax.f32 v2, v4;
	v3 =	vmul.f32 $1.442695020e+00, v3;
	v29 =	vmul.f32 $3.000000000e+01, v29  }
0x3d2: {  	[tilespmem:$0x1F610] =	vst v4;
	v4 =	vpop (erf);
	v2 =	vmax.f32 v2, v6;
	(erf) = vpow2.f32 v28  }
0x3d3: {  	[tilespmem:$0x1F650] =	vst v6;
	v6 =	vpop (erf);
	v2 =	vmax.f32 v2, v1;
	(erf) = vpow2.f32 v3;
	v3 =	vmul.f32 $1.442695020e+00, v29;
	v29 =	vld [tilespmem:$0x1FD30]  }
0x3d4: {  	[tilespmem:$0x1F680] =	vst v31;
	v2 =	vmax.f32 v2, v31;
	v31 =	vpop (erf);
	v63 =	vsub.f32 v63, v18  }
0x3d5: {  	[tilespmem:$0x1F5E0] =	vst v31;
	v31 =	vld [tilespmem:$0x1FD50]  }
0x3d6: {  	v28 =	vmul.f32 $3.000000000e+01, v63;
	_ =	sdelay $0x1  }
0x3d7: {  	[tilespmem:$0x1F5F0] =	vst v30;
	v30 =	vld [tilespmem:s18+$0xA380];
	v28 =	vmul.f32 $1.442695020e+00, v28;
	v29 =	vsub.f32 v29, v18  }
0x3d8: {  	[tilespmem:$0x1F5A0] =	vst v4;
	v4 =	vld [tilespmem:s18+$0xB000];
	(erf) = vpow2.f32 v3  }
0x3d9: {  	v3 =	vsub.f32 v31, v18;
	v31 =	vpop (erf);
	(erf) = vpow2.f32 v28;
	v28 =	vmul.f32 $3.000000000e+01, v29;
	v29 =	vld [tilespmem:$0x1FD60]  }
0x3da: {  	[tilespmem:$0x1F5C0] =	vst v6;
	v6 =	vld [tilespmem:s18+$0xB080]  }
0x3db: {  	[tilespmem:$0x1F670] =	vst v1;
	v1 =	vld [tilespmem:s18+$0xB180]  }
0x3dc: {  	v63 =	vld [tilespmem:s18+$0xB100]  }
0x3dd: {  	[tilespmem:$0x1F690] =	vst v30;
	v2 =	vmax.f32 v2, v30;
	v30 =	vld [tilespmem:s18+$0xB200]  }
0x3de: {  	[tilespmem:$0x1F600] =	vst v31;
	v31 =	vmul.f32 $3.000000000e+01, v3;
	v29 =	vsub.f32 v29, v18  }
0x3df: {  	v2 =	vmax.f32 v2, v4  }
0x3e0: {  	[tilespmem:$0x1F6D0] =	vst v6;
	v2 =	vmax.f32 v2, v6;
	v6 =	vld [tilespmem:$0x1FD70];
	v31 =	vmul.f32 $1.442695020e+00, v31  }
0x3e1: {  	[tilespmem:$0x1F6B0] =	vst v4;
	v4 =	vld [tilespmem:s18+$0xB280];
	v2 =	vmax.f32 v2, v63;
	v28 =	vmul.f32 $1.442695020e+00, v28  }
0x3e2: {  	[tilespmem:$0x1F700] =	vst v30;
	v3 =	vld [tilespmem:s18+$0xB300];
	v2 =	vmax.f32 v2, v1;
	v0 =	vmul.f32 $3.000000000e+01, v29;
	v29 =	vpop (erf)  }
0x3e3: {  	[tilespmem:$0x1F6E0] =	vst v63;
	v63 =	vld [tilespmem:s18+$0xB380];
	v2 =	vmax.f32 v2, v30;
	(erf) = vpow2.f32 v28;
	v30 =	vpop (erf)  }
0x3e4: {  	(erf) = vpow2.f32 v31;
	[tilespmem:$0x1F630] =	vst v30;
	v30 =	vmul.f32 $1.442695020e+00, v0;
	v0 =	vld [tilespmem:$0x1FD80];
	v31 =	vpop (erf)  }
0x3e5: {  	v6 =	vsub.f32 v6, v18;
	[tilespmem:$0x1F640] =	vst v31;
	v31 =	vld [tilespmem:$0x1FD90]  }
0x3e6: {  	[tilespmem:$0x1F6F0] =	vst v1  }
0x3e7: {  	v28 =	vmul.f32 $3.000000000e+01, v6;
	[tilespmem:$0x1F620] =	vst v29;
	v29 =	vld [tilespmem:s18+$0xC000]  }
0x3e8: {  	[tilespmem:$0x1F710] =	vst v4;
	v2 =	vmax.f32 v2, v4;
	v6 =	vld [tilespmem:s18+$0xC080]  }
0x3e9: {  	v1 =	vld [tilespmem:s18+$0xC100];
	[tilespmem:$0x1F720] =	vst v3;
	v2 =	vmax.f32 v2, v3;
	v28 =	vmul.f32 $1.442695020e+00, v28;
	v4 =	vsub.f32 v0, v18  }
0x3ea: {  	[tilespmem:$0x1F730] =	vst v63;
	v2 =	vmax.f32 v2, v63;
	v63 =	vpop (erf);
	(erf) = vpow2.f32 v30;
	v0 =	vld [tilespmem:s18+$0xC180];
	v3 =	vsub.f32 v31, v18  }
0x3eb: {  	[tilespmem:$0x1F660] =	vst v63;
	v63 =	vsub.f32 v27, v18;
	(erf) = vpow2.f32 v28;
	v28 =	vmul.f32 $3.000000000e+01, v4;
	v4 =	vld [tilespmem:$0x1FDC0]  }
0x3ec: {  	v26 =	vsub.f32 v26, v18;
	v2 =	vmax.f32 v2, v29;
	v31 =	vld [tilespmem:$0x1FDB0];
	v3 =	vmul.f32 $3.000000000e+01, v3  }
0x3ed: {  	v2 =	vmax.f32 v2, v6;
	v28 =	vmul.f32 $1.442695020e+00, v28  }
0x3ee: {  	v27 =	vpop (erf);
	[tilespmem:$0x1F770] =	vst v6;
	v6 =	vmul.f32 $3.000000000e+01, v26;
	v2 =	vmax.f32 v2, v1;
	v3 =	vmul.f32 $1.442695020e+00, v3  }
0x3ef: {  	v18 =	vmul.f32 $3.000000000e+01, v63;
	v63 =	vpop (erf);
	v26 =	vmax.f32 v2, v0;
	(erf) = vpow2.f32 v28  }
0x3f0: {  	[tilespmem:$0x1F750] =	vst v29;
	v29 =	vpop (erf);
	(erf) = vpow2.f32 v3;
	v3 =	vmul.f32 $1.442695020e+00, v6;
	v6 =	vsub.f32 v4, v26;
	v4 =	vld [tilespmem:$0x1FDD0]  }
0x3f1: {  	v2 =	vsub.f32 v31, v26;
	v31 =	vpop (erf)  }
0x3f2: {  	[tilespmem:$0x1F740] =	vst v31;
	v31 =	vld [tilespmem:$0x1FDF0];
	_ =	sdelay $0x2  }
0x3f3: {  	[tilespmem:$0x1F6A0] =	vst v63;
	v63 =	vmul.f32 $1.442695020e+00, v18;
	v28 =	vsub.f32 v4, v26;
	v4 =	vld [tilespmem:$0x1FE00]  }
0x3f4: {  	v2 =	vmul.f32 $3.000000000e+01, v2;
	(erf) = vpow2.f32 v3  }
0x3f5: {  	(erf) = vpow2.f32 v63;
	v63 =	vsub.f32 v31, v26  }
0x3f6: {  	v3 =	vmul.f32 $3.000000000e+01, v6;
	v2 =	vmul.f32 $1.442695020e+00, v2;
	v6 =	vpop (erf)  }
0x3f7: {  	[tilespmem:$0x1F760] =	vst v6;
	v6 =	vpop (erf);
	v28 =	vmul.f32 $3.000000000e+01, v28  }
0x3f8: {  	v3 =	vmul.f32 $1.442695020e+00, v3;
	(erf) = vpow2.f32 v2;
	[tilespmem:$0x1F780] =	vst v6;
	v31 =	vpop (erf);
	v6 =	vsub.f32 v4, v26;
	v4 =	vld [tilespmem:$0x1FE10]  }
0x3f9: {  	v2 =	vmul.f32 $3.000000000e+01, v63;
	v63 =	vpop (erf);
	v28 =	vmul.f32 $1.442695020e+00, v28  }
0x3fa: {  	(erf) = vpow2.f32 v3;
	[tilespmem:$0x1F7A0] =	vst v31;
	v31 =	vpop (erf)  }
0x3fb: {  	[tilespmem:$0x1F7B0] =	vst v63;
	v63 =	vpop (erf);
	(erf) = vpow2.f32 v28;
	v28 =	vld [tilespmem:$0x1FE30];
	_ =	sdelay $0x1  }
0x3fc: {  	v3 =	vmul.f32 $3.000000000e+01, v6;
	v6 =	vsub.f32 v4, v26;
	v4 =	vld [tilespmem:$0x1FE40]  }
0x3fd: {  	[tilespmem:$0x1F7C0] =	vst v31  }
0x3fe: {  	v2 =	vmul.f32 $1.442695020e+00, v2;
	[tilespmem:$0x1F7D0] =	vst v63;
	v31 =	vpop (erf);
	v63 =	vmul.f32 $3.000000000e+01, v6  }
0x3ff: {  	[tilespmem:$0x1F7E0] =	vst v31;
	v31 =	vpop (erf);
	v28 =	vsub.f32 v28, v26  }
0x400: {  	[tilespmem:$0x1F6C0] =	vst v29;
	(erf) = vpow2.f32 v2;
	v3 =	vmul.f32 $1.442695020e+00, v3;
	v6 =	vpop (erf)  }
0x401: {  	v28 =	vmul.f32 $3.000000000e+01, v28;
	[tilespmem:$0x1F7F0] =	vst v6;
	v29 =	vpop (erf);
	v6 =	vsub.f32 v4, v26  }
0x402: {  	(erf) = vpow2.f32 v3;
	v2 =	vmul.f32 $1.442695020e+00, v63;
	v63 =	vpop (erf)  }
0x403: {  	v28 =	vmul.f32 $1.442695020e+00, v28;
	[tilespmem:$0x1F800] =	vst v29;
	v29 =	vpop (erf)  }
0x404: {  	v53 =	vsub.f32 v53, v26;
	(erf) = vpow2.f32 v2;
	[tilespmem:$0x1F810] =	vst v63;
	v3 =	vmul.f32 $3.000000000e+01, v6;
	v63 =	vpop (erf)  }
0x405: {  	v54 =	vsub.f32 v54, v26;
	(erf) = vpow2.f32 v28;
	v6 =	vpop (erf)  }
0x406: {  	[tilespmem:$0x1F820] =	vst v29;
	v29 =	vmul.f32 $3.000000000e+01, v53;
	v3 =	vmul.f32 $1.442695020e+00, v3;
	v2 =	vadd.f32 v6, v63  }
0x407: {  	v17 =	vsub.f32 v17, v26;
	v53 =	vmul.f32 $3.000000000e+01, v54;
	v6 =	vpop (erf)  }
0x408: {  	v63 =	vmul.f32 $1.442695020e+00, v29;
	(erf) = vpow2.f32 v3;
	v2 =	vadd.f32 v2, v6  }
0x409: {  	v9 =	vsub.f32 v9, v26;
	v17 =	vmul.f32 $3.000000000e+01, v17;
	v54 =	vpop (erf)  }
0x40a: {  	v3 =	vmul.f32 $1.442695020e+00, v53;
	(erf) = vpow2.f32 v63;
	v2 =	vadd.f32 v2, v54  }
0x40b: {  	v9 =	vmul.f32 $3.000000000e+01, v9;
	v29 =	vsub.f32 v12, v26;
	v6 =	vpop (erf)  }
0x40c: {  	v53 =	vmul.f32 $1.442695020e+00, v17;
	(erf) = vpow2.f32 v3;
	v2 =	vadd.f32 v2, v6  }
0x40d: {  	v9 =	vmul.f32 $1.442695020e+00, v9;
	v63 =	vsub.f32 v22, v26;
	v54 =	vpop (erf);
	v6 =	vsub.f32 v20, v26  }
0x40e: {  	v3 =	vmul.f32 $3.000000000e+01, v29;
	(erf) = vpow2.f32 v53;
	v2 =	vadd.f32 v2, v54  }
0x40f: {  	v8 =	vsub.f32 v8, v26;
	v17 =	vmul.f32 $3.000000000e+01, v63;
	v28 =	vpop (erf);
	v12 =	vmul.f32 $3.000000000e+01, v6  }
0x410: {  	v3 =	vmul.f32 $1.442695020e+00, v3;
	(erf) = vpow2.f32 v9;
	v2 =	vadd.f32 v2, v28  }
0x411: {  	v8 =	vmul.f32 $3.000000000e+01, v8;
	v63 =	vsub.f32 v21, v26;
	v29 =	vmul.f32 $1.442695020e+00, v17;
	v53 =	vpop (erf)  }
0x412: {  	(erf) = vpow2.f32 v3;
	v54 =	vmul.f32 $1.442695020e+00, v12;
	v2 =	vadd.f32 v2, v53  }
0x413: {  	v8 =	vmul.f32 $1.442695020e+00, v8;
	(erf) = vpow2.f32 v29;
	v12 =	vpop (erf)  }
0x414: {  	v17 =	vmul.f32 $3.000000000e+01, v63;
	(erf) = vpow2.f32 v54;
	v2 =	vadd.f32 v2, v12  }
0x415: {  	v19 =	vsub.f32 v19, v26;
	v20 =	vpop (erf)  }
0x416: {  	v3 =	vmul.f32 $1.442695020e+00, v17;
	(erf) = vpow2.f32 v8;
	v2 =	vadd.f32 v2, v20  }
0x417: {  	v21 =	vmul.f32 $3.000000000e+01, v19;
	v22 =	vpop (erf)  }
0x418: {  	v28 =	vsub.f32 v23, v26;
	(erf) = vpow2.f32 v3;
	v2 =	vadd.f32 v2, v22  }
0x419: {  	v53 =	vsub.f32 v24, v26;
	v29 =	vpop (erf)  }
0x41a: {  	v8 =	vmul.f32 $1.442695020e+00, v21;
	v3 =	vmul.f32 $3.000000000e+01, v28;
	v2 =	vadd.f32 v2, v29  }
0x41b: {  	v21 =	vsub.f32 v25, v26;
	v63 =	vmul.f32 $3.000000000e+01, v53;
	v54 =	vpop (erf)  }
0x41c: {  	(erf) = vpow2.f32 v8;
	v3 =	vmul.f32 $1.442695020e+00, v3;
	v20 =	vpop (erf);
	v2 =	vadd.f32 v2, v54  }
0x41d: {  	v7 =	vsub.f32 v7, v26;
	v24 =	vmul.f32 $3.000000000e+01, v21;
	v22 =	vpop (erf)  }
0x41e: {  	v23 =	vmul.f32 $1.442695020e+00, v63;
	(erf) = vpow2.f32 v3;
	v2 =	vadd.f32 v2, v22  }
0x41f: {  	v7 =	vmul.f32 $3.000000000e+01, v7;
	v28 =	vsub.f32 v16, v26;
	v25 =	vpop (erf)  }
0x420: {  	v8 =	vmul.f32 $1.442695020e+00, v24;
	(erf) = vpow2.f32 v23;
	v2 =	vadd.f32 v2, v25  }
0x421: {  	v7 =	vmul.f32 $1.442695020e+00, v7;
	v3 =	vmul.f32 $3.000000000e+01, v28;
	v29 =	vpop (erf)  }
0x422: {  	v53 =	vsub.f32 v13, v26;
	(erf) = vpow2.f32 v8;
	v2 =	vadd.f32 v2, v29  }
0x423: {  	v63 =	vsub.f32 v14, v26;
	v3 =	vmul.f32 $1.442695020e+00, v3  }
0x424: {  	v17 =	vld [tilespmem:$0x1FE90];
	v54 =	vmul.f32 $3.000000000e+01, v53;
	(erf) = vpow2.f32 v7;
	v2 =	vadd.f32 v2, v20  }
0x425: {  	v13 =	vsub.f32 v15, v26;
	v8 =	vmul.f32 $3.000000000e+01, v63;
	v12 =	vpop (erf)  }
0x426: {  	v7 =	vmul.f32 $1.442695020e+00, v54;
	(erf) = vpow2.f32 v3;
	v2 =	vadd.f32 v2, v12  }
0x427: {  	v15 =	vsub.f32 v11, v26;
	v22 =	vld [tilespmem:$0x1FEA0];
	v3 =	vmul.f32 $3.000000000e+01, v13;
	v14 =	vpop (erf)  }
0x428: {  	v8 =	vmul.f32 $1.442695020e+00, v8;
	(erf) = vpow2.f32 v7;
	v2 =	vadd.f32 v2, v14  }
0x429: {  	v19 =	vsub.f32 v17, v26;
	v3 =	vmul.f32 $1.442695020e+00, v3;
	v16 =	vpop (erf)  }
0x42a: {  	v53 =	vld [tilespmem:$0x1FEC0];
	v7 =	vmul.f32 $3.000000000e+01, v15;
	(erf) = vpow2.f32 v8;
	v2 =	vadd.f32 v2, v16  }
0x42b: {  	v21 =	vmul.f32 $3.000000000e+01, v19;
	(erf) = vpow2.f32 v3;
	v20 =	vpop (erf)  }
0x42c: {  	v7 =	vmul.f32 $1.442695020e+00, v7;
	v23 =	vsub.f32 v22, v26;
	v2 =	vadd.f32 v2, v20  }
0x42d: {  	v28 =	vsub.f32 v61, v26;
	v3 =	vmul.f32 $1.442695020e+00, v21;
	v24 =	vpop (erf)  }
0x42e: {  	v25 =	vmul.f32 $3.000000000e+01, v23;
	(erf) = vpow2.f32 v7;
	v2 =	vadd.f32 v2, v24  }
0x42f: {  	v54 =	vsub.f32 v53, v26;
	v8 =	vmul.f32 $3.000000000e+01, v28;
	v29 =	vpop (erf)  }
0x430: {  	v7 =	vmul.f32 $1.442695020e+00, v25;
	(erf) = vpow2.f32 v3;
	v2 =	vadd.f32 v2, v29  }
0x431: {  	v63 =	vsub.f32 v60, v26;
	v3 =	vmul.f32 $3.000000000e+01, v54;
	v61 =	vpop (erf)  }
0x432: {  	v8 =	vmul.f32 $1.442695020e+00, v8;
	(erf) = vpow2.f32 v7;
	v2 =	vadd.f32 v2, v61  }
0x433: {  	v12 =	vsub.f32 v58, v26;
	v3 =	vmul.f32 $1.442695020e+00, v3;
	v6 =	vpop (erf)  }
0x434: {  	v7 =	vmul.f32 $3.000000000e+01, v63;
	(erf) = vpow2.f32 v8;
	v2 =	vadd.f32 v2, v6  }
0x435: {  	v14 =	vsub.f32 v59, v26;
	v8 =	vmul.f32 $3.000000000e+01, v12;
	v13 =	vpop (erf)  }
0x436: {  	v22 =	vld [tilespmem:$0x1FEF0];
	(erf) = vpow2.f32 v3;
	v7 =	vmul.f32 $1.442695020e+00, v7;
	v2 =	vadd.f32 v2, v13  }
0x437: {  	v16 =	vsub.f32 v57, v26;
	v3 =	vmul.f32 $3.000000000e+01, v14;
	v15 =	vpop (erf)  }
0x438: {  	v25 =	vld [tilespmem:$0x1FF00];
	v8 =	vmul.f32 $1.442695020e+00, v8;
	(erf) = vpow2.f32 v7;
	v2 =	vadd.f32 v2, v15  }
0x439: {  	v19 =	vsub.f32 v56, v26;
	v3 =	vmul.f32 $1.442695020e+00, v3;
	v17 =	vpop (erf)  }
0x43a: {  	v7 =	vmul.f32 $3.000000000e+01, v16;
	(erf) = vpow2.f32 v8;
	v2 =	vadd.f32 v2, v17  }
0x43b: {  	v21 =	vmul.f32 $3.000000000e+01, v19;
	v23 =	vsub.f32 v22, v26;
	v29 =	vld [tilespmem:$0x1FF20];
	v20 =	vpop (erf)  }
0x43c: {  	v56 =	vld [tilespmem:$0x1FF60];
	v7 =	vmul.f32 $1.442695020e+00, v7;
	(erf) = vpow2.f32 v3;
	v2 =	vadd.f32 v2, v20  }
0x43d: {  	v30 =	vmov v0;
	v0 =	vsub.f32 v25, v26;
	v3 =	vmul.f32 $1.442695020e+00, v21;
	v24 =	vpop (erf)  }
0x43e: {  	v59 =	vld [tilespmem:$0x1FF70];
	(erf) = vpow2.f32 v7;
	v6 =	vmul.f32 $3.000000000e+01, v23;
	v2 =	vadd.f32 v2, v24  }
0x43f: {  	v0 =	vmul.f32 $3.000000000e+01, v0;
	(erf) = vpow2.f32 v3;
	v28 =	vpop (erf)  }
0x440: {  	[tilespmem:$0x1F790] =	vst v1;
	v1 =	vsub.f32 v29, v26;
	v53 =	vmul.f32 $1.442695020e+00, v6;
	v2 =	vadd.f32 v2, v28  }
0x441: {  	v0 =	vmul.f32 $1.442695020e+00, v0;
	v61 =	vld [tilespmem:$0x1FF90];
	v3 =	vsub.f32 v56, v26;
	v54 =	vpop (erf)  }
0x442: {  	v1 =	vmul.f32 $3.000000000e+01, v1;
	(erf) = vpow2.f32 v53;
	v2 =	vadd.f32 v2, v54  }
0x443: {  	v58 =	vmul.f32 $3.000000000e+01, v3;
	v3 =	vsub.f32 v59, v26;
	v57 =	vpop (erf)  }
0x444: {  	v1 =	vmul.f32 $1.442695020e+00, v1;
	(erf) = vpow2.f32 v0;
	v2 =	vadd.f32 v2, v57  }
0x445: {  	v3 =	vmul.f32 $3.000000000e+01, v3;
	v0 =	vmul.f32 $1.442695020e+00, v58;
	v60 =	vpop (erf)  }
0x446: {  	(erf) = vpow2.f32 v1;
	v1 =	vsub.f32 v61, v26;
	v2 =	vadd.f32 v2, v60  }
0x447: {  	v8 =	vsub.f32 v55, v26;
	v3 =	vmul.f32 $1.442695020e+00, v3;
	v63 =	vpop (erf)  }
0x448: {  	(erf) = vpow2.f32 v0;
	v1 =	vmul.f32 $3.000000000e+01, v1;
	v2 =	vadd.f32 v2, v63  }
0x449: {  	v10 =	vsub.f32 v10, v26;
	v0 =	vmul.f32 $3.000000000e+01, v8;
	v9 =	vpop (erf)  }
0x44a: {  	(erf) = vpow2.f32 v3;
	v1 =	vmul.f32 $1.442695020e+00, v1;
	v2 =	vadd.f32 v2, v9  }
0x44b: {  	v22 =	vsub.f32 v37, v26;
	v12 =	vmul.f32 $3.000000000e+01, v10;
	v13 =	vsub.f32 v5, v26;
	v11 =	vpop (erf)  }
0x44c: {  	v0 =	vmul.f32 $1.442695020e+00, v0;
	(erf) = vpow2.f32 v1;
	v1 =	vadd.f32 v2, v11  }
0x44d: {  	v15 =	vmul.f32 $1.442695020e+00, v12;
	v16 =	vmul.f32 $3.000000000e+01, v13;
	v17 =	vsub.f32 v62, v26;
	v14 =	vpop (erf)  }
0x44e: {  	v20 =	vsub.f32 v35, v26;
	(erf) = vpow2.f32 v0;
	v1 =	vadd.f32 v1, v14  }
0x44f: {  	v3 =	vmul.f32 $3.000000000e+01, v17;
	v28 =	vsub.f32 v32, v26;
	v32 =	vadd.f32 v34, v36;
	v19 =	vpop (erf)  }
0x450: {  	v36 =	vld [tilespmem:$0x1F310];
	(erf) = vpow2.f32 v15;
	v2 =	vmul.f32 $1.442695020e+00, v16;
	v1 =	vadd.f32 v1, v19  }
0x451: {  	v37 =	vsub.f32 v40, v26;
	v24 =	vsub.f32 v39, v26;
	v0 =	vmul.f32 $3.000000000e+01, v20;
	v21 =	vpop (erf)  }
0x452: {  	v39 =	vld [tilespmem:$0x1F320];
	v3 =	vmul.f32 $1.442695020e+00, v3;
	(erf) = vpow2.f32 v2;
	v1 =	vadd.f32 v1, v21  }
0x453: {  	v34 =	vsub.f32 v33, v26;
	v0 =	vmul.f32 $1.442695020e+00, v0;
	v23 =	vpop (erf);
	v2 =	vmul.f32 $3.000000000e+01, v22  }
0x454: {  	v54 =	vld [tilespmem:$0x1F330];
	(erf) = vpow2.f32 v3;
	v3 =	vmul.f32 $3.000000000e+01, v24;
	v1 =	vadd.f32 v1, v23  }
0x455: {  	v5 =	vadd.f32 v32, v36;
	v25 =	vpop (erf);
	(erf) = vpow2.f32 v0;
	v2 =	vmul.f32 $1.442695020e+00, v2  }
0x456: {  	v57 =	vld [tilespmem:$0x1F340];
	v0 =	vmul.f32 $3.000000000e+01, v28;
	v3 =	vmul.f32 $1.442695020e+00, v3;
	v1 =	vadd.f32 v1, v25  }
0x457: {  	v4 =	vadd.f32 v5, v39;
	v29 =	vpop (erf);
	(erf) = vpow2.f32 v2;
	v2 =	vmul.f32 $3.000000000e+01, v34  }
0x458: {  	v55 =	vsub.f32 v42, v26;
	v63 =	vld [tilespmem:$0x1F350];
	v0 =	vmul.f32 $1.442695020e+00, v0;
	v1 =	vadd.f32 v1, v29  }
0x459: {  	v35 =	vpop (erf);
	(erf) = vpow2.f32 v3;
	v3 =	vadd.f32 v4, v54;
	v2 =	vmul.f32 $1.442695020e+00, v2  }
0x45a: {  	v59 =	vsub.f32 v38, v26;
	v11 =	vld [tilespmem:$0x1F360];
	(erf) = vpow2.f32 v0;
	v1 =	vadd.f32 v1, v35  }
0x45b: {  	v12 =	vsub.f32 v48, v26;
	v40 =	vpop (erf);
	(erf) = vpow2.f32 v2;
	v2 =	vadd.f32 v3, v57  }
0x45c: {  	v53 =	vmul.f32 $3.000000000e+01, v37;
	v61 =	vsub.f32 v45, v26;
	v16 =	vld [tilespmem:$0x1F370];
	v0 =	vadd.f32 v1, v40  }
0x45d: {  	v58 =	vmul.f32 $3.000000000e+01, v55;
	v17 =	vsub.f32 v43, v26;
	v56 =	vpop (erf);
	v2 =	vadd.f32 v2, v63  }
0x45e: {  	v20 =	vld [tilespmem:$0x1F380];
	v9 =	vsub.f32 v47, v26;
	v1 =	vmul.f32 $1.442695020e+00, v53;
	v0 =	vadd.f32 v0, v56  }
0x45f: {  	v47 =	vsub.f32 v51, v26;
	v4 =	vmul.f32 $3.000000000e+01, v59;
	v60 =	vpop (erf);
	v2 =	vadd.f32 v2, v11  }
0x460: {  	v22 =	vld [tilespmem:$0x1F390];
	v3 =	vmul.f32 $1.442695020e+00, v58;
	(erf) = vpow2.f32 v1;
	v0 =	vadd.f32 v0, v60  }
0x461: {  	v14 =	vsub.f32 v41, v26;
	v4 =	vmul.f32 $1.442695020e+00, v4;
	v62 =	vpop (erf);
	v2 =	vadd.f32 v2, v16  }
0x462: {  	v25 =	vld [tilespmem:$0x1F3A0];
	v1 =	vmul.f32 $3.000000000e+01, v61;
	(erf) = vpow2.f32 v3;
	v0 =	vadd.f32 v0, v62  }
0x463: {  	v28 =	vsub.f32 v50, v26;
	v10 =	vpop (erf);
	v3 =	vmul.f32 $3.000000000e+01, v9;
	v2 =	vadd.f32 v2, v20  }
0x464: {  	v32 =	vld [tilespmem:$0x1F3B0];
	v1 =	vmul.f32 $1.442695020e+00, v1;
	(erf) = vpow2.f32 v4;
	v0 =	vadd.f32 v0, v10  }
0x465: {  	v21 =	vsub.f32 v44, v26;
	v13 =	vpop (erf);
	v4 =	vmul.f32 $3.000000000e+01, v12;
	v2 =	vadd.f32 v2, v22  }
0x466: {  	v38 =	vld [tilespmem:$0x1F3D0];
	v3 =	vmul.f32 $1.442695020e+00, v3;
	(erf) = vpow2.f32 v1;
	v0 =	vadd.f32 v0, v13  }
0x467: {  	v34 =	vsub.f32 v46, v26;
	v15 =	vpop (erf);
	v1 =	vmul.f32 $3.000000000e+01, v14;
	v2 =	vadd.f32 v2, v25  }
0x468: {  	v41 =	vld [tilespmem:$0x1F3F0];
	v4 =	vmul.f32 $1.442695020e+00, v4;
	(erf) = vpow2.f32 v3;
	v0 =	vadd.f32 v0, v15  }
0x469: {  	v36 =	vld [tilespmem:$0x1F3C0];
	v24 =	vmul.f32 $3.000000000e+01, v21;
	v3 =	vmul.f32 $3.000000000e+01, v17;
	v2 =	vadd.f32 v2, v32;
	v19 =	vpop (erf)  }
0x46a: {  	v46 =	vld [tilespmem:$0x1F410];
	v1 =	vmul.f32 $1.442695020e+00, v1;
	(erf) = vpow2.f32 v4;
	v0 =	vadd.f32 v0, v19  }
0x46b: {  	v39 =	vld [tilespmem:$0x1F3E0];
	v44 =	vsub.f32 v49, v26;
	v3 =	vmul.f32 $1.442695020e+00, v3;
	v2 =	vadd.f32 v2, v38;
	v23 =	vpop (erf)  }
0x46c: {  	v49 =	vld [tilespmem:$0x1F420];
	(erf) = vpow2.f32 v1;
	v1 =	vmul.f32 $1.442695020e+00, v24;
	v0 =	vadd.f32 v0, v23  }
0x46d: {  	v33 =	vmul.f32 $3.000000000e+01, v28;
	v29 =	vpop (erf);
	(erf) = vpow2.f32 v3;
	v2 =	vadd.f32 v2, v41  }
0x46e: {  	v51 =	vld [tilespmem:$0x1F430];
	(erf) = vpow2.f32 v1;
	v1 =	vsub.f32 v36, v26;
	v0 =	vadd.f32 v0, v29  }
0x46f: {  	v42 =	vld [tilespmem:$0x1F400];
	v50 =	vsub.f32 v52, v26;
	v3 =	vmul.f32 $1.442695020e+00, v33;
	v35 =	vpop (erf);
	v2 =	vadd.f32 v2, v46  }
0x470: {  	v54 =	vld [tilespmem:$0x1F440];
	v4 =	vmul.f32 $3.000000000e+01, v34;
	v1 =	vmul.f32 $3.000000000e+01, v1;
	v0 =	vadd.f32 v0, v35  }
0x471: {  	v57 =	vld [tilespmem:$0x1F460];
	v37 =	vpop (erf);
	(erf) = vpow2.f32 v3;
	v3 =	vsub.f32 v39, v26;
	v2 =	vadd.f32 v2, v49  }
0x472: {  	v53 =	vmul.f32 $3.000000000e+01, v50;
	v4 =	vmul.f32 $1.442695020e+00, v4;
	v39 =	vld [tilespmem:$0x1F590];
	v0 =	vadd.f32 v0, v37  }
0x473: {  	v1 =	vmul.f32 $1.442695020e+00, v1;
	v3 =	vmul.f32 $3.000000000e+01, v3;
	v2 =	vadd.f32 v2, v51;
	v40 =	vpop (erf)  }
0x474: {  	v63 =	vld [tilespmem:$0x1F490];
	(erf) = vpow2.f32 v4;
	v4 =	vsub.f32 v42, v26;
	v0 =	vadd.f32 v0, v40  }
0x475: {  	v55 =	vld [tilespmem:$0x1F450];
	v3 =	vmul.f32 $1.442695020e+00, v3;
	v43 =	vpop (erf);
	(erf) = vpow2.f32 v1;
	v2 =	vadd.f32 v2, v54  }
0x476: {  	v11 =	vld [tilespmem:$0x1F4B0];
	v1 =	vmul.f32 $3.000000000e+01, v44;
	v4 =	vmul.f32 $3.000000000e+01, v4;
	v0 =	vadd.f32 v0, v43  }
0x477: {  	v59 =	vld [tilespmem:$0x1F470];
	v5 =	vsub.f32 v39, v26;
	v45 =	vpop (erf);
	(erf) = vpow2.f32 v3;
	v2 =	vadd.f32 v2, v57  }
0x478: {  	v16 =	vld [tilespmem:$0x1F4E0];
	v3 =	vmul.f32 $3.000000000e+01, v47;
	v4 =	vmul.f32 $1.442695020e+00, v4;
	v0 =	vadd.f32 v0, v45  }
0x479: {  	v61 =	vld [tilespmem:$0x1F480];
	v48 =	vpop (erf);
	v1 =	vmul.f32 $1.442695020e+00, v1;
	v42 =	vmul.f32 $3.000000000e+01, v5;
	v2 =	vadd.f32 v2, v63  }
0x47a: {  	v20 =	vld [tilespmem:$0x1F500];
	v3 =	vmul.f32 $1.442695020e+00, v3;
	(erf) = vpow2.f32 v4;
	v0 =	vadd.f32 v0, v48  }
0x47b: {  	v52 =	vpop (erf);
	v4 =	vsub.f32 v55, v26;
	v43 =	vld [tilespmem:$0x1F5B0];
	(erf) = vpow2.f32 v1;
	v2 =	vadd.f32 v2, v11  }
0x47c: {  	v9 =	vld [tilespmem:$0x1F4A0];
	v1 =	vmul.f32 $1.442695020e+00, v53;
	(erf) = vpow2.f32 v3;
	v0 =	vadd.f32 v0, v52  }
0x47d: {  	v22 =	vld [tilespmem:$0x1F520];
	v58 =	vmul.f32 $3.000000000e+01, v4;
	v4 =	vsub.f32 v59, v26;
	v56 =	vpop (erf);
	v2 =	vadd.f32 v2, v16  }
0x47e: {  	v12 =	vld [tilespmem:$0x1F4C0];
	(erf) = vpow2.f32 v1;
	v1 =	vsub.f32 v61, v26;
	v0 =	vadd.f32 v0, v56  }
0x47f: {  	v25 =	vld [tilespmem:$0x1F530];
	v60 =	vpop (erf);
	v4 =	vmul.f32 $3.000000000e+01, v4;
	v3 =	vmul.f32 $1.442695020e+00, v58;
	v2 =	vadd.f32 v2, v20  }
0x480: {  	v14 =	vld [tilespmem:$0x1F4D0];
	v1 =	vmul.f32 $3.000000000e+01, v1;
	v5 =	vsub.f32 v43, v26;
	v0 =	vadd.f32 v0, v60  }
0x481: {  	v21 =	vld [tilespmem:$0x1F510];
	v62 =	vpop (erf);
	(erf) = vpow2.f32 v3;
	v3 =	vsub.f32 v9, v26;
	v4 =	vmul.f32 $1.442695020e+00, v4  }
0x482: {  	v32 =	vld [tilespmem:$0x1F550];
	v2 =	vadd.f32 v2, v22;
	v0 =	vadd.f32 v0, v62  }
0x483: {  	v17 =	vld [tilespmem:$0x1F4F0];
	v1 =	vmul.f32 $1.442695020e+00, v1;
	v10 =	vpop (erf);
	(erf) = vpow2.f32 v4;
	v4 =	vsub.f32 v12, v26  }
0x484: {  	v37 =	vld [tilespmem:$0x1F580];
	v3 =	vmul.f32 $3.000000000e+01, v3;
	v2 =	vadd.f32 v2, v25;
	v0 =	vadd.f32 v0, v10  }
0x485: {  	v28 =	vld [tilespmem:$0x1F540];
	v13 =	vpop (erf);
	(erf) = vpow2.f32 v1;
	v1 =	vsub.f32 v14, v26;
	v4 =	vmul.f32 $3.000000000e+01, v4  }
0x486: {  	v40 =	vld [tilespmem:$0x1F5A0];
	v46 =	vmul.f32 $3.000000000e+01, v5;
	v3 =	vmul.f32 $1.442695020e+00, v3;
	v0 =	vadd.f32 v0, v13  }
0x487: {  	v15 =	vpop (erf);
	v2 =	vadd.f32 v2, v32;
	v1 =	vmul.f32 $3.000000000e+01, v1;
	v4 =	vmul.f32 $1.442695020e+00, v4  }
0x488: {  	v34 =	vld [tilespmem:$0x1F560];
	(erf) = vpow2.f32 v3;
	v3 =	vsub.f32 v17, v26;
	v0 =	vadd.f32 v0, v15  }
0x489: {  	v47 =	vld [tilespmem:$0x1F5D0];
	v19 =	vpop (erf);
	v2 =	vadd.f32 v2, v37;
	(erf) = vpow2.f32 v4;
	v4 =	vsub.f32 v21, v26  }
0x48a: {  	v44 =	vld [tilespmem:$0x1F5C0];
	v1 =	vmul.f32 $1.442695020e+00, v1;
	v3 =	vmul.f32 $3.000000000e+01, v3;
	v0 =	vadd.f32 v0, v19  }
0x48b: {  	v36 =	vld [tilespmem:$0x1F570];
	v23 =	vpop (erf);
	v2 =	vadd.f32 v2, v40;
	v24 =	vmul.f32 $3.000000000e+01, v4;
	v4 =	vsub.f32 v28, v26  }
0x48c: {  	v49 =	vld [tilespmem:$0x1F5E0];
	(erf) = vpow2.f32 v1;
	v3 =	vmul.f32 $1.442695020e+00, v3;
	v0 =	vadd.f32 v0, v23  }
0x48d: {  	v29 =	vpop (erf);
	v1 =	vmul.f32 $1.442695020e+00, v24;
	v33 =	vmul.f32 $3.000000000e+01, v4;
	v4 =	vsub.f32 v34, v26  }
0x48e: {  	v51 =	vld [tilespmem:$0x1F5F0];
	v5 =	vsub.f32 v47, v26;
	(erf) = vpow2.f32 v3;
	v0 =	vadd.f32 v0, v29  }
0x48f: {  	v53 =	vld [tilespmem:$0x1F600];
	v2 =	vadd.f32 v2, v44;
	v35 =	vpop (erf);
	(erf) = vpow2.f32 v1;
	v4 =	vmul.f32 $3.000000000e+01, v4  }
0x490: {  	v13 =	vld [tilespmem:$0x1F690];
	v1 =	vsub.f32 v36, v26;
	v3 =	vmul.f32 $1.442695020e+00, v33;
	v0 =	vadd.f32 v0, v35  }
0x491: {  	v56 =	vld [tilespmem:$0x1F620];
	v50 =	vmul.f32 $3.000000000e+01, v5;
	v2 =	vadd.f32 v2, v49;
	v38 =	vpop (erf);
	v4 =	vmul.f32 $1.442695020e+00, v4  }
0x492: {  	v17 =	vld [tilespmem:$0x1F6B0];
	v1 =	vmul.f32 $3.000000000e+01, v1;
	(erf) = vpow2.f32 v3;
	v0 =	vadd.f32 v0, v38  }
0x493: {  	v59 =	vld [tilespmem:$0x1F630];
	v5 =	vsub.f32 v51, v26;
	v25 =	vmov s17;
	v41 =	vpop (erf);
	(erf) = vpow2.f32 v4  }
0x494: {  	v55 =	vld [tilespmem:$0x1F610];
	v2 =	vadd.f32 v2, v53;
	v1 =	vmul.f32 $1.442695020e+00, v1;
	v0 =	vadd.f32 v0, v41  }
0x495: {  	v7 =	vld [tilespmem:$0x1F660];
	v54 =	vmul.f32 $3.000000000e+01, v5;
	v5 =	vsub.f32 v13, v26;
	v3 =	vmul.f32 $1.442695020e+00, v42;
	v45 =	vpop (erf)  }
0x496: {  	v61 =	vld [tilespmem:$0x1F640];
	v2 =	vadd.f32 v2, v56;
	(erf) = vpow2.f32 v1;
	v0 =	vadd.f32 v0, v45  }
0x497: {  	v62 =	vld [tilespmem:$0x1F650];
	v16 =	vmul.f32 $3.000000000e+01, v5;
	v5 =	vsub.f32 v17, v26;
	v4 =	vmul.f32 $1.442695020e+00, v46;
	v48 =	vpop (erf)  }
0x498: {  	v23 =	vld [tilespmem:$0x1F6D0];
	v2 =	vadd.f32 v2, v59;
	(erf) = vpow2.f32 v3;
	v0 =	vadd.f32 v0, v48  }
0x499: {  	v9 =	vld [tilespmem:$0x1F670];
	v1 =	vmul.f32 $1.442695020e+00, v50;
	v52 =	vpop (erf);
	(erf) = vpow2.f32 v4;
	v4 =	vsub.f32 v55, v26  }
0x49a: {  	v11 =	vld [tilespmem:$0x1F680];
	v5 =	vmul.f32 $3.000000000e+01, v5;
	v3 =	vmul.f32 $1.442695020e+00, v54;
	v0 =	vadd.f32 v0, v52  }
0x49b: {  	v2 =	vadd.f32 v2, v61;
	(erf) = vpow2.f32 v1;
	v57 =	vpop (erf);
	v58 =	vmul.f32 $3.000000000e+01, v4  }
0x49c: {  	v60 =	vpop (erf);
	(erf) = vpow2.f32 v3;
	v3 =	vsub.f32 v62, v26;
	v0 =	vadd.f32 v0, v57  }
0x49d: {  	v6 =	vsub.f32 v23, v26;
	v5 =	vmul.f32 $1.442695020e+00, v5;
	v1 =	vmul.f32 $1.442695020e+00, v58  }
0x49e: {  	v45 =	vld [tilespmem:$0x1F720];
	v8 =	vmul.f32 $3.000000000e+01, v3;
	v3 =	vsub.f32 v9, v26;
	v0 =	vadd.f32 v0, v60  }
0x49f: {  	v28 =	vld [tilespmem:$0x1F6F0];
	v4 =	vsub.f32 v11, v26;
	v63 =	vpop (erf);
	(erf) = vpow2.f32 v1;
	v1 =	vadd.f32 v2, v7  }
0x4a0: {  	v15 =	vld [tilespmem:$0x1F6A0];
	v3 =	vmul.f32 $3.000000000e+01, v3;
	v2 =	vmul.f32 $1.442695020e+00, v8;
	v0 =	vadd.f32 v0, v63  }
0x4a1: {  	v21 =	vlaneseq.u32;
	v6 =	vmul.f32 $3.000000000e+01, v6;
	v4 =	vmul.f32 $3.000000000e+01, v4;
	v10 =	vpop (erf)  }
0x4a2: {  	v34 =	vld [tilespmem:$0x1F700];
	v3 =	vmul.f32 $1.442695020e+00, v3;
	(erf) = vpow2.f32 v2;
	v0 =	vadd.f32 v0, v10  }
0x4a3: {  	v29 =	vmul.f32 $1.442695020e+00, v6;
	v6 =	vsub.f32 v45, v26;
	v1 =	vadd.f32 v1, v27;
	v27 =	vld [tilespmem:$0x1F6E0];
	v12 =	vpop (erf)  }
0x4a4: {  	v20 =	vld [tilespmem:$0x1F6C0];
	v4 =	vmul.f32 $1.442695020e+00, v4;
	(erf) = vpow2.f32 v3;
	v0 =	vadd.f32 v0, v12  }
0x4a5: {  	v8 =	vsub.f32 v28, v26;
	v6 =	vmul.f32 $3.000000000e+01, v6;
	v14 =	vpop (erf);
	v1 =	vadd.f32 v1, v15  }
0x4a6: {  	v54 =	vld [tilespmem:$0x1F770];
	v2 =	vmul.f32 $1.442695020e+00, v16;
	(erf) = vpow2.f32 v4;
	v0 =	vadd.f32 v0, v14  }
0x4a7: {  	v33 =	vmul.f32 $3.000000000e+01, v8;
	v8 =	vsub.f32 v34, v26;
	v6 =	vmul.f32 $1.442695020e+00, v6;
	v19 =	vpop (erf)  }
0x4a8: {  	v48 =	vld [tilespmem:$0x1F740];
	v7 =	vsub.f32 v27, v26;
	v22 =	vpop (erf);
	(erf) = vpow2.f32 v2;
	v0 =	vadd.f32 v0, v19  }
0x4a9: {  	v42 =	vld [tilespmem:$0x1F710];
	v1 =	vadd.f32 v1, v20;
	v3 =	vor.u32 s17, v21;
	v38 =	vmul.f32 $3.000000000e+01, v8  }
0x4aa: {  	s16 =	sadd.s32 $0x10, s16;
	v7 =	vmul.f32 $3.000000000e+01, v7;
	(erf) = vpow2.f32 v5;
	v24 =	vadd.f32 v0, v22  }
0x4ab: {  	v39 =	vmul.f32 $1.442695020e+00, v33;
	v8 =	vsub.f32 v54, v26;
	v4 =	vshll.u32 v25, $0x3;
	v32 =	vpop (erf);
	v0 =	vld [tilespmem:s16+$0x0]  }
0x4ac: {  	v7 =	vmul.f32 $1.442695020e+00, v7;
	(erf) = vpow2.f32 v29;
	v2 =	vadd.f32 v24, v32  }
0x4ad: {  	v3 =	vand.u32 $0x7F, v3;
	v4 =	vand.u32 $0xC00, v4;
	v1 =	vadd.f32 v1, v48;
	v36 =	vpop (erf)  }
0x4ae: {  	v47 =	vld [tilespmem:$0x1F730];
	(erf) = vpow2.f32 v7;
	v7 =	vsub.f32 v42, v26;
	v2 =	vadd.f32 v2, v36  }
0x4af: {  	v50 =	vld [tilespmem:$0x1F750];
	v3 =	vor.u32 v4, v3;
	v5 =	vmul.f32 $1.442695020e+00, v38;
	v40 =	vpop (erf);
	(erf) = vpow2.f32 v39  }
0x4b0: {  	v44 =	vmul.f32 $3.000000000e+01, v7;
	v35 =	vshll.u32 v0, $0x9;
	v2 =	vadd.f32 v2, v40  }
0x4b1: {  	v51 =	vld [tilespmem:$0x1F760];
	(erf) = vpow2.f32 v5;
	v46 =	vpop (erf);
	v41 =	vshll.u32 v0, $0x7;
	v37 =	vand.u32 $0xFFFFF000, v35  }
0x4b2: {  	v58 =	vld [tilespmem:$0x1F790];
	v43 =	vand.u32 $0x380, v41;
	v3 =	vor.u32 v37, v3;
	v2 =	vadd.f32 v2, v46  }
0x4b3: {  	v55 =	vld [tilespmem:$0x1F780];
	v5 =	vsub.f32 v47, v26;
	v4 =	vmul.f32 $1.442695020e+00, v44;
	v49 =	vpop (erf);
	v3 =	vor.u32 v43, v3  }
0x4b4: {  	v57 =	vmul.f32 $3.000000000e+01, v8;
	v7 =	vsub.f32 v50, v26;
	v2 =	vadd.f32 v2, v49  }
0x4b5: {  	v59 =	vld [tilespmem:$0x1F7A0];
	v62 =	vsub.f32 v30, v26;
	v5 =	vmul.f32 $3.000000000e+01, v5;
	(erf) = vpow2.f32 v4;
	v52 =	vpop (erf)  }
0x4b6: {  	v63 =	vld [tilespmem:$0x1F7B0];
	v1 =	vadd.f32 v1, v51;
	v7 =	vmul.f32 $3.000000000e+01, v7;
	v2 =	vadd.f32 v2, v52  }
0x4b7: {  	v8 =	vsub.f32 v58, v26;
	v5 =	vmul.f32 $1.442695020e+00, v5;
	(erf) = vpow2.f32 v6;
	v53 =	vld.idx.msk [tilespmem:v0+s12+$0x0], $0xffff;
	v56 =	vpop (erf)  }
0x4b8: {  	v10 =	vmul.f32 $3.000000000e+01, v62;
	v1 =	vadd.f32 v1, v55;
	v3 =	vld.idx.msk [tilespmem:v3+s4+$0x0], $0xffff;
	v2 =	vadd.f32 v2, v56  }
0x4b9: {  	v11 =	vld [tilespmem:$0x1F7C0];
	v7 =	vmul.f32 $1.442695020e+00, v7;
	(erf) = vpow2.f32 v5;
	v60 =	vpop (erf)  }
0x4ba: {  	v61 =	vmul.f32 $3.000000000e+01, v8;
	v1 =	vadd.f32 v1, v59;
	v2 =	vadd.f32 v2, v60  }
0x4bb: {  	v13 =	vld [tilespmem:$0x1F7D0];
	v6 =	vmul.f32 $1.442695020e+00, v57;
	(erf) = vpow2.f32 v7;
	v9 =	vpop (erf)  }
0x4bc: {  	v1 =	vadd.f32 v1, v63;
	v5 =	vmul.f32 $1.442695020e+00, v61;
	v2 =	vadd.f32 v2, v9  }
0x4bd: {  	v15 =	vld [tilespmem:$0x1F7E0];
	(erf) = vpow2.f32 v6;
	v4 =	vsub.f32 v3, v53;
	v3 =	vsub.f32 v3, v26  }
0x4be: {  	v1 =	vadd.f32 v1, v11;
	v7 =	vmul.f32 $1.442695020e+00, v10;
	(erf) = vpow2.f32 v5;
	v12 =	vpop (erf)  }
0x4bf: {  	v4 =	vsub.f32 v4, v26;
	v2 =	vadd.f32 v2, v12;
	v3 =	vmul.f32 $3.000000000e+01, v3  }
0x4c0: {  	v1 =	vadd.f32 v1, v13;
	(erf) = vpow2.f32 v7;
	v14 =	vpop (erf)  }
0x4c1: {  	v20 =	vld [tilespmem:$0x1F7F0];
	v2 =	vadd.f32 v2, v14;
	v4 =	vmul.f32 $3.000000000e+01, v4;
	v3 =	vmul.f32 $1.442695020e+00, v3  }
0x4c2: {  	v1 =	vadd.f32 v1, v15;
	v16 =	vpop (erf)  }
0x4c3: {  	v22 =	vld [tilespmem:$0x1F800];
	v2 =	vadd.f32 v2, v16;
	v17 =	vmul.f32 $1.442695020e+00, v4;
	(erf) = vpow2.f32 v3  }
0x4c4: {  	v1 =	vadd.f32 v1, v31;
	v19 =	vpop (erf)  }
0x4c5: {  	v24 =	vld [tilespmem:$0x1F810];
	v2 =	vadd.f32 v2, v19;
	(erf) = vpow2.f32 v17  }
0x4c6: {  	v1 =	vadd.f32 v1, v20;
	v21 =	vpop (erf)  }
0x4c7: {  	v26 =	vld [tilespmem:$0x1F820];
	v2 =	vadd.f32 v2, v21  }
0x4c8: {  	v1 =	vadd.f32 v1, v22;
	v23 =	vpop (erf)  }
0x4c9: {  	v2 =	vadd.f32 v2, v23  }
0x4ca: {  	v1 =	vsub.f32 v1, v24;
	v25 =	vpop (erf)  }
0x4cb: {  	v2 =	vadd.f32 v2, v25  }
0x4cc: {  	v1 =	vadd.f32 v1, v26;
	v27 =	vpop (erf)  }
0x4cd: {  	v2 =	vsub.f32 v2, v27  }
0x4ce: {  	v28 =	vand.u32 $0x7FFFFF, v1;
	v5 =	vpop (erf)  }
0x4cf: {  	v3 =	vor.u32 $0x3F800000, v28;
	v2 =	vadd.f32 v2, v5  }
0x4d0: {  	v29 =	vmul.f32 $5.000000000e-01, v3  }
0x4d1: {  	vm3 =	vgt.f32 v3, $1.414213540e+00;
	v30 =	vand.u32 $0x7FFFFF, v2  }
0x4d2: {  	v3 =	vsel vm3, v29, v3;
	v31 =	vor.u32 $0x3F800000, v30  }
0x4d3: {  	v3 =	vadd.f32 $-1.000000000e+00, v3;
	v6 =	vmul.f32 $5.000000000e-01, v31  }
0x4d4: {  	vm2 =	vgt.f32 v31, $1.414213540e+00  }
0x4d5: {  	v32 =	vmul.f32 $7.037683580e-02, v3;
	v5 =	vsel vm2, v6, v31  }
0x4d6: {  	v5 =	vadd.f32 $-1.000000000e+00, v5  }
0x4d7: {  	v33 =	vadd.f32 $-1.151461010e-01, v32  }
0x4d8: {  	v34 =	vmul.f32 $7.037683580e-02, v5  }
0x4d9: {  	v6 =	vmul.f32 v33, v3  }
0x4da: {  	v7 =	vadd.f32 $-1.151461010e-01, v34  }
0x4db: {  	v6 =	vadd.f32 $1.167699840e-01, v6  }
0x4dc: {  	v7 =	vmul.f32 v7, v5  }
0x4dd: {  	v6 =	vmul.f32 v6, v3  }
0x4de: {  	v7 =	vadd.f32 $1.167699840e-01, v7  }
0x4df: {  	v6 =	vadd.f32 $-1.242014100e-01, v6  }
0x4e0: {  	v7 =	vmul.f32 v7, v5  }
0x4e1: {  	v6 =	vmul.f32 v6, v3  }
0x4e2: {  	v7 =	vadd.f32 $-1.242014100e-01, v7  }
0x4e3: {  	v6 =	vadd.f32 $1.424932330e-01, v6  }
0x4e4: {  	v7 =	vmul.f32 v7, v5  }
0x4e5: {  	v6 =	vmul.f32 v6, v3  }
0x4e6: {  	v7 =	vadd.f32 $1.424932330e-01, v7  }
0x4e7: {  	v6 =	vadd.f32 $-1.666805740e-01, v6  }
0x4e8: {  	v7 =	vmul.f32 v7, v5  }
0x4e9: {  	v6 =	vmul.f32 v6, v3  }
0x4ea: {  	v7 =	vadd.f32 $-1.666805740e-01, v7  }
0x4eb: {  	v6 =	vadd.f32 $2.000071410e-01, v6  }
0x4ec: {  	v7 =	vmul.f32 v7, v5  }
0x4ed: {  	v6 =	vmul.f32 v6, v3  }
0x4ee: {  	v38 =	vimm.s32 $0x0;
	v7 =	vadd.f32 $2.000071410e-01, v7  }
0x4ef: {  	v1 =	vshra.s32 v1, $0x17;
	v39 =	vsel vm3, $0x1, v38;
	v6 =	vadd.f32 $-2.499999400e-01, v6  }
0x4f0: {  	v1 =	vadd.s32 v39, v1;
	v7 =	vmul.f32 v7, v5  }
0x4f1: {  	v1 =	vadd.s32 $0xFFFFFF81, v1;
	v35 =	vmul.f32 v3, v3;
	v6 =	vmul.f32 v6, v3  }
0x4f2: {  	v1 =	vcvt.s32.f32 v1;
	v7 =	vadd.f32 $-2.499999400e-01, v7  }
0x4f3: {  	v43 =	vld [tilespmem:$0x1FE50];
	v36 =	vmul.f32 $5.000000000e-01, v3;
	v8 =	vmul.f32 v35, v3;
	v6 =	vadd.f32 $3.333333130e-01, v6  }
0x4f4: {  	v37 =	vmul.f32 v5, v5;
	v7 =	vmul.f32 v7, v5  }
0x4f5: {  	v9 =	vmul.f32 v36, v3;
	v6 =	vmul.f32 v6, v8  }
0x4f6: {  	v40 =	vmul.f32 $5.000000000e-01, v5;
	v10 =	vmul.f32 v37, v5;
	v7 =	vadd.f32 $3.333333130e-01, v7  }
0x4f7: {  	v45 =	vld [tilespmem:$0x1FF40];
	v2 =	vshra.s32 v2, $0x17;
	v41 =	vsel vm2, $0x1, v38;
	v6 =	vsub.f32 v6, v9  }
0x4f8: {  	v48 =	vld [tilespmem:$0x1F830];
	v2 =	vadd.s32 v41, v2;
	v8 =	vmul.f32 v40, v5;
	v7 =	vmul.f32 v7, v10  }
0x4f9: {  	v46 =	vld [tilespmem:$0x1FF10];
	v1 =	vmul.f32 $6.931471820e-01, v1;
	v2 =	vadd.s32 $0xFFFFFF81, v2;
	v3 =	vadd.f32 v6, v3  }
0x4fa: {  	v47 =	vld [tilespmem:$0x1FFB0];
	v2 =	vcvt.s32.f32 v2;
	v42 =	vsub.f32 v7, v8  }
0x4fb: {  	v1 =	vadd.f32 v3, v1;
	v7 =	vld.idx.msk [tilespmem:v43+s13+$0x0], $0xffff  }
0x4fc: {  	v50 =	vld [tilespmem:$0x1FF50];
	v2 =	vmul.f32 $6.931471820e-01, v2;
	v44 =	vadd.f32 v42, v5  }
0x4fd: {  	v0 =	vld.idx.msk [tilespmem:v0+s13+$0x0], $0xffff;
	v1 =	vsub.f32 v1, v18  }
0x4fe: {  	v5 =	vadd.f32 v46, v45;
	v2 =	vadd.f32 v44, v2  }
0x4ff: {  	v51 =	vld [tilespmem:$0x1FFC0];
	v3 =	vadd.f32 v48, v47  }
0x500: {  	v49 =	vadd.f32 v1, v5;
	v1 =	vmul.f32 v1, v7;
	v2 =	vsub.f32 v2, v4  }
0x501: {  	v3 =	vadd.f32 v7, v3  }
0x502: {  	v1 =	vadd.f32 v1, v50;
	v4 =	vadd.f32 v2, v49;
	v2 =	vmul.f32 v2, v0  }
0x503: {  	v54 =	vld [tilespmem:$0x1FFD0];
	v0 =	vadd.f32 v0, v3  }
0x504: {  	v1 =	vadd.f32 v2, v1;
	v52 =	vperm.xlane v4, v51  }
0x505: {  	v3 =	vperm.xlane v0, v51  }
0x506: {  	v2 =	vadd.f32 v52, v4;
	v53 =	vperm.xlane v1, v51  }
0x507: {  	v58 =	vld [tilespmem:$0x1FFE0];
	v0 =	vadd.f32 v3, v0  }
0x508: {  	v1 =	vadd.f32 v53, v1;
	v55 =	vperm.xlane v2, v54  }
0x509: {  	v56 =	vperm.xlane v0, v54  }
0x50a: {  	v2 =	vadd.f32 v55, v2;
	v57 =	vperm.xlane v1, v54  }
0x50b: {  	v61 =	vld [tilespmem:$0x1FFF0];
	v0 =	vadd.f32 v56, v0  }
0x50c: {  	v1 =	vadd.f32 v57, v1;
	v59 =	vperm.xlane v2, v58  }
0x50d: {  	v4 =	vperm.xlane v0, v58  }
0x50e: {  	v2 =	vadd.f32 v59, v2;
	v60 =	vperm.xlane v1, v58  }
0x50f: {  	v0 =	vadd.f32 v4, v0  }
0x510: {  	v1 =	vadd.f32 v60, v1;
	v62 =	vperm.xlane v2, v61  }
0x511: {  	v4 =	vperm.xlane v0, v61  }
0x512: {  	v2 =	vadd.f32 v62, v2;
	v63 =	vperm.xlane v1, v61  }
0x513: {  	v0 =	vadd.f32 v4, v0  }
0x514: {  	v1 =	vadd.f32 v63, v1;
	v2 =	vsel vm0, $0x0, v2  }
0x515: {  	s15 =	sadd.s32 $0x1, s15;
	vm2 =	vmmov $0x1;
	v0 =	vsel vm1, v2, v0  }
0x516: {  	p0 =	sne.s32 s15, s8;
	v0 =	vsel vm2, v1, v0  }
.Ltmp1:
0x517: {  	[tilespmem:$0xD300] =	vst v0;
	(pc) =	sbr.rel @p0 .LBB2_1-.Ltmp1, $4  }
0x518: {  	[hbm4b:s7+s4] =	stream.linear.scatter [tilespmem:s14], [sflag:$0x1], $0x80, $0x38;
	[tilespmem:$0xD380] =	vst v63  }
0x519: {  	_ =	swait.ge [sflag:s11], $0x80  }
0x51a: {  	[sflag:s11] =	ssyncset.done $0x0  }
0x51b: {  	[sflag:s11] =	ssyncadd.s32 $0xFFFFFF80  }
0x51c: {  	_ =	sfence.sel $0x180000  }
0x51d: {  	[bflag:$0x0] =	sbarrier.arrive $0xFFFF  }
0x51e: {  	p0 =	sne.s32 s3, $0x0;
	_ =	strace $0x90000047  }
0x51f: {  	s0 =	sadd.s32 @!p0 $0x100000, s2;
	[bflag:$0x2] =	sbarrier.arrive $0xFFFF  }
0x520: {  	[sflag:s0] =	ssyncadd.tile.s32 @!p0 $0x1;
	_ =	shalt  }
.Lfunc_end2:
_tile_overlayer_lowered:
.L_overlay_start_2:
0x521: {  	(tag) =	ssettag $0x2  }
0x522: {  	s0 =	rddreg [dreg:$0x0];
	s2 =	stileid.u32  }
0x523: {  	s1 =	rddreg [dreg:$0x1];
	p0 =	sne.s32 s2, $0x0  }
0x524: {  	s3 =	rddreg [dreg:$0x2];
	[bflag:$0x3] =	sbarrier.arrive $0xFFFF;
	s2 =	simm.s32 @!p0 $0x1C01  }
0x525: {  	[timem:s3], [sflag:s2] =	dma.local @!p0 [hbm:s0], s1  }
0x526: {  	s0 =	simm.s32 @!p0 $0x1  }
0x527: {  	_ =	swait.ge @!p0 [sflag:s0], s1  }
0x528: {  	s1 =	ssub.s32 @!p0 $0x0, s1;
	[sflag:s0] =	ssyncset.done @!p0 $0x0  }
0x529: {  	[sflag:s0] =	ssyncadd.s32 @!p0 s1  }
0x52a: {  	[bflag:$0x3] =	sbarrier.arrive $0xFFFF  }
0x52b: {  	_ =	shalt  }

</sc_bundles>
